<compile_context>
chip_gen: v7x
topology: tpu7x:2x2x1
jax: 0.10.2.dev20260603
libtpu: 0.0.44.dev20260713+nightly
codegen_flags: <defaults>
</compile_context>

<pallas_src>
import functools

import numpy as np
import jax
import jax.numpy as jnp
from jax import lax
from jax.experimental import pallas as pl
from jax.experimental.pallas import tpu as pltpu
from jax.experimental.pallas import tpu_sc as plsc

B = 2
N = 1024
DIM = 512
H = 8
DH = 64
MD = 16
NN = 32
BN = B * N
NCH = 4
CN = BN // NCH
EC = CN * NN
KVS = (2 * DIM) // 128


_RQ = 256


def _a1_body(f_ref, w_ref, q_ref, kv_ref):
    qkv = jnp.dot(f_ref[...], w_ref[...], preferred_element_type=jnp.float32)
    q_ref[...] = qkv[:, :DIM]
    ki = lax.bitcast_convert_type(qkv[:, DIM : 2 * DIM], jnp.int32)
    vi = lax.bitcast_convert_type(qkv[:, 2 * DIM :], jnp.int32)
    half = jnp.int32(32768)
    kv_ref[...] = jnp.bitwise_or(
        jnp.bitwise_and(lax.shift_right_arithmetic(ki + half, 16),
                        jnp.int32(0xFFFF)),
        jnp.bitwise_and(vi + half, jnp.int32(-65536)))


def _qkv_project(feats_flat, W_qkv):
    return pl.pallas_call(
        _a1_body,
        grid=(BN // _RQ,),
        in_specs=[
            pl.BlockSpec((_RQ, DIM), lambda g: (g, 0)),
            pl.BlockSpec((DIM, 3 * DIM), lambda g: (0, 0)),
        ],
        out_specs=[
            pl.BlockSpec((_RQ, DIM), lambda g: (g, 0)),
            pl.BlockSpec((_RQ, DIM), lambda g: (g, 0)),
        ],
        out_shape=[
            jax.ShapeDtypeStruct((BN, DIM), jnp.float32),
            jax.ShapeDtypeStruct((BN, DIM), jnp.int32),
        ],
    )(feats_flat, W_qkv)



_RB = 128


def _a2_body(cb_ref, ct_ref, idx_ref, *, joff):
    cb = cb_ref[...]
    ct = ct_ref[0]
    d0 = cb[:, 0:1] - ct[0:1, :]
    d1 = cb[:, 1:2] - ct[1:2, :]
    d2 = cb[:, 2:3] - ct[2:3, :]
    work = d0 * d0 + d1 * d1 + d2 * d2
    iota = lax.broadcasted_iota(jnp.int32, (_RB, N), 1)
    big_i = jnp.int32(2**30)
    inf = jnp.float32(jnp.inf)
    for t in range(NN):
        mn = jnp.min(work, axis=1, keepdims=True)
        idxsel = jnp.min(jnp.where(work == mn, iota, big_i),
                         axis=1, keepdims=True)
        work = jnp.where(iota == idxsel, inf, work)
        idx_ref[:, t : t + 1] = idxsel + joff


def _knn_indices_chunk(cp_c, ctb, joff):
    body = functools.partial(_a2_body, joff=joff)
    return pl.pallas_call(
        body,
        grid=(CN // _RB,),
        in_specs=[
            pl.BlockSpec((_RB, 128), lambda i: (i, 0)),
            pl.BlockSpec((1, 8, N), lambda i: (0, 0, 0)),
        ],
        out_specs=pl.BlockSpec((_RB, NN), lambda i: (i, 0)),
        out_shape=jax.ShapeDtypeStruct((CN, NN), jnp.int32),
    )(cp_c, ctb)



_NC = 2
_NS = 16
_NW = _NC * _NS
_CH = 64


def _sc_gather(kv_tab, c_tab, idx_flat):
    rows = idx_flat.shape[0]
    rpw = rows // _NW
    nch = rpw // _CH
    mesh = plsc.VectorSubcoreMesh(core_axis_name="c", subcore_axis_name="s")

    @functools.partial(
        pl.kernel,
        mesh=mesh,
        out_type=[
            jax.ShapeDtypeStruct((rows, DIM), jnp.int32),
            jax.ShapeDtypeStruct((rows, 128), jnp.float32),
        ],
        scratch_types=[
            pltpu.VMEM((rpw,), jnp.int32),
            pltpu.VMEM((_CH, DIM), jnp.int32),
            pltpu.VMEM((_CH, DIM), jnp.int32),
            pltpu.VMEM((_CH, 128), jnp.float32),
            pltpu.VMEM((_CH, 128), jnp.float32),
            pltpu.SemaphoreType.DMA,
            pltpu.SemaphoreType.DMA,
        ],
    )
    def k(kv_hbm, c_hbm, idx_hbm, okv_hbm, oc_hbm,
          idx_v, kv0, kv1, c0, c1, sem0, sem1):
        wid = lax.axis_index("s") * _NC + lax.axis_index("c")
        base = wid * rpw
        pltpu.sync_copy(idx_hbm.at[pl.ds(base, rpw)], idx_v)

        def body(p, _):
            be = (2 * p) * _CH
            bo = be + _CH
            hek = pltpu.async_copy(
                kv_hbm.at[idx_v.at[pl.ds(be, _CH)]], kv0, sem0)
            hec = pltpu.async_copy(
                c_hbm.at[idx_v.at[pl.ds(be, _CH)]], c0, sem0)
            hok = pltpu.async_copy(
                kv_hbm.at[idx_v.at[pl.ds(bo, _CH)]], kv1, sem1)
            hoc = pltpu.async_copy(
                c_hbm.at[idx_v.at[pl.ds(bo, _CH)]], c1, sem1)
            hek.wait()
            hec.wait()
            pltpu.sync_copy(kv0, okv_hbm.at[pl.ds(base + be, _CH)])
            pltpu.sync_copy(c0, oc_hbm.at[pl.ds(base + be, _CH)])
            hok.wait()
            hoc.wait()
            pltpu.sync_copy(kv1, okv_hbm.at[pl.ds(base + bo, _CH)])
            pltpu.sync_copy(c1, oc_hbm.at[pl.ds(base + bo, _CH)])
            return 0

        lax.fori_loop(0, nch // 2, body, 0)

    return k(kv_tab, c_tab, idx_flat)



_RC = 32
_EB = _RC * NN
_HE = H * _EB


def _rep_rows(x, r):
    m, d = x.shape
    return jnp.broadcast_to(x[:, None, :], (m, r, d)).reshape(m * r, d)


def _c_body(q_ref, kv_ref, cs_ref, ci_ref, sr_ref,
            wpe1_ref, bpe1_ref, wpe2_ref, bpe2_ref,
            we1_ref, be1_ref, we2_ref, be2_ref,
            wa1_ref, ba1_ref, wa2_ref, ba2_ref,
            wc1_ref, bc1_ref, wc2_ref, bc2_ref,
            wout_ref, bout_ref,
            out_ref, co_ref):
    relu = jax.nn.relu
    f32 = jnp.float32
    q = q_ref[...]
    kv = kv_ref[...]
    ci = ci_ref[...][:, :3]
    cj = cs_ref[...][:, :3]
    rel = _rep_rows(ci, NN) - cj
    sq = jnp.sum(rel * rel, axis=1, keepdims=True)
    dist = jnp.where(sq == 0.0, 0.0,
                     jnp.sqrt(jnp.where(sq == 0.0, 1.0, sq)))
    sr = sr_ref[...]
    x = dist * sr[0:1, :] + sr[1:2, :]
    n = jnp.floor(x * jnp.float32(1.0 / np.pi) + 0.5)
    y = (x - n * 3.140625) - n * jnp.float32(9.676535897932384626e-4)
    sign = 1.0 - 2.0 * (n - 2.0 * jnp.floor(n * 0.5))
    y2 = y * y
    p = y * (1.0 + y2 * (jnp.float32(-1.6666654611e-1)
                         + y2 * (jnp.float32(8.3321608736e-3)
                                 + y2 * (jnp.float32(-1.9515295891e-4)
                                         + y2 * jnp.float32(2.7183114939e-6)))))
    fe = sign * p + dist * sr[2:3, :]
    pe1 = relu(jnp.dot(fe, wpe1_ref[...],
                       preferred_element_type=f32) + bpe1_ref[...])
    pe = jnp.dot(pe1, wpe2_ref[...],
                 preferred_element_type=f32) + bpe2_ref[...]

    eis = []
    vps = []
    for h in range(H):
        wh = kv[:, h * DH : (h + 1) * DH]
        kh = lax.bitcast_convert_type(lax.shift_left(wh, 16), f32)
        vh = lax.bitcast_convert_type(
            jnp.bitwise_and(wh, jnp.int32(-65536)), f32)
        qh = q[:, h * DH : (h + 1) * DH]
        eis.append(_rep_rows(qh, NN) - kh + pe)
        vps.append(vh + pe)
    ei = jnp.concatenate(eis, axis=0)
    vp = jnp.concatenate(vps, axis=0)

    m1 = relu(jnp.dot(ei, we1_ref[...],
                      preferred_element_type=f32) + be1_ref[...])
    m = relu(jnp.dot(m1, we2_ref[...],
                     preferred_element_type=f32) + be2_ref[...])

    a1 = relu(jnp.dot(m, wa1_ref[...],
                      preferred_element_type=f32) + ba1_ref[...])
    sim = jnp.dot(a1, wa2_ref[...],
                  preferred_element_type=f32) + ba2_ref[...]
    s2 = sim.reshape(H * _RC, NN)
    ex = jnp.exp(s2)
    attn = (ex / jnp.sum(ex, axis=1, keepdims=True)).reshape(_HE, 1)
    w = attn * vp
    osum = jnp.sum(w.reshape(H * _RC, NN, DH), axis=1)
    outcat = jnp.concatenate(
        [osum[h * _RC : (h + 1) * _RC, :] for h in range(H)], axis=1)
    out_ref[...] = jnp.dot(outcat, wout_ref[...],
                           preferred_element_type=f32) + bout_ref[...]

    mc = jnp.concatenate(
        [m[h * _EB : (h + 1) * _EB, :] for h in range(H)], axis=1)
    c1 = relu(jnp.dot(mc, wc1_ref[...],
                      preferred_element_type=f32) + bc1_ref[...])
    cw = jnp.dot(c1, wc2_ref[...],
                 preferred_element_type=f32) + bc2_ref[...]
    co_ref[...] = jnp.sum((cw * rel).reshape(_RC, NN, 3), axis=1)


def _edge_attention_chunk(q_c, kvsel_c, csel_c, ci_c, srow, weights2d):
    full = lambda a: pl.BlockSpec(a.shape, lambda g: tuple(0 for _ in a.shape))
    return pl.pallas_call(
        _c_body,
        grid=(CN // _RC,),
        in_specs=[
            pl.BlockSpec((_RC, DIM), lambda g: (g, 0)),
            pl.BlockSpec((_EB, DIM), lambda g: (g, 0)),
            pl.BlockSpec((_EB, 128), lambda g: (g, 0)),
            pl.BlockSpec((_RC, 128), lambda g: (g, 0)),
            pl.BlockSpec((8, 16), lambda g: (0, 0)),
        ] + [full(w) for w in weights2d],
        out_specs=[
            pl.BlockSpec((_RC, DIM), lambda g: (g, 0)),
            pl.BlockSpec((_RC, 3), lambda g: (g, 0)),
        ],
        out_shape=[
            jax.ShapeDtypeStruct((CN, DIM), jnp.float32),
            jax.ShapeDtypeStruct((CN, 3), jnp.float32),
        ],
    )(q_c, kvsel_c, csel_c, ci_c, srow, *weights2d)



def kernel(feats, coors, W_qkv, W_out, b_out, W_pe1, b_pe1, W_pe2, b_pe2,
           W_e1, b_e1, W_e2, b_e2, W_a1, b_a1, W_a2, b_a2,
           W_c1, b_c1, W_c2, b_c2):
    feats_flat = feats.reshape(BN, DIM)
    coors_flat = coors.reshape(BN, 3)
    coors_pad = jnp.pad(coors_flat, ((0, 0), (0, 125)))
    coorsT_pad = jnp.pad(coors.transpose(0, 2, 1), ((0, 0), (0, 5), (0, 0)))

    srow = np.zeros((8, 16), np.float32)
    srow[0, 0:4] = [1.0, 0.5, 0.25, 0.125]
    srow[0, 4:8] = [1.0, 0.5, 0.25, 0.125]
    srow[1, 4:8] = np.pi / 2
    srow[2, 8] = 1.0
    srow = jnp.asarray(srow)

    r2 = lambda v: v.reshape(1, -1)
    weights2d = [
        jnp.pad(W_pe1, ((0, 7), (0, 0))), r2(b_pe1), W_pe2, r2(b_pe2),
        W_e1, r2(b_e1), W_e2, r2(b_e2),
        W_a1, r2(b_a1), W_a2, r2(b_a2),
        W_c1, r2(b_c1), W_c2, r2(b_c2),
        W_out, r2(b_out),
    ]

    q, kv_tab = _qkv_project(feats_flat, W_qkv)

    cps, kvsels, csels = [], [], []
    for c in range(NCH):
        b = (c * CN) // N
        cp_c = lax.slice_in_dim(coors_pad, c * CN, (c + 1) * CN, axis=0)
        ctb = lax.slice_in_dim(coorsT_pad, b, b + 1, axis=0)
        idx_c = _knn_indices_chunk(cp_c, ctb, b * N)
        kvsel_c, csel_c = _sc_gather(kv_tab, coors_pad, idx_c.reshape(EC))
        cps.append(cp_c)
        kvsels.append(kvsel_c)
        csels.append(csel_c)
    outs, cos_ = [], []
    for c in range(NCH):
        q_c = lax.slice_in_dim(q, c * CN, (c + 1) * CN, axis=0)
        o_c, co_c = _edge_attention_chunk(
            q_c, kvsels[c], csels[c], cps[c], srow, weights2d)
        outs.append(o_c)
        cos_.append(co_c)

    out_flat = jnp.concatenate(outs, axis=0)
    co_flat = jnp.concatenate(cos_, axis=0)
    return out_flat.reshape(B, N, DIM), co_flat.reshape(B, N, 3)

# --- scband reference (transcript-rebuilt; emitter-appended) ---
"""Pipeline reference for scband-equivariant-attention-53721450939092 (READ-ONLY COPY).

The authoritative reference and input builder live on the scoring server;
editing this copy changes nothing except your own understanding.
"""

import jax, jax.numpy as jnp
import numpy as np

DIM = 512; H = 8; DH = 64; MD = 16; FF = 4; NN = 32
B = 2; N = 1024


def _safe_norm(rel_coors):
    sq = jnp.sum(rel_coors ** 2, axis=-1)
    safe = jnp.sqrt(jnp.where(sq == 0.0, 1.0, sq))
    return jnp.where(sq == 0.0, 0.0, safe)


def _fwd(feats, coors, W_qkv, W_out, b_out, W_pe1, b_pe1, W_pe2, b_pe2,
         W_e1, b_e1, W_e2, b_e2, W_a1, b_a1, W_a2, b_a2, W_c1, b_c1, W_c2, b_c2):
    b, n, d = feats.shape
    # pairwise relative coordinates and distances
    rel_coors = coors[:, :, None, :] - coors[:, None, :, :]          # [b, n, n, 3]
    rel_dist = _safe_norm(rel_coors)                                  # [b, n, n]
    # k nearest neighbors (smallest distance)
    _, nbhd_indices = jax.lax.top_k(-rel_dist, NN)                    # [b, n, NN]
    # fourier encode distance (include_self=True): [sin(x/2^i), cos(x/2^i), x]
    x = rel_dist[..., None]                                           # [b, n, n, 1]
    scales = 2.0 ** jnp.arange(FF, dtype=jnp.float32)
    xs = x / scales                                                   # [b, n, n, FF]
    fe = jnp.concatenate([jnp.sin(xs), jnp.cos(xs), x], axis=-1)      # [b, n, n, 2FF+1]
    # gather neighbor quantities
    rd_sel = jnp.take_along_axis(fe, nbhd_indices[..., None], axis=2)       # [b, n, NN, 9]
    rc_sel = jnp.take_along_axis(rel_coors, nbhd_indices[..., None], axis=2)  # [b, n, NN, 3]
    # qkv projection
    qkv = feats @ W_qkv
    q, k, v = jnp.split(qkv, 3, axis=-1)
    to_heads = lambda t: t.reshape(b, n, H, DH).transpose(0, 2, 1, 3)  # [b, H, n, DH]
    q, k, v = to_heads(q), to_heads(k), to_heads(v)
    gather_nodes = lambda tb, idxb: tb[:, idxb]                        # [H, n, NN, DH]
    k_sel = jax.vmap(gather_nodes)(k, nbhd_indices)                    # [b, H, n, NN, DH]
    v_sel = jax.vmap(gather_nodes)(v, nbhd_indices)
    # positional embedding of encoded distances
    pe = jax.nn.relu(rd_sel @ W_pe1 + b_pe1) @ W_pe2 + b_pe2           # [b, n, NN, DH]
    pos_emb = pe[:, None]                                              # [b, 1, n, NN, DH]
    v_sel = v_sel + pos_emb
    # edge MLP input: q_i - k_j + pos_emb
    edge_input = q[:, :, :, None, :] - k_sel + pos_emb                 # [b, H, n, NN, DH]
    m_ij = jax.nn.relu(jax.nn.relu(edge_input @ W_e1 + b_e1) @ W_e2 + b_e2)  # [b, H, n, NN, MD]
    # coordinate update weights
    coor_in = m_ij.transpose(0, 2, 3, 1, 4).reshape(b, n, NN, H * MD)
    coor_weights = (jax.nn.relu(coor_in @ W_c1 + b_c1) @ W_c2 + b_c2)[..., 0]  # [b, n, NN]
    coors_out = jnp.einsum('bij,bijc->bic', coor_weights, rc_sel)      # [b, n, 3]
    # attention logits from m_ij
    sim = (jax.nn.relu(m_ij @ W_a1 + b_a1) @ W_a2 + b_a2)[..., 0]      # [b, H, n, NN]
    attn = jax.nn.softmax(sim, axis=-1)
    out = jnp.einsum('bhij,bhijd->bhid', attn, v_sel)                  # [b, H, n, DH]
    out = out.transpose(0, 2, 1, 3).reshape(b, n, H * DH)
    out = out @ W_out + b_out
    return out, coors_out


def setup_inputs(seed: int = 0):
    key = jax.random.key(seed)
    ks = jax.random.split(key, 16)
    inner = H * DH
    pos_dim = 2 * FF + 1
    eid = DH  # edge_input_dim = dim_head + edge_dim (edge_dim = 0)
    w = lambda k, shape: jax.random.normal(k, shape, dtype=jnp.float32) * 0.001
    return {
        'feats': jax.random.normal(ks[0], (B, N, DIM), dtype=jnp.float32),
        'coors': jax.random.normal(ks[1], (B, N, 3), dtype=jnp.float32),
        'W_qkv': w(ks[2], (DIM, inner * 3)),
        'W_out': w(ks[3], (inner, DIM)),
        'b_out': jnp.zeros((DIM,), jnp.float32),
        'W_pe1': w(ks[4], (pos_dim, DH * 2)),
        'b_pe1': jnp.zeros((DH * 2,), jnp.float32),
        'W_pe2': w(ks[5], (DH * 2, DH)),
        'b_pe2': jnp.zeros((DH,), jnp.float32),
        'W_e1': w(ks[6], (eid, eid * 2)),
        'b_e1': jnp.zeros((eid * 2,), jnp.float32),
        'W_e2': w(ks[7], (eid * 2, MD)),
        'b_e2': jnp.zeros((MD,), jnp.float32),
        'W_a1': w(ks[8], (MD, MD * 4)),
        'b_a1': jnp.zeros((MD * 4,), jnp.float32),
        'W_a2': w(ks[9], (MD * 4, 1)),
        'b_a2': jnp.zeros((1,), jnp.float32),
        'W_c1': w(ks[10], (MD * H, MD * 4)),
        'b_c1': jnp.zeros((MD * 4,), jnp.float32),
        'W_c2': w(ks[11], (MD * 4, 1)),
        'b_c2': jnp.zeros((1,), jnp.float32),
    }


def reference(feats, coors, W_qkv, W_out, b_out, W_pe1, b_pe1, W_pe2, b_pe2,
              W_e1, b_e1, W_e2, b_e2, W_a1, b_a1, W_a2, b_a2, W_c1, b_c1, W_c2, b_c2):
    return _fwd(feats, coors, W_qkv, W_out, b_out, W_pe1, b_pe1, W_pe2, b_pe2,
                W_e1, b_e1, W_e2, b_e2, W_a1, b_a1, W_a2, b_a2, W_c1, b_c1, W_c2, b_c2)

if __name__ == "__main__":
    import jax
    _d = setup_inputs()
    print(jax.jit(kernel)(*tuple(_d.values())))

</pallas_src>

<mosaic_0001>
#map = affine_map<(d0, d1) -> (0, 0)>
#map1 = affine_map<(d0, d1) -> (0)>
module attributes {stable_mosaic.version = 14 : i64} {
  func.func @k(%arg0: i32, %arg1: i32, %arg2: memref<2048x512xi32, #tpu.memory_space<hbm>>, %arg3: memref<2048x128xf32, #tpu.memory_space<hbm>>, %arg4: memref<16384xi32, #tpu.memory_space<hbm>>, %arg5: memref<16384x512xi32, #tpu.memory_space<hbm>>, %arg6: memref<16384x128xf32, #tpu.memory_space<hbm>>, %arg7: memref<512xi32, #tpu.memory_space<vmem>>, %arg8: memref<64x512xi32, #tpu.memory_space<vmem>>, %arg9: memref<64x512xi32, #tpu.memory_space<vmem>>, %arg10: memref<64x128xf32, #tpu.memory_space<vmem>>, %arg11: memref<64x128xf32, #tpu.memory_space<vmem>>, %arg12: memref<!tpu.dma_semaphore, #tpu.memory_space<semaphore_mem>>, %arg13: memref<!tpu.dma_semaphore, #tpu.memory_space<semaphore_mem>>) attributes {dimension_semantics = [#tpu.dimension_semantics<core_parallel>, #tpu.dimension_semantics<subcore_parallel>], iteration_bounds = array<i64: 2, 16>, scalar_prefetch = 0 : i64, scratch_operands = 7 : i64, tpu.core_type = #tpu.core_type<sc_vector_subcore>, window_params = [{transform_indices = #map}, {transform_indices = #map}, {transform_indices = #map1}, {transform_indices = #map}, {transform_indices = #map}]} {
    %mul3A = arith.constant 2 : i32
    %mul3A_0 = arith.muli %arg1, %mul3A : i32
    %add3A = arith.addi %mul3A_0, %arg0 : i32
    %mul3A_1 = arith.constant 512 : i32
    %mul3A_2 = arith.muli %add3A, %mul3A_1 : i32
    "tpu.region"() ({
      %run_scoped3A = tpu.sem_alloc : memref<!tpu.dma_semaphore, #tpu.memory_space<semaphore_mem>>
      %dma_start3A = tpu.memref_slice %arg4[%mul3A_2] : memref<16384xi32, #tpu.memory_space<hbm>> -> memref<512xi32, #tpu.memory_space<hbm>>
      %dma_start3A_9 = tpu.memref_slice %arg4[%mul3A_2] : memref<16384xi32, #tpu.memory_space<hbm>> -> memref<512xi32, #tpu.memory_space<hbm>>
      tpu.enqueue_dma source(%dma_start3A_9 : memref<512xi32, #tpu.memory_space<hbm>>) target(%arg7 : memref<512xi32, #tpu.memory_space<vmem>>) target_semaphore(%run_scoped3A : memref<!tpu.dma_semaphore, #tpu.memory_space<semaphore_mem>>)
      %dma_wait3A = tpu.memref_slice %arg4[%mul3A_2] : memref<16384xi32, #tpu.memory_space<hbm>> -> memref<512xi32, #tpu.memory_space<hbm>>
      %dma_wait3A_10 = tpu.memref_slice %arg4[%mul3A_2] : memref<16384xi32, #tpu.memory_space<hbm>> -> memref<512xi32, #tpu.memory_space<hbm>>
      tpu.wait_dma2 semaphore(%run_scoped3A : memref<!tpu.dma_semaphore, #tpu.memory_space<semaphore_mem>>) src(%dma_wait3A_10 : memref<512xi32, #tpu.memory_space<hbm>>) dst(%arg7 : memref<512xi32, #tpu.memory_space<vmem>>)
      tpu.yield
    }) : () -> ()
    %scan3A = arith.constant 0 : i32
    %scan3A_3 = arith.constant 0 : i32
    %scan3A_4 = arith.constant 4 : i32
    %scan3A_5 = arith.addi %scan3A_3, %scan3A_4 : i32
    %scan3A_6 = arith.constant 1 : i32
    %scan3A_7 = scf.for %scan3A_9 = %scan3A_3 to %scan3A_5 step %scan3A_6 iter_args(%scan3A_10 = %scan3A) -> (i32)  : i32 {
      %mul3A_11 = arith.constant 2 : i32
      %mul3A_12 = arith.muli %mul3A_11, %scan3A_9 : i32
      %mul3A_13 = arith.constant 64 : i32
      %mul3A_14 = arith.muli %mul3A_12, %mul3A_13 : i32
      %add3A_15 = arith.constant 64 : i32
      %add3A_16 = arith.addi %mul3A_14, %add3A_15 : i32
      %dma_start3A = tpu.memref_slice %arg7[%mul3A_14] : memref<512xi32, #tpu.memory_space<vmem>> -> memref<64xi32, #tpu.memory_space<vmem>>
      %dma_start3A_17 = arith.constant 0 : i32
      %dma_start3A_18 = arith.constant 0 : i32
      %dma_start3A_19 = tpu.memref_slice %arg2[%dma_start3A_17, %dma_start3A_18] : memref<2048x512xi32, #tpu.memory_space<hbm>> -> memref<2048x512xi32, #tpu.memory_space<hbm>>
      tpu.enqueue_indirect_dma source(%dma_start3A_19 : memref<2048x512xi32, #tpu.memory_space<hbm>>) target(%arg8 : memref<64x512xi32, #tpu.memory_space<vmem>>) offsets(%dma_start3A : memref<64xi32, #tpu.memory_space<vmem>>) semaphore(%arg12 : memref<!tpu.dma_semaphore, #tpu.memory_space<semaphore_mem>>)
      %dma_start3A_20 = tpu.memref_slice %arg7[%mul3A_14] : memref<512xi32, #tpu.memory_space<vmem>> -> memref<64xi32, #tpu.memory_space<vmem>>
      %dma_start3A_21 = arith.constant 0 : i32
      %dma_start3A_22 = arith.constant 0 : i32
      %dma_start3A_23 = tpu.memref_slice %arg3[%dma_start3A_21, %dma_start3A_22] : memref<2048x128xf32, #tpu.memory_space<hbm>> -> memref<2048x128xf32, #tpu.memory_space<hbm>>
      tpu.enqueue_indirect_dma source(%dma_start3A_23 : memref<2048x128xf32, #tpu.memory_space<hbm>>) target(%arg10 : memref<64x128xf32, #tpu.memory_space<vmem>>) offsets(%dma_start3A_20 : memref<64xi32, #tpu.memory_space<vmem>>) semaphore(%arg12 : memref<!tpu.dma_semaphore, #tpu.memory_space<semaphore_mem>>)
      %dma_start3A_24 = tpu.memref_slice %arg7[%add3A_16] : memref<512xi32, #tpu.memory_space<vmem>> -> memref<64xi32, #tpu.memory_space<vmem>>
      %dma_start3A_25 = arith.constant 0 : i32
      %dma_start3A_26 = arith.constant 0 : i32
      %dma_start3A_27 = tpu.memref_slice %arg2[%dma_start3A_25, %dma_start3A_26] : memref<2048x512xi32, #tpu.memory_space<hbm>> -> memref<2048x512xi32, #tpu.memory_space<hbm>>
      tpu.enqueue_indirect_dma source(%dma_start3A_27 : memref<2048x512xi32, #tpu.memory_space<hbm>>) target(%arg9 : memref<64x512xi32, #tpu.memory_space<vmem>>) offsets(%dma_start3A_24 : memref<64xi32, #tpu.memory_space<vmem>>) semaphore(%arg13 : memref<!tpu.dma_semaphore, #tpu.memory_space<semaphore_mem>>)
      %dma_start3A_28 = tpu.memref_slice %arg7[%add3A_16] : memref<512xi32, #tpu.memory_space<vmem>> -> memref<64xi32, #tpu.memory_space<vmem>>
      %dma_start3A_29 = arith.constant 0 : i32
      %dma_start3A_30 = arith.constant 0 : i32
      %dma_start3A_31 = tpu.memref_slice %arg3[%dma_start3A_29, %dma_start3A_30] : memref<2048x128xf32, #tpu.memory_space<hbm>> -> memref<2048x128xf32, #tpu.memory_space<hbm>>
      tpu.enqueue_indirect_dma source(%dma_start3A_31 : memref<2048x128xf32, #tpu.memory_space<hbm>>) target(%arg11 : memref<64x128xf32, #tpu.memory_space<vmem>>) offsets(%dma_start3A_28 : memref<64xi32, #tpu.memory_space<vmem>>) semaphore(%arg13 : memref<!tpu.dma_semaphore, #tpu.memory_space<semaphore_mem>>)
      %dma_wait3A = tpu.memref_slice %arg7[%mul3A_14] : memref<512xi32, #tpu.memory_space<vmem>> -> memref<64xi32, #tpu.memory_space<vmem>>
      %dma_wait3A_32 = arith.constant 0 : i32
      %dma_wait3A_33 = arith.constant 0 : i32
      %dma_wait3A_34 = tpu.memref_slice %arg2[%dma_wait3A_32, %dma_wait3A_33] : memref<2048x512xi32, #tpu.memory_space<hbm>> -> memref<2048x512xi32, #tpu.memory_space<hbm>>
      tpu.wait_indirect_dma semaphore(%arg12 : memref<!tpu.dma_semaphore, #tpu.memory_space<semaphore_mem>>) src(%dma_wait3A_34 : memref<2048x512xi32, #tpu.memory_space<hbm>>) dst(%arg8 : memref<64x512xi32, #tpu.memory_space<vmem>>)
      %dma_wait3A_35 = tpu.memref_slice %arg7[%mul3A_14] : memref<512xi32, #tpu.memory_space<vmem>> -> memref<64xi32, #tpu.memory_space<vmem>>
      %dma_wait3A_36 = arith.constant 0 : i32
      %dma_wait3A_37 = arith.constant 0 : i32
      %dma_wait3A_38 = tpu.memref_slice %arg3[%dma_wait3A_36, %dma_wait3A_37] : memref<2048x128xf32, #tpu.memory_space<hbm>> -> memref<2048x128xf32, #tpu.memory_space<hbm>>
      tpu.wait_indirect_dma semaphore(%arg12 : memref<!tpu.dma_semaphore, #tpu.memory_space<semaphore_mem>>) src(%dma_wait3A_38 : memref<2048x128xf32, #tpu.memory_space<hbm>>) dst(%arg10 : memref<64x128xf32, #tpu.memory_space<vmem>>)
      %add3A_39 = arith.addi %mul3A_2, %mul3A_14 : i32
      "tpu.region"() ({
        %run_scoped3A = tpu.sem_alloc : memref<!tpu.dma_semaphore, #tpu.memory_space<semaphore_mem>>
        %dma_start3A_52 = arith.constant 0 : i32
        %dma_start3A_53 = tpu.memref_slice %arg5[%add3A_39, %dma_start3A_52] : memref<16384x512xi32, #tpu.memory_space<hbm>> -> memref<64x512xi32, #tpu.memory_space<hbm>>
        %dma_start3A_54 = arith.constant 0 : i32
        %dma_start3A_55 = tpu.memref_slice %arg5[%add3A_39, %dma_start3A_54] : memref<16384x512xi32, #tpu.memory_space<hbm>> -> memref<64x512xi32, #tpu.memory_space<hbm>>
        tpu.enqueue_dma source(%arg8 : memref<64x512xi32, #tpu.memory_space<vmem>>) target(%dma_start3A_55 : memref<64x512xi32, #tpu.memory_space<hbm>>) target_semaphore(%run_scoped3A : memref<!tpu.dma_semaphore, #tpu.memory_space<semaphore_mem>>)
        %dma_wait3A_56 = arith.constant 0 : i32
        %dma_wait3A_57 = tpu.memref_slice %arg5[%add3A_39, %dma_wait3A_56] : memref<16384x512xi32, #tpu.memory_space<hbm>> -> memref<64x512xi32, #tpu.memory_space<hbm>>
        %dma_wait3A_58 = arith.constant 0 : i32
        %dma_wait3A_59 = tpu.memref_slice %arg5[%add3A_39, %dma_wait3A_58] : memref<16384x512xi32, #tpu.memory_space<hbm>> -> memref<64x512xi32, #tpu.memory_space<hbm>>
        tpu.wait_dma2 semaphore(%run_scoped3A : memref<!tpu.dma_semaphore, #tpu.memory_space<semaphore_mem>>) src(%arg8 : memref<64x512xi32, #tpu.memory_space<vmem>>) dst(%dma_wait3A_59 : memref<64x512xi32, #tpu.memory_space<hbm>>)
        tpu.yield
      }) : () -> ()
      %add3A_40 = arith.addi %mul3A_2, %mul3A_14 : i32
      "tpu.region"() ({
        %run_scoped3A = tpu.sem_alloc : memref<!tpu.dma_semaphore, #tpu.memory_space<semaphore_mem>>
        %dma_start3A_52 = arith.constant 0 : i32
        %dma_start3A_53 = tpu.memref_slice %arg6[%add3A_40, %dma_start3A_52] : memref<16384x128xf32, #tpu.memory_space<hbm>> -> memref<64x128xf32, #tpu.memory_space<hbm>>
        %dma_start3A_54 = arith.constant 0 : i32
        %dma_start3A_55 = tpu.memref_slice %arg6[%add3A_40, %dma_start3A_54] : memref<16384x128xf32, #tpu.memory_space<hbm>> -> memref<64x128xf32, #tpu.memory_space<hbm>>
        tpu.enqueue_dma source(%arg10 : memref<64x128xf32, #tpu.memory_space<vmem>>) target(%dma_start3A_55 : memref<64x128xf32, #tpu.memory_space<hbm>>) target_semaphore(%run_scoped3A : memref<!tpu.dma_semaphore, #tpu.memory_space<semaphore_mem>>)
        %dma_wait3A_56 = arith.constant 0 : i32
        %dma_wait3A_57 = tpu.memref_slice %arg6[%add3A_40, %dma_wait3A_56] : memref<16384x128xf32, #tpu.memory_space<hbm>> -> memref<64x128xf32, #tpu.memory_space<hbm>>
        %dma_wait3A_58 = arith.constant 0 : i32
        %dma_wait3A_59 = tpu.memref_slice %arg6[%add3A_40, %dma_wait3A_58] : memref<16384x128xf32, #tpu.memory_space<hbm>> -> memref<64x128xf32, #tpu.memory_space<hbm>>
        tpu.wait_dma2 semaphore(%run_scoped3A : memref<!tpu.dma_semaphore, #tpu.memory_space<semaphore_mem>>) src(%arg10 : memref<64x128xf32, #tpu.memory_space<vmem>>) dst(%dma_wait3A_59 : memref<64x128xf32, #tpu.memory_space<hbm>>)
        tpu.yield
      }) : () -> ()
      %dma_wait3A_41 = tpu.memref_slice %arg7[%add3A_16] : memref<512xi32, #tpu.memory_space<vmem>> -> memref<64xi32, #tpu.memory_space<vmem>>
      %dma_wait3A_42 = arith.constant 0 : i32
      %dma_wait3A_43 = arith.constant 0 : i32
      %dma_wait3A_44 = tpu.memref_slice %arg2[%dma_wait3A_42, %dma_wait3A_43] : memref<2048x512xi32, #tpu.memory_space<hbm>> -> memref<2048x512xi32, #tpu.memory_space<hbm>>
      tpu.wait_indirect_dma semaphore(%arg13 : memref<!tpu.dma_semaphore, #tpu.memory_space<semaphore_mem>>) src(%dma_wait3A_44 : memref<2048x512xi32, #tpu.memory_space<hbm>>) dst(%arg9 : memref<64x512xi32, #tpu.memory_space<vmem>>)
      %dma_wait3A_45 = tpu.memref_slice %arg7[%add3A_16] : memref<512xi32, #tpu.memory_space<vmem>> -> memref<64xi32, #tpu.memory_space<vmem>>
      %dma_wait3A_46 = arith.constant 0 : i32
      %dma_wait3A_47 = arith.constant 0 : i32
      %dma_wait3A_48 = tpu.memref_slice %arg3[%dma_wait3A_46, %dma_wait3A_47] : memref<2048x128xf32, #tpu.memory_space<hbm>> -> memref<2048x128xf32, #tpu.memory_space<hbm>>
      tpu.wait_indirect_dma semaphore(%arg13 : memref<!tpu.dma_semaphore, #tpu.memory_space<semaphore_mem>>) src(%dma_wait3A_48 : memref<2048x128xf32, #tpu.memory_space<hbm>>) dst(%arg11 : memref<64x128xf32, #tpu.memory_space<vmem>>)
      %add3A_49 = arith.addi %mul3A_2, %add3A_16 : i32
      "tpu.region"() ({
        %run_scoped3A = tpu.sem_alloc : memref<!tpu.dma_semaphore, #tpu.memory_space<semaphore_mem>>
        %dma_start3A_52 = arith.constant 0 : i32
        %dma_start3A_53 = tpu.memref_slice %arg5[%add3A_49, %dma_start3A_52] : memref<16384x512xi32, #tpu.memory_space<hbm>> -> memref<64x512xi32, #tpu.memory_space<hbm>>
        %dma_start3A_54 = arith.constant 0 : i32
        %dma_start3A_55 = tpu.memref_slice %arg5[%add3A_49, %dma_start3A_54] : memref<16384x512xi32, #tpu.memory_space<hbm>> -> memref<64x512xi32, #tpu.memory_space<hbm>>
        tpu.enqueue_dma source(%arg9 : memref<64x512xi32, #tpu.memory_space<vmem>>) target(%dma_start3A_55 : memref<64x512xi32, #tpu.memory_space<hbm>>) target_semaphore(%run_scoped3A : memref<!tpu.dma_semaphore, #tpu.memory_space<semaphore_mem>>)
        %dma_wait3A_56 = arith.constant 0 : i32
        %dma_wait3A_57 = tpu.memref_slice %arg5[%add3A_49, %dma_wait3A_56] : memref<16384x512xi32, #tpu.memory_space<hbm>> -> memref<64x512xi32, #tpu.memory_space<hbm>>
        %dma_wait3A_58 = arith.constant 0 : i32
        %dma_wait3A_59 = tpu.memref_slice %arg5[%add3A_49, %dma_wait3A_58] : memref<16384x512xi32, #tpu.memory_space<hbm>> -> memref<64x512xi32, #tpu.memory_space<hbm>>
        tpu.wait_dma2 semaphore(%run_scoped3A : memref<!tpu.dma_semaphore, #tpu.memory_space<semaphore_mem>>) src(%arg9 : memref<64x512xi32, #tpu.memory_space<vmem>>) dst(%dma_wait3A_59 : memref<64x512xi32, #tpu.memory_space<hbm>>)
        tpu.yield
      }) : () -> ()
      %add3A_50 = arith.addi %mul3A_2, %add3A_16 : i32
      "tpu.region"() ({
        %run_scoped3A = tpu.sem_alloc : memref<!tpu.dma_semaphore, #tpu.memory_space<semaphore_mem>>
        %dma_start3A_52 = arith.constant 0 : i32
        %dma_start3A_53 = tpu.memref_slice %arg6[%add3A_50, %dma_start3A_52] : memref<16384x128xf32, #tpu.memory_space<hbm>> -> memref<64x128xf32, #tpu.memory_space<hbm>>
        %dma_start3A_54 = arith.constant 0 : i32
        %dma_start3A_55 = tpu.memref_slice %arg6[%add3A_50, %dma_start3A_54] : memref<16384x128xf32, #tpu.memory_space<hbm>> -> memref<64x128xf32, #tpu.memory_space<hbm>>
        tpu.enqueue_dma source(%arg11 : memref<64x128xf32, #tpu.memory_space<vmem>>) target(%dma_start3A_55 : memref<64x128xf32, #tpu.memory_space<hbm>>) target_semaphore(%run_scoped3A : memref<!tpu.dma_semaphore, #tpu.memory_space<semaphore_mem>>)
        %dma_wait3A_56 = arith.constant 0 : i32
        %dma_wait3A_57 = tpu.memref_slice %arg6[%add3A_50, %dma_wait3A_56] : memref<16384x128xf32, #tpu.memory_space<hbm>> -> memref<64x128xf32, #tpu.memory_space<hbm>>
        %dma_wait3A_58 = arith.constant 0 : i32
        %dma_wait3A_59 = tpu.memref_slice %arg6[%add3A_50, %dma_wait3A_58] : memref<16384x128xf32, #tpu.memory_space<hbm>> -> memref<64x128xf32, #tpu.memory_space<hbm>>
        tpu.wait_dma2 semaphore(%run_scoped3A : memref<!tpu.dma_semaphore, #tpu.memory_space<semaphore_mem>>) src(%arg11 : memref<64x128xf32, #tpu.memory_space<vmem>>) dst(%dma_wait3A_59 : memref<64x128xf32, #tpu.memory_space<hbm>>)
        tpu.yield
      }) : () -> ()
      %scan3A_51 = arith.constant 0 : i32
      scf.yield %scan3A_51 : i32
    }
    %scan3A_8 = arith.constant 4 : i32
    return
  }
}

#map = affine_map<(d0, d1) -> (0, 0)>
#map1 = affine_map<(d0, d1) -> (0)>
module attributes {stable_mosaic.version = 14 : i64} {
  func.func @k(%arg0: i32, %arg1: i32, %arg2: memref<2048x512xi32, #tpu.memory_space<hbm>>, %arg3: memref<2048x128xf32, #tpu.memory_space<hbm>>, %arg4: memref<16384xi32, #tpu.memory_space<hbm>>, %arg5: memref<16384x512xi32, #tpu.memory_space<hbm>>, %arg6: memref<16384x128xf32, #tpu.memory_space<hbm>>, %arg7: memref<512xi32, #tpu.memory_space<vmem>>, %arg8: memref<64x512xi32, #tpu.memory_space<vmem>>, %arg9: memref<64x512xi32, #tpu.memory_space<vmem>>, %arg10: memref<64x128xf32, #tpu.memory_space<vmem>>, %arg11: memref<64x128xf32, #tpu.memory_space<vmem>>, %arg12: memref<!tpu.dma_semaphore, #tpu.memory_space<semaphore_mem>>, %arg13: memref<!tpu.dma_semaphore, #tpu.memory_space<semaphore_mem>>) attributes {dimension_semantics = [#tpu.dimension_semantics<core_parallel>, #tpu.dimension_semantics<subcore_parallel>], iteration_bounds = array<i64: 2, 16>, scalar_prefetch = 0 : i64, scratch_operands = 7 : i64, tpu.core_type = #tpu.core_type<sc_vector_subcore>, window_params = [{transform_indices = #map}, {transform_indices = #map}, {transform_indices = #map1}, {transform_indices = #map}, {transform_indices = #map}]} {
    %mul3A = arith.constant 2 : i32
    %mul3A_0 = arith.muli %arg1, %mul3A : i32
    %add3A = arith.addi %mul3A_0, %arg0 : i32
    %mul3A_1 = arith.constant 512 : i32
    %mul3A_2 = arith.muli %add3A, %mul3A_1 : i32
    "tpu.region"() ({
      %run_scoped3A = tpu.sem_alloc : memref<!tpu.dma_semaphore, #tpu.memory_space<semaphore_mem>>
      %dma_start3A = tpu.memref_slice %arg4[%mul3A_2] : memref<16384xi32, #tpu.memory_space<hbm>> -> memref<512xi32, #tpu.memory_space<hbm>>
      %dma_start3A_9 = tpu.memref_slice %arg4[%mul3A_2] : memref<16384xi32, #tpu.memory_space<hbm>> -> memref<512xi32, #tpu.memory_space<hbm>>
      tpu.enqueue_dma source(%dma_start3A_9 : memref<512xi32, #tpu.memory_space<hbm>>) target(%arg7 : memref<512xi32, #tpu.memory_space<vmem>>) target_semaphore(%run_scoped3A : memref<!tpu.dma_semaphore, #tpu.memory_space<semaphore_mem>>)
      %dma_wait3A = tpu.memref_slice %arg4[%mul3A_2] : memref<16384xi32, #tpu.memory_space<hbm>> -> memref<512xi32, #tpu.memory_space<hbm>>
      %dma_wait3A_10 = tpu.memref_slice %arg4[%mul3A_2] : memref<16384xi32, #tpu.memory_space<hbm>> -> memref<512xi32, #tpu.memory_space<hbm>>
      tpu.wait_dma2 semaphore(%run_scoped3A : memref<!tpu.dma_semaphore, #tpu.memory_space<semaphore_mem>>) src(%dma_wait3A_10 : memref<512xi32, #tpu.memory_space<hbm>>) dst(%arg7 : memref<512xi32, #tpu.memory_space<vmem>>)
      tpu.yield
    }) : () -> ()
    %scan3A = arith.constant 0 : i32
    %scan3A_3 = arith.constant 0 : i32
    %scan3A_4 = arith.constant 4 : i32
    %scan3A_5 = arith.addi %scan3A_3, %scan3A_4 : i32
    %scan3A_6 = arith.constant 1 : i32
    %scan3A_7 = scf.for %scan3A_9 = %scan3A_3 to %scan3A_5 step %scan3A_6 iter_args(%scan3A_10 = %scan3A) -> (i32)  : i32 {
      %mul3A_11 = arith.constant 2 : i32
      %mul3A_12 = arith.muli %mul3A_11, %scan3A_9 : i32
      %mul3A_13 = arith.constant 64 : i32
      %mul3A_14 = arith.muli %mul3A_12, %mul3A_13 : i32
      %add3A_15 = arith.constant 64 : i32
      %add3A_16 = arith.addi %mul3A_14, %add3A_15 : i32
      %dma_start3A = tpu.memref_slice %arg7[%mul3A_14] : memref<512xi32, #tpu.memory_space<vmem>> -> memref<64xi32, #tpu.memory_space<vmem>>
      %dma_start3A_17 = arith.constant 0 : i32
      %dma_start3A_18 = arith.constant 0 : i32
      %dma_start3A_19 = tpu.memref_slice %arg2[%dma_start3A_17, %dma_start3A_18] : memref<2048x512xi32, #tpu.memory_space<hbm>> -> memref<2048x512xi32, #tpu.memory_space<hbm>>
      tpu.enqueue_indirect_dma source(%dma_start3A_19 : memref<2048x512xi32, #tpu.memory_space<hbm>>) target(%arg8 : memref<64x512xi32, #tpu.memory_space<vmem>>) offsets(%dma_start3A : memref<64xi32, #tpu.memory_space<vmem>>) semaphore(%arg12 : memref<!tpu.dma_semaphore, #tpu.memory_space<semaphore_mem>>)
      %dma_start3A_20 = tpu.memref_slice %arg7[%mul3A_14] : memref<512xi32, #tpu.memory_space<vmem>> -> memref<64xi32, #tpu.memory_space<vmem>>
      %dma_start3A_21 = arith.constant 0 : i32
      %dma_start3A_22 = arith.constant 0 : i32
      %dma_start3A_23 = tpu.memref_slice %arg3[%dma_start3A_21, %dma_start3A_22] : memref<2048x128xf32, #tpu.memory_space<hbm>> -> memref<2048x128xf32, #tpu.memory_space<hbm>>
      tpu.enqueue_indirect_dma source(%dma_start3A_23 : memref<2048x128xf32, #tpu.memory_space<hbm>>) target(%arg10 : memref<64x128xf32, #tpu.memory_space<vmem>>) offsets(%dma_start3A_20 : memref<64xi32, #tpu.memory_space<vmem>>) semaphore(%arg12 : memref<!tpu.dma_semaphore, #tpu.memory_space<semaphore_mem>>)
      %dma_start3A_24 = tpu.memref_slice %arg7[%add3A_16] : memref<512xi32, #tpu.memory_space<vmem>> -> memref<64xi32, #tpu.memory_space<vmem>>
      %dma_start3A_25 = arith.constant 0 : i32
      %dma_start3A_26 = arith.constant 0 : i32
      %dma_start3A_27 = tpu.memref_slice %arg2[%dma_start3A_25, %dma_start3A_26] : memref<2048x512xi32, #tpu.memory_space<hbm>> -> memref<2048x512xi32, #tpu.memory_space<hbm>>
      tpu.enqueue_indirect_dma source(%dma_start3A_27 : memref<2048x512xi32, #tpu.memory_space<hbm>>) target(%arg9 : memref<64x512xi32, #tpu.memory_space<vmem>>) offsets(%dma_start3A_24 : memref<64xi32, #tpu.memory_space<vmem>>) semaphore(%arg13 : memref<!tpu.dma_semaphore, #tpu.memory_space<semaphore_mem>>)
      %dma_start3A_28 = tpu.memref_slice %arg7[%add3A_16] : memref<512xi32, #tpu.memory_space<vmem>> -> memref<64xi32, #tpu.memory_space<vmem>>
      %dma_start3A_29 = arith.constant 0 : i32
      %dma_start3A_30 = arith.constant 0 : i32
      %dma_start3A_31 = tpu.memref_slice %arg3[%dma_start3A_29, %dma_start3A_30] : memref<2048x128xf32, #tpu.memory_space<hbm>> -> memref<2048x128xf32, #tpu.memory_space<hbm>>
      tpu.enqueue_indirect_dma source(%dma_start3A_31 : memref<2048x128xf32, #tpu.memory_space<hbm>>) target(%arg11 : memref<64x128xf32, #tpu.memory_space<vmem>>) offsets(%dma_start3A_28 : memref<64xi32, #tpu.memory_space<vmem>>) semaphore(%arg13 : memref<!tpu.dma_semaphore, #tpu.memory_space<semaphore_mem>>)
      %dma_wait3A = tpu.memref_slice %arg7[%mul3A_14] : memref<512xi32, #tpu.memory_space<vmem>> -> memref<64xi32, #tpu.memory_space<vmem>>
      %dma_wait3A_32 = arith.constant 0 : i32
      %dma_wait3A_33 = arith.constant 0 : i32
      %dma_wait3A_34 = tpu.memref_slice %arg2[%dma_wait3A_32, %dma_wait3A_33] : memref<2048x512xi32, #tpu.memory_space<hbm>> -> memref<2048x512xi32, #tpu.memory_space<hbm>>
      tpu.wait_indirect_dma semaphore(%arg12 : memref<!tpu.dma_semaphore, #tpu.memory_space<semaphore_mem>>) src(%dma_wait3A_34 : memref<2048x512xi32, #tpu.memory_space<hbm>>) dst(%arg8 : memref<64x512xi32, #tpu.memory_space<vmem>>)
      %dma_wait3A_35 = tpu.memref_slice %arg7[%mul3A_14] : memref<512xi32, #tpu.memory_space<vmem>> -> memref<64xi32, #tpu.memory_space<vmem>>
      %dma_wait3A_36 = arith.constant 0 : i32
      %dma_wait3A_37 = arith.constant 0 : i32
      %dma_wait3A_38 = tpu.memref_slice %arg3[%dma_wait3A_36, %dma_wait3A_37] : memref<2048x128xf32, #tpu.memory_space<hbm>> -> memref<2048x128xf32, #tpu.memory_space<hbm>>
      tpu.wait_indirect_dma semaphore(%arg12 : memref<!tpu.dma_semaphore, #tpu.memory_space<semaphore_mem>>) src(%dma_wait3A_38 : memref<2048x128xf32, #tpu.memory_space<hbm>>) dst(%arg10 : memref<64x128xf32, #tpu.memory_space<vmem>>)
      %add3A_39 = arith.addi %mul3A_2, %mul3A_14 : i32
      "tpu.region"() ({
        %run_scoped3A = tpu.sem_alloc : memref<!tpu.dma_semaphore, #tpu.memory_space<semaphore_mem>>
        %dma_start3A_52 = arith.constant 0 : i32
        %dma_start3A_53 = tpu.memref_slice %arg5[%add3A_39, %dma_start3A_52] : memref<16384x512xi32, #tpu.memory_space<hbm>> -> memref<64x512xi32, #tpu.memory_space<hbm>>
        %dma_start3A_54 = arith.constant 0 : i32
        %dma_start3A_55 = tpu.memref_slice %arg5[%add3A_39, %dma_start3A_54] : memref<16384x512xi32, #tpu.memory_space<hbm>> -> memref<64x512xi32, #tpu.memory_space<hbm>>
        tpu.enqueue_dma source(%arg8 : memref<64x512xi32, #tpu.memory_space<vmem>>) target(%dma_start3A_55 : memref<64x512xi32, #tpu.memory_space<hbm>>) target_semaphore(%run_scoped3A : memref<!tpu.dma_semaphore, #tpu.memory_space<semaphore_mem>>)
        %dma_wait3A_56 = arith.constant 0 : i32
        %dma_wait3A_57 = tpu.memref_slice %arg5[%add3A_39, %dma_wait3A_56] : memref<16384x512xi32, #tpu.memory_space<hbm>> -> memref<64x512xi32, #tpu.memory_space<hbm>>
        %dma_wait3A_58 = arith.constant 0 : i32
        %dma_wait3A_59 = tpu.memref_slice %arg5[%add3A_39, %dma_wait3A_58] : memref<16384x512xi32, #tpu.memory_space<hbm>> -> memref<64x512xi32, #tpu.memory_space<hbm>>
        tpu.wait_dma2 semaphore(%run_scoped3A : memref<!tpu.dma_semaphore, #tpu.memory_space<semaphore_mem>>) src(%arg8 : memref<64x512xi32, #tpu.memory_space<vmem>>) dst(%dma_wait3A_59 : memref<64x512xi32, #tpu.memory_space<hbm>>)
        tpu.yield
      }) : () -> ()
      %add3A_40 = arith.addi %mul3A_2, %mul3A_14 : i32
      "tpu.region"() ({
        %run_scoped3A = tpu.sem_alloc : memref<!tpu.dma_semaphore, #tpu.memory_space<semaphore_mem>>
        %dma_start3A_52 = arith.constant 0 : i32
        %dma_start3A_53 = tpu.memref_slice %arg6[%add3A_40, %dma_start3A_52] : memref<16384x128xf32, #tpu.memory_space<hbm>> -> memref<64x128xf32, #tpu.memory_space<hbm>>
        %dma_start3A_54 = arith.constant 0 : i32
        %dma_start3A_55 = tpu.memref_slice %arg6[%add3A_40, %dma_start3A_54] : memref<16384x128xf32, #tpu.memory_space<hbm>> -> memref<64x128xf32, #tpu.memory_space<hbm>>
        tpu.enqueue_dma source(%arg10 : memref<64x128xf32, #tpu.memory_space<vmem>>) target(%dma_start3A_55 : memref<64x128xf32, #tpu.memory_space<hbm>>) target_semaphore(%run_scoped3A : memref<!tpu.dma_semaphore, #tpu.memory_space<semaphore_mem>>)
        %dma_wait3A_56 = arith.constant 0 : i32
        %dma_wait3A_57 = tpu.memref_slice %arg6[%add3A_40, %dma_wait3A_56] : memref<16384x128xf32, #tpu.memory_space<hbm>> -> memref<64x128xf32, #tpu.memory_space<hbm>>
        %dma_wait3A_58 = arith.constant 0 : i32
        %dma_wait3A_59 = tpu.memref_slice %arg6[%add3A_40, %dma_wait3A_58] : memref<16384x128xf32, #tpu.memory_space<hbm>> -> memref<64x128xf32, #tpu.memory_space<hbm>>
        tpu.wait_dma2 semaphore(%run_scoped3A : memref<!tpu.dma_semaphore, #tpu.memory_space<semaphore_mem>>) src(%arg10 : memref<64x128xf32, #tpu.memory_space<vmem>>) dst(%dma_wait3A_59 : memref<64x128xf32, #tpu.memory_space<hbm>>)
        tpu.yield
      }) : () -> ()
      %dma_wait3A_41 = tpu.memref_slice %arg7[%add3A_16] : memref<512xi32, #tpu.memory_space<vmem>> -> memref<64xi32, #tpu.memory_space<vmem>>
      %dma_wait3A_42 = arith.constant 0 : i32
      %dma_wait3A_43 = arith.constant 0 : i32
      %dma_wait3A_44 = tpu.memref_slice %arg2[%dma_wait3A_42, %dma_wait3A_43] : memref<2048x512xi32, #tpu.memory_space<hbm>> -> memref<2048x512xi32, #tpu.memory_space<hbm>>
      tpu.wait_indirect_dma semaphore(%arg13 : memref<!tpu.dma_semaphore, #tpu.memory_space<semaphore_mem>>) src(%dma_wait3A_44 : memref<2048x512xi32, #tpu.memory_space<hbm>>) dst(%arg9 : memref<64x512xi32, #tpu.memory_space<vmem>>)
      %dma_wait3A_45 = tpu.memref_slice %arg7[%add3A_16] : memref<512xi32, #tpu.memory_space<vmem>> -> memref<64xi32, #tpu.memory_space<vmem>>
      %dma_wait3A_46 = arith.constant 0 : i32
      %dma_wait3A_47 = arith.constant 0 : i32
      %dma_wait3A_48 = tpu.memref_slice %arg3[%dma_wait3A_46, %dma_wait3A_47] : memref<2048x128xf32, #tpu.memory_space<hbm>> -> memref<2048x128xf32, #tpu.memory_space<hbm>>
      tpu.wait_indirect_dma semaphore(%arg13 : memref<!tpu.dma_semaphore, #tpu.memory_space<semaphore_mem>>) src(%dma_wait3A_48 : memref<2048x128xf32, #tpu.memory_space<hbm>>) dst(%arg11 : memref<64x128xf32, #tpu.memory_space<vmem>>)
      %add3A_49 = arith.addi %mul3A_2, %add3A_16 : i32
      "tpu.region"() ({
        %run_scoped3A = tpu.sem_alloc : memref<!tpu.dma_semaphore, #tpu.memory_space<semaphore_mem>>
        %dma_start3A_52 = arith.constant 0 : i32
        %dma_start3A_53 = tpu.memref_slice %arg5[%add3A_49, %dma_start3A_52] : memref<16384x512xi32, #tpu.memory_space<hbm>> -> memref<64x512xi32, #tpu.memory_space<hbm>>
        %dma_start3A_54 = arith.constant 0 : i32
        %dma_start3A_55 = tpu.memref_slice %arg5[%add3A_49, %dma_start3A_54] : memref<16384x512xi32, #tpu.memory_space<hbm>> -> memref<64x512xi32, #tpu.memory_space<hbm>>
        tpu.enqueue_dma source(%arg9 : memref<64x512xi32, #tpu.memory_space<vmem>>) target(%dma_start3A_55 : memref<64x512xi32, #tpu.memory_space<hbm>>) target_semaphore(%run_scoped3A : memref<!tpu.dma_semaphore, #tpu.memory_space<semaphore_mem>>)
        %dma_wait3A_56 = arith.constant 0 : i32
        %dma_wait3A_57 = tpu.memref_slice %arg5[%add3A_49, %dma_wait3A_56] : memref<16384x512xi32, #tpu.memory_space<hbm>> -> memref<64x512xi32, #tpu.memory_space<hbm>>
        %dma_wait3A_58 = arith.constant 0 : i32
        %dma_wait3A_59 = tpu.memref_slice %arg5[%add3A_49, %dma_wait3A_58] : memref<16384x512xi32, #tpu.memory_space<hbm>> -> memref<64x512xi32, #tpu.memory_space<hbm>>
        tpu.wait_dma2 semaphore(%run_scoped3A : memref<!tpu.dma_semaphore, #tpu.memory_space<semaphore_mem>>) src(%arg9 : memref<64x512xi32, #tpu.memory_space<vmem>>) dst(%dma_wait3A_59 : memref<64x512xi32, #tpu.memory_space<hbm>>)
        tpu.yield
      }) : () -> ()
      %add3A_50 = arith.addi %mul3A_2, %add3A_16 : i32
      "tpu.region"() ({
        %run_scoped3A = tpu.sem_alloc : memref<!tpu.dma_semaphore, #tpu.memory_space<semaphore_mem>>
        %dma_start3A_52 = arith.constant 0 : i32
        %dma_start3A_53 = tpu.memref_slice %arg6[%add3A_50, %dma_start3A_52] : memref<16384x128xf32, #tpu.memory_space<hbm>> -> memref<64x128xf32, #tpu.memory_space<hbm>>
        %dma_start3A_54 = arith.constant 0 : i32
        %dma_start3A_55 = tpu.memref_slice %arg6[%add3A_50, %dma_start3A_54] : memref<16384x128xf32, #tpu.memory_space<hbm>> -> memref<64x128xf32, #tpu.memory_space<hbm>>
        tpu.enqueue_dma source(%arg11 : memref<64x128xf32, #tpu.memory_space<vmem>>) target(%dma_start3A_55 : memref<64x128xf32, #tpu.memory_space<hbm>>) target_semaphore(%run_scoped3A : memref<!tpu.dma_semaphore, #tpu.memory_space<semaphore_mem>>)
        %dma_wait3A_56 = arith.constant 0 : i32
        %dma_wait3A_57 = tpu.memref_slice %arg6[%add3A_50, %dma_wait3A_56] : memref<16384x128xf32, #tpu.memory_space<hbm>> -> memref<64x128xf32, #tpu.memory_space<hbm>>
        %dma_wait3A_58 = arith.constant 0 : i32
        %dma_wait3A_59 = tpu.memref_slice %arg6[%add3A_50, %dma_wait3A_58] : memref<16384x128xf32, #tpu.memory_space<hbm>> -> memref<64x128xf32, #tpu.memory_space<hbm>>
        tpu.wait_dma2 semaphore(%run_scoped3A : memref<!tpu.dma_semaphore, #tpu.memory_space<semaphore_mem>>) src(%arg11 : memref<64x128xf32, #tpu.memory_space<vmem>>) dst(%dma_wait3A_59 : memref<64x128xf32, #tpu.memory_space<hbm>>)
        tpu.yield
      }) : () -> ()
      %scan3A_51 = arith.constant 0 : i32
      scf.yield %scan3A_51 : i32
    }
    %scan3A_8 = arith.constant 4 : i32
    return
  }
}

#map = affine_map<(d0, d1) -> (0, 0)>
#map1 = affine_map<(d0, d1) -> (0)>
module attributes {stable_mosaic.version = 14 : i64} {
  func.func @k(%arg0: i32, %arg1: i32, %arg2: memref<2048x512xi32, #tpu.memory_space<hbm>>, %arg3: memref<2048x128xf32, #tpu.memory_space<hbm>>, %arg4: memref<16384xi32, #tpu.memory_space<hbm>>, %arg5: memref<16384x512xi32, #tpu.memory_space<hbm>>, %arg6: memref<16384x128xf32, #tpu.memory_space<hbm>>, %arg7: memref<512xi32, #tpu.memory_space<vmem>>, %arg8: memref<64x512xi32, #tpu.memory_space<vmem>>, %arg9: memref<64x512xi32, #tpu.memory_space<vmem>>, %arg10: memref<64x128xf32, #tpu.memory_space<vmem>>, %arg11: memref<64x128xf32, #tpu.memory_space<vmem>>, %arg12: memref<!tpu.dma_semaphore, #tpu.memory_space<semaphore_mem>>, %arg13: memref<!tpu.dma_semaphore, #tpu.memory_space<semaphore_mem>>) attributes {dimension_semantics = [#tpu.dimension_semantics<core_parallel>, #tpu.dimension_semantics<subcore_parallel>], iteration_bounds = array<i64: 2, 16>, scalar_prefetch = 0 : i64, scratch_operands = 7 : i64, tpu.core_type = #tpu.core_type<sc_vector_subcore>, window_params = [{transform_indices = #map}, {transform_indices = #map}, {transform_indices = #map1}, {transform_indices = #map}, {transform_indices = #map}]} {
    %mul3A = arith.constant 2 : i32
    %mul3A_0 = arith.muli %arg1, %mul3A : i32
    %add3A = arith.addi %mul3A_0, %arg0 : i32
    %mul3A_1 = arith.constant 512 : i32
    %mul3A_2 = arith.muli %add3A, %mul3A_1 : i32
    "tpu.region"() ({
      %run_scoped3A = tpu.sem_alloc : memref<!tpu.dma_semaphore, #tpu.memory_space<semaphore_mem>>
      %dma_start3A = tpu.memref_slice %arg4[%mul3A_2] : memref<16384xi32, #tpu.memory_space<hbm>> -> memref<512xi32, #tpu.memory_space<hbm>>
      %dma_start3A_9 = tpu.memref_slice %arg4[%mul3A_2] : memref<16384xi32, #tpu.memory_space<hbm>> -> memref<512xi32, #tpu.memory_space<hbm>>
      tpu.enqueue_dma source(%dma_start3A_9 : memref<512xi32, #tpu.memory_space<hbm>>) target(%arg7 : memref<512xi32, #tpu.memory_space<vmem>>) target_semaphore(%run_scoped3A : memref<!tpu.dma_semaphore, #tpu.memory_space<semaphore_mem>>)
      %dma_wait3A = tpu.memref_slice %arg4[%mul3A_2] : memref<16384xi32, #tpu.memory_space<hbm>> -> memref<512xi32, #tpu.memory_space<hbm>>
      %dma_wait3A_10 = tpu.memref_slice %arg4[%mul3A_2] : memref<16384xi32, #tpu.memory_space<hbm>> -> memref<512xi32, #tpu.memory_space<hbm>>
      tpu.wait_dma2 semaphore(%run_scoped3A : memref<!tpu.dma_semaphore, #tpu.memory_space<semaphore_mem>>) src(%dma_wait3A_10 : memref<512xi32, #tpu.memory_space<hbm>>) dst(%arg7 : memref<512xi32, #tpu.memory_space<vmem>>)
      tpu.yield
    }) : () -> ()
    %scan3A = arith.constant 0 : i32
    %scan3A_3 = arith.constant 0 : i32
    %scan3A_4 = arith.constant 4 : i32
    %scan3A_5 = arith.addi %scan3A_3, %scan3A_4 : i32
    %scan3A_6 = arith.constant 1 : i32
    %scan3A_7 = scf.for %scan3A_9 = %scan3A_3 to %scan3A_5 step %scan3A_6 iter_args(%scan3A_10 = %scan3A) -> (i32)  : i32 {
      %mul3A_11 = arith.constant 2 : i32
      %mul3A_12 = arith.muli %mul3A_11, %scan3A_9 : i32
      %mul3A_13 = arith.constant 64 : i32
      %mul3A_14 = arith.muli %mul3A_12, %mul3A_13 : i32
      %add3A_15 = arith.constant 64 : i32
      %add3A_16 = arith.addi %mul3A_14, %add3A_15 : i32
      %dma_start3A = tpu.memref_slice %arg7[%mul3A_14] : memref<512xi32, #tpu.memory_space<vmem>> -> memref<64xi32, #tpu.memory_space<vmem>>
      %dma_start3A_17 = arith.constant 0 : i32
      %dma_start3A_18 = arith.constant 0 : i32
      %dma_start3A_19 = tpu.memref_slice %arg2[%dma_start3A_17, %dma_start3A_18] : memref<2048x512xi32, #tpu.memory_space<hbm>> -> memref<2048x512xi32, #tpu.memory_space<hbm>>
      tpu.enqueue_indirect_dma source(%dma_start3A_19 : memref<2048x512xi32, #tpu.memory_space<hbm>>) target(%arg8 : memref<64x512xi32, #tpu.memory_space<vmem>>) offsets(%dma_start3A : memref<64xi32, #tpu.memory_space<vmem>>) semaphore(%arg12 : memref<!tpu.dma_semaphore, #tpu.memory_space<semaphore_mem>>)
      %dma_start3A_20 = tpu.memref_slice %arg7[%mul3A_14] : memref<512xi32, #tpu.memory_space<vmem>> -> memref<64xi32, #tpu.memory_space<vmem>>
      %dma_start3A_21 = arith.constant 0 : i32
      %dma_start3A_22 = arith.constant 0 : i32
      %dma_start3A_23 = tpu.memref_slice %arg3[%dma_start3A_21, %dma_start3A_22] : memref<2048x128xf32, #tpu.memory_space<hbm>> -> memref<2048x128xf32, #tpu.memory_space<hbm>>
      tpu.enqueue_indirect_dma source(%dma_start3A_23 : memref<2048x128xf32, #tpu.memory_space<hbm>>) target(%arg10 : memref<64x128xf32, #tpu.memory_space<vmem>>) offsets(%dma_start3A_20 : memref<64xi32, #tpu.memory_space<vmem>>) semaphore(%arg12 : memref<!tpu.dma_semaphore, #tpu.memory_space<semaphore_mem>>)
      %dma_start3A_24 = tpu.memref_slice %arg7[%add3A_16] : memref<512xi32, #tpu.memory_space<vmem>> -> memref<64xi32, #tpu.memory_space<vmem>>
      %dma_start3A_25 = arith.constant 0 : i32
      %dma_start3A_26 = arith.constant 0 : i32
      %dma_start3A_27 = tpu.memref_slice %arg2[%dma_start3A_25, %dma_start3A_26] : memref<2048x512xi32, #tpu.memory_space<hbm>> -> memref<2048x512xi32, #tpu.memory_space<hbm>>
      tpu.enqueue_indirect_dma source(%dma_start3A_27 : memref<2048x512xi32, #tpu.memory_space<hbm>>) target(%arg9 : memref<64x512xi32, #tpu.memory_space<vmem>>) offsets(%dma_start3A_24 : memref<64xi32, #tpu.memory_space<vmem>>) semaphore(%arg13 : memref<!tpu.dma_semaphore, #tpu.memory_space<semaphore_mem>>)
      %dma_start3A_28 = tpu.memref_slice %arg7[%add3A_16] : memref<512xi32, #tpu.memory_space<vmem>> -> memref<64xi32, #tpu.memory_space<vmem>>
      %dma_start3A_29 = arith.constant 0 : i32
      %dma_start3A_30 = arith.constant 0 : i32
      %dma_start3A_31 = tpu.memref_slice %arg3[%dma_start3A_29, %dma_start3A_30] : memref<2048x128xf32, #tpu.memory_space<hbm>> -> memref<2048x128xf32, #tpu.memory_space<hbm>>
      tpu.enqueue_indirect_dma source(%dma_start3A_31 : memref<2048x128xf32, #tpu.memory_space<hbm>>) target(%arg11 : memref<64x128xf32, #tpu.memory_space<vmem>>) offsets(%dma_start3A_28 : memref<64xi32, #tpu.memory_space<vmem>>) semaphore(%arg13 : memref<!tpu.dma_semaphore, #tpu.memory_space<semaphore_mem>>)
      %dma_wait3A = tpu.memref_slice %arg7[%mul3A_14] : memref<512xi32, #tpu.memory_space<vmem>> -> memref<64xi32, #tpu.memory_space<vmem>>
      %dma_wait3A_32 = arith.constant 0 : i32
      %dma_wait3A_33 = arith.constant 0 : i32
      %dma_wait3A_34 = tpu.memref_slice %arg2[%dma_wait3A_32, %dma_wait3A_33] : memref<2048x512xi32, #tpu.memory_space<hbm>> -> memref<2048x512xi32, #tpu.memory_space<hbm>>
      tpu.wait_indirect_dma semaphore(%arg12 : memref<!tpu.dma_semaphore, #tpu.memory_space<semaphore_mem>>) src(%dma_wait3A_34 : memref<2048x512xi32, #tpu.memory_space<hbm>>) dst(%arg8 : memref<64x512xi32, #tpu.memory_space<vmem>>)
      %dma_wait3A_35 = tpu.memref_slice %arg7[%mul3A_14] : memref<512xi32, #tpu.memory_space<vmem>> -> memref<64xi32, #tpu.memory_space<vmem>>
      %dma_wait3A_36 = arith.constant 0 : i32
      %dma_wait3A_37 = arith.constant 0 : i32
      %dma_wait3A_38 = tpu.memref_slice %arg3[%dma_wait3A_36, %dma_wait3A_37] : memref<2048x128xf32, #tpu.memory_space<hbm>> -> memref<2048x128xf32, #tpu.memory_space<hbm>>
      tpu.wait_indirect_dma semaphore(%arg12 : memref<!tpu.dma_semaphore, #tpu.memory_space<semaphore_mem>>) src(%dma_wait3A_38 : memref<2048x128xf32, #tpu.memory_space<hbm>>) dst(%arg10 : memref<64x128xf32, #tpu.memory_space<vmem>>)
      %add3A_39 = arith.addi %mul3A_2, %mul3A_14 : i32
      "tpu.region"() ({
        %run_scoped3A = tpu.sem_alloc : memref<!tpu.dma_semaphore, #tpu.memory_space<semaphore_mem>>
        %dma_start3A_52 = arith.constant 0 : i32
        %dma_start3A_53 = tpu.memref_slice %arg5[%add3A_39, %dma_start3A_52] : memref<16384x512xi32, #tpu.memory_space<hbm>> -> memref<64x512xi32, #tpu.memory_space<hbm>>
        %dma_start3A_54 = arith.constant 0 : i32
        %dma_start3A_55 = tpu.memref_slice %arg5[%add3A_39, %dma_start3A_54] : memref<16384x512xi32, #tpu.memory_space<hbm>> -> memref<64x512xi32, #tpu.memory_space<hbm>>
        tpu.enqueue_dma source(%arg8 : memref<64x512xi32, #tpu.memory_space<vmem>>) target(%dma_start3A_55 : memref<64x512xi32, #tpu.memory_space<hbm>>) target_semaphore(%run_scoped3A : memref<!tpu.dma_semaphore, #tpu.memory_space<semaphore_mem>>)
        %dma_wait3A_56 = arith.constant 0 : i32
        %dma_wait3A_57 = tpu.memref_slice %arg5[%add3A_39, %dma_wait3A_56] : memref<16384x512xi32, #tpu.memory_space<hbm>> -> memref<64x512xi32, #tpu.memory_space<hbm>>
        %dma_wait3A_58 = arith.constant 0 : i32
        %dma_wait3A_59 = tpu.memref_slice %arg5[%add3A_39, %dma_wait3A_58] : memref<16384x512xi32, #tpu.memory_space<hbm>> -> memref<64x512xi32, #tpu.memory_space<hbm>>
        tpu.wait_dma2 semaphore(%run_scoped3A : memref<!tpu.dma_semaphore, #tpu.memory_space<semaphore_mem>>) src(%arg8 : memref<64x512xi32, #tpu.memory_space<vmem>>) dst(%dma_wait3A_59 : memref<64x512xi32, #tpu.memory_space<hbm>>)
        tpu.yield
      }) : () -> ()
      %add3A_40 = arith.addi %mul3A_2, %mul3A_14 : i32
      "tpu.region"() ({
        %run_scoped3A = tpu.sem_alloc : memref<!tpu.dma_semaphore, #tpu.memory_space<semaphore_mem>>
        %dma_start3A_52 = arith.constant 0 : i32
        %dma_start3A_53 = tpu.memref_slice %arg6[%add3A_40, %dma_start3A_52] : memref<16384x128xf32, #tpu.memory_space<hbm>> -> memref<64x128xf32, #tpu.memory_space<hbm>>
        %dma_start3A_54 = arith.constant 0 : i32
        %dma_start3A_55 = tpu.memref_slice %arg6[%add3A_40, %dma_start3A_54] : memref<16384x128xf32, #tpu.memory_space<hbm>> -> memref<64x128xf32, #tpu.memory_space<hbm>>
        tpu.enqueue_dma source(%arg10 : memref<64x128xf32, #tpu.memory_space<vmem>>) target(%dma_start3A_55 : memref<64x128xf32, #tpu.memory_space<hbm>>) target_semaphore(%run_scoped3A : memref<!tpu.dma_semaphore, #tpu.memory_space<semaphore_mem>>)
        %dma_wait3A_56 = arith.constant 0 : i32
        %dma_wait3A_57 = tpu.memref_slice %arg6[%add3A_40, %dma_wait3A_56] : memref<16384x128xf32, #tpu.memory_space<hbm>> -> memref<64x128xf32, #tpu.memory_space<hbm>>
        %dma_wait3A_58 = arith.constant 0 : i32
        %dma_wait3A_59 = tpu.memref_slice %arg6[%add3A_40, %dma_wait3A_58] : memref<16384x128xf32, #tpu.memory_space<hbm>> -> memref<64x128xf32, #tpu.memory_space<hbm>>
        tpu.wait_dma2 semaphore(%run_scoped3A : memref<!tpu.dma_semaphore, #tpu.memory_space<semaphore_mem>>) src(%arg10 : memref<64x128xf32, #tpu.memory_space<vmem>>) dst(%dma_wait3A_59 : memref<64x128xf32, #tpu.memory_space<hbm>>)
        tpu.yield
      }) : () -> ()
      %dma_wait3A_41 = tpu.memref_slice %arg7[%add3A_16] : memref<512xi32, #tpu.memory_space<vmem>> -> memref<64xi32, #tpu.memory_space<vmem>>
      %dma_wait3A_42 = arith.constant 0 : i32
      %dma_wait3A_43 = arith.constant 0 : i32
      %dma_wait3A_44 = tpu.memref_slice %arg2[%dma_wait3A_42, %dma_wait3A_43] : memref<2048x512xi32, #tpu.memory_space<hbm>> -> memref<2048x512xi32, #tpu.memory_space<hbm>>
      tpu.wait_indirect_dma semaphore(%arg13 : memref<!tpu.dma_semaphore, #tpu.memory_space<semaphore_mem>>) src(%dma_wait3A_44 : memref<2048x512xi32, #tpu.memory_space<hbm>>) dst(%arg9 : memref<64x512xi32, #tpu.memory_space<vmem>>)
      %dma_wait3A_45 = tpu.memref_slice %arg7[%add3A_16] : memref<512xi32, #tpu.memory_space<vmem>> -> memref<64xi32, #tpu.memory_space<vmem>>
      %dma_wait3A_46 = arith.constant 0 : i32
      %dma_wait3A_47 = arith.constant 0 : i32
      %dma_wait3A_48 = tpu.memref_slice %arg3[%dma_wait3A_46, %dma_wait3A_47] : memref<2048x128xf32, #tpu.memory_space<hbm>> -> memref<2048x128xf32, #tpu.memory_space<hbm>>
      tpu.wait_indirect_dma semaphore(%arg13 : memref<!tpu.dma_semaphore, #tpu.memory_space<semaphore_mem>>) src(%dma_wait3A_48 : memref<2048x128xf32, #tpu.memory_space<hbm>>) dst(%arg11 : memref<64x128xf32, #tpu.memory_space<vmem>>)
      %add3A_49 = arith.addi %mul3A_2, %add3A_16 : i32
      "tpu.region"() ({
        %run_scoped3A = tpu.sem_alloc : memref<!tpu.dma_semaphore, #tpu.memory_space<semaphore_mem>>
        %dma_start3A_52 = arith.constant 0 : i32
        %dma_start3A_53 = tpu.memref_slice %arg5[%add3A_49, %dma_start3A_52] : memref<16384x512xi32, #tpu.memory_space<hbm>> -> memref<64x512xi32, #tpu.memory_space<hbm>>
        %dma_start3A_54 = arith.constant 0 : i32
        %dma_start3A_55 = tpu.memref_slice %arg5[%add3A_49, %dma_start3A_54] : memref<16384x512xi32, #tpu.memory_space<hbm>> -> memref<64x512xi32, #tpu.memory_space<hbm>>
        tpu.enqueue_dma source(%arg9 : memref<64x512xi32, #tpu.memory_space<vmem>>) target(%dma_start3A_55 : memref<64x512xi32, #tpu.memory_space<hbm>>) target_semaphore(%run_scoped3A : memref<!tpu.dma_semaphore, #tpu.memory_space<semaphore_mem>>)
        %dma_wait3A_56 = arith.constant 0 : i32
        %dma_wait3A_57 = tpu.memref_slice %arg5[%add3A_49, %dma_wait3A_56] : memref<16384x512xi32, #tpu.memory_space<hbm>> -> memref<64x512xi32, #tpu.memory_space<hbm>>
        %dma_wait3A_58 = arith.constant 0 : i32
        %dma_wait3A_59 = tpu.memref_slice %arg5[%add3A_49, %dma_wait3A_58] : memref<16384x512xi32, #tpu.memory_space<hbm>> -> memref<64x512xi32, #tpu.memory_space<hbm>>
        tpu.wait_dma2 semaphore(%run_scoped3A : memref<!tpu.dma_semaphore, #tpu.memory_space<semaphore_mem>>) src(%arg9 : memref<64x512xi32, #tpu.memory_space<vmem>>) dst(%dma_wait3A_59 : memref<64x512xi32, #tpu.memory_space<hbm>>)
        tpu.yield
      }) : () -> ()
      %add3A_50 = arith.addi %mul3A_2, %add3A_16 : i32
      "tpu.region"() ({
        %run_scoped3A = tpu.sem_alloc : memref<!tpu.dma_semaphore, #tpu.memory_space<semaphore_mem>>
        %dma_start3A_52 = arith.constant 0 : i32
        %dma_start3A_53 = tpu.memref_slice %arg6[%add3A_50, %dma_start3A_52] : memref<16384x128xf32, #tpu.memory_space<hbm>> -> memref<64x128xf32, #tpu.memory_space<hbm>>
        %dma_start3A_54 = arith.constant 0 : i32
        %dma_start3A_55 = tpu.memref_slice %arg6[%add3A_50, %dma_start3A_54] : memref<16384x128xf32, #tpu.memory_space<hbm>> -> memref<64x128xf32, #tpu.memory_space<hbm>>
        tpu.enqueue_dma source(%arg11 : memref<64x128xf32, #tpu.memory_space<vmem>>) target(%dma_start3A_55 : memref<64x128xf32, #tpu.memory_space<hbm>>) target_semaphore(%run_scoped3A : memref<!tpu.dma_semaphore, #tpu.memory_space<semaphore_mem>>)
        %dma_wait3A_56 = arith.constant 0 : i32
        %dma_wait3A_57 = tpu.memref_slice %arg6[%add3A_50, %dma_wait3A_56] : memref<16384x128xf32, #tpu.memory_space<hbm>> -> memref<64x128xf32, #tpu.memory_space<hbm>>
        %dma_wait3A_58 = arith.constant 0 : i32
        %dma_wait3A_59 = tpu.memref_slice %arg6[%add3A_50, %dma_wait3A_58] : memref<16384x128xf32, #tpu.memory_space<hbm>> -> memref<64x128xf32, #tpu.memory_space<hbm>>
        tpu.wait_dma2 semaphore(%run_scoped3A : memref<!tpu.dma_semaphore, #tpu.memory_space<semaphore_mem>>) src(%arg11 : memref<64x128xf32, #tpu.memory_space<vmem>>) dst(%dma_wait3A_59 : memref<64x128xf32, #tpu.memory_space<hbm>>)
        tpu.yield
      }) : () -> ()
      %scan3A_51 = arith.constant 0 : i32
      scf.yield %scan3A_51 : i32
    }
    %scan3A_8 = arith.constant 4 : i32
    return
  }
}

#map = affine_map<(d0, d1) -> (0, 0)>
#map1 = affine_map<(d0, d1) -> (0)>
module attributes {stable_mosaic.version = 14 : i64} {
  func.func @k(%arg0: i32, %arg1: i32, %arg2: memref<2048x512xi32, #tpu.memory_space<hbm>>, %arg3: memref<2048x128xf32, #tpu.memory_space<hbm>>, %arg4: memref<16384xi32, #tpu.memory_space<hbm>>, %arg5: memref<16384x512xi32, #tpu.memory_space<hbm>>, %arg6: memref<16384x128xf32, #tpu.memory_space<hbm>>, %arg7: memref<512xi32, #tpu.memory_space<vmem>>, %arg8: memref<64x512xi32, #tpu.memory_space<vmem>>, %arg9: memref<64x512xi32, #tpu.memory_space<vmem>>, %arg10: memref<64x128xf32, #tpu.memory_space<vmem>>, %arg11: memref<64x128xf32, #tpu.memory_space<vmem>>, %arg12: memref<!tpu.dma_semaphore, #tpu.memory_space<semaphore_mem>>, %arg13: memref<!tpu.dma_semaphore, #tpu.memory_space<semaphore_mem>>) attributes {dimension_semantics = [#tpu.dimension_semantics<core_parallel>, #tpu.dimension_semantics<subcore_parallel>], iteration_bounds = array<i64: 2, 16>, scalar_prefetch = 0 : i64, scratch_operands = 7 : i64, tpu.core_type = #tpu.core_type<sc_vector_subcore>, window_params = [{transform_indices = #map}, {transform_indices = #map}, {transform_indices = #map1}, {transform_indices = #map}, {transform_indices = #map}]} {
    %mul3A = arith.constant 2 : i32
    %mul3A_0 = arith.muli %arg1, %mul3A : i32
    %add3A = arith.addi %mul3A_0, %arg0 : i32
    %mul3A_1 = arith.constant 512 : i32
    %mul3A_2 = arith.muli %add3A, %mul3A_1 : i32
    "tpu.region"() ({
      %run_scoped3A = tpu.sem_alloc : memref<!tpu.dma_semaphore, #tpu.memory_space<semaphore_mem>>
      %dma_start3A = tpu.memref_slice %arg4[%mul3A_2] : memref<16384xi32, #tpu.memory_space<hbm>> -> memref<512xi32, #tpu.memory_space<hbm>>
      %dma_start3A_9 = tpu.memref_slice %arg4[%mul3A_2] : memref<16384xi32, #tpu.memory_space<hbm>> -> memref<512xi32, #tpu.memory_space<hbm>>
      tpu.enqueue_dma source(%dma_start3A_9 : memref<512xi32, #tpu.memory_space<hbm>>) target(%arg7 : memref<512xi32, #tpu.memory_space<vmem>>) target_semaphore(%run_scoped3A : memref<!tpu.dma_semaphore, #tpu.memory_space<semaphore_mem>>)
      %dma_wait3A = tpu.memref_slice %arg4[%mul3A_2] : memref<16384xi32, #tpu.memory_space<hbm>> -> memref<512xi32, #tpu.memory_space<hbm>>
      %dma_wait3A_10 = tpu.memref_slice %arg4[%mul3A_2] : memref<16384xi32, #tpu.memory_space<hbm>> -> memref<512xi32, #tpu.memory_space<hbm>>
      tpu.wait_dma2 semaphore(%run_scoped3A : memref<!tpu.dma_semaphore, #tpu.memory_space<semaphore_mem>>) src(%dma_wait3A_10 : memref<512xi32, #tpu.memory_space<hbm>>) dst(%arg7 : memref<512xi32, #tpu.memory_space<vmem>>)
      tpu.yield
    }) : () -> ()
    %scan3A = arith.constant 0 : i32
    %scan3A_3 = arith.constant 0 : i32
    %scan3A_4 = arith.constant 4 : i32
    %scan3A_5 = arith.addi %scan3A_3, %scan3A_4 : i32
    %scan3A_6 = arith.constant 1 : i32
    %scan3A_7 = scf.for %scan3A_9 = %scan3A_3 to %scan3A_5 step %scan3A_6 iter_args(%scan3A_10 = %scan3A) -> (i32)  : i32 {
      %mul3A_11 = arith.constant 2 : i32
      %mul3A_12 = arith.muli %mul3A_11, %scan3A_9 : i32
      %mul3A_13 = arith.constant 64 : i32
      %mul3A_14 = arith.muli %mul3A_12, %mul3A_13 : i32
      %add3A_15 = arith.constant 64 : i32
      %add3A_16 = arith.addi %mul3A_14, %add3A_15 : i32
      %dma_start3A = tpu.memref_slice %arg7[%mul3A_14] : memref<512xi32, #tpu.memory_space<vmem>> -> memref<64xi32, #tpu.memory_space<vmem>>
      %dma_start3A_17 = arith.constant 0 : i32
      %dma_start3A_18 = arith.constant 0 : i32
      %dma_start3A_19 = tpu.memref_slice %arg2[%dma_start3A_17, %dma_start3A_18] : memref<2048x512xi32, #tpu.memory_space<hbm>> -> memref<2048x512xi32, #tpu.memory_space<hbm>>
      tpu.enqueue_indirect_dma source(%dma_start3A_19 : memref<2048x512xi32, #tpu.memory_space<hbm>>) target(%arg8 : memref<64x512xi32, #tpu.memory_space<vmem>>) offsets(%dma_start3A : memref<64xi32, #tpu.memory_space<vmem>>) semaphore(%arg12 : memref<!tpu.dma_semaphore, #tpu.memory_space<semaphore_mem>>)
      %dma_start3A_20 = tpu.memref_slice %arg7[%mul3A_14] : memref<512xi32, #tpu.memory_space<vmem>> -> memref<64xi32, #tpu.memory_space<vmem>>
      %dma_start3A_21 = arith.constant 0 : i32
      %dma_start3A_22 = arith.constant 0 : i32
      %dma_start3A_23 = tpu.memref_slice %arg3[%dma_start3A_21, %dma_start3A_22] : memref<2048x128xf32, #tpu.memory_space<hbm>> -> memref<2048x128xf32, #tpu.memory_space<hbm>>
      tpu.enqueue_indirect_dma source(%dma_start3A_23 : memref<2048x128xf32, #tpu.memory_space<hbm>>) target(%arg10 : memref<64x128xf32, #tpu.memory_space<vmem>>) offsets(%dma_start3A_20 : memref<64xi32, #tpu.memory_space<vmem>>) semaphore(%arg12 : memref<!tpu.dma_semaphore, #tpu.memory_space<semaphore_mem>>)
      %dma_start3A_24 = tpu.memref_slice %arg7[%add3A_16] : memref<512xi32, #tpu.memory_space<vmem>> -> memref<64xi32, #tpu.memory_space<vmem>>
      %dma_start3A_25 = arith.constant 0 : i32
      %dma_start3A_26 = arith.constant 0 : i32
      %dma_start3A_27 = tpu.memref_slice %arg2[%dma_start3A_25, %dma_start3A_26] : memref<2048x512xi32, #tpu.memory_space<hbm>> -> memref<2048x512xi32, #tpu.memory_space<hbm>>
      tpu.enqueue_indirect_dma source(%dma_start3A_27 : memref<2048x512xi32, #tpu.memory_space<hbm>>) target(%arg9 : memref<64x512xi32, #tpu.memory_space<vmem>>) offsets(%dma_start3A_24 : memref<64xi32, #tpu.memory_space<vmem>>) semaphore(%arg13 : memref<!tpu.dma_semaphore, #tpu.memory_space<semaphore_mem>>)
      %dma_start3A_28 = tpu.memref_slice %arg7[%add3A_16] : memref<512xi32, #tpu.memory_space<vmem>> -> memref<64xi32, #tpu.memory_space<vmem>>
      %dma_start3A_29 = arith.constant 0 : i32
      %dma_start3A_30 = arith.constant 0 : i32
      %dma_start3A_31 = tpu.memref_slice %arg3[%dma_start3A_29, %dma_start3A_30] : memref<2048x128xf32, #tpu.memory_space<hbm>> -> memref<2048x128xf32, #tpu.memory_space<hbm>>
      tpu.enqueue_indirect_dma source(%dma_start3A_31 : memref<2048x128xf32, #tpu.memory_space<hbm>>) target(%arg11 : memref<64x128xf32, #tpu.memory_space<vmem>>) offsets(%dma_start3A_28 : memref<64xi32, #tpu.memory_space<vmem>>) semaphore(%arg13 : memref<!tpu.dma_semaphore, #tpu.memory_space<semaphore_mem>>)
      %dma_wait3A = tpu.memref_slice %arg7[%mul3A_14] : memref<512xi32, #tpu.memory_space<vmem>> -> memref<64xi32, #tpu.memory_space<vmem>>
      %dma_wait3A_32 = arith.constant 0 : i32
      %dma_wait3A_33 = arith.constant 0 : i32
      %dma_wait3A_34 = tpu.memref_slice %arg2[%dma_wait3A_32, %dma_wait3A_33] : memref<2048x512xi32, #tpu.memory_space<hbm>> -> memref<2048x512xi32, #tpu.memory_space<hbm>>
      tpu.wait_indirect_dma semaphore(%arg12 : memref<!tpu.dma_semaphore, #tpu.memory_space<semaphore_mem>>) src(%dma_wait3A_34 : memref<2048x512xi32, #tpu.memory_space<hbm>>) dst(%arg8 : memref<64x512xi32, #tpu.memory_space<vmem>>)
      %dma_wait3A_35 = tpu.memref_slice %arg7[%mul3A_14] : memref<512xi32, #tpu.memory_space<vmem>> -> memref<64xi32, #tpu.memory_space<vmem>>
      %dma_wait3A_36 = arith.constant 0 : i32
      %dma_wait3A_37 = arith.constant 0 : i32
      %dma_wait3A_38 = tpu.memref_slice %arg3[%dma_wait3A_36, %dma_wait3A_37] : memref<2048x128xf32, #tpu.memory_space<hbm>> -> memref<2048x128xf32, #tpu.memory_space<hbm>>
      tpu.wait_indirect_dma semaphore(%arg12 : memref<!tpu.dma_semaphore, #tpu.memory_space<semaphore_mem>>) src(%dma_wait3A_38 : memref<2048x128xf32, #tpu.memory_space<hbm>>) dst(%arg10 : memref<64x128xf32, #tpu.memory_space<vmem>>)
      %add3A_39 = arith.addi %mul3A_2, %mul3A_14 : i32
      "tpu.region"() ({
        %run_scoped3A = tpu.sem_alloc : memref<!tpu.dma_semaphore, #tpu.memory_space<semaphore_mem>>
        %dma_start3A_52 = arith.constant 0 : i32
        %dma_start3A_53 = tpu.memref_slice %arg5[%add3A_39, %dma_start3A_52] : memref<16384x512xi32, #tpu.memory_space<hbm>> -> memref<64x512xi32, #tpu.memory_space<hbm>>
        %dma_start3A_54 = arith.constant 0 : i32
        %dma_start3A_55 = tpu.memref_slice %arg5[%add3A_39, %dma_start3A_54] : memref<16384x512xi32, #tpu.memory_space<hbm>> -> memref<64x512xi32, #tpu.memory_space<hbm>>
        tpu.enqueue_dma source(%arg8 : memref<64x512xi32, #tpu.memory_space<vmem>>) target(%dma_start3A_55 : memref<64x512xi32, #tpu.memory_space<hbm>>) target_semaphore(%run_scoped3A : memref<!tpu.dma_semaphore, #tpu.memory_space<semaphore_mem>>)
        %dma_wait3A_56 = arith.constant 0 : i32
        %dma_wait3A_57 = tpu.memref_slice %arg5[%add3A_39, %dma_wait3A_56] : memref<16384x512xi32, #tpu.memory_space<hbm>> -> memref<64x512xi32, #tpu.memory_space<hbm>>
        %dma_wait3A_58 = arith.constant 0 : i32
        %dma_wait3A_59 = tpu.memref_slice %arg5[%add3A_39, %dma_wait3A_58] : memref<16384x512xi32, #tpu.memory_space<hbm>> -> memref<64x512xi32, #tpu.memory_space<hbm>>
        tpu.wait_dma2 semaphore(%run_scoped3A : memref<!tpu.dma_semaphore, #tpu.memory_space<semaphore_mem>>) src(%arg8 : memref<64x512xi32, #tpu.memory_space<vmem>>) dst(%dma_wait3A_59 : memref<64x512xi32, #tpu.memory_space<hbm>>)
        tpu.yield
      }) : () -> ()
      %add3A_40 = arith.addi %mul3A_2, %mul3A_14 : i32
      "tpu.region"() ({
        %run_scoped3A = tpu.sem_alloc : memref<!tpu.dma_semaphore, #tpu.memory_space<semaphore_mem>>
        %dma_start3A_52 = arith.constant 0 : i32
        %dma_start3A_53 = tpu.memref_slice %arg6[%add3A_40, %dma_start3A_52] : memref<16384x128xf32, #tpu.memory_space<hbm>> -> memref<64x128xf32, #tpu.memory_space<hbm>>
        %dma_start3A_54 = arith.constant 0 : i32
        %dma_start3A_55 = tpu.memref_slice %arg6[%add3A_40, %dma_start3A_54] : memref<16384x128xf32, #tpu.memory_space<hbm>> -> memref<64x128xf32, #tpu.memory_space<hbm>>
        tpu.enqueue_dma source(%arg10 : memref<64x128xf32, #tpu.memory_space<vmem>>) target(%dma_start3A_55 : memref<64x128xf32, #tpu.memory_space<hbm>>) target_semaphore(%run_scoped3A : memref<!tpu.dma_semaphore, #tpu.memory_space<semaphore_mem>>)
        %dma_wait3A_56 = arith.constant 0 : i32
        %dma_wait3A_57 = tpu.memref_slice %arg6[%add3A_40, %dma_wait3A_56] : memref<16384x128xf32, #tpu.memory_space<hbm>> -> memref<64x128xf32, #tpu.memory_space<hbm>>
        %dma_wait3A_58 = arith.constant 0 : i32
        %dma_wait3A_59 = tpu.memref_slice %arg6[%add3A_40, %dma_wait3A_58] : memref<16384x128xf32, #tpu.memory_space<hbm>> -> memref<64x128xf32, #tpu.memory_space<hbm>>
        tpu.wait_dma2 semaphore(%run_scoped3A : memref<!tpu.dma_semaphore, #tpu.memory_space<semaphore_mem>>) src(%arg10 : memref<64x128xf32, #tpu.memory_space<vmem>>) dst(%dma_wait3A_59 : memref<64x128xf32, #tpu.memory_space<hbm>>)
        tpu.yield
      }) : () -> ()
      %dma_wait3A_41 = tpu.memref_slice %arg7[%add3A_16] : memref<512xi32, #tpu.memory_space<vmem>> -> memref<64xi32, #tpu.memory_space<vmem>>
      %dma_wait3A_42 = arith.constant 0 : i32
      %dma_wait3A_43 = arith.constant 0 : i32
      %dma_wait3A_44 = tpu.memref_slice %arg2[%dma_wait3A_42, %dma_wait3A_43] : memref<2048x512xi32, #tpu.memory_space<hbm>> -> memref<2048x512xi32, #tpu.memory_space<hbm>>
      tpu.wait_indirect_dma semaphore(%arg13 : memref<!tpu.dma_semaphore, #tpu.memory_space<semaphore_mem>>) src(%dma_wait3A_44 : memref<2048x512xi32, #tpu.memory_space<hbm>>) dst(%arg9 : memref<64x512xi32, #tpu.memory_space<vmem>>)
      %dma_wait3A_45 = tpu.memref_slice %arg7[%add3A_16] : memref<512xi32, #tpu.memory_space<vmem>> -> memref<64xi32, #tpu.memory_space<vmem>>
      %dma_wait3A_46 = arith.constant 0 : i32
      %dma_wait3A_47 = arith.constant 0 : i32
      %dma_wait3A_48 = tpu.memref_slice %arg3[%dma_wait3A_46, %dma_wait3A_47] : memref<2048x128xf32, #tpu.memory_space<hbm>> -> memref<2048x128xf32, #tpu.memory_space<hbm>>
      tpu.wait_indirect_dma semaphore(%arg13 : memref<!tpu.dma_semaphore, #tpu.memory_space<semaphore_mem>>) src(%dma_wait3A_48 : memref<2048x128xf32, #tpu.memory_space<hbm>>) dst(%arg11 : memref<64x128xf32, #tpu.memory_space<vmem>>)
      %add3A_49 = arith.addi %mul3A_2, %add3A_16 : i32
      "tpu.region"() ({
        %run_scoped3A = tpu.sem_alloc : memref<!tpu.dma_semaphore, #tpu.memory_space<semaphore_mem>>
        %dma_start3A_52 = arith.constant 0 : i32
        %dma_start3A_53 = tpu.memref_slice %arg5[%add3A_49, %dma_start3A_52] : memref<16384x512xi32, #tpu.memory_space<hbm>> -> memref<64x512xi32, #tpu.memory_space<hbm>>
        %dma_start3A_54 = arith.constant 0 : i32
        %dma_start3A_55 = tpu.memref_slice %arg5[%add3A_49, %dma_start3A_54] : memref<16384x512xi32, #tpu.memory_space<hbm>> -> memref<64x512xi32, #tpu.memory_space<hbm>>
        tpu.enqueue_dma source(%arg9 : memref<64x512xi32, #tpu.memory_space<vmem>>) target(%dma_start3A_55 : memref<64x512xi32, #tpu.memory_space<hbm>>) target_semaphore(%run_scoped3A : memref<!tpu.dma_semaphore, #tpu.memory_space<semaphore_mem>>)
        %dma_wait3A_56 = arith.constant 0 : i32
        %dma_wait3A_57 = tpu.memref_slice %arg5[%add3A_49, %dma_wait3A_56] : memref<16384x512xi32, #tpu.memory_space<hbm>> -> memref<64x512xi32, #tpu.memory_space<hbm>>
        %dma_wait3A_58 = arith.constant 0 : i32
        %dma_wait3A_59 = tpu.memref_slice %arg5[%add3A_49, %dma_wait3A_58] : memref<16384x512xi32, #tpu.memory_space<hbm>> -> memref<64x512xi32, #tpu.memory_space<hbm>>
        tpu.wait_dma2 semaphore(%run_scoped3A : memref<!tpu.dma_semaphore, #tpu.memory_space<semaphore_mem>>) src(%arg9 : memref<64x512xi32, #tpu.memory_space<vmem>>) dst(%dma_wait3A_59 : memref<64x512xi32, #tpu.memory_space<hbm>>)
        tpu.yield
      }) : () -> ()
      %add3A_50 = arith.addi %mul3A_2, %add3A_16 : i32
      "tpu.region"() ({
        %run_scoped3A = tpu.sem_alloc : memref<!tpu.dma_semaphore, #tpu.memory_space<semaphore_mem>>
        %dma_start3A_52 = arith.constant 0 : i32
        %dma_start3A_53 = tpu.memref_slice %arg6[%add3A_50, %dma_start3A_52] : memref<16384x128xf32, #tpu.memory_space<hbm>> -> memref<64x128xf32, #tpu.memory_space<hbm>>
        %dma_start3A_54 = arith.constant 0 : i32
        %dma_start3A_55 = tpu.memref_slice %arg6[%add3A_50, %dma_start3A_54] : memref<16384x128xf32, #tpu.memory_space<hbm>> -> memref<64x128xf32, #tpu.memory_space<hbm>>
        tpu.enqueue_dma source(%arg11 : memref<64x128xf32, #tpu.memory_space<vmem>>) target(%dma_start3A_55 : memref<64x128xf32, #tpu.memory_space<hbm>>) target_semaphore(%run_scoped3A : memref<!tpu.dma_semaphore, #tpu.memory_space<semaphore_mem>>)
        %dma_wait3A_56 = arith.constant 0 : i32
        %dma_wait3A_57 = tpu.memref_slice %arg6[%add3A_50, %dma_wait3A_56] : memref<16384x128xf32, #tpu.memory_space<hbm>> -> memref<64x128xf32, #tpu.memory_space<hbm>>
        %dma_wait3A_58 = arith.constant 0 : i32
        %dma_wait3A_59 = tpu.memref_slice %arg6[%add3A_50, %dma_wait3A_58] : memref<16384x128xf32, #tpu.memory_space<hbm>> -> memref<64x128xf32, #tpu.memory_space<hbm>>
        tpu.wait_dma2 semaphore(%run_scoped3A : memref<!tpu.dma_semaphore, #tpu.memory_space<semaphore_mem>>) src(%arg11 : memref<64x128xf32, #tpu.memory_space<vmem>>) dst(%dma_wait3A_59 : memref<64x128xf32, #tpu.memory_space<hbm>>)
        tpu.yield
      }) : () -> ()
      %scan3A_51 = arith.constant 0 : i32
      scf.yield %scan3A_51 : i32
    }
    %scan3A_8 = arith.constant 4 : i32
    return
  }
}

module attributes {stable_mosaic.version = 14 : i64} {
  func.func @_a1_body(%arg0: i32, %arg1: memref<256x512xf32, #tpu.memory_space<vmem>>, %arg2: memref<512x1536xf32, #tpu.memory_space<vmem>>, %arg3: memref<256x512xf32, #tpu.memory_space<vmem>>, %arg4: memref<256x512xi32, #tpu.memory_space<vmem>>) attributes {dimension_semantics = [#tpu.dimension_semantics<arbitrary>], iteration_bounds = array<i64: 8>, scalar_prefetch = 0 : i64, scratch_operands = 0 : i64, tpu.core_type = #tpu.core_type<tc>, window_params = [{transform_indices = @transform_0, window_bounds = array<i64: 256, 512>}, {pipeline_mode = #tpu.pipeline_mode<synchronous>, transform_indices = @transform_1, window_bounds = array<i64: 512, 1536>}, {transform_indices = @transform_2, window_bounds = array<i64: 256, 512>}, {transform_indices = @transform_3, window_bounds = array<i64: 256, 512>}]} {
    %get3A = arith.constant 0 : index
    %get3A_0 = arith.constant 0 : index
    %get3A_1 = vector.load %arg1[%get3A, %get3A_0] : memref<256x512xf32, #tpu.memory_space<vmem>>, vector<256x512xf32>
    %get3A_2 = arith.constant 0 : index
    %get3A_3 = arith.constant 0 : index
    %get3A_4 = vector.load %arg2[%get3A_2, %get3A_3] : memref<512x1536xf32, #tpu.memory_space<vmem>>, vector<512x1536xf32>
    %dot_general3A = arith.constant dense<0.000000e+00> : vector<256x1536xf32>
    %dot_general3A_5 = tpu.matmul %get3A_1, %get3A_4, %dot_general3A {dimension_numbers = #tpu.dot_dimension_numbers<[1], [0], [0], [1], [0, 0, 1, 1], [], []>, transpose_lhs_hint = false} : vector<256x512xf32>, vector<512x1536xf32>, vector<256x1536xf32> -> vector<256x1536xf32>
    %slice3A = vector.extract_strided_slice %dot_general3A_5 {offsets = [0, 0], sizes = [256, 512], strides = [1, 1]} : vector<256x1536xf32> to vector<256x512xf32>
    %swap3A = arith.constant 0 : index
    %swap3A_6 = arith.constant 0 : index
    %swap3A_7 = vector.load %arg3[%swap3A, %swap3A_6] : memref<256x512xf32, #tpu.memory_space<vmem>>, vector<256x512xf32>
    tpu.vector_store %arg3[%swap3A, %swap3A_6], %slice3A {strides = array<i32>} : memref<256x512xf32, #tpu.memory_space<vmem>>, vector<256x512xf32>,
    %slice3A_8 = vector.extract_strided_slice %dot_general3A_5 {offsets = [0, 512], sizes = [256, 512], strides = [1, 1]} : vector<256x1536xf32> to vector<256x512xf32>
    %bitcast_convert_type3A = tpu.bitcast %slice3A_8 : vector<256x512xf32> -> vector<256x512xi32>
    %slice3A_9 = vector.extract_strided_slice %dot_general3A_5 {offsets = [0, 1024], sizes = [256, 512], strides = [1, 1]} : vector<256x1536xf32> to vector<256x512xf32>
    %bitcast_convert_type3A_10 = tpu.bitcast %slice3A_9 : vector<256x512xf32> -> vector<256x512xi32>
    %add3A = arith.constant 32768 : i32
    %add3A_11 = vector.broadcast %add3A : i32 to vector<256x512xi32>
    %add3A_12 = arith.addi %bitcast_convert_type3A, %add3A_11 : vector<256x512xi32>
    %shift_right_arithmetic3A = arith.constant 16 : i32
    %shift_right_arithmetic3A_13 = vector.broadcast %shift_right_arithmetic3A : i32 to vector<256x512xi32>
    %shift_right_arithmetic3A_14 = arith.shrsi %add3A_12, %shift_right_arithmetic3A_13 : vector<256x512xi32>
    %and3A = arith.constant 65535 : i32
    %and3A_15 = vector.broadcast %and3A : i32 to vector<256x512xi32>
    %and3A_16 = arith.andi %shift_right_arithmetic3A_14, %and3A_15 : vector<256x512xi32>
    %add3A_17 = arith.constant 32768 : i32
    %add3A_18 = vector.broadcast %add3A_17 : i32 to vector<256x512xi32>
    %add3A_19 = arith.addi %bitcast_convert_type3A_10, %add3A_18 : vector<256x512xi32>
    %and3A_20 = arith.constant -65536 : i32
    %and3A_21 = vector.broadcast %and3A_20 : i32 to vector<256x512xi32>
    %and3A_22 = arith.andi %add3A_19, %and3A_21 : vector<256x512xi32>
    %or3A = arith.ori %and3A_16, %and3A_22 : vector<256x512xi32>
    %swap3A_23 = arith.constant 0 : index
    %swap3A_24 = arith.constant 0 : index
    %swap3A_25 = vector.load %arg4[%swap3A_23, %swap3A_24] : memref<256x512xi32, #tpu.memory_space<vmem>>, vector<256x512xi32>
    tpu.vector_store %arg4[%swap3A_23, %swap3A_24], %or3A {strides = array<i32>} : memref<256x512xi32, #tpu.memory_space<vmem>>, vector<256x512xi32>,
    return
  }
  func.func @transform_0(%arg0: i32) -> (i32, i32) {
    %c0_i32 = arith.constant 0 : i32
    %c0_i32_0 = arith.constant 0 : i32
    return %arg0, %c0_i32 : i32, i32
  }
  func.func @transform_1(%arg0: i32) -> (i32, i32) {
    %c0_i32 = arith.constant 0 : i32
    %c0_i32_0 = arith.constant 0 : i32
    %c0_i32_1 = arith.constant 0 : i32
    return %c0_i32, %c0_i32_0 : i32, i32
  }
  func.func @transform_2(%arg0: i32) -> (i32, i32) {
    %c0_i32 = arith.constant 0 : i32
    %c0_i32_0 = arith.constant 0 : i32
    return %arg0, %c0_i32 : i32, i32
  }
  func.func @transform_3(%arg0: i32) -> (i32, i32) {
    %c0_i32 = arith.constant 0 : i32
    %c0_i32_0 = arith.constant 0 : i32
    return %arg0, %c0_i32 : i32, i32
  }
}

module attributes {stable_mosaic.version = 14 : i64} {
  func.func @_a2_body(%arg0: i32, %arg1: memref<128x128xf32, #tpu.memory_space<vmem>>, %arg2: memref<1x8x1024xf32, #tpu.memory_space<vmem>>, %arg3: memref<128x32xi32, #tpu.memory_space<vmem>>) attributes {dimension_semantics = [#tpu.dimension_semantics<arbitrary>], iteration_bounds = array<i64: 4>, scalar_prefetch = 0 : i64, scratch_operands = 0 : i64, tpu.core_type = #tpu.core_type<tc>, window_params = [{transform_indices = @transform_0, window_bounds = array<i64: 128, 128>}, {pipeline_mode = #tpu.pipeline_mode<synchronous>, transform_indices = @transform_1, window_bounds = array<i64: 1, 8, 1024>}, {transform_indices = @transform_2, window_bounds = array<i64: 128, 32>}]} {
    %get3A = arith.constant 0 : index
    %get3A_0 = arith.constant 0 : index
    %get3A_1 = vector.load %arg1[%get3A, %get3A_0] : memref<128x128xf32, #tpu.memory_space<vmem>>, vector<128x128xf32>
    %get3A_2 = arith.constant 0 : index
    %get3A_3 = arith.constant 0 : index
    %get3A_4 = arith.constant 0 : index
    %get3A_5 = vector.load %arg2[%get3A_2, %get3A_3, %get3A_4] : memref<1x8x1024xf32, #tpu.memory_space<vmem>>, vector<1x8x1024xf32>
    %get3A_6 = vector.shape_cast %get3A_5 : vector<1x8x1024xf32> to vector<8x1024xf32>
    %slice3A = vector.extract_strided_slice %get3A_1 {offsets = [0, 0], sizes = [128, 1], strides = [1, 1]} : vector<128x128xf32> to vector<128x1xf32>
    %slice3A_7 = vector.extract_strided_slice %get3A_6 {offsets = [0, 0], sizes = [1, 1024], strides = [1, 1]} : vector<8x1024xf32> to vector<1x1024xf32>
    %sub3A = vector.broadcast %slice3A : vector<128x1xf32> to vector<128x1024xf32>
    %sub3A_8 = vector.broadcast %slice3A_7 : vector<1x1024xf32> to vector<128x1024xf32>
    %sub3A_9 = arith.subf %sub3A, %sub3A_8 : vector<128x1024xf32>
    %slice3A_10 = vector.extract_strided_slice %get3A_1 {offsets = [0, 1], sizes = [128, 1], strides = [1, 1]} : vector<128x128xf32> to vector<128x1xf32>
    %slice3A_11 = vector.extract_strided_slice %get3A_6 {offsets = [1, 0], sizes = [1, 1024], strides = [1, 1]} : vector<8x1024xf32> to vector<1x1024xf32>
    %sub3A_12 = vector.broadcast %slice3A_10 : vector<128x1xf32> to vector<128x1024xf32>
    %sub3A_13 = vector.broadcast %slice3A_11 : vector<1x1024xf32> to vector<128x1024xf32>
    %sub3A_14 = arith.subf %sub3A_12, %sub3A_13 : vector<128x1024xf32>
    %slice3A_15 = vector.extract_strided_slice %get3A_1 {offsets = [0, 2], sizes = [128, 1], strides = [1, 1]} : vector<128x128xf32> to vector<128x1xf32>
    %slice3A_16 = vector.extract_strided_slice %get3A_6 {offsets = [2, 0], sizes = [1, 1024], strides = [1, 1]} : vector<8x1024xf32> to vector<1x1024xf32>
    %sub3A_17 = vector.broadcast %slice3A_15 : vector<128x1xf32> to vector<128x1024xf32>
    %sub3A_18 = vector.broadcast %slice3A_16 : vector<1x1024xf32> to vector<128x1024xf32>
    %sub3A_19 = arith.subf %sub3A_17, %sub3A_18 : vector<128x1024xf32>
    %mul3A = arith.mulf %sub3A_9, %sub3A_9 : vector<128x1024xf32>
    %mul3A_20 = arith.mulf %sub3A_14, %sub3A_14 : vector<128x1024xf32>
    %add3A = arith.addf %mul3A, %mul3A_20 : vector<128x1024xf32>
    %mul3A_21 = arith.mulf %sub3A_19, %sub3A_19 : vector<128x1024xf32>
    %add3A_22 = arith.addf %add3A, %mul3A_21 : vector<128x1024xf32>
    %iota3A = tpu.iota {dimensions = array<i32: 1>} : vector<128x1024xi32>
    %reduce_min3A = arith.constant dense<0x7F800000> : vector<128xf32>
    %reduce_min3A_23 = vector.multi_reduction <minimumf>, %add3A_22, %reduce_min3A [1] : vector<128x1024xf32> to vector<128xf32>
    %broadcast_in_dim3A = vector.shape_cast %reduce_min3A_23 : vector<128xf32> to vector<128x1xf32>
    %eq3A = vector.broadcast %broadcast_in_dim3A : vector<128x1xf32> to vector<128x1024xf32>
    %eq3A_24 = arith.cmpf oeq, %add3A_22, %eq3A : vector<128x1024xf32>
    %jit3A = arith.constant 1073741824 : i32
    %broadcast_in_dim3A_25 = vector.broadcast %jit3A : i32 to vector<128x1024xi32>
    %select_n3A = arith.select %eq3A_24, %iota3A, %broadcast_in_dim3A_25 : vector<128x1024xi1>, vector<128x1024xi32>
    %reduce_min3A_26 = arith.constant dense<2147483647> : vector<128xi32>
    %reduce_min3A_27 = vector.multi_reduction <minsi>, %select_n3A, %reduce_min3A_26 [1] : vector<128x1024xi32> to vector<128xi32>
    %broadcast_in_dim3A_28 = vector.shape_cast %reduce_min3A_27 : vector<128xi32> to vector<128x1xi32>
    %eq3A_29 = vector.broadcast %broadcast_in_dim3A_28 : vector<128x1xi32> to vector<128x1024xi32>
    %eq3A_30 = arith.cmpi eq, %iota3A, %eq3A_29 : vector<128x1024xi32>
    %jit3A_31 = arith.constant 0x7F800000 : f32
    %broadcast_in_dim3A_32 = vector.broadcast %jit3A_31 : f32 to vector<128x1024xf32>
    %select_n3A_33 = arith.select %eq3A_30, %broadcast_in_dim3A_32, %add3A_22 : vector<128x1024xi1>, vector<128x1024xf32>
    %add3A_34 = arith.constant 1024 : i32
    %add3A_35 = vector.broadcast %add3A_34 : i32 to vector<128x1xi32>
    %add3A_36 = arith.addi %broadcast_in_dim3A_28, %add3A_35 : vector<128x1xi32>
    %swap3A = arith.constant 0 : index
    %swap3A_37 = arith.constant 0 : index
    %swap3A_38 = vector.load %arg3[%swap3A, %swap3A_37] : memref<128x32xi32, #tpu.memory_space<vmem>>, vector<128x1xi32>
    tpu.vector_store %arg3[%swap3A, %swap3A_37], %add3A_36 {strides = array<i32>} : memref<128x32xi32, #tpu.memory_space<vmem>>, vector<128x1xi32>,
    %reduce_min3A_39 = arith.constant dense<0x7F800000> : vector<128xf32>
    %reduce_min3A_40 = vector.multi_reduction <minimumf>, %select_n3A_33, %reduce_min3A_39 [1] : vector<128x1024xf32> to vector<128xf32>
    %broadcast_in_dim3A_41 = vector.shape_cast %reduce_min3A_40 : vector<128xf32> to vector<128x1xf32>
    %eq3A_42 = vector.broadcast %broadcast_in_dim3A_41 : vector<128x1xf32> to vector<128x1024xf32>
    %eq3A_43 = arith.cmpf oeq, %select_n3A_33, %eq3A_42 : vector<128x1024xf32>
    %jit3A_44 = arith.constant 1073741824 : i32
    %broadcast_in_dim3A_45 = vector.broadcast %jit3A_44 : i32 to vector<128x1024xi32>
    %select_n3A_46 = arith.select %eq3A_43, %iota3A, %broadcast_in_dim3A_45 : vector<128x1024xi1>, vector<128x1024xi32>
    %reduce_min3A_47 = arith.constant dense<2147483647> : vector<128xi32>
    %reduce_min3A_48 = vector.multi_reduction <minsi>, %select_n3A_46, %reduce_min3A_47 [1] : vector<128x1024xi32> to vector<128xi32>
    %broadcast_in_dim3A_49 = vector.shape_cast %reduce_min3A_48 : vector<128xi32> to vector<128x1xi32>
    %eq3A_50 = vector.broadcast %broadcast_in_dim3A_49 : vector<128x1xi32> to vector<128x1024xi32>
    %eq3A_51 = arith.cmpi eq, %iota3A, %eq3A_50 : vector<128x1024xi32>
    %jit3A_52 = arith.constant 0x7F800000 : f32
    %broadcast_in_dim3A_53 = vector.broadcast %jit3A_52 : f32 to vector<128x1024xf32>
    %select_n3A_54 = arith.select %eq3A_51, %broadcast_in_dim3A_53, %select_n3A_33 : vector<128x1024xi1>, vector<128x1024xf32>
    %add3A_55 = arith.constant 1024 : i32
    %add3A_56 = vector.broadcast %add3A_55 : i32 to vector<128x1xi32>
    %add3A_57 = arith.addi %broadcast_in_dim3A_49, %add3A_56 : vector<128x1xi32>
    %swap3A_58 = arith.constant 0 : index
    %swap3A_59 = arith.constant 1 : index
    %swap3A_60 = vector.load %arg3[%swap3A_58, %swap3A_59] : memref<128x32xi32, #tpu.memory_space<vmem>>, vector<128x1xi32>
    tpu.vector_store %arg3[%swap3A_58, %swap3A_59], %add3A_57 {strides = array<i32>} : memref<128x32xi32, #tpu.memory_space<vmem>>, vector<128x1xi32>,
    %reduce_min3A_61 = arith.constant dense<0x7F800000> : vector<128xf32>
    %reduce_min3A_62 = vector.multi_reduction <minimumf>, %select_n3A_54, %reduce_min3A_61 [1] : vector<128x1024xf32> to vector<128xf32>
    %broadcast_in_dim3A_63 = vector.shape_cast %reduce_min3A_62 : vector<128xf32> to vector<128x1xf32>
    %eq3A_64 = vector.broadcast %broadcast_in_dim3A_63 : vector<128x1xf32> to vector<128x1024xf32>
    %eq3A_65 = arith.cmpf oeq, %select_n3A_54, %eq3A_64 : vector<128x1024xf32>
    %jit3A_66 = arith.constant 1073741824 : i32
    %broadcast_in_dim3A_67 = vector.broadcast %jit3A_66 : i32 to vector<128x1024xi32>
    %select_n3A_68 = arith.select %eq3A_65, %iota3A, %broadcast_in_dim3A_67 : vector<128x1024xi1>, vector<128x1024xi32>
    %reduce_min3A_69 = arith.constant dense<2147483647> : vector<128xi32>
    %reduce_min3A_70 = vector.multi_reduction <minsi>, %select_n3A_68, %reduce_min3A_69 [1] : vector<128x1024xi32> to vector<128xi32>
    %broadcast_in_dim3A_71 = vector.shape_cast %reduce_min3A_70 : vector<128xi32> to vector<128x1xi32>
    %eq3A_72 = vector.broadcast %broadcast_in_dim3A_71 : vector<128x1xi32> to vector<128x1024xi32>
    %eq3A_73 = arith.cmpi eq, %iota3A, %eq3A_72 : vector<128x1024xi32>
    %jit3A_74 = arith.constant 0x7F800000 : f32
    %broadcast_in_dim3A_75 = vector.broadcast %jit3A_74 : f32 to vector<128x1024xf32>
    %select_n3A_76 = arith.select %eq3A_73, %broadcast_in_dim3A_75, %select_n3A_54 : vector<128x1024xi1>, vector<128x1024xf32>
    %add3A_77 = arith.constant 1024 : i32
    %add3A_78 = vector.broadcast %add3A_77 : i32 to vector<128x1xi32>
    %add3A_79 = arith.addi %broadcast_in_dim3A_71, %add3A_78 : vector<128x1xi32>
    %swap3A_80 = arith.constant 0 : index
    %swap3A_81 = arith.constant 2 : index
    %swap3A_82 = vector.load %arg3[%swap3A_80, %swap3A_81] : memref<128x32xi32, #tpu.memory_space<vmem>>, vector<128x1xi32>
    tpu.vector_store %arg3[%swap3A_80, %swap3A_81], %add3A_79 {strides = array<i32>} : memref<128x32xi32, #tpu.memory_space<vmem>>, vector<128x1xi32>,
    %reduce_min3A_83 = arith.constant dense<0x7F800000> : vector<128xf32>
    %reduce_min3A_84 = vector.multi_reduction <minimumf>, %select_n3A_76, %reduce_min3A_83 [1] : vector<128x1024xf32> to vector<128xf32>
    %broadcast_in_dim3A_85 = vector.shape_cast %reduce_min3A_84 : vector<128xf32> to vector<128x1xf32>
    %eq3A_86 = vector.broadcast %broadcast_in_dim3A_85 : vector<128x1xf32> to vector<128x1024xf32>
    %eq3A_87 = arith.cmpf oeq, %select_n3A_76, %eq3A_86 : vector<128x1024xf32>
    %jit3A_88 = arith.constant 1073741824 : i32
    %broadcast_in_dim3A_89 = vector.broadcast %jit3A_88 : i32 to vector<128x1024xi32>
    %select_n3A_90 = arith.select %eq3A_87, %iota3A, %broadcast_in_dim3A_89 : vector<128x1024xi1>, vector<128x1024xi32>
    %reduce_min3A_91 = arith.constant dense<2147483647> : vector<128xi32>
    %reduce_min3A_92 = vector.multi_reduction <minsi>, %select_n3A_90, %reduce_min3A_91 [1] : vector<128x1024xi32> to vector<128xi32>
    %broadcast_in_dim3A_93 = vector.shape_cast %reduce_min3A_92 : vector<128xi32> to vector<128x1xi32>
    %eq3A_94 = vector.broadcast %broadcast_in_dim3A_93 : vector<128x1xi32> to vector<128x1024xi32>
    %eq3A_95 = arith.cmpi eq, %iota3A, %eq3A_94 : vector<128x1024xi32>
    %jit3A_96 = arith.constant 0x7F800000 : f32
    %broadcast_in_dim3A_97 = vector.broadcast %jit3A_96 : f32 to vector<128x1024xf32>
    %select_n3A_98 = arith.select %eq3A_95, %broadcast_in_dim3A_97, %select_n3A_76 : vector<128x1024xi1>, vector<128x1024xf32>
    %add3A_99 = arith.constant 1024 : i32
    %add3A_100 = vector.broadcast %add3A_99 : i32 to vector<128x1xi32>
    %add3A_101 = arith.addi %broadcast_in_dim3A_93, %add3A_100 : vector<128x1xi32>
    %swap3A_102 = arith.constant 0 : index
    %swap3A_103 = arith.constant 3 : index
    %swap3A_104 = vector.load %arg3[%swap3A_102, %swap3A_103] : memref<128x32xi32, #tpu.memory_space<vmem>>, vector<128x1xi32>
    tpu.vector_store %arg3[%swap3A_102, %swap3A_103], %add3A_101 {strides = array<i32>} : memref<128x32xi32, #tpu.memory_space<vmem>>, vector<128x1xi32>,
    %reduce_min3A_105 = arith.constant dense<0x7F800000> : vector<128xf32>
    %reduce_min3A_106 = vector.multi_reduction <minimumf>, %select_n3A_98, %reduce_min3A_105 [1] : vector<128x1024xf32> to vector<128xf32>
    %broadcast_in_dim3A_107 = vector.shape_cast %reduce_min3A_106 : vector<128xf32> to vector<128x1xf32>
    %eq3A_108 = vector.broadcast %broadcast_in_dim3A_107 : vector<128x1xf32> to vector<128x1024xf32>
    %eq3A_109 = arith.cmpf oeq, %select_n3A_98, %eq3A_108 : vector<128x1024xf32>
    %jit3A_110 = arith.constant 1073741824 : i32
    %broadcast_in_dim3A_111 = vector.broadcast %jit3A_110 : i32 to vector<128x1024xi32>
    %select_n3A_112 = arith.select %eq3A_109, %iota3A, %broadcast_in_dim3A_111 : vector<128x1024xi1>, vector<128x1024xi32>
    %reduce_min3A_113 = arith.constant dense<2147483647> : vector<128xi32>
    %reduce_min3A_114 = vector.multi_reduction <minsi>, %select_n3A_112, %reduce_min3A_113 [1] : vector<128x1024xi32> to vector<128xi32>
    %broadcast_in_dim3A_115 = vector.shape_cast %reduce_min3A_114 : vector<128xi32> to vector<128x1xi32>
    %eq3A_116 = vector.broadcast %broadcast_in_dim3A_115 : vector<128x1xi32> to vector<128x1024xi32>
    %eq3A_117 = arith.cmpi eq, %iota3A, %eq3A_116 : vector<128x1024xi32>
    %jit3A_118 = arith.constant 0x7F800000 : f32
    %broadcast_in_dim3A_119 = vector.broadcast %jit3A_118 : f32 to vector<128x1024xf32>
    %select_n3A_120 = arith.select %eq3A_117, %broadcast_in_dim3A_119, %select_n3A_98 : vector<128x1024xi1>, vector<128x1024xf32>
    %add3A_121 = arith.constant 1024 : i32
    %add3A_122 = vector.broadcast %add3A_121 : i32 to vector<128x1xi32>
    %add3A_123 = arith.addi %broadcast_in_dim3A_115, %add3A_122 : vector<128x1xi32>
    %swap3A_124 = arith.constant 0 : index
    %swap3A_125 = arith.constant 4 : index
    %swap3A_126 = vector.load %arg3[%swap3A_124, %swap3A_125] : memref<128x32xi32, #tpu.memory_space<vmem>>, vector<128x1xi32>
    tpu.vector_store %arg3[%swap3A_124, %swap3A_125], %add3A_123 {strides = array<i32>} : memref<128x32xi32, #tpu.memory_space<vmem>>, vector<128x1xi32>,
    %reduce_min3A_127 = arith.constant dense<0x7F800000> : vector<128xf32>
    %reduce_min3A_128 = vector.multi_reduction <minimumf>, %select_n3A_120, %reduce_min3A_127 [1] : vector<128x1024xf32> to vector<128xf32>
    %broadcast_in_dim3A_129 = vector.shape_cast %reduce_min3A_128 : vector<128xf32> to vector<128x1xf32>
    %eq3A_130 = vector.broadcast %broadcast_in_dim3A_129 : vector<128x1xf32> to vector<128x1024xf32>
    %eq3A_131 = arith.cmpf oeq, %select_n3A_120, %eq3A_130 : vector<128x1024xf32>
    %jit3A_132 = arith.constant 1073741824 : i32
    %broadcast_in_dim3A_133 = vector.broadcast %jit3A_132 : i32 to vector<128x1024xi32>
    %select_n3A_134 = arith.select %eq3A_131, %iota3A, %broadcast_in_dim3A_133 : vector<128x1024xi1>, vector<128x1024xi32>
    %reduce_min3A_135 = arith.constant dense<2147483647> : vector<128xi32>
    %reduce_min3A_136 = vector.multi_reduction <minsi>, %select_n3A_134, %reduce_min3A_135 [1] : vector<128x1024xi32> to vector<128xi32>
    %broadcast_in_dim3A_137 = vector.shape_cast %reduce_min3A_136 : vector<128xi32> to vector<128x1xi32>
    %eq3A_138 = vector.broadcast %broadcast_in_dim3A_137 : vector<128x1xi32> to vector<128x1024xi32>
    %eq3A_139 = arith.cmpi eq, %iota3A, %eq3A_138 : vector<128x1024xi32>
    %jit3A_140 = arith.constant 0x7F800000 : f32
    %broadcast_in_dim3A_141 = vector.broadcast %jit3A_140 : f32 to vector<128x1024xf32>
    %select_n3A_142 = arith.select %eq3A_139, %broadcast_in_dim3A_141, %select_n3A_120 : vector<128x1024xi1>, vector<128x1024xf32>
    %add3A_143 = arith.constant 1024 : i32
    %add3A_144 = vector.broadcast %add3A_143 : i32 to vector<128x1xi32>
    %add3A_145 = arith.addi %broadcast_in_dim3A_137, %add3A_144 : vector<128x1xi32>
    %swap3A_146 = arith.constant 0 : index
    %swap3A_147 = arith.constant 5 : index
    %swap3A_148 = vector.load %arg3[%swap3A_146, %swap3A_147] : memref<128x32xi32, #tpu.memory_space<vmem>>, vector<128x1xi32>
    tpu.vector_store %arg3[%swap3A_146, %swap3A_147], %add3A_145 {strides = array<i32>} : memref<128x32xi32, #tpu.memory_space<vmem>>, vector<128x1xi32>,
    %reduce_min3A_149 = arith.constant dense<0x7F800000> : vector<128xf32>
    %reduce_min3A_150 = vector.multi_reduction <minimumf>, %select_n3A_142, %reduce_min3A_149 [1] : vector<128x1024xf32> to vector<128xf32>
    %broadcast_in_dim3A_151 = vector.shape_cast %reduce_min3A_150 : vector<128xf32> to vector<128x1xf32>
    %eq3A_152 = vector.broadcast %broadcast_in_dim3A_151 : vector<128x1xf32> to vector<128x1024xf32>
    %eq3A_153 = arith.cmpf oeq, %select_n3A_142, %eq3A_152 : vector<128x1024xf32>
    %jit3A_154 = arith.constant 1073741824 : i32
    %broadcast_in_dim3A_155 = vector.broadcast %jit3A_154 : i32 to vector<128x1024xi32>
    %select_n3A_156 = arith.select %eq3A_153, %iota3A, %broadcast_in_dim3A_155 : vector<128x1024xi1>, vector<128x1024xi32>
    %reduce_min3A_157 = arith.constant dense<2147483647> : vector<128xi32>
    %reduce_min3A_158 = vector.multi_reduction <minsi>, %select_n3A_156, %reduce_min3A_157 [1] : vector<128x1024xi32> to vector<128xi32>
    %broadcast_in_dim3A_159 = vector.shape_cast %reduce_min3A_158 : vector<128xi32> to vector<128x1xi32>
    %eq3A_160 = vector.broadcast %broadcast_in_dim3A_159 : vector<128x1xi32> to vector<128x1024xi32>
    %eq3A_161 = arith.cmpi eq, %iota3A, %eq3A_160 : vector<128x1024xi32>
    %jit3A_162 = arith.constant 0x7F800000 : f32
    %broadcast_in_dim3A_163 = vector.broadcast %jit3A_162 : f32 to vector<128x1024xf32>
    %select_n3A_164 = arith.select %eq3A_161, %broadcast_in_dim3A_163, %select_n3A_142 : vector<128x1024xi1>, vector<128x1024xf32>
    %add3A_165 = arith.constant 1024 : i32
    %add3A_166 = vector.broadcast %add3A_165 : i32 to vector<128x1xi32>
    %add3A_167 = arith.addi %broadcast_in_dim3A_159, %add3A_166 : vector<128x1xi32>
    %swap3A_168 = arith.constant 0 : index
    %swap3A_169 = arith.constant 6 : index
    %swap3A_170 = vector.load %arg3[%swap3A_168, %swap3A_169] : memref<128x32xi32, #tpu.memory_space<vmem>>, vector<128x1xi32>
    tpu.vector_store %arg3[%swap3A_168, %swap3A_169], %add3A_167 {strides = array<i32>} : memref<128x32xi32, #tpu.memory_space<vmem>>, vector<128x1xi32>,
    %reduce_min3A_171 = arith.constant dense<0x7F800000> : vector<128xf32>
    %reduce_min3A_172 = vector.multi_reduction <minimumf>, %select_n3A_164, %reduce_min3A_171 [1] : vector<128x1024xf32> to vector<128xf32>
    %broadcast_in_dim3A_173 = vector.shape_cast %reduce_min3A_172 : vector<128xf32> to vector<128x1xf32>
    %eq3A_174 = vector.broadcast %broadcast_in_dim3A_173 : vector<128x1xf32> to vector<128x1024xf32>
    %eq3A_175 = arith.cmpf oeq, %select_n3A_164, %eq3A_174 : vector<128x1024xf32>
    %jit3A_176 = arith.constant 1073741824 : i32
    %broadcast_in_dim3A_177 = vector.broadcast %jit3A_176 : i32 to vector<128x1024xi32>
    %select_n3A_178 = arith.select %eq3A_175, %iota3A, %broadcast_in_dim3A_177 : vector<128x1024xi1>, vector<128x1024xi32>
    %reduce_min3A_179 = arith.constant dense<2147483647> : vector<128xi32>
    %reduce_min3A_180 = vector.multi_reduction <minsi>, %select_n3A_178, %reduce_min3A_179 [1] : vector<128x1024xi32> to vector<128xi32>
    %broadcast_in_dim3A_181 = vector.shape_cast %reduce_min3A_180 : vector<128xi32> to vector<128x1xi32>
    %eq3A_182 = vector.broadcast %broadcast_in_dim3A_181 : vector<128x1xi32> to vector<128x1024xi32>
    %eq3A_183 = arith.cmpi eq, %iota3A, %eq3A_182 : vector<128x1024xi32>
    %jit3A_184 = arith.constant 0x7F800000 : f32
    %broadcast_in_dim3A_185 = vector.broadcast %jit3A_184 : f32 to vector<128x1024xf32>
    %select_n3A_186 = arith.select %eq3A_183, %broadcast_in_dim3A_185, %select_n3A_164 : vector<128x1024xi1>, vector<128x1024xf32>
    %add3A_187 = arith.constant 1024 : i32
    %add3A_188 = vector.broadcast %add3A_187 : i32 to vector<128x1xi32>
    %add3A_189 = arith.addi %broadcast_in_dim3A_181, %add3A_188 : vector<128x1xi32>
    %swap3A_190 = arith.constant 0 : index
    %swap3A_191 = arith.constant 7 : index
    %swap3A_192 = vector.load %arg3[%swap3A_190, %swap3A_191] : memref<128x32xi32, #tpu.memory_space<vmem>>, vector<128x1xi32>
    tpu.vector_store %arg3[%swap3A_190, %swap3A_191], %add3A_189 {strides = array<i32>} : memref<128x32xi32, #tpu.memory_space<vmem>>, vector<128x1xi32>,
    %reduce_min3A_193 = arith.constant dense<0x7F800000> : vector<128xf32>
    %reduce_min3A_194 = vector.multi_reduction <minimumf>, %select_n3A_186, %reduce_min3A_193 [1] : vector<128x1024xf32> to vector<128xf32>
    %broadcast_in_dim3A_195 = vector.shape_cast %reduce_min3A_194 : vector<128xf32> to vector<128x1xf32>
    %eq3A_196 = vector.broadcast %broadcast_in_dim3A_195 : vector<128x1xf32> to vector<128x1024xf32>
    %eq3A_197 = arith.cmpf oeq, %select_n3A_186, %eq3A_196 : vector<128x1024xf32>
    %jit3A_198 = arith.constant 1073741824 : i32
    %broadcast_in_dim3A_199 = vector.broadcast %jit3A_198 : i32 to vector<128x1024xi32>
    %select_n3A_200 = arith.select %eq3A_197, %iota3A, %broadcast_in_dim3A_199 : vector<128x1024xi1>, vector<128x1024xi32>
    %reduce_min3A_201 = arith.constant dense<2147483647> : vector<128xi32>
    %reduce_min3A_202 = vector.multi_reduction <minsi>, %select_n3A_200, %reduce_min3A_201 [1] : vector<128x1024xi32> to vector<128xi32>
    %broadcast_in_dim3A_203 = vector.shape_cast %reduce_min3A_202 : vector<128xi32> to vector<128x1xi32>
    %eq3A_204 = vector.broadcast %broadcast_in_dim3A_203 : vector<128x1xi32> to vector<128x1024xi32>
    %eq3A_205 = arith.cmpi eq, %iota3A, %eq3A_204 : vector<128x1024xi32>
    %jit3A_206 = arith.constant 0x7F800000 : f32
    %broadcast_in_dim3A_207 = vector.broadcast %jit3A_206 : f32 to vector<128x1024xf32>
    %select_n3A_208 = arith.select %eq3A_205, %broadcast_in_dim3A_207, %select_n3A_186 : vector<128x1024xi1>, vector<128x1024xf32>
    %add3A_209 = arith.constant 1024 : i32
    %add3A_210 = vector.broadcast %add3A_209 : i32 to vector<128x1xi32>
    %add3A_211 = arith.addi %broadcast_in_dim3A_203, %add3A_210 : vector<128x1xi32>
    %swap3A_212 = arith.constant 0 : index
    %swap3A_213 = arith.constant 8 : index
    %swap3A_214 = vector.load %arg3[%swap3A_212, %swap3A_213] : memref<128x32xi32, #tpu.memory_space<vmem>>, vector<128x1xi32>
    tpu.vector_store %arg3[%swap3A_212, %swap3A_213], %add3A_211 {strides = array<i32>} : memref<128x32xi32, #tpu.memory_space<vmem>>, vector<128x1xi32>,
    %reduce_min3A_215 = arith.constant dense<0x7F800000> : vector<128xf32>
    %reduce_min3A_216 = vector.multi_reduction <minimumf>, %select_n3A_208, %reduce_min3A_215 [1] : vector<128x1024xf32> to vector<128xf32>
    %broadcast_in_dim3A_217 = vector.shape_cast %reduce_min3A_216 : vector<128xf32> to vector<128x1xf32>
    %eq3A_218 = vector.broadcast %broadcast_in_dim3A_217 : vector<128x1xf32> to vector<128x1024xf32>
    %eq3A_219 = arith.cmpf oeq, %select_n3A_208, %eq3A_218 : vector<128x1024xf32>
    %jit3A_220 = arith.constant 1073741824 : i32
    %broadcast_in_dim3A_221 = vector.broadcast %jit3A_220 : i32 to vector<128x1024xi32>
    %select_n3A_222 = arith.select %eq3A_219, %iota3A, %broadcast_in_dim3A_221 : vector<128x1024xi1>, vector<128x1024xi32>
    %reduce_min3A_223 = arith.constant dense<2147483647> : vector<128xi32>
    %reduce_min3A_224 = vector.multi_reduction <minsi>, %select_n3A_222, %reduce_min3A_223 [1] : vector<128x1024xi32> to vector<128xi32>
    %broadcast_in_dim3A_225 = vector.shape_cast %reduce_min3A_224 : vector<128xi32> to vector<128x1xi32>
    %eq3A_226 = vector.broadcast %broadcast_in_dim3A_225 : vector<128x1xi32> to vector<128x1024xi32>
    %eq3A_227 = arith.cmpi eq, %iota3A, %eq3A_226 : vector<128x1024xi32>
    %jit3A_228 = arith.constant 0x7F800000 : f32
    %broadcast_in_dim3A_229 = vector.broadcast %jit3A_228 : f32 to vector<128x1024xf32>
    %select_n3A_230 = arith.select %eq3A_227, %broadcast_in_dim3A_229, %select_n3A_208 : vector<128x1024xi1>, vector<128x1024xf32>
    %add3A_231 = arith.constant 1024 : i32
    %add3A_232 = vector.broadcast %add3A_231 : i32 to vector<128x1xi32>
    %add3A_233 = arith.addi %broadcast_in_dim3A_225, %add3A_232 : vector<128x1xi32>
    %swap3A_234 = arith.constant 0 : index
    %swap3A_235 = arith.constant 9 : index
    %swap3A_236 = vector.load %arg3[%swap3A_234, %swap3A_235] : memref<128x32xi32, #tpu.memory_space<vmem>>, vector<128x1xi32>
    tpu.vector_store %arg3[%swap3A_234, %swap3A_235], %add3A_233 {strides = array<i32>} : memref<128x32xi32, #tpu.memory_space<vmem>>, vector<128x1xi32>,
    %reduce_min3A_237 = arith.constant dense<0x7F800000> : vector<128xf32>
    %reduce_min3A_238 = vector.multi_reduction <minimumf>, %select_n3A_230, %reduce_min3A_237 [1] : vector<128x1024xf32> to vector<128xf32>
    %broadcast_in_dim3A_239 = vector.shape_cast %reduce_min3A_238 : vector<128xf32> to vector<128x1xf32>
    %eq3A_240 = vector.broadcast %broadcast_in_dim3A_239 : vector<128x1xf32> to vector<128x1024xf32>
    %eq3A_241 = arith.cmpf oeq, %select_n3A_230, %eq3A_240 : vector<128x1024xf32>
    %jit3A_242 = arith.constant 1073741824 : i32
    %broadcast_in_dim3A_243 = vector.broadcast %jit3A_242 : i32 to vector<128x1024xi32>
    %select_n3A_244 = arith.select %eq3A_241, %iota3A, %broadcast_in_dim3A_243 : vector<128x1024xi1>, vector<128x1024xi32>
    %reduce_min3A_245 = arith.constant dense<2147483647> : vector<128xi32>
    %reduce_min3A_246 = vector.multi_reduction <minsi>, %select_n3A_244, %reduce_min3A_245 [1] : vector<128x1024xi32> to vector<128xi32>
    %broadcast_in_dim3A_247 = vector.shape_cast %reduce_min3A_246 : vector<128xi32> to vector<128x1xi32>
    %eq3A_248 = vector.broadcast %broadcast_in_dim3A_247 : vector<128x1xi32> to vector<128x1024xi32>
    %eq3A_249 = arith.cmpi eq, %iota3A, %eq3A_248 : vector<128x1024xi32>
    %jit3A_250 = arith.constant 0x7F800000 : f32
    %broadcast_in_dim3A_251 = vector.broadcast %jit3A_250 : f32 to vector<128x1024xf32>
    %select_n3A_252 = arith.select %eq3A_249, %broadcast_in_dim3A_251, %select_n3A_230 : vector<128x1024xi1>, vector<128x1024xf32>
    %add3A_253 = arith.constant 1024 : i32
    %add3A_254 = vector.broadcast %add3A_253 : i32 to vector<128x1xi32>
    %add3A_255 = arith.addi %broadcast_in_dim3A_247, %add3A_254 : vector<128x1xi32>
    %swap3A_256 = arith.constant 0 : index
    %swap3A_257 = arith.constant 10 : index
    %swap3A_258 = vector.load %arg3[%swap3A_256, %swap3A_257] : memref<128x32xi32, #tpu.memory_space<vmem>>, vector<128x1xi32>
    tpu.vector_store %arg3[%swap3A_256, %swap3A_257], %add3A_255 {strides = array<i32>} : memref<128x32xi32, #tpu.memory_space<vmem>>, vector<128x1xi32>,
    %reduce_min3A_259 = arith.constant dense<0x7F800000> : vector<128xf32>
    %reduce_min3A_260 = vector.multi_reduction <minimumf>, %select_n3A_252, %reduce_min3A_259 [1] : vector<128x1024xf32> to vector<128xf32>
    %broadcast_in_dim3A_261 = vector.shape_cast %reduce_min3A_260 : vector<128xf32> to vector<128x1xf32>
    %eq3A_262 = vector.broadcast %broadcast_in_dim3A_261 : vector<128x1xf32> to vector<128x1024xf32>
    %eq3A_263 = arith.cmpf oeq, %select_n3A_252, %eq3A_262 : vector<128x1024xf32>
    %jit3A_264 = arith.constant 1073741824 : i32
    %broadcast_in_dim3A_265 = vector.broadcast %jit3A_264 : i32 to vector<128x1024xi32>
    %select_n3A_266 = arith.select %eq3A_263, %iota3A, %broadcast_in_dim3A_265 : vector<128x1024xi1>, vector<128x1024xi32>
    %reduce_min3A_267 = arith.constant dense<2147483647> : vector<128xi32>
    %reduce_min3A_268 = vector.multi_reduction <minsi>, %select_n3A_266, %reduce_min3A_267 [1] : vector<128x1024xi32> to vector<128xi32>
    %broadcast_in_dim3A_269 = vector.shape_cast %reduce_min3A_268 : vector<128xi32> to vector<128x1xi32>
    %eq3A_270 = vector.broadcast %broadcast_in_dim3A_269 : vector<128x1xi32> to vector<128x1024xi32>
    %eq3A_271 = arith.cmpi eq, %iota3A, %eq3A_270 : vector<128x1024xi32>
    %jit3A_272 = arith.constant 0x7F800000 : f32
    %broadcast_in_dim3A_273 = vector.broadcast %jit3A_272 : f32 to vector<128x1024xf32>
    %select_n3A_274 = arith.select %eq3A_271, %broadcast_in_dim3A_273, %select_n3A_252 : vector<128x1024xi1>, vector<128x1024xf32>
    %add3A_275 = arith.constant 1024 : i32
    %add3A_276 = vector.broadcast %add3A_275 : i32 to vector<128x1xi32>
    %add3A_277 = arith.addi %broadcast_in_dim3A_269, %add3A_276 : vector<128x1xi32>
    %swap3A_278 = arith.constant 0 : index
    %swap3A_279 = arith.constant 11 : index
    %swap3A_280 = vector.load %arg3[%swap3A_278, %swap3A_279] : memref<128x32xi32, #tpu.memory_space<vmem>>, vector<128x1xi32>
    tpu.vector_store %arg3[%swap3A_278, %swap3A_279], %add3A_277 {strides = array<i32>} : memref<128x32xi32, #tpu.memory_space<vmem>>, vector<128x1xi32>,
    %reduce_min3A_281 = arith.constant dense<0x7F800000> : vector<128xf32>
    %reduce_min3A_282 = vector.multi_reduction <minimumf>, %select_n3A_274, %reduce_min3A_281 [1] : vector<128x1024xf32> to vector<128xf32>
    %broadcast_in_dim3A_283 = vector.shape_cast %reduce_min3A_282 : vector<128xf32> to vector<128x1xf32>
    %eq3A_284 = vector.broadcast %broadcast_in_dim3A_283 : vector<128x1xf32> to vector<128x1024xf32>
    %eq3A_285 = arith.cmpf oeq, %select_n3A_274, %eq3A_284 : vector<128x1024xf32>
    %jit3A_286 = arith.constant 1073741824 : i32
    %broadcast_in_dim3A_287 = vector.broadcast %jit3A_286 : i32 to vector<128x1024xi32>
    %select_n3A_288 = arith.select %eq3A_285, %iota3A, %broadcast_in_dim3A_287 : vector<128x1024xi1>, vector<128x1024xi32>
    %reduce_min3A_289 = arith.constant dense<2147483647> : vector<128xi32>
    %reduce_min3A_290 = vector.multi_reduction <minsi>, %select_n3A_288, %reduce_min3A_289 [1] : vector<128x1024xi32> to vector<128xi32>
    %broadcast_in_dim3A_291 = vector.shape_cast %reduce_min3A_290 : vector<128xi32> to vector<128x1xi32>
    %eq3A_292 = vector.broadcast %broadcast_in_dim3A_291 : vector<128x1xi32> to vector<128x1024xi32>
    %eq3A_293 = arith.cmpi eq, %iota3A, %eq3A_292 : vector<128x1024xi32>
    %jit3A_294 = arith.constant 0x7F800000 : f32
    %broadcast_in_dim3A_295 = vector.broadcast %jit3A_294 : f32 to vector<128x1024xf32>
    %select_n3A_296 = arith.select %eq3A_293, %broadcast_in_dim3A_295, %select_n3A_274 : vector<128x1024xi1>, vector<128x1024xf32>
    %add3A_297 = arith.constant 1024 : i32
    %add3A_298 = vector.broadcast %add3A_297 : i32 to vector<128x1xi32>
    %add3A_299 = arith.addi %broadcast_in_dim3A_291, %add3A_298 : vector<128x1xi32>
    %swap3A_300 = arith.constant 0 : index
    %swap3A_301 = arith.constant 12 : index
    %swap3A_302 = vector.load %arg3[%swap3A_300, %swap3A_301] : memref<128x32xi32, #tpu.memory_space<vmem>>, vector<128x1xi32>
    tpu.vector_store %arg3[%swap3A_300, %swap3A_301], %add3A_299 {strides = array<i32>} : memref<128x32xi32, #tpu.memory_space<vmem>>, vector<128x1xi32>,
    %reduce_min3A_303 = arith.constant dense<0x7F800000> : vector<128xf32>
    %reduce_min3A_304 = vector.multi_reduction <minimumf>, %select_n3A_296, %reduce_min3A_303 [1] : vector<128x1024xf32> to vector<128xf32>
    %broadcast_in_dim3A_305 = vector.shape_cast %reduce_min3A_304 : vector<128xf32> to vector<128x1xf32>
    %eq3A_306 = vector.broadcast %broadcast_in_dim3A_305 : vector<128x1xf32> to vector<128x1024xf32>
    %eq3A_307 = arith.cmpf oeq, %select_n3A_296, %eq3A_306 : vector<128x1024xf32>
    %jit3A_308 = arith.constant 1073741824 : i32
    %broadcast_in_dim3A_309 = vector.broadcast %jit3A_308 : i32 to vector<128x1024xi32>
    %select_n3A_310 = arith.select %eq3A_307, %iota3A, %broadcast_in_dim3A_309 : vector<128x1024xi1>, vector<128x1024xi32>
    %reduce_min3A_311 = arith.constant dense<2147483647> : vector<128xi32>
    %reduce_min3A_312 = vector.multi_reduction <minsi>, %select_n3A_310, %reduce_min3A_311 [1] : vector<128x1024xi32> to vector<128xi32>
    %broadcast_in_dim3A_313 = vector.shape_cast %reduce_min3A_312 : vector<128xi32> to vector<128x1xi32>
    %eq3A_314 = vector.broadcast %broadcast_in_dim3A_313 : vector<128x1xi32> to vector<128x1024xi32>
    %eq3A_315 = arith.cmpi eq, %iota3A, %eq3A_314 : vector<128x1024xi32>
    %jit3A_316 = arith.constant 0x7F800000 : f32
    %broadcast_in_dim3A_317 = vector.broadcast %jit3A_316 : f32 to vector<128x1024xf32>
    %select_n3A_318 = arith.select %eq3A_315, %broadcast_in_dim3A_317, %select_n3A_296 : vector<128x1024xi1>, vector<128x1024xf32>
    %add3A_319 = arith.constant 1024 : i32
    %add3A_320 = vector.broadcast %add3A_319 : i32 to vector<128x1xi32>
    %add3A_321 = arith.addi %broadcast_in_dim3A_313, %add3A_320 : vector<128x1xi32>
    %swap3A_322 = arith.constant 0 : index
    %swap3A_323 = arith.constant 13 : index
    %swap3A_324 = vector.load %arg3[%swap3A_322, %swap3A_323] : memref<128x32xi32, #tpu.memory_space<vmem>>, vector<128x1xi32>
    tpu.vector_store %arg3[%swap3A_322, %swap3A_323], %add3A_321 {strides = array<i32>} : memref<128x32xi32, #tpu.memory_space<vmem>>, vector<128x1xi32>,
    %reduce_min3A_325 = arith.constant dense<0x7F800000> : vector<128xf32>
    %reduce_min3A_326 = vector.multi_reduction <minimumf>, %select_n3A_318, %reduce_min3A_325 [1] : vector<128x1024xf32> to vector<128xf32>
    %broadcast_in_dim3A_327 = vector.shape_cast %reduce_min3A_326 : vector<128xf32> to vector<128x1xf32>
    %eq3A_328 = vector.broadcast %broadcast_in_dim3A_327 : vector<128x1xf32> to vector<128x1024xf32>
    %eq3A_329 = arith.cmpf oeq, %select_n3A_318, %eq3A_328 : vector<128x1024xf32>
    %jit3A_330 = arith.constant 1073741824 : i32
    %broadcast_in_dim3A_331 = vector.broadcast %jit3A_330 : i32 to vector<128x1024xi32>
    %select_n3A_332 = arith.select %eq3A_329, %iota3A, %broadcast_in_dim3A_331 : vector<128x1024xi1>, vector<128x1024xi32>
    %reduce_min3A_333 = arith.constant dense<2147483647> : vector<128xi32>
    %reduce_min3A_334 = vector.multi_reduction <minsi>, %select_n3A_332, %reduce_min3A_333 [1] : vector<128x1024xi32> to vector<128xi32>
    %broadcast_in_dim3A_335 = vector.shape_cast %reduce_min3A_334 : vector<128xi32> to vector<128x1xi32>
    %eq3A_336 = vector.broadcast %broadcast_in_dim3A_335 : vector<128x1xi32> to vector<128x1024xi32>
    %eq3A_337 = arith.cmpi eq, %iota3A, %eq3A_336 : vector<128x1024xi32>
    %jit3A_338 = arith.constant 0x7F800000 : f32
    %broadcast_in_dim3A_339 = vector.broadcast %jit3A_338 : f32 to vector<128x1024xf32>
    %select_n3A_340 = arith.select %eq3A_337, %broadcast_in_dim3A_339, %select_n3A_318 : vector<128x1024xi1>, vector<128x1024xf32>
    %add3A_341 = arith.constant 1024 : i32
    %add3A_342 = vector.broadcast %add3A_341 : i32 to vector<128x1xi32>
    %add3A_343 = arith.addi %broadcast_in_dim3A_335, %add3A_342 : vector<128x1xi32>
    %swap3A_344 = arith.constant 0 : index
    %swap3A_345 = arith.constant 14 : index
    %swap3A_346 = vector.load %arg3[%swap3A_344, %swap3A_345] : memref<128x32xi32, #tpu.memory_space<vmem>>, vector<128x1xi32>
    tpu.vector_store %arg3[%swap3A_344, %swap3A_345], %add3A_343 {strides = array<i32>} : memref<128x32xi32, #tpu.memory_space<vmem>>, vector<128x1xi32>,
    %reduce_min3A_347 = arith.constant dense<0x7F800000> : vector<128xf32>
    %reduce_min3A_348 = vector.multi_reduction <minimumf>, %select_n3A_340, %reduce_min3A_347 [1] : vector<128x1024xf32> to vector<128xf32>
    %broadcast_in_dim3A_349 = vector.shape_cast %reduce_min3A_348 : vector<128xf32> to vector<128x1xf32>
    %eq3A_350 = vector.broadcast %broadcast_in_dim3A_349 : vector<128x1xf32> to vector<128x1024xf32>
    %eq3A_351 = arith.cmpf oeq, %select_n3A_340, %eq3A_350 : vector<128x1024xf32>
    %jit3A_352 = arith.constant 1073741824 : i32
    %broadcast_in_dim3A_353 = vector.broadcast %jit3A_352 : i32 to vector<128x1024xi32>
    %select_n3A_354 = arith.select %eq3A_351, %iota3A, %broadcast_in_dim3A_353 : vector<128x1024xi1>, vector<128x1024xi32>
    %reduce_min3A_355 = arith.constant dense<2147483647> : vector<128xi32>
    %reduce_min3A_356 = vector.multi_reduction <minsi>, %select_n3A_354, %reduce_min3A_355 [1] : vector<128x1024xi32> to vector<128xi32>
    %broadcast_in_dim3A_357 = vector.shape_cast %reduce_min3A_356 : vector<128xi32> to vector<128x1xi32>
    %eq3A_358 = vector.broadcast %broadcast_in_dim3A_357 : vector<128x1xi32> to vector<128x1024xi32>
    %eq3A_359 = arith.cmpi eq, %iota3A, %eq3A_358 : vector<128x1024xi32>
    %jit3A_360 = arith.constant 0x7F800000 : f32
    %broadcast_in_dim3A_361 = vector.broadcast %jit3A_360 : f32 to vector<128x1024xf32>
    %select_n3A_362 = arith.select %eq3A_359, %broadcast_in_dim3A_361, %select_n3A_340 : vector<128x1024xi1>, vector<128x1024xf32>
    %add3A_363 = arith.constant 1024 : i32
    %add3A_364 = vector.broadcast %add3A_363 : i32 to vector<128x1xi32>
    %add3A_365 = arith.addi %broadcast_in_dim3A_357, %add3A_364 : vector<128x1xi32>
    %swap3A_366 = arith.constant 0 : index
    %swap3A_367 = arith.constant 15 : index
    %swap3A_368 = vector.load %arg3[%swap3A_366, %swap3A_367] : memref<128x32xi32, #tpu.memory_space<vmem>>, vector<128x1xi32>
    tpu.vector_store %arg3[%swap3A_366, %swap3A_367], %add3A_365 {strides = array<i32>} : memref<128x32xi32, #tpu.memory_space<vmem>>, vector<128x1xi32>,
    %reduce_min3A_369 = arith.constant dense<0x7F800000> : vector<128xf32>
    %reduce_min3A_370 = vector.multi_reduction <minimumf>, %select_n3A_362, %reduce_min3A_369 [1] : vector<128x1024xf32> to vector<128xf32>
    %broadcast_in_dim3A_371 = vector.shape_cast %reduce_min3A_370 : vector<128xf32> to vector<128x1xf32>
    %eq3A_372 = vector.broadcast %broadcast_in_dim3A_371 : vector<128x1xf32> to vector<128x1024xf32>
    %eq3A_373 = arith.cmpf oeq, %select_n3A_362, %eq3A_372 : vector<128x1024xf32>
    %jit3A_374 = arith.constant 1073741824 : i32
    %broadcast_in_dim3A_375 = vector.broadcast %jit3A_374 : i32 to vector<128x1024xi32>
    %select_n3A_376 = arith.select %eq3A_373, %iota3A, %broadcast_in_dim3A_375 : vector<128x1024xi1>, vector<128x1024xi32>
    %reduce_min3A_377 = arith.constant dense<2147483647> : vector<128xi32>
    %reduce_min3A_378 = vector.multi_reduction <minsi>, %select_n3A_376, %reduce_min3A_377 [1] : vector<128x1024xi32> to vector<128xi32>
    %broadcast_in_dim3A_379 = vector.shape_cast %reduce_min3A_378 : vector<128xi32> to vector<128x1xi32>
    %eq3A_380 = vector.broadcast %broadcast_in_dim3A_379 : vector<128x1xi32> to vector<128x1024xi32>
    %eq3A_381 = arith.cmpi eq, %iota3A, %eq3A_380 : vector<128x1024xi32>
    %jit3A_382 = arith.constant 0x7F800000 : f32
    %broadcast_in_dim3A_383 = vector.broadcast %jit3A_382 : f32 to vector<128x1024xf32>
    %select_n3A_384 = arith.select %eq3A_381, %broadcast_in_dim3A_383, %select_n3A_362 : vector<128x1024xi1>, vector<128x1024xf32>
    %add3A_385 = arith.constant 1024 : i32
    %add3A_386 = vector.broadcast %add3A_385 : i32 to vector<128x1xi32>
    %add3A_387 = arith.addi %broadcast_in_dim3A_379, %add3A_386 : vector<128x1xi32>
    %swap3A_388 = arith.constant 0 : index
    %swap3A_389 = arith.constant 16 : index
    %swap3A_390 = vector.load %arg3[%swap3A_388, %swap3A_389] : memref<128x32xi32, #tpu.memory_space<vmem>>, vector<128x1xi32>
    tpu.vector_store %arg3[%swap3A_388, %swap3A_389], %add3A_387 {strides = array<i32>} : memref<128x32xi32, #tpu.memory_space<vmem>>, vector<128x1xi32>,
    %reduce_min3A_391 = arith.constant dense<0x7F800000> : vector<128xf32>
    %reduce_min3A_392 = vector.multi_reduction <minimumf>, %select_n3A_384, %reduce_min3A_391 [1] : vector<128x1024xf32> to vector<128xf32>
    %broadcast_in_dim3A_393 = vector.shape_cast %reduce_min3A_392 : vector<128xf32> to vector<128x1xf32>
    %eq3A_394 = vector.broadcast %broadcast_in_dim3A_393 : vector<128x1xf32> to vector<128x1024xf32>
    %eq3A_395 = arith.cmpf oeq, %select_n3A_384, %eq3A_394 : vector<128x1024xf32>
    %jit3A_396 = arith.constant 1073741824 : i32
    %broadcast_in_dim3A_397 = vector.broadcast %jit3A_396 : i32 to vector<128x1024xi32>
    %select_n3A_398 = arith.select %eq3A_395, %iota3A, %broadcast_in_dim3A_397 : vector<128x1024xi1>, vector<128x1024xi32>
    %reduce_min3A_399 = arith.constant dense<2147483647> : vector<128xi32>
    %reduce_min3A_400 = vector.multi_reduction <minsi>, %select_n3A_398, %reduce_min3A_399 [1] : vector<128x1024xi32> to vector<128xi32>
    %broadcast_in_dim3A_401 = vector.shape_cast %reduce_min3A_400 : vector<128xi32> to vector<128x1xi32>
    %eq3A_402 = vector.broadcast %broadcast_in_dim3A_401 : vector<128x1xi32> to vector<128x1024xi32>
    %eq3A_403 = arith.cmpi eq, %iota3A, %eq3A_402 : vector<128x1024xi32>
    %jit3A_404 = arith.constant 0x7F800000 : f32
    %broadcast_in_dim3A_405 = vector.broadcast %jit3A_404 : f32 to vector<128x1024xf32>
    %select_n3A_406 = arith.select %eq3A_403, %broadcast_in_dim3A_405, %select_n3A_384 : vector<128x1024xi1>, vector<128x1024xf32>
    %add3A_407 = arith.constant 1024 : i32
    %add3A_408 = vector.broadcast %add3A_407 : i32 to vector<128x1xi32>
    %add3A_409 = arith.addi %broadcast_in_dim3A_401, %add3A_408 : vector<128x1xi32>
    %swap3A_410 = arith.constant 0 : index
    %swap3A_411 = arith.constant 17 : index
    %swap3A_412 = vector.load %arg3[%swap3A_410, %swap3A_411] : memref<128x32xi32, #tpu.memory_space<vmem>>, vector<128x1xi32>
    tpu.vector_store %arg3[%swap3A_410, %swap3A_411], %add3A_409 {strides = array<i32>} : memref<128x32xi32, #tpu.memory_space<vmem>>, vector<128x1xi32>,
    %reduce_min3A_413 = arith.constant dense<0x7F800000> : vector<128xf32>
    %reduce_min3A_414 = vector.multi_reduction <minimumf>, %select_n3A_406, %reduce_min3A_413 [1] : vector<128x1024xf32> to vector<128xf32>
    %broadcast_in_dim3A_415 = vector.shape_cast %reduce_min3A_414 : vector<128xf32> to vector<128x1xf32>
    %eq3A_416 = vector.broadcast %broadcast_in_dim3A_415 : vector<128x1xf32> to vector<128x1024xf32>
    %eq3A_417 = arith.cmpf oeq, %select_n3A_406, %eq3A_416 : vector<128x1024xf32>
    %jit3A_418 = arith.constant 1073741824 : i32
    %broadcast_in_dim3A_419 = vector.broadcast %jit3A_418 : i32 to vector<128x1024xi32>
    %select_n3A_420 = arith.select %eq3A_417, %iota3A, %broadcast_in_dim3A_419 : vector<128x1024xi1>, vector<128x1024xi32>
    %reduce_min3A_421 = arith.constant dense<2147483647> : vector<128xi32>
    %reduce_min3A_422 = vector.multi_reduction <minsi>, %select_n3A_420, %reduce_min3A_421 [1] : vector<128x1024xi32> to vector<128xi32>
    %broadcast_in_dim3A_423 = vector.shape_cast %reduce_min3A_422 : vector<128xi32> to vector<128x1xi32>
    %eq3A_424 = vector.broadcast %broadcast_in_dim3A_423 : vector<128x1xi32> to vector<128x1024xi32>
    %eq3A_425 = arith.cmpi eq, %iota3A, %eq3A_424 : vector<128x1024xi32>
    %jit3A_426 = arith.constant 0x7F800000 : f32
    %broadcast_in_dim3A_427 = vector.broadcast %jit3A_426 : f32 to vector<128x1024xf32>
    %select_n3A_428 = arith.select %eq3A_425, %broadcast_in_dim3A_427, %select_n3A_406 : vector<128x1024xi1>, vector<128x1024xf32>
    %add3A_429 = arith.constant 1024 : i32
    %add3A_430 = vector.broadcast %add3A_429 : i32 to vector<128x1xi32>
    %add3A_431 = arith.addi %broadcast_in_dim3A_423, %add3A_430 : vector<128x1xi32>
    %swap3A_432 = arith.constant 0 : index
    %swap3A_433 = arith.constant 18 : index
    %swap3A_434 = vector.load %arg3[%swap3A_432, %swap3A_433] : memref<128x32xi32, #tpu.memory_space<vmem>>, vector<128x1xi32>
    tpu.vector_store %arg3[%swap3A_432, %swap3A_433], %add3A_431 {strides = array<i32>} : memref<128x32xi32, #tpu.memory_space<vmem>>, vector<128x1xi32>,
    %reduce_min3A_435 = arith.constant dense<0x7F800000> : vector<128xf32>
    %reduce_min3A_436 = vector.multi_reduction <minimumf>, %select_n3A_428, %reduce_min3A_435 [1] : vector<128x1024xf32> to vector<128xf32>
    %broadcast_in_dim3A_437 = vector.shape_cast %reduce_min3A_436 : vector<128xf32> to vector<128x1xf32>
    %eq3A_438 = vector.broadcast %broadcast_in_dim3A_437 : vector<128x1xf32> to vector<128x1024xf32>
    %eq3A_439 = arith.cmpf oeq, %select_n3A_428, %eq3A_438 : vector<128x1024xf32>
    %jit3A_440 = arith.constant 1073741824 : i32
    %broadcast_in_dim3A_441 = vector.broadcast %jit3A_440 : i32 to vector<128x1024xi32>
    %select_n3A_442 = arith.select %eq3A_439, %iota3A, %broadcast_in_dim3A_441 : vector<128x1024xi1>, vector<128x1024xi32>
    %reduce_min3A_443 = arith.constant dense<2147483647> : vector<128xi32>
    %reduce_min3A_444 = vector.multi_reduction <minsi>, %select_n3A_442, %reduce_min3A_443 [1] : vector<128x1024xi32> to vector<128xi32>
    %broadcast_in_dim3A_445 = vector.shape_cast %reduce_min3A_444 : vector<128xi32> to vector<128x1xi32>
    %eq3A_446 = vector.broadcast %broadcast_in_dim3A_445 : vector<128x1xi32> to vector<128x1024xi32>
    %eq3A_447 = arith.cmpi eq, %iota3A, %eq3A_446 : vector<128x1024xi32>
    %jit3A_448 = arith.constant 0x7F800000 : f32
    %broadcast_in_dim3A_449 = vector.broadcast %jit3A_448 : f32 to vector<128x1024xf32>
    %select_n3A_450 = arith.select %eq3A_447, %broadcast_in_dim3A_449, %select_n3A_428 : vector<128x1024xi1>, vector<128x1024xf32>
    %add3A_451 = arith.constant 1024 : i32
    %add3A_452 = vector.broadcast %add3A_451 : i32 to vector<128x1xi32>
    %add3A_453 = arith.addi %broadcast_in_dim3A_445, %add3A_452 : vector<128x1xi32>
    %swap3A_454 = arith.constant 0 : index
    %swap3A_455 = arith.constant 19 : index
    %swap3A_456 = vector.load %arg3[%swap3A_454, %swap3A_455] : memref<128x32xi32, #tpu.memory_space<vmem>>, vector<128x1xi32>
    tpu.vector_store %arg3[%swap3A_454, %swap3A_455], %add3A_453 {strides = array<i32>} : memref<128x32xi32, #tpu.memory_space<vmem>>, vector<128x1xi32>,
    %reduce_min3A_457 = arith.constant dense<0x7F800000> : vector<128xf32>
    %reduce_min3A_458 = vector.multi_reduction <minimumf>, %select_n3A_450, %reduce_min3A_457 [1] : vector<128x1024xf32> to vector<128xf32>
    %broadcast_in_dim3A_459 = vector.shape_cast %reduce_min3A_458 : vector<128xf32> to vector<128x1xf32>
    %eq3A_460 = vector.broadcast %broadcast_in_dim3A_459 : vector<128x1xf32> to vector<128x1024xf32>
    %eq3A_461 = arith.cmpf oeq, %select_n3A_450, %eq3A_460 : vector<128x1024xf32>
    %jit3A_462 = arith.constant 1073741824 : i32
    %broadcast_in_dim3A_463 = vector.broadcast %jit3A_462 : i32 to vector<128x1024xi32>
    %select_n3A_464 = arith.select %eq3A_461, %iota3A, %broadcast_in_dim3A_463 : vector<128x1024xi1>, vector<128x1024xi32>
    %reduce_min3A_465 = arith.constant dense<2147483647> : vector<128xi32>
    %reduce_min3A_466 = vector.multi_reduction <minsi>, %select_n3A_464, %reduce_min3A_465 [1] : vector<128x1024xi32> to vector<128xi32>
    %broadcast_in_dim3A_467 = vector.shape_cast %reduce_min3A_466 : vector<128xi32> to vector<128x1xi32>
    %eq3A_468 = vector.broadcast %broadcast_in_dim3A_467 : vector<128x1xi32> to vector<128x1024xi32>
    %eq3A_469 = arith.cmpi eq, %iota3A, %eq3A_468 : vector<128x1024xi32>
    %jit3A_470 = arith.constant 0x7F800000 : f32
    %broadcast_in_dim3A_471 = vector.broadcast %jit3A_470 : f32 to vector<128x1024xf32>
    %select_n3A_472 = arith.select %eq3A_469, %broadcast_in_dim3A_471, %select_n3A_450 : vector<128x1024xi1>, vector<128x1024xf32>
    %add3A_473 = arith.constant 1024 : i32
    %add3A_474 = vector.broadcast %add3A_473 : i32 to vector<128x1xi32>
    %add3A_475 = arith.addi %broadcast_in_dim3A_467, %add3A_474 : vector<128x1xi32>
    %swap3A_476 = arith.constant 0 : index
    %swap3A_477 = arith.constant 20 : index
    %swap3A_478 = vector.load %arg3[%swap3A_476, %swap3A_477] : memref<128x32xi32, #tpu.memory_space<vmem>>, vector<128x1xi32>
    tpu.vector_store %arg3[%swap3A_476, %swap3A_477], %add3A_475 {strides = array<i32>} : memref<128x32xi32, #tpu.memory_space<vmem>>, vector<128x1xi32>,
    %reduce_min3A_479 = arith.constant dense<0x7F800000> : vector<128xf32>
    %reduce_min3A_480 = vector.multi_reduction <minimumf>, %select_n3A_472, %reduce_min3A_479 [1] : vector<128x1024xf32> to vector<128xf32>
    %broadcast_in_dim3A_481 = vector.shape_cast %reduce_min3A_480 : vector<128xf32> to vector<128x1xf32>
    %eq3A_482 = vector.broadcast %broadcast_in_dim3A_481 : vector<128x1xf32> to vector<128x1024xf32>
    %eq3A_483 = arith.cmpf oeq, %select_n3A_472, %eq3A_482 : vector<128x1024xf32>
    %jit3A_484 = arith.constant 1073741824 : i32
    %broadcast_in_dim3A_485 = vector.broadcast %jit3A_484 : i32 to vector<128x1024xi32>
    %select_n3A_486 = arith.select %eq3A_483, %iota3A, %broadcast_in_dim3A_485 : vector<128x1024xi1>, vector<128x1024xi32>
    %reduce_min3A_487 = arith.constant dense<2147483647> : vector<128xi32>
    %reduce_min3A_488 = vector.multi_reduction <minsi>, %select_n3A_486, %reduce_min3A_487 [1] : vector<128x1024xi32> to vector<128xi32>
    %broadcast_in_dim3A_489 = vector.shape_cast %reduce_min3A_488 : vector<128xi32> to vector<128x1xi32>
    %eq3A_490 = vector.broadcast %broadcast_in_dim3A_489 : vector<128x1xi32> to vector<128x1024xi32>
    %eq3A_491 = arith.cmpi eq, %iota3A, %eq3A_490 : vector<128x1024xi32>
    %jit3A_492 = arith.constant 0x7F800000 : f32
    %broadcast_in_dim3A_493 = vector.broadcast %jit3A_492 : f32 to vector<128x1024xf32>
    %select_n3A_494 = arith.select %eq3A_491, %broadcast_in_dim3A_493, %select_n3A_472 : vector<128x1024xi1>, vector<128x1024xf32>
    %add3A_495 = arith.constant 1024 : i32
    %add3A_496 = vector.broadcast %add3A_495 : i32 to vector<128x1xi32>
    %add3A_497 = arith.addi %broadcast_in_dim3A_489, %add3A_496 : vector<128x1xi32>
    %swap3A_498 = arith.constant 0 : index
    %swap3A_499 = arith.constant 21 : index
    %swap3A_500 = vector.load %arg3[%swap3A_498, %swap3A_499] : memref<128x32xi32, #tpu.memory_space<vmem>>, vector<128x1xi32>
    tpu.vector_store %arg3[%swap3A_498, %swap3A_499], %add3A_497 {strides = array<i32>} : memref<128x32xi32, #tpu.memory_space<vmem>>, vector<128x1xi32>,
    %reduce_min3A_501 = arith.constant dense<0x7F800000> : vector<128xf32>
    %reduce_min3A_502 = vector.multi_reduction <minimumf>, %select_n3A_494, %reduce_min3A_501 [1] : vector<128x1024xf32> to vector<128xf32>
    %broadcast_in_dim3A_503 = vector.shape_cast %reduce_min3A_502 : vector<128xf32> to vector<128x1xf32>
    %eq3A_504 = vector.broadcast %broadcast_in_dim3A_503 : vector<128x1xf32> to vector<128x1024xf32>
    %eq3A_505 = arith.cmpf oeq, %select_n3A_494, %eq3A_504 : vector<128x1024xf32>
    %jit3A_506 = arith.constant 1073741824 : i32
    %broadcast_in_dim3A_507 = vector.broadcast %jit3A_506 : i32 to vector<128x1024xi32>
    %select_n3A_508 = arith.select %eq3A_505, %iota3A, %broadcast_in_dim3A_507 : vector<128x1024xi1>, vector<128x1024xi32>
    %reduce_min3A_509 = arith.constant dense<2147483647> : vector<128xi32>
    %reduce_min3A_510 = vector.multi_reduction <minsi>, %select_n3A_508, %reduce_min3A_509 [1] : vector<128x1024xi32> to vector<128xi32>
    %broadcast_in_dim3A_511 = vector.shape_cast %reduce_min3A_510 : vector<128xi32> to vector<128x1xi32>
    %eq3A_512 = vector.broadcast %broadcast_in_dim3A_511 : vector<128x1xi32> to vector<128x1024xi32>
    %eq3A_513 = arith.cmpi eq, %iota3A, %eq3A_512 : vector<128x1024xi32>
    %jit3A_514 = arith.constant 0x7F800000 : f32
    %broadcast_in_dim3A_515 = vector.broadcast %jit3A_514 : f32 to vector<128x1024xf32>
    %select_n3A_516 = arith.select %eq3A_513, %broadcast_in_dim3A_515, %select_n3A_494 : vector<128x1024xi1>, vector<128x1024xf32>
    %add3A_517 = arith.constant 1024 : i32
    %add3A_518 = vector.broadcast %add3A_517 : i32 to vector<128x1xi32>
    %add3A_519 = arith.addi %broadcast_in_dim3A_511, %add3A_518 : vector<128x1xi32>
    %swap3A_520 = arith.constant 0 : index
    %swap3A_521 = arith.constant 22 : index
    %swap3A_522 = vector.load %arg3[%swap3A_520, %swap3A_521] : memref<128x32xi32, #tpu.memory_space<vmem>>, vector<128x1xi32>
    tpu.vector_store %arg3[%swap3A_520, %swap3A_521], %add3A_519 {strides = array<i32>} : memref<128x32xi32, #tpu.memory_space<vmem>>, vector<128x1xi32>,
    %reduce_min3A_523 = arith.constant dense<0x7F800000> : vector<128xf32>
    %reduce_min3A_524 = vector.multi_reduction <minimumf>, %select_n3A_516, %reduce_min3A_523 [1] : vector<128x1024xf32> to vector<128xf32>
    %broadcast_in_dim3A_525 = vector.shape_cast %reduce_min3A_524 : vector<128xf32> to vector<128x1xf32>
    %eq3A_526 = vector.broadcast %broadcast_in_dim3A_525 : vector<128x1xf32> to vector<128x1024xf32>
    %eq3A_527 = arith.cmpf oeq, %select_n3A_516, %eq3A_526 : vector<128x1024xf32>
    %jit3A_528 = arith.constant 1073741824 : i32
    %broadcast_in_dim3A_529 = vector.broadcast %jit3A_528 : i32 to vector<128x1024xi32>
    %select_n3A_530 = arith.select %eq3A_527, %iota3A, %broadcast_in_dim3A_529 : vector<128x1024xi1>, vector<128x1024xi32>
    %reduce_min3A_531 = arith.constant dense<2147483647> : vector<128xi32>
    %reduce_min3A_532 = vector.multi_reduction <minsi>, %select_n3A_530, %reduce_min3A_531 [1] : vector<128x1024xi32> to vector<128xi32>
    %broadcast_in_dim3A_533 = vector.shape_cast %reduce_min3A_532 : vector<128xi32> to vector<128x1xi32>
    %eq3A_534 = vector.broadcast %broadcast_in_dim3A_533 : vector<128x1xi32> to vector<128x1024xi32>
    %eq3A_535 = arith.cmpi eq, %iota3A, %eq3A_534 : vector<128x1024xi32>
    %jit3A_536 = arith.constant 0x7F800000 : f32
    %broadcast_in_dim3A_537 = vector.broadcast %jit3A_536 : f32 to vector<128x1024xf32>
    %select_n3A_538 = arith.select %eq3A_535, %broadcast_in_dim3A_537, %select_n3A_516 : vector<128x1024xi1>, vector<128x1024xf32>
    %add3A_539 = arith.constant 1024 : i32
    %add3A_540 = vector.broadcast %add3A_539 : i32 to vector<128x1xi32>
    %add3A_541 = arith.addi %broadcast_in_dim3A_533, %add3A_540 : vector<128x1xi32>
    %swap3A_542 = arith.constant 0 : index
    %swap3A_543 = arith.constant 23 : index
    %swap3A_544 = vector.load %arg3[%swap3A_542, %swap3A_543] : memref<128x32xi32, #tpu.memory_space<vmem>>, vector<128x1xi32>
    tpu.vector_store %arg3[%swap3A_542, %swap3A_543], %add3A_541 {strides = array<i32>} : memref<128x32xi32, #tpu.memory_space<vmem>>, vector<128x1xi32>,
    %reduce_min3A_545 = arith.constant dense<0x7F800000> : vector<128xf32>
    %reduce_min3A_546 = vector.multi_reduction <minimumf>, %select_n3A_538, %reduce_min3A_545 [1] : vector<128x1024xf32> to vector<128xf32>
    %broadcast_in_dim3A_547 = vector.shape_cast %reduce_min3A_546 : vector<128xf32> to vector<128x1xf32>
    %eq3A_548 = vector.broadcast %broadcast_in_dim3A_547 : vector<128x1xf32> to vector<128x1024xf32>
    %eq3A_549 = arith.cmpf oeq, %select_n3A_538, %eq3A_548 : vector<128x1024xf32>
    %jit3A_550 = arith.constant 1073741824 : i32
    %broadcast_in_dim3A_551 = vector.broadcast %jit3A_550 : i32 to vector<128x1024xi32>
    %select_n3A_552 = arith.select %eq3A_549, %iota3A, %broadcast_in_dim3A_551 : vector<128x1024xi1>, vector<128x1024xi32>
    %reduce_min3A_553 = arith.constant dense<2147483647> : vector<128xi32>
    %reduce_min3A_554 = vector.multi_reduction <minsi>, %select_n3A_552, %reduce_min3A_553 [1] : vector<128x1024xi32> to vector<128xi32>
    %broadcast_in_dim3A_555 = vector.shape_cast %reduce_min3A_554 : vector<128xi32> to vector<128x1xi32>
    %eq3A_556 = vector.broadcast %broadcast_in_dim3A_555 : vector<128x1xi32> to vector<128x1024xi32>
    %eq3A_557 = arith.cmpi eq, %iota3A, %eq3A_556 : vector<128x1024xi32>
    %jit3A_558 = arith.constant 0x7F800000 : f32
    %broadcast_in_dim3A_559 = vector.broadcast %jit3A_558 : f32 to vector<128x1024xf32>
    %select_n3A_560 = arith.select %eq3A_557, %broadcast_in_dim3A_559, %select_n3A_538 : vector<128x1024xi1>, vector<128x1024xf32>
    %add3A_561 = arith.constant 1024 : i32
    %add3A_562 = vector.broadcast %add3A_561 : i32 to vector<128x1xi32>
    %add3A_563 = arith.addi %broadcast_in_dim3A_555, %add3A_562 : vector<128x1xi32>
    %swap3A_564 = arith.constant 0 : index
    %swap3A_565 = arith.constant 24 : index
    %swap3A_566 = vector.load %arg3[%swap3A_564, %swap3A_565] : memref<128x32xi32, #tpu.memory_space<vmem>>, vector<128x1xi32>
    tpu.vector_store %arg3[%swap3A_564, %swap3A_565], %add3A_563 {strides = array<i32>} : memref<128x32xi32, #tpu.memory_space<vmem>>, vector<128x1xi32>,
    %reduce_min3A_567 = arith.constant dense<0x7F800000> : vector<128xf32>
    %reduce_min3A_568 = vector.multi_reduction <minimumf>, %select_n3A_560, %reduce_min3A_567 [1] : vector<128x1024xf32> to vector<128xf32>
    %broadcast_in_dim3A_569 = vector.shape_cast %reduce_min3A_568 : vector<128xf32> to vector<128x1xf32>
    %eq3A_570 = vector.broadcast %broadcast_in_dim3A_569 : vector<128x1xf32> to vector<128x1024xf32>
    %eq3A_571 = arith.cmpf oeq, %select_n3A_560, %eq3A_570 : vector<128x1024xf32>
    %jit3A_572 = arith.constant 1073741824 : i32
    %broadcast_in_dim3A_573 = vector.broadcast %jit3A_572 : i32 to vector<128x1024xi32>
    %select_n3A_574 = arith.select %eq3A_571, %iota3A, %broadcast_in_dim3A_573 : vector<128x1024xi1>, vector<128x1024xi32>
    %reduce_min3A_575 = arith.constant dense<2147483647> : vector<128xi32>
    %reduce_min3A_576 = vector.multi_reduction <minsi>, %select_n3A_574, %reduce_min3A_575 [1] : vector<128x1024xi32> to vector<128xi32>
    %broadcast_in_dim3A_577 = vector.shape_cast %reduce_min3A_576 : vector<128xi32> to vector<128x1xi32>
    %eq3A_578 = vector.broadcast %broadcast_in_dim3A_577 : vector<128x1xi32> to vector<128x1024xi32>
    %eq3A_579 = arith.cmpi eq, %iota3A, %eq3A_578 : vector<128x1024xi32>
    %jit3A_580 = arith.constant 0x7F800000 : f32
    %broadcast_in_dim3A_581 = vector.broadcast %jit3A_580 : f32 to vector<128x1024xf32>
    %select_n3A_582 = arith.select %eq3A_579, %broadcast_in_dim3A_581, %select_n3A_560 : vector<128x1024xi1>, vector<128x1024xf32>
    %add3A_583 = arith.constant 1024 : i32
    %add3A_584 = vector.broadcast %add3A_583 : i32 to vector<128x1xi32>
    %add3A_585 = arith.addi %broadcast_in_dim3A_577, %add3A_584 : vector<128x1xi32>
    %swap3A_586 = arith.constant 0 : index
    %swap3A_587 = arith.constant 25 : index
    %swap3A_588 = vector.load %arg3[%swap3A_586, %swap3A_587] : memref<128x32xi32, #tpu.memory_space<vmem>>, vector<128x1xi32>
    tpu.vector_store %arg3[%swap3A_586, %swap3A_587], %add3A_585 {strides = array<i32>} : memref<128x32xi32, #tpu.memory_space<vmem>>, vector<128x1xi32>,
    %reduce_min3A_589 = arith.constant dense<0x7F800000> : vector<128xf32>
    %reduce_min3A_590 = vector.multi_reduction <minimumf>, %select_n3A_582, %reduce_min3A_589 [1] : vector<128x1024xf32> to vector<128xf32>
    %broadcast_in_dim3A_591 = vector.shape_cast %reduce_min3A_590 : vector<128xf32> to vector<128x1xf32>
    %eq3A_592 = vector.broadcast %broadcast_in_dim3A_591 : vector<128x1xf32> to vector<128x1024xf32>
    %eq3A_593 = arith.cmpf oeq, %select_n3A_582, %eq3A_592 : vector<128x1024xf32>
    %jit3A_594 = arith.constant 1073741824 : i32
    %broadcast_in_dim3A_595 = vector.broadcast %jit3A_594 : i32 to vector<128x1024xi32>
    %select_n3A_596 = arith.select %eq3A_593, %iota3A, %broadcast_in_dim3A_595 : vector<128x1024xi1>, vector<128x1024xi32>
    %reduce_min3A_597 = arith.constant dense<2147483647> : vector<128xi32>
    %reduce_min3A_598 = vector.multi_reduction <minsi>, %select_n3A_596, %reduce_min3A_597 [1] : vector<128x1024xi32> to vector<128xi32>
    %broadcast_in_dim3A_599 = vector.shape_cast %reduce_min3A_598 : vector<128xi32> to vector<128x1xi32>
    %eq3A_600 = vector.broadcast %broadcast_in_dim3A_599 : vector<128x1xi32> to vector<128x1024xi32>
    %eq3A_601 = arith.cmpi eq, %iota3A, %eq3A_600 : vector<128x1024xi32>
    %jit3A_602 = arith.constant 0x7F800000 : f32
    %broadcast_in_dim3A_603 = vector.broadcast %jit3A_602 : f32 to vector<128x1024xf32>
    %select_n3A_604 = arith.select %eq3A_601, %broadcast_in_dim3A_603, %select_n3A_582 : vector<128x1024xi1>, vector<128x1024xf32>
    %add3A_605 = arith.constant 1024 : i32
    %add3A_606 = vector.broadcast %add3A_605 : i32 to vector<128x1xi32>
    %add3A_607 = arith.addi %broadcast_in_dim3A_599, %add3A_606 : vector<128x1xi32>
    %swap3A_608 = arith.constant 0 : index
    %swap3A_609 = arith.constant 26 : index
    %swap3A_610 = vector.load %arg3[%swap3A_608, %swap3A_609] : memref<128x32xi32, #tpu.memory_space<vmem>>, vector<128x1xi32>
    tpu.vector_store %arg3[%swap3A_608, %swap3A_609], %add3A_607 {strides = array<i32>} : memref<128x32xi32, #tpu.memory_space<vmem>>, vector<128x1xi32>,
    %reduce_min3A_611 = arith.constant dense<0x7F800000> : vector<128xf32>
    %reduce_min3A_612 = vector.multi_reduction <minimumf>, %select_n3A_604, %reduce_min3A_611 [1] : vector<128x1024xf32> to vector<128xf32>
    %broadcast_in_dim3A_613 = vector.shape_cast %reduce_min3A_612 : vector<128xf32> to vector<128x1xf32>
    %eq3A_614 = vector.broadcast %broadcast_in_dim3A_613 : vector<128x1xf32> to vector<128x1024xf32>
    %eq3A_615 = arith.cmpf oeq, %select_n3A_604, %eq3A_614 : vector<128x1024xf32>
    %jit3A_616 = arith.constant 1073741824 : i32
    %broadcast_in_dim3A_617 = vector.broadcast %jit3A_616 : i32 to vector<128x1024xi32>
    %select_n3A_618 = arith.select %eq3A_615, %iota3A, %broadcast_in_dim3A_617 : vector<128x1024xi1>, vector<128x1024xi32>
    %reduce_min3A_619 = arith.constant dense<2147483647> : vector<128xi32>
    %reduce_min3A_620 = vector.multi_reduction <minsi>, %select_n3A_618, %reduce_min3A_619 [1] : vector<128x1024xi32> to vector<128xi32>
    %broadcast_in_dim3A_621 = vector.shape_cast %reduce_min3A_620 : vector<128xi32> to vector<128x1xi32>
    %eq3A_622 = vector.broadcast %broadcast_in_dim3A_621 : vector<128x1xi32> to vector<128x1024xi32>
    %eq3A_623 = arith.cmpi eq, %iota3A, %eq3A_622 : vector<128x1024xi32>
    %jit3A_624 = arith.constant 0x7F800000 : f32
    %broadcast_in_dim3A_625 = vector.broadcast %jit3A_624 : f32 to vector<128x1024xf32>
    %select_n3A_626 = arith.select %eq3A_623, %broadcast_in_dim3A_625, %select_n3A_604 : vector<128x1024xi1>, vector<128x1024xf32>
    %add3A_627 = arith.constant 1024 : i32
    %add3A_628 = vector.broadcast %add3A_627 : i32 to vector<128x1xi32>
    %add3A_629 = arith.addi %broadcast_in_dim3A_621, %add3A_628 : vector<128x1xi32>
    %swap3A_630 = arith.constant 0 : index
    %swap3A_631 = arith.constant 27 : index
    %swap3A_632 = vector.load %arg3[%swap3A_630, %swap3A_631] : memref<128x32xi32, #tpu.memory_space<vmem>>, vector<128x1xi32>
    tpu.vector_store %arg3[%swap3A_630, %swap3A_631], %add3A_629 {strides = array<i32>} : memref<128x32xi32, #tpu.memory_space<vmem>>, vector<128x1xi32>,
    %reduce_min3A_633 = arith.constant dense<0x7F800000> : vector<128xf32>
    %reduce_min3A_634 = vector.multi_reduction <minimumf>, %select_n3A_626, %reduce_min3A_633 [1] : vector<128x1024xf32> to vector<128xf32>
    %broadcast_in_dim3A_635 = vector.shape_cast %reduce_min3A_634 : vector<128xf32> to vector<128x1xf32>
    %eq3A_636 = vector.broadcast %broadcast_in_dim3A_635 : vector<128x1xf32> to vector<128x1024xf32>
    %eq3A_637 = arith.cmpf oeq, %select_n3A_626, %eq3A_636 : vector<128x1024xf32>
    %jit3A_638 = arith.constant 1073741824 : i32
    %broadcast_in_dim3A_639 = vector.broadcast %jit3A_638 : i32 to vector<128x1024xi32>
    %select_n3A_640 = arith.select %eq3A_637, %iota3A, %broadcast_in_dim3A_639 : vector<128x1024xi1>, vector<128x1024xi32>
    %reduce_min3A_641 = arith.constant dense<2147483647> : vector<128xi32>
    %reduce_min3A_642 = vector.multi_reduction <minsi>, %select_n3A_640, %reduce_min3A_641 [1] : vector<128x1024xi32> to vector<128xi32>
    %broadcast_in_dim3A_643 = vector.shape_cast %reduce_min3A_642 : vector<128xi32> to vector<128x1xi32>
    %eq3A_644 = vector.broadcast %broadcast_in_dim3A_643 : vector<128x1xi32> to vector<128x1024xi32>
    %eq3A_645 = arith.cmpi eq, %iota3A, %eq3A_644 : vector<128x1024xi32>
    %jit3A_646 = arith.constant 0x7F800000 : f32
    %broadcast_in_dim3A_647 = vector.broadcast %jit3A_646 : f32 to vector<128x1024xf32>
    %select_n3A_648 = arith.select %eq3A_645, %broadcast_in_dim3A_647, %select_n3A_626 : vector<128x1024xi1>, vector<128x1024xf32>
    %add3A_649 = arith.constant 1024 : i32
    %add3A_650 = vector.broadcast %add3A_649 : i32 to vector<128x1xi32>
    %add3A_651 = arith.addi %broadcast_in_dim3A_643, %add3A_650 : vector<128x1xi32>
    %swap3A_652 = arith.constant 0 : index
    %swap3A_653 = arith.constant 28 : index
    %swap3A_654 = vector.load %arg3[%swap3A_652, %swap3A_653] : memref<128x32xi32, #tpu.memory_space<vmem>>, vector<128x1xi32>
    tpu.vector_store %arg3[%swap3A_652, %swap3A_653], %add3A_651 {strides = array<i32>} : memref<128x32xi32, #tpu.memory_space<vmem>>, vector<128x1xi32>,
    %reduce_min3A_655 = arith.constant dense<0x7F800000> : vector<128xf32>
    %reduce_min3A_656 = vector.multi_reduction <minimumf>, %select_n3A_648, %reduce_min3A_655 [1] : vector<128x1024xf32> to vector<128xf32>
    %broadcast_in_dim3A_657 = vector.shape_cast %reduce_min3A_656 : vector<128xf32> to vector<128x1xf32>
    %eq3A_658 = vector.broadcast %broadcast_in_dim3A_657 : vector<128x1xf32> to vector<128x1024xf32>
    %eq3A_659 = arith.cmpf oeq, %select_n3A_648, %eq3A_658 : vector<128x1024xf32>
    %jit3A_660 = arith.constant 1073741824 : i32
    %broadcast_in_dim3A_661 = vector.broadcast %jit3A_660 : i32 to vector<128x1024xi32>
    %select_n3A_662 = arith.select %eq3A_659, %iota3A, %broadcast_in_dim3A_661 : vector<128x1024xi1>, vector<128x1024xi32>
    %reduce_min3A_663 = arith.constant dense<2147483647> : vector<128xi32>
    %reduce_min3A_664 = vector.multi_reduction <minsi>, %select_n3A_662, %reduce_min3A_663 [1] : vector<128x1024xi32> to vector<128xi32>
    %broadcast_in_dim3A_665 = vector.shape_cast %reduce_min3A_664 : vector<128xi32> to vector<128x1xi32>
    %eq3A_666 = vector.broadcast %broadcast_in_dim3A_665 : vector<128x1xi32> to vector<128x1024xi32>
    %eq3A_667 = arith.cmpi eq, %iota3A, %eq3A_666 : vector<128x1024xi32>
    %jit3A_668 = arith.constant 0x7F800000 : f32
    %broadcast_in_dim3A_669 = vector.broadcast %jit3A_668 : f32 to vector<128x1024xf32>
    %select_n3A_670 = arith.select %eq3A_667, %broadcast_in_dim3A_669, %select_n3A_648 : vector<128x1024xi1>, vector<128x1024xf32>
    %add3A_671 = arith.constant 1024 : i32
    %add3A_672 = vector.broadcast %add3A_671 : i32 to vector<128x1xi32>
    %add3A_673 = arith.addi %broadcast_in_dim3A_665, %add3A_672 : vector<128x1xi32>
    %swap3A_674 = arith.constant 0 : index
    %swap3A_675 = arith.constant 29 : index
    %swap3A_676 = vector.load %arg3[%swap3A_674, %swap3A_675] : memref<128x32xi32, #tpu.memory_space<vmem>>, vector<128x1xi32>
    tpu.vector_store %arg3[%swap3A_674, %swap3A_675], %add3A_673 {strides = array<i32>} : memref<128x32xi32, #tpu.memory_space<vmem>>, vector<128x1xi32>,
    %reduce_min3A_677 = arith.constant dense<0x7F800000> : vector<128xf32>
    %reduce_min3A_678 = vector.multi_reduction <minimumf>, %select_n3A_670, %reduce_min3A_677 [1] : vector<128x1024xf32> to vector<128xf32>
    %broadcast_in_dim3A_679 = vector.shape_cast %reduce_min3A_678 : vector<128xf32> to vector<128x1xf32>
    %eq3A_680 = vector.broadcast %broadcast_in_dim3A_679 : vector<128x1xf32> to vector<128x1024xf32>
    %eq3A_681 = arith.cmpf oeq, %select_n3A_670, %eq3A_680 : vector<128x1024xf32>
    %jit3A_682 = arith.constant 1073741824 : i32
    %broadcast_in_dim3A_683 = vector.broadcast %jit3A_682 : i32 to vector<128x1024xi32>
    %select_n3A_684 = arith.select %eq3A_681, %iota3A, %broadcast_in_dim3A_683 : vector<128x1024xi1>, vector<128x1024xi32>
    %reduce_min3A_685 = arith.constant dense<2147483647> : vector<128xi32>
    %reduce_min3A_686 = vector.multi_reduction <minsi>, %select_n3A_684, %reduce_min3A_685 [1] : vector<128x1024xi32> to vector<128xi32>
    %broadcast_in_dim3A_687 = vector.shape_cast %reduce_min3A_686 : vector<128xi32> to vector<128x1xi32>
    %eq3A_688 = vector.broadcast %broadcast_in_dim3A_687 : vector<128x1xi32> to vector<128x1024xi32>
    %eq3A_689 = arith.cmpi eq, %iota3A, %eq3A_688 : vector<128x1024xi32>
    %jit3A_690 = arith.constant 0x7F800000 : f32
    %broadcast_in_dim3A_691 = vector.broadcast %jit3A_690 : f32 to vector<128x1024xf32>
    %select_n3A_692 = arith.select %eq3A_689, %broadcast_in_dim3A_691, %select_n3A_670 : vector<128x1024xi1>, vector<128x1024xf32>
    %add3A_693 = arith.constant 1024 : i32
    %add3A_694 = vector.broadcast %add3A_693 : i32 to vector<128x1xi32>
    %add3A_695 = arith.addi %broadcast_in_dim3A_687, %add3A_694 : vector<128x1xi32>
    %swap3A_696 = arith.constant 0 : index
    %swap3A_697 = arith.constant 30 : index
    %swap3A_698 = vector.load %arg3[%swap3A_696, %swap3A_697] : memref<128x32xi32, #tpu.memory_space<vmem>>, vector<128x1xi32>
    tpu.vector_store %arg3[%swap3A_696, %swap3A_697], %add3A_695 {strides = array<i32>} : memref<128x32xi32, #tpu.memory_space<vmem>>, vector<128x1xi32>,
    %reduce_min3A_699 = arith.constant dense<0x7F800000> : vector<128xf32>
    %reduce_min3A_700 = vector.multi_reduction <minimumf>, %select_n3A_692, %reduce_min3A_699 [1] : vector<128x1024xf32> to vector<128xf32>
    %broadcast_in_dim3A_701 = vector.shape_cast %reduce_min3A_700 : vector<128xf32> to vector<128x1xf32>
    %eq3A_702 = vector.broadcast %broadcast_in_dim3A_701 : vector<128x1xf32> to vector<128x1024xf32>
    %eq3A_703 = arith.cmpf oeq, %select_n3A_692, %eq3A_702 : vector<128x1024xf32>
    %jit3A_704 = arith.constant 1073741824 : i32
    %broadcast_in_dim3A_705 = vector.broadcast %jit3A_704 : i32 to vector<128x1024xi32>
    %select_n3A_706 = arith.select %eq3A_703, %iota3A, %broadcast_in_dim3A_705 : vector<128x1024xi1>, vector<128x1024xi32>
    %reduce_min3A_707 = arith.constant dense<2147483647> : vector<128xi32>
    %reduce_min3A_708 = vector.multi_reduction <minsi>, %select_n3A_706, %reduce_min3A_707 [1] : vector<128x1024xi32> to vector<128xi32>
    %broadcast_in_dim3A_709 = vector.shape_cast %reduce_min3A_708 : vector<128xi32> to vector<128x1xi32>
    %add3A_710 = arith.constant 1024 : i32
    %add3A_711 = vector.broadcast %add3A_710 : i32 to vector<128x1xi32>
    %add3A_712 = arith.addi %broadcast_in_dim3A_709, %add3A_711 : vector<128x1xi32>
    %swap3A_713 = arith.constant 0 : index
    %swap3A_714 = arith.constant 31 : index
    %swap3A_715 = vector.load %arg3[%swap3A_713, %swap3A_714] : memref<128x32xi32, #tpu.memory_space<vmem>>, vector<128x1xi32>
    tpu.vector_store %arg3[%swap3A_713, %swap3A_714], %add3A_712 {strides = array<i32>} : memref<128x32xi32, #tpu.memory_space<vmem>>, vector<128x1xi32>,
    return
  }
  func.func @transform_0(%arg0: i32) -> (i32, i32) {
    %c0_i32 = arith.constant 0 : i32
    %c0_i32_0 = arith.constant 0 : i32
    return %arg0, %c0_i32 : i32, i32
  }
  func.func @transform_1(%arg0: i32) -> (i32, i32, i32) {
    %c0_i32 = arith.constant 0 : i32
    %c0_i32_0 = arith.constant 0 : i32
    %c0_i32_1 = arith.constant 0 : i32
    %c0_i32_2 = arith.constant 0 : i32
    return %c0_i32, %c0_i32_0, %c0_i32_1 : i32, i32, i32
  }
  func.func @transform_2(%arg0: i32) -> (i32, i32) {
    %c0_i32 = arith.constant 0 : i32
    %c0_i32_0 = arith.constant 0 : i32
    return %arg0, %c0_i32 : i32, i32
  }
}

module attributes {stable_mosaic.version = 14 : i64} {
  func.func @_a2_body(%arg0: i32, %arg1: memref<128x128xf32, #tpu.memory_space<vmem>>, %arg2: memref<1x8x1024xf32, #tpu.memory_space<vmem>>, %arg3: memref<128x32xi32, #tpu.memory_space<vmem>>) attributes {dimension_semantics = [#tpu.dimension_semantics<arbitrary>], iteration_bounds = array<i64: 4>, scalar_prefetch = 0 : i64, scratch_operands = 0 : i64, tpu.core_type = #tpu.core_type<tc>, window_params = [{transform_indices = @transform_0, window_bounds = array<i64: 128, 128>}, {pipeline_mode = #tpu.pipeline_mode<synchronous>, transform_indices = @transform_1, window_bounds = array<i64: 1, 8, 1024>}, {transform_indices = @transform_2, window_bounds = array<i64: 128, 32>}]} {
    %get3A = arith.constant 0 : index
    %get3A_0 = arith.constant 0 : index
    %get3A_1 = vector.load %arg1[%get3A, %get3A_0] : memref<128x128xf32, #tpu.memory_space<vmem>>, vector<128x128xf32>
    %get3A_2 = arith.constant 0 : index
    %get3A_3 = arith.constant 0 : index
    %get3A_4 = arith.constant 0 : index
    %get3A_5 = vector.load %arg2[%get3A_2, %get3A_3, %get3A_4] : memref<1x8x1024xf32, #tpu.memory_space<vmem>>, vector<1x8x1024xf32>
    %get3A_6 = vector.shape_cast %get3A_5 : vector<1x8x1024xf32> to vector<8x1024xf32>
    %slice3A = vector.extract_strided_slice %get3A_1 {offsets = [0, 0], sizes = [128, 1], strides = [1, 1]} : vector<128x128xf32> to vector<128x1xf32>
    %slice3A_7 = vector.extract_strided_slice %get3A_6 {offsets = [0, 0], sizes = [1, 1024], strides = [1, 1]} : vector<8x1024xf32> to vector<1x1024xf32>
    %sub3A = vector.broadcast %slice3A : vector<128x1xf32> to vector<128x1024xf32>
    %sub3A_8 = vector.broadcast %slice3A_7 : vector<1x1024xf32> to vector<128x1024xf32>
    %sub3A_9 = arith.subf %sub3A, %sub3A_8 : vector<128x1024xf32>
    %slice3A_10 = vector.extract_strided_slice %get3A_1 {offsets = [0, 1], sizes = [128, 1], strides = [1, 1]} : vector<128x128xf32> to vector<128x1xf32>
    %slice3A_11 = vector.extract_strided_slice %get3A_6 {offsets = [1, 0], sizes = [1, 1024], strides = [1, 1]} : vector<8x1024xf32> to vector<1x1024xf32>
    %sub3A_12 = vector.broadcast %slice3A_10 : vector<128x1xf32> to vector<128x1024xf32>
    %sub3A_13 = vector.broadcast %slice3A_11 : vector<1x1024xf32> to vector<128x1024xf32>
    %sub3A_14 = arith.subf %sub3A_12, %sub3A_13 : vector<128x1024xf32>
    %slice3A_15 = vector.extract_strided_slice %get3A_1 {offsets = [0, 2], sizes = [128, 1], strides = [1, 1]} : vector<128x128xf32> to vector<128x1xf32>
    %slice3A_16 = vector.extract_strided_slice %get3A_6 {offsets = [2, 0], sizes = [1, 1024], strides = [1, 1]} : vector<8x1024xf32> to vector<1x1024xf32>
    %sub3A_17 = vector.broadcast %slice3A_15 : vector<128x1xf32> to vector<128x1024xf32>
    %sub3A_18 = vector.broadcast %slice3A_16 : vector<1x1024xf32> to vector<128x1024xf32>
    %sub3A_19 = arith.subf %sub3A_17, %sub3A_18 : vector<128x1024xf32>
    %mul3A = arith.mulf %sub3A_9, %sub3A_9 : vector<128x1024xf32>
    %mul3A_20 = arith.mulf %sub3A_14, %sub3A_14 : vector<128x1024xf32>
    %add3A = arith.addf %mul3A, %mul3A_20 : vector<128x1024xf32>
    %mul3A_21 = arith.mulf %sub3A_19, %sub3A_19 : vector<128x1024xf32>
    %add3A_22 = arith.addf %add3A, %mul3A_21 : vector<128x1024xf32>
    %iota3A = tpu.iota {dimensions = array<i32: 1>} : vector<128x1024xi32>
    %reduce_min3A = arith.constant dense<0x7F800000> : vector<128xf32>
    %reduce_min3A_23 = vector.multi_reduction <minimumf>, %add3A_22, %reduce_min3A [1] : vector<128x1024xf32> to vector<128xf32>
    %broadcast_in_dim3A = vector.shape_cast %reduce_min3A_23 : vector<128xf32> to vector<128x1xf32>
    %eq3A = vector.broadcast %broadcast_in_dim3A : vector<128x1xf32> to vector<128x1024xf32>
    %eq3A_24 = arith.cmpf oeq, %add3A_22, %eq3A : vector<128x1024xf32>
    %jit3A = arith.constant 1073741824 : i32
    %broadcast_in_dim3A_25 = vector.broadcast %jit3A : i32 to vector<128x1024xi32>
    %select_n3A = arith.select %eq3A_24, %iota3A, %broadcast_in_dim3A_25 : vector<128x1024xi1>, vector<128x1024xi32>
    %reduce_min3A_26 = arith.constant dense<2147483647> : vector<128xi32>
    %reduce_min3A_27 = vector.multi_reduction <minsi>, %select_n3A, %reduce_min3A_26 [1] : vector<128x1024xi32> to vector<128xi32>
    %broadcast_in_dim3A_28 = vector.shape_cast %reduce_min3A_27 : vector<128xi32> to vector<128x1xi32>
    %eq3A_29 = vector.broadcast %broadcast_in_dim3A_28 : vector<128x1xi32> to vector<128x1024xi32>
    %eq3A_30 = arith.cmpi eq, %iota3A, %eq3A_29 : vector<128x1024xi32>
    %jit3A_31 = arith.constant 0x7F800000 : f32
    %broadcast_in_dim3A_32 = vector.broadcast %jit3A_31 : f32 to vector<128x1024xf32>
    %select_n3A_33 = arith.select %eq3A_30, %broadcast_in_dim3A_32, %add3A_22 : vector<128x1024xi1>, vector<128x1024xf32>
    %add3A_34 = arith.constant 0 : i32
    %add3A_35 = vector.broadcast %add3A_34 : i32 to vector<128x1xi32>
    %add3A_36 = arith.addi %broadcast_in_dim3A_28, %add3A_35 : vector<128x1xi32>
    %swap3A = arith.constant 0 : index
    %swap3A_37 = arith.constant 0 : index
    %swap3A_38 = vector.load %arg3[%swap3A, %swap3A_37] : memref<128x32xi32, #tpu.memory_space<vmem>>, vector<128x1xi32>
    tpu.vector_store %arg3[%swap3A, %swap3A_37], %add3A_36 {strides = array<i32>} : memref<128x32xi32, #tpu.memory_space<vmem>>, vector<128x1xi32>,
    %reduce_min3A_39 = arith.constant dense<0x7F800000> : vector<128xf32>
    %reduce_min3A_40 = vector.multi_reduction <minimumf>, %select_n3A_33, %reduce_min3A_39 [1] : vector<128x1024xf32> to vector<128xf32>
    %broadcast_in_dim3A_41 = vector.shape_cast %reduce_min3A_40 : vector<128xf32> to vector<128x1xf32>
    %eq3A_42 = vector.broadcast %broadcast_in_dim3A_41 : vector<128x1xf32> to vector<128x1024xf32>
    %eq3A_43 = arith.cmpf oeq, %select_n3A_33, %eq3A_42 : vector<128x1024xf32>
    %jit3A_44 = arith.constant 1073741824 : i32
    %broadcast_in_dim3A_45 = vector.broadcast %jit3A_44 : i32 to vector<128x1024xi32>
    %select_n3A_46 = arith.select %eq3A_43, %iota3A, %broadcast_in_dim3A_45 : vector<128x1024xi1>, vector<128x1024xi32>
    %reduce_min3A_47 = arith.constant dense<2147483647> : vector<128xi32>
    %reduce_min3A_48 = vector.multi_reduction <minsi>, %select_n3A_46, %reduce_min3A_47 [1] : vector<128x1024xi32> to vector<128xi32>
    %broadcast_in_dim3A_49 = vector.shape_cast %reduce_min3A_48 : vector<128xi32> to vector<128x1xi32>
    %eq3A_50 = vector.broadcast %broadcast_in_dim3A_49 : vector<128x1xi32> to vector<128x1024xi32>
    %eq3A_51 = arith.cmpi eq, %iota3A, %eq3A_50 : vector<128x1024xi32>
    %jit3A_52 = arith.constant 0x7F800000 : f32
    %broadcast_in_dim3A_53 = vector.broadcast %jit3A_52 : f32 to vector<128x1024xf32>
    %select_n3A_54 = arith.select %eq3A_51, %broadcast_in_dim3A_53, %select_n3A_33 : vector<128x1024xi1>, vector<128x1024xf32>
    %add3A_55 = arith.constant 0 : i32
    %add3A_56 = vector.broadcast %add3A_55 : i32 to vector<128x1xi32>
    %add3A_57 = arith.addi %broadcast_in_dim3A_49, %add3A_56 : vector<128x1xi32>
    %swap3A_58 = arith.constant 0 : index
    %swap3A_59 = arith.constant 1 : index
    %swap3A_60 = vector.load %arg3[%swap3A_58, %swap3A_59] : memref<128x32xi32, #tpu.memory_space<vmem>>, vector<128x1xi32>
    tpu.vector_store %arg3[%swap3A_58, %swap3A_59], %add3A_57 {strides = array<i32>} : memref<128x32xi32, #tpu.memory_space<vmem>>, vector<128x1xi32>,
    %reduce_min3A_61 = arith.constant dense<0x7F800000> : vector<128xf32>
    %reduce_min3A_62 = vector.multi_reduction <minimumf>, %select_n3A_54, %reduce_min3A_61 [1] : vector<128x1024xf32> to vector<128xf32>
    %broadcast_in_dim3A_63 = vector.shape_cast %reduce_min3A_62 : vector<128xf32> to vector<128x1xf32>
    %eq3A_64 = vector.broadcast %broadcast_in_dim3A_63 : vector<128x1xf32> to vector<128x1024xf32>
    %eq3A_65 = arith.cmpf oeq, %select_n3A_54, %eq3A_64 : vector<128x1024xf32>
    %jit3A_66 = arith.constant 1073741824 : i32
    %broadcast_in_dim3A_67 = vector.broadcast %jit3A_66 : i32 to vector<128x1024xi32>
    %select_n3A_68 = arith.select %eq3A_65, %iota3A, %broadcast_in_dim3A_67 : vector<128x1024xi1>, vector<128x1024xi32>
    %reduce_min3A_69 = arith.constant dense<2147483647> : vector<128xi32>
    %reduce_min3A_70 = vector.multi_reduction <minsi>, %select_n3A_68, %reduce_min3A_69 [1] : vector<128x1024xi32> to vector<128xi32>
    %broadcast_in_dim3A_71 = vector.shape_cast %reduce_min3A_70 : vector<128xi32> to vector<128x1xi32>
    %eq3A_72 = vector.broadcast %broadcast_in_dim3A_71 : vector<128x1xi32> to vector<128x1024xi32>
    %eq3A_73 = arith.cmpi eq, %iota3A, %eq3A_72 : vector<128x1024xi32>
    %jit3A_74 = arith.constant 0x7F800000 : f32
    %broadcast_in_dim3A_75 = vector.broadcast %jit3A_74 : f32 to vector<128x1024xf32>
    %select_n3A_76 = arith.select %eq3A_73, %broadcast_in_dim3A_75, %select_n3A_54 : vector<128x1024xi1>, vector<128x1024xf32>
    %add3A_77 = arith.constant 0 : i32
    %add3A_78 = vector.broadcast %add3A_77 : i32 to vector<128x1xi32>
    %add3A_79 = arith.addi %broadcast_in_dim3A_71, %add3A_78 : vector<128x1xi32>
    %swap3A_80 = arith.constant 0 : index
    %swap3A_81 = arith.constant 2 : index
    %swap3A_82 = vector.load %arg3[%swap3A_80, %swap3A_81] : memref<128x32xi32, #tpu.memory_space<vmem>>, vector<128x1xi32>
    tpu.vector_store %arg3[%swap3A_80, %swap3A_81], %add3A_79 {strides = array<i32>} : memref<128x32xi32, #tpu.memory_space<vmem>>, vector<128x1xi32>,
    %reduce_min3A_83 = arith.constant dense<0x7F800000> : vector<128xf32>
    %reduce_min3A_84 = vector.multi_reduction <minimumf>, %select_n3A_76, %reduce_min3A_83 [1] : vector<128x1024xf32> to vector<128xf32>
    %broadcast_in_dim3A_85 = vector.shape_cast %reduce_min3A_84 : vector<128xf32> to vector<128x1xf32>
    %eq3A_86 = vector.broadcast %broadcast_in_dim3A_85 : vector<128x1xf32> to vector<128x1024xf32>
    %eq3A_87 = arith.cmpf oeq, %select_n3A_76, %eq3A_86 : vector<128x1024xf32>
    %jit3A_88 = arith.constant 1073741824 : i32
    %broadcast_in_dim3A_89 = vector.broadcast %jit3A_88 : i32 to vector<128x1024xi32>
    %select_n3A_90 = arith.select %eq3A_87, %iota3A, %broadcast_in_dim3A_89 : vector<128x1024xi1>, vector<128x1024xi32>
    %reduce_min3A_91 = arith.constant dense<2147483647> : vector<128xi32>
    %reduce_min3A_92 = vector.multi_reduction <minsi>, %select_n3A_90, %reduce_min3A_91 [1] : vector<128x1024xi32> to vector<128xi32>
    %broadcast_in_dim3A_93 = vector.shape_cast %reduce_min3A_92 : vector<128xi32> to vector<128x1xi32>
    %eq3A_94 = vector.broadcast %broadcast_in_dim3A_93 : vector<128x1xi32> to vector<128x1024xi32>
    %eq3A_95 = arith.cmpi eq, %iota3A, %eq3A_94 : vector<128x1024xi32>
    %jit3A_96 = arith.constant 0x7F800000 : f32
    %broadcast_in_dim3A_97 = vector.broadcast %jit3A_96 : f32 to vector<128x1024xf32>
    %select_n3A_98 = arith.select %eq3A_95, %broadcast_in_dim3A_97, %select_n3A_76 : vector<128x1024xi1>, vector<128x1024xf32>
    %add3A_99 = arith.constant 0 : i32
    %add3A_100 = vector.broadcast %add3A_99 : i32 to vector<128x1xi32>
    %add3A_101 = arith.addi %broadcast_in_dim3A_93, %add3A_100 : vector<128x1xi32>
    %swap3A_102 = arith.constant 0 : index
    %swap3A_103 = arith.constant 3 : index
    %swap3A_104 = vector.load %arg3[%swap3A_102, %swap3A_103] : memref<128x32xi32, #tpu.memory_space<vmem>>, vector<128x1xi32>
    tpu.vector_store %arg3[%swap3A_102, %swap3A_103], %add3A_101 {strides = array<i32>} : memref<128x32xi32, #tpu.memory_space<vmem>>, vector<128x1xi32>,
    %reduce_min3A_105 = arith.constant dense<0x7F800000> : vector<128xf32>
    %reduce_min3A_106 = vector.multi_reduction <minimumf>, %select_n3A_98, %reduce_min3A_105 [1] : vector<128x1024xf32> to vector<128xf32>
    %broadcast_in_dim3A_107 = vector.shape_cast %reduce_min3A_106 : vector<128xf32> to vector<128x1xf32>
    %eq3A_108 = vector.broadcast %broadcast_in_dim3A_107 : vector<128x1xf32> to vector<128x1024xf32>
    %eq3A_109 = arith.cmpf oeq, %select_n3A_98, %eq3A_108 : vector<128x1024xf32>
    %jit3A_110 = arith.constant 1073741824 : i32
    %broadcast_in_dim3A_111 = vector.broadcast %jit3A_110 : i32 to vector<128x1024xi32>
    %select_n3A_112 = arith.select %eq3A_109, %iota3A, %broadcast_in_dim3A_111 : vector<128x1024xi1>, vector<128x1024xi32>
    %reduce_min3A_113 = arith.constant dense<2147483647> : vector<128xi32>
    %reduce_min3A_114 = vector.multi_reduction <minsi>, %select_n3A_112, %reduce_min3A_113 [1] : vector<128x1024xi32> to vector<128xi32>
    %broadcast_in_dim3A_115 = vector.shape_cast %reduce_min3A_114 : vector<128xi32> to vector<128x1xi32>
    %eq3A_116 = vector.broadcast %broadcast_in_dim3A_115 : vector<128x1xi32> to vector<128x1024xi32>
    %eq3A_117 = arith.cmpi eq, %iota3A, %eq3A_116 : vector<128x1024xi32>
    %jit3A_118 = arith.constant 0x7F800000 : f32
    %broadcast_in_dim3A_119 = vector.broadcast %jit3A_118 : f32 to vector<128x1024xf32>
    %select_n3A_120 = arith.select %eq3A_117, %broadcast_in_dim3A_119, %select_n3A_98 : vector<128x1024xi1>, vector<128x1024xf32>
    %add3A_121 = arith.constant 0 : i32
    %add3A_122 = vector.broadcast %add3A_121 : i32 to vector<128x1xi32>
    %add3A_123 = arith.addi %broadcast_in_dim3A_115, %add3A_122 : vector<128x1xi32>
    %swap3A_124 = arith.constant 0 : index
    %swap3A_125 = arith.constant 4 : index
    %swap3A_126 = vector.load %arg3[%swap3A_124, %swap3A_125] : memref<128x32xi32, #tpu.memory_space<vmem>>, vector<128x1xi32>
    tpu.vector_store %arg3[%swap3A_124, %swap3A_125], %add3A_123 {strides = array<i32>} : memref<128x32xi32, #tpu.memory_space<vmem>>, vector<128x1xi32>,
    %reduce_min3A_127 = arith.constant dense<0x7F800000> : vector<128xf32>
    %reduce_min3A_128 = vector.multi_reduction <minimumf>, %select_n3A_120, %reduce_min3A_127 [1] : vector<128x1024xf32> to vector<128xf32>
    %broadcast_in_dim3A_129 = vector.shape_cast %reduce_min3A_128 : vector<128xf32> to vector<128x1xf32>
    %eq3A_130 = vector.broadcast %broadcast_in_dim3A_129 : vector<128x1xf32> to vector<128x1024xf32>
    %eq3A_131 = arith.cmpf oeq, %select_n3A_120, %eq3A_130 : vector<128x1024xf32>
    %jit3A_132 = arith.constant 1073741824 : i32
    %broadcast_in_dim3A_133 = vector.broadcast %jit3A_132 : i32 to vector<128x1024xi32>
    %select_n3A_134 = arith.select %eq3A_131, %iota3A, %broadcast_in_dim3A_133 : vector<128x1024xi1>, vector<128x1024xi32>
    %reduce_min3A_135 = arith.constant dense<2147483647> : vector<128xi32>
    %reduce_min3A_136 = vector.multi_reduction <minsi>, %select_n3A_134, %reduce_min3A_135 [1] : vector<128x1024xi32> to vector<128xi32>
    %broadcast_in_dim3A_137 = vector.shape_cast %reduce_min3A_136 : vector<128xi32> to vector<128x1xi32>
    %eq3A_138 = vector.broadcast %broadcast_in_dim3A_137 : vector<128x1xi32> to vector<128x1024xi32>
    %eq3A_139 = arith.cmpi eq, %iota3A, %eq3A_138 : vector<128x1024xi32>
    %jit3A_140 = arith.constant 0x7F800000 : f32
    %broadcast_in_dim3A_141 = vector.broadcast %jit3A_140 : f32 to vector<128x1024xf32>
    %select_n3A_142 = arith.select %eq3A_139, %broadcast_in_dim3A_141, %select_n3A_120 : vector<128x1024xi1>, vector<128x1024xf32>
    %add3A_143 = arith.constant 0 : i32
    %add3A_144 = vector.broadcast %add3A_143 : i32 to vector<128x1xi32>
    %add3A_145 = arith.addi %broadcast_in_dim3A_137, %add3A_144 : vector<128x1xi32>
    %swap3A_146 = arith.constant 0 : index
    %swap3A_147 = arith.constant 5 : index
    %swap3A_148 = vector.load %arg3[%swap3A_146, %swap3A_147] : memref<128x32xi32, #tpu.memory_space<vmem>>, vector<128x1xi32>
    tpu.vector_store %arg3[%swap3A_146, %swap3A_147], %add3A_145 {strides = array<i32>} : memref<128x32xi32, #tpu.memory_space<vmem>>, vector<128x1xi32>,
    %reduce_min3A_149 = arith.constant dense<0x7F800000> : vector<128xf32>
    %reduce_min3A_150 = vector.multi_reduction <minimumf>, %select_n3A_142, %reduce_min3A_149 [1] : vector<128x1024xf32> to vector<128xf32>
    %broadcast_in_dim3A_151 = vector.shape_cast %reduce_min3A_150 : vector<128xf32> to vector<128x1xf32>
    %eq3A_152 = vector.broadcast %broadcast_in_dim3A_151 : vector<128x1xf32> to vector<128x1024xf32>
    %eq3A_153 = arith.cmpf oeq, %select_n3A_142, %eq3A_152 : vector<128x1024xf32>
    %jit3A_154 = arith.constant 1073741824 : i32
    %broadcast_in_dim3A_155 = vector.broadcast %jit3A_154 : i32 to vector<128x1024xi32>
    %select_n3A_156 = arith.select %eq3A_153, %iota3A, %broadcast_in_dim3A_155 : vector<128x1024xi1>, vector<128x1024xi32>
    %reduce_min3A_157 = arith.constant dense<2147483647> : vector<128xi32>
    %reduce_min3A_158 = vector.multi_reduction <minsi>, %select_n3A_156, %reduce_min3A_157 [1] : vector<128x1024xi32> to vector<128xi32>
    %broadcast_in_dim3A_159 = vector.shape_cast %reduce_min3A_158 : vector<128xi32> to vector<128x1xi32>
    %eq3A_160 = vector.broadcast %broadcast_in_dim3A_159 : vector<128x1xi32> to vector<128x1024xi32>
    %eq3A_161 = arith.cmpi eq, %iota3A, %eq3A_160 : vector<128x1024xi32>
    %jit3A_162 = arith.constant 0x7F800000 : f32
    %broadcast_in_dim3A_163 = vector.broadcast %jit3A_162 : f32 to vector<128x1024xf32>
    %select_n3A_164 = arith.select %eq3A_161, %broadcast_in_dim3A_163, %select_n3A_142 : vector<128x1024xi1>, vector<128x1024xf32>
    %add3A_165 = arith.constant 0 : i32
    %add3A_166 = vector.broadcast %add3A_165 : i32 to vector<128x1xi32>
    %add3A_167 = arith.addi %broadcast_in_dim3A_159, %add3A_166 : vector<128x1xi32>
    %swap3A_168 = arith.constant 0 : index
    %swap3A_169 = arith.constant 6 : index
    %swap3A_170 = vector.load %arg3[%swap3A_168, %swap3A_169] : memref<128x32xi32, #tpu.memory_space<vmem>>, vector<128x1xi32>
    tpu.vector_store %arg3[%swap3A_168, %swap3A_169], %add3A_167 {strides = array<i32>} : memref<128x32xi32, #tpu.memory_space<vmem>>, vector<128x1xi32>,
    %reduce_min3A_171 = arith.constant dense<0x7F800000> : vector<128xf32>
    %reduce_min3A_172 = vector.multi_reduction <minimumf>, %select_n3A_164, %reduce_min3A_171 [1] : vector<128x1024xf32> to vector<128xf32>
    %broadcast_in_dim3A_173 = vector.shape_cast %reduce_min3A_172 : vector<128xf32> to vector<128x1xf32>
    %eq3A_174 = vector.broadcast %broadcast_in_dim3A_173 : vector<128x1xf32> to vector<128x1024xf32>
    %eq3A_175 = arith.cmpf oeq, %select_n3A_164, %eq3A_174 : vector<128x1024xf32>
    %jit3A_176 = arith.constant 1073741824 : i32
    %broadcast_in_dim3A_177 = vector.broadcast %jit3A_176 : i32 to vector<128x1024xi32>
    %select_n3A_178 = arith.select %eq3A_175, %iota3A, %broadcast_in_dim3A_177 : vector<128x1024xi1>, vector<128x1024xi32>
    %reduce_min3A_179 = arith.constant dense<2147483647> : vector<128xi32>
    %reduce_min3A_180 = vector.multi_reduction <minsi>, %select_n3A_178, %reduce_min3A_179 [1] : vector<128x1024xi32> to vector<128xi32>
    %broadcast_in_dim3A_181 = vector.shape_cast %reduce_min3A_180 : vector<128xi32> to vector<128x1xi32>
    %eq3A_182 = vector.broadcast %broadcast_in_dim3A_181 : vector<128x1xi32> to vector<128x1024xi32>
    %eq3A_183 = arith.cmpi eq, %iota3A, %eq3A_182 : vector<128x1024xi32>
    %jit3A_184 = arith.constant 0x7F800000 : f32
    %broadcast_in_dim3A_185 = vector.broadcast %jit3A_184 : f32 to vector<128x1024xf32>
    %select_n3A_186 = arith.select %eq3A_183, %broadcast_in_dim3A_185, %select_n3A_164 : vector<128x1024xi1>, vector<128x1024xf32>
    %add3A_187 = arith.constant 0 : i32
    %add3A_188 = vector.broadcast %add3A_187 : i32 to vector<128x1xi32>
    %add3A_189 = arith.addi %broadcast_in_dim3A_181, %add3A_188 : vector<128x1xi32>
    %swap3A_190 = arith.constant 0 : index
    %swap3A_191 = arith.constant 7 : index
    %swap3A_192 = vector.load %arg3[%swap3A_190, %swap3A_191] : memref<128x32xi32, #tpu.memory_space<vmem>>, vector<128x1xi32>
    tpu.vector_store %arg3[%swap3A_190, %swap3A_191], %add3A_189 {strides = array<i32>} : memref<128x32xi32, #tpu.memory_space<vmem>>, vector<128x1xi32>,
    %reduce_min3A_193 = arith.constant dense<0x7F800000> : vector<128xf32>
    %reduce_min3A_194 = vector.multi_reduction <minimumf>, %select_n3A_186, %reduce_min3A_193 [1] : vector<128x1024xf32> to vector<128xf32>
    %broadcast_in_dim3A_195 = vector.shape_cast %reduce_min3A_194 : vector<128xf32> to vector<128x1xf32>
    %eq3A_196 = vector.broadcast %broadcast_in_dim3A_195 : vector<128x1xf32> to vector<128x1024xf32>
    %eq3A_197 = arith.cmpf oeq, %select_n3A_186, %eq3A_196 : vector<128x1024xf32>
    %jit3A_198 = arith.constant 1073741824 : i32
    %broadcast_in_dim3A_199 = vector.broadcast %jit3A_198 : i32 to vector<128x1024xi32>
    %select_n3A_200 = arith.select %eq3A_197, %iota3A, %broadcast_in_dim3A_199 : vector<128x1024xi1>, vector<128x1024xi32>
    %reduce_min3A_201 = arith.constant dense<2147483647> : vector<128xi32>
    %reduce_min3A_202 = vector.multi_reduction <minsi>, %select_n3A_200, %reduce_min3A_201 [1] : vector<128x1024xi32> to vector<128xi32>
    %broadcast_in_dim3A_203 = vector.shape_cast %reduce_min3A_202 : vector<128xi32> to vector<128x1xi32>
    %eq3A_204 = vector.broadcast %broadcast_in_dim3A_203 : vector<128x1xi32> to vector<128x1024xi32>
    %eq3A_205 = arith.cmpi eq, %iota3A, %eq3A_204 : vector<128x1024xi32>
    %jit3A_206 = arith.constant 0x7F800000 : f32
    %broadcast_in_dim3A_207 = vector.broadcast %jit3A_206 : f32 to vector<128x1024xf32>
    %select_n3A_208 = arith.select %eq3A_205, %broadcast_in_dim3A_207, %select_n3A_186 : vector<128x1024xi1>, vector<128x1024xf32>
    %add3A_209 = arith.constant 0 : i32
    %add3A_210 = vector.broadcast %add3A_209 : i32 to vector<128x1xi32>
    %add3A_211 = arith.addi %broadcast_in_dim3A_203, %add3A_210 : vector<128x1xi32>
    %swap3A_212 = arith.constant 0 : index
    %swap3A_213 = arith.constant 8 : index
    %swap3A_214 = vector.load %arg3[%swap3A_212, %swap3A_213] : memref<128x32xi32, #tpu.memory_space<vmem>>, vector<128x1xi32>
    tpu.vector_store %arg3[%swap3A_212, %swap3A_213], %add3A_211 {strides = array<i32>} : memref<128x32xi32, #tpu.memory_space<vmem>>, vector<128x1xi32>,
    %reduce_min3A_215 = arith.constant dense<0x7F800000> : vector<128xf32>
    %reduce_min3A_216 = vector.multi_reduction <minimumf>, %select_n3A_208, %reduce_min3A_215 [1] : vector<128x1024xf32> to vector<128xf32>
    %broadcast_in_dim3A_217 = vector.shape_cast %reduce_min3A_216 : vector<128xf32> to vector<128x1xf32>
    %eq3A_218 = vector.broadcast %broadcast_in_dim3A_217 : vector<128x1xf32> to vector<128x1024xf32>
    %eq3A_219 = arith.cmpf oeq, %select_n3A_208, %eq3A_218 : vector<128x1024xf32>
    %jit3A_220 = arith.constant 1073741824 : i32
    %broadcast_in_dim3A_221 = vector.broadcast %jit3A_220 : i32 to vector<128x1024xi32>
    %select_n3A_222 = arith.select %eq3A_219, %iota3A, %broadcast_in_dim3A_221 : vector<128x1024xi1>, vector<128x1024xi32>
    %reduce_min3A_223 = arith.constant dense<2147483647> : vector<128xi32>
    %reduce_min3A_224 = vector.multi_reduction <minsi>, %select_n3A_222, %reduce_min3A_223 [1] : vector<128x1024xi32> to vector<128xi32>
    %broadcast_in_dim3A_225 = vector.shape_cast %reduce_min3A_224 : vector<128xi32> to vector<128x1xi32>
    %eq3A_226 = vector.broadcast %broadcast_in_dim3A_225 : vector<128x1xi32> to vector<128x1024xi32>
    %eq3A_227 = arith.cmpi eq, %iota3A, %eq3A_226 : vector<128x1024xi32>
    %jit3A_228 = arith.constant 0x7F800000 : f32
    %broadcast_in_dim3A_229 = vector.broadcast %jit3A_228 : f32 to vector<128x1024xf32>
    %select_n3A_230 = arith.select %eq3A_227, %broadcast_in_dim3A_229, %select_n3A_208 : vector<128x1024xi1>, vector<128x1024xf32>
    %add3A_231 = arith.constant 0 : i32
    %add3A_232 = vector.broadcast %add3A_231 : i32 to vector<128x1xi32>
    %add3A_233 = arith.addi %broadcast_in_dim3A_225, %add3A_232 : vector<128x1xi32>
    %swap3A_234 = arith.constant 0 : index
    %swap3A_235 = arith.constant 9 : index
    %swap3A_236 = vector.load %arg3[%swap3A_234, %swap3A_235] : memref<128x32xi32, #tpu.memory_space<vmem>>, vector<128x1xi32>
    tpu.vector_store %arg3[%swap3A_234, %swap3A_235], %add3A_233 {strides = array<i32>} : memref<128x32xi32, #tpu.memory_space<vmem>>, vector<128x1xi32>,
    %reduce_min3A_237 = arith.constant dense<0x7F800000> : vector<128xf32>
    %reduce_min3A_238 = vector.multi_reduction <minimumf>, %select_n3A_230, %reduce_min3A_237 [1] : vector<128x1024xf32> to vector<128xf32>
    %broadcast_in_dim3A_239 = vector.shape_cast %reduce_min3A_238 : vector<128xf32> to vector<128x1xf32>
    %eq3A_240 = vector.broadcast %broadcast_in_dim3A_239 : vector<128x1xf32> to vector<128x1024xf32>
    %eq3A_241 = arith.cmpf oeq, %select_n3A_230, %eq3A_240 : vector<128x1024xf32>
    %jit3A_242 = arith.constant 1073741824 : i32
    %broadcast_in_dim3A_243 = vector.broadcast %jit3A_242 : i32 to vector<128x1024xi32>
    %select_n3A_244 = arith.select %eq3A_241, %iota3A, %broadcast_in_dim3A_243 : vector<128x1024xi1>, vector<128x1024xi32>
    %reduce_min3A_245 = arith.constant dense<2147483647> : vector<128xi32>
    %reduce_min3A_246 = vector.multi_reduction <minsi>, %select_n3A_244, %reduce_min3A_245 [1] : vector<128x1024xi32> to vector<128xi32>
    %broadcast_in_dim3A_247 = vector.shape_cast %reduce_min3A_246 : vector<128xi32> to vector<128x1xi32>
    %eq3A_248 = vector.broadcast %broadcast_in_dim3A_247 : vector<128x1xi32> to vector<128x1024xi32>
    %eq3A_249 = arith.cmpi eq, %iota3A, %eq3A_248 : vector<128x1024xi32>
    %jit3A_250 = arith.constant 0x7F800000 : f32
    %broadcast_in_dim3A_251 = vector.broadcast %jit3A_250 : f32 to vector<128x1024xf32>
    %select_n3A_252 = arith.select %eq3A_249, %broadcast_in_dim3A_251, %select_n3A_230 : vector<128x1024xi1>, vector<128x1024xf32>
    %add3A_253 = arith.constant 0 : i32
    %add3A_254 = vector.broadcast %add3A_253 : i32 to vector<128x1xi32>
    %add3A_255 = arith.addi %broadcast_in_dim3A_247, %add3A_254 : vector<128x1xi32>
    %swap3A_256 = arith.constant 0 : index
    %swap3A_257 = arith.constant 10 : index
    %swap3A_258 = vector.load %arg3[%swap3A_256, %swap3A_257] : memref<128x32xi32, #tpu.memory_space<vmem>>, vector<128x1xi32>
    tpu.vector_store %arg3[%swap3A_256, %swap3A_257], %add3A_255 {strides = array<i32>} : memref<128x32xi32, #tpu.memory_space<vmem>>, vector<128x1xi32>,
    %reduce_min3A_259 = arith.constant dense<0x7F800000> : vector<128xf32>
    %reduce_min3A_260 = vector.multi_reduction <minimumf>, %select_n3A_252, %reduce_min3A_259 [1] : vector<128x1024xf32> to vector<128xf32>
    %broadcast_in_dim3A_261 = vector.shape_cast %reduce_min3A_260 : vector<128xf32> to vector<128x1xf32>
    %eq3A_262 = vector.broadcast %broadcast_in_dim3A_261 : vector<128x1xf32> to vector<128x1024xf32>
    %eq3A_263 = arith.cmpf oeq, %select_n3A_252, %eq3A_262 : vector<128x1024xf32>
    %jit3A_264 = arith.constant 1073741824 : i32
    %broadcast_in_dim3A_265 = vector.broadcast %jit3A_264 : i32 to vector<128x1024xi32>
    %select_n3A_266 = arith.select %eq3A_263, %iota3A, %broadcast_in_dim3A_265 : vector<128x1024xi1>, vector<128x1024xi32>
    %reduce_min3A_267 = arith.constant dense<2147483647> : vector<128xi32>
    %reduce_min3A_268 = vector.multi_reduction <minsi>, %select_n3A_266, %reduce_min3A_267 [1] : vector<128x1024xi32> to vector<128xi32>
    %broadcast_in_dim3A_269 = vector.shape_cast %reduce_min3A_268 : vector<128xi32> to vector<128x1xi32>
    %eq3A_270 = vector.broadcast %broadcast_in_dim3A_269 : vector<128x1xi32> to vector<128x1024xi32>
    %eq3A_271 = arith.cmpi eq, %iota3A, %eq3A_270 : vector<128x1024xi32>
    %jit3A_272 = arith.constant 0x7F800000 : f32
    %broadcast_in_dim3A_273 = vector.broadcast %jit3A_272 : f32 to vector<128x1024xf32>
    %select_n3A_274 = arith.select %eq3A_271, %broadcast_in_dim3A_273, %select_n3A_252 : vector<128x1024xi1>, vector<128x1024xf32>
    %add3A_275 = arith.constant 0 : i32
    %add3A_276 = vector.broadcast %add3A_275 : i32 to vector<128x1xi32>
    %add3A_277 = arith.addi %broadcast_in_dim3A_269, %add3A_276 : vector<128x1xi32>
    %swap3A_278 = arith.constant 0 : index
    %swap3A_279 = arith.constant 11 : index
    %swap3A_280 = vector.load %arg3[%swap3A_278, %swap3A_279] : memref<128x32xi32, #tpu.memory_space<vmem>>, vector<128x1xi32>
    tpu.vector_store %arg3[%swap3A_278, %swap3A_279], %add3A_277 {strides = array<i32>} : memref<128x32xi32, #tpu.memory_space<vmem>>, vector<128x1xi32>,
    %reduce_min3A_281 = arith.constant dense<0x7F800000> : vector<128xf32>
    %reduce_min3A_282 = vector.multi_reduction <minimumf>, %select_n3A_274, %reduce_min3A_281 [1] : vector<128x1024xf32> to vector<128xf32>
    %broadcast_in_dim3A_283 = vector.shape_cast %reduce_min3A_282 : vector<128xf32> to vector<128x1xf32>
    %eq3A_284 = vector.broadcast %broadcast_in_dim3A_283 : vector<128x1xf32> to vector<128x1024xf32>
    %eq3A_285 = arith.cmpf oeq, %select_n3A_274, %eq3A_284 : vector<128x1024xf32>
    %jit3A_286 = arith.constant 1073741824 : i32
    %broadcast_in_dim3A_287 = vector.broadcast %jit3A_286 : i32 to vector<128x1024xi32>
    %select_n3A_288 = arith.select %eq3A_285, %iota3A, %broadcast_in_dim3A_287 : vector<128x1024xi1>, vector<128x1024xi32>
    %reduce_min3A_289 = arith.constant dense<2147483647> : vector<128xi32>
    %reduce_min3A_290 = vector.multi_reduction <minsi>, %select_n3A_288, %reduce_min3A_289 [1] : vector<128x1024xi32> to vector<128xi32>
    %broadcast_in_dim3A_291 = vector.shape_cast %reduce_min3A_290 : vector<128xi32> to vector<128x1xi32>
    %eq3A_292 = vector.broadcast %broadcast_in_dim3A_291 : vector<128x1xi32> to vector<128x1024xi32>
    %eq3A_293 = arith.cmpi eq, %iota3A, %eq3A_292 : vector<128x1024xi32>
    %jit3A_294 = arith.constant 0x7F800000 : f32
    %broadcast_in_dim3A_295 = vector.broadcast %jit3A_294 : f32 to vector<128x1024xf32>
    %select_n3A_296 = arith.select %eq3A_293, %broadcast_in_dim3A_295, %select_n3A_274 : vector<128x1024xi1>, vector<128x1024xf32>
    %add3A_297 = arith.constant 0 : i32
    %add3A_298 = vector.broadcast %add3A_297 : i32 to vector<128x1xi32>
    %add3A_299 = arith.addi %broadcast_in_dim3A_291, %add3A_298 : vector<128x1xi32>
    %swap3A_300 = arith.constant 0 : index
    %swap3A_301 = arith.constant 12 : index
    %swap3A_302 = vector.load %arg3[%swap3A_300, %swap3A_301] : memref<128x32xi32, #tpu.memory_space<vmem>>, vector<128x1xi32>
    tpu.vector_store %arg3[%swap3A_300, %swap3A_301], %add3A_299 {strides = array<i32>} : memref<128x32xi32, #tpu.memory_space<vmem>>, vector<128x1xi32>,
    %reduce_min3A_303 = arith.constant dense<0x7F800000> : vector<128xf32>
    %reduce_min3A_304 = vector.multi_reduction <minimumf>, %select_n3A_296, %reduce_min3A_303 [1] : vector<128x1024xf32> to vector<128xf32>
    %broadcast_in_dim3A_305 = vector.shape_cast %reduce_min3A_304 : vector<128xf32> to vector<128x1xf32>
    %eq3A_306 = vector.broadcast %broadcast_in_dim3A_305 : vector<128x1xf32> to vector<128x1024xf32>
    %eq3A_307 = arith.cmpf oeq, %select_n3A_296, %eq3A_306 : vector<128x1024xf32>
    %jit3A_308 = arith.constant 1073741824 : i32
    %broadcast_in_dim3A_309 = vector.broadcast %jit3A_308 : i32 to vector<128x1024xi32>
    %select_n3A_310 = arith.select %eq3A_307, %iota3A, %broadcast_in_dim3A_309 : vector<128x1024xi1>, vector<128x1024xi32>
    %reduce_min3A_311 = arith.constant dense<2147483647> : vector<128xi32>
    %reduce_min3A_312 = vector.multi_reduction <minsi>, %select_n3A_310, %reduce_min3A_311 [1] : vector<128x1024xi32> to vector<128xi32>
    %broadcast_in_dim3A_313 = vector.shape_cast %reduce_min3A_312 : vector<128xi32> to vector<128x1xi32>
    %eq3A_314 = vector.broadcast %broadcast_in_dim3A_313 : vector<128x1xi32> to vector<128x1024xi32>
    %eq3A_315 = arith.cmpi eq, %iota3A, %eq3A_314 : vector<128x1024xi32>
    %jit3A_316 = arith.constant 0x7F800000 : f32
    %broadcast_in_dim3A_317 = vector.broadcast %jit3A_316 : f32 to vector<128x1024xf32>
    %select_n3A_318 = arith.select %eq3A_315, %broadcast_in_dim3A_317, %select_n3A_296 : vector<128x1024xi1>, vector<128x1024xf32>
    %add3A_319 = arith.constant 0 : i32
    %add3A_320 = vector.broadcast %add3A_319 : i32 to vector<128x1xi32>
    %add3A_321 = arith.addi %broadcast_in_dim3A_313, %add3A_320 : vector<128x1xi32>
    %swap3A_322 = arith.constant 0 : index
    %swap3A_323 = arith.constant 13 : index
    %swap3A_324 = vector.load %arg3[%swap3A_322, %swap3A_323] : memref<128x32xi32, #tpu.memory_space<vmem>>, vector<128x1xi32>
    tpu.vector_store %arg3[%swap3A_322, %swap3A_323], %add3A_321 {strides = array<i32>} : memref<128x32xi32, #tpu.memory_space<vmem>>, vector<128x1xi32>,
    %reduce_min3A_325 = arith.constant dense<0x7F800000> : vector<128xf32>
    %reduce_min3A_326 = vector.multi_reduction <minimumf>, %select_n3A_318, %reduce_min3A_325 [1] : vector<128x1024xf32> to vector<128xf32>
    %broadcast_in_dim3A_327 = vector.shape_cast %reduce_min3A_326 : vector<128xf32> to vector<128x1xf32>
    %eq3A_328 = vector.broadcast %broadcast_in_dim3A_327 : vector<128x1xf32> to vector<128x1024xf32>
    %eq3A_329 = arith.cmpf oeq, %select_n3A_318, %eq3A_328 : vector<128x1024xf32>
    %jit3A_330 = arith.constant 1073741824 : i32
    %broadcast_in_dim3A_331 = vector.broadcast %jit3A_330 : i32 to vector<128x1024xi32>
    %select_n3A_332 = arith.select %eq3A_329, %iota3A, %broadcast_in_dim3A_331 : vector<128x1024xi1>, vector<128x1024xi32>
    %reduce_min3A_333 = arith.constant dense<2147483647> : vector<128xi32>
    %reduce_min3A_334 = vector.multi_reduction <minsi>, %select_n3A_332, %reduce_min3A_333 [1] : vector<128x1024xi32> to vector<128xi32>
    %broadcast_in_dim3A_335 = vector.shape_cast %reduce_min3A_334 : vector<128xi32> to vector<128x1xi32>
    %eq3A_336 = vector.broadcast %broadcast_in_dim3A_335 : vector<128x1xi32> to vector<128x1024xi32>
    %eq3A_337 = arith.cmpi eq, %iota3A, %eq3A_336 : vector<128x1024xi32>
    %jit3A_338 = arith.constant 0x7F800000 : f32
    %broadcast_in_dim3A_339 = vector.broadcast %jit3A_338 : f32 to vector<128x1024xf32>
    %select_n3A_340 = arith.select %eq3A_337, %broadcast_in_dim3A_339, %select_n3A_318 : vector<128x1024xi1>, vector<128x1024xf32>
    %add3A_341 = arith.constant 0 : i32
    %add3A_342 = vector.broadcast %add3A_341 : i32 to vector<128x1xi32>
    %add3A_343 = arith.addi %broadcast_in_dim3A_335, %add3A_342 : vector<128x1xi32>
    %swap3A_344 = arith.constant 0 : index
    %swap3A_345 = arith.constant 14 : index
    %swap3A_346 = vector.load %arg3[%swap3A_344, %swap3A_345] : memref<128x32xi32, #tpu.memory_space<vmem>>, vector<128x1xi32>
    tpu.vector_store %arg3[%swap3A_344, %swap3A_345], %add3A_343 {strides = array<i32>} : memref<128x32xi32, #tpu.memory_space<vmem>>, vector<128x1xi32>,
    %reduce_min3A_347 = arith.constant dense<0x7F800000> : vector<128xf32>
    %reduce_min3A_348 = vector.multi_reduction <minimumf>, %select_n3A_340, %reduce_min3A_347 [1] : vector<128x1024xf32> to vector<128xf32>
    %broadcast_in_dim3A_349 = vector.shape_cast %reduce_min3A_348 : vector<128xf32> to vector<128x1xf32>
    %eq3A_350 = vector.broadcast %broadcast_in_dim3A_349 : vector<128x1xf32> to vector<128x1024xf32>
    %eq3A_351 = arith.cmpf oeq, %select_n3A_340, %eq3A_350 : vector<128x1024xf32>
    %jit3A_352 = arith.constant 1073741824 : i32
    %broadcast_in_dim3A_353 = vector.broadcast %jit3A_352 : i32 to vector<128x1024xi32>
    %select_n3A_354 = arith.select %eq3A_351, %iota3A, %broadcast_in_dim3A_353 : vector<128x1024xi1>, vector<128x1024xi32>
    %reduce_min3A_355 = arith.constant dense<2147483647> : vector<128xi32>
    %reduce_min3A_356 = vector.multi_reduction <minsi>, %select_n3A_354, %reduce_min3A_355 [1] : vector<128x1024xi32> to vector<128xi32>
    %broadcast_in_dim3A_357 = vector.shape_cast %reduce_min3A_356 : vector<128xi32> to vector<128x1xi32>
    %eq3A_358 = vector.broadcast %broadcast_in_dim3A_357 : vector<128x1xi32> to vector<128x1024xi32>
    %eq3A_359 = arith.cmpi eq, %iota3A, %eq3A_358 : vector<128x1024xi32>
    %jit3A_360 = arith.constant 0x7F800000 : f32
    %broadcast_in_dim3A_361 = vector.broadcast %jit3A_360 : f32 to vector<128x1024xf32>
    %select_n3A_362 = arith.select %eq3A_359, %broadcast_in_dim3A_361, %select_n3A_340 : vector<128x1024xi1>, vector<128x1024xf32>
    %add3A_363 = arith.constant 0 : i32
    %add3A_364 = vector.broadcast %add3A_363 : i32 to vector<128x1xi32>
    %add3A_365 = arith.addi %broadcast_in_dim3A_357, %add3A_364 : vector<128x1xi32>
    %swap3A_366 = arith.constant 0 : index
    %swap3A_367 = arith.constant 15 : index
    %swap3A_368 = vector.load %arg3[%swap3A_366, %swap3A_367] : memref<128x32xi32, #tpu.memory_space<vmem>>, vector<128x1xi32>
    tpu.vector_store %arg3[%swap3A_366, %swap3A_367], %add3A_365 {strides = array<i32>} : memref<128x32xi32, #tpu.memory_space<vmem>>, vector<128x1xi32>,
    %reduce_min3A_369 = arith.constant dense<0x7F800000> : vector<128xf32>
    %reduce_min3A_370 = vector.multi_reduction <minimumf>, %select_n3A_362, %reduce_min3A_369 [1] : vector<128x1024xf32> to vector<128xf32>
    %broadcast_in_dim3A_371 = vector.shape_cast %reduce_min3A_370 : vector<128xf32> to vector<128x1xf32>
    %eq3A_372 = vector.broadcast %broadcast_in_dim3A_371 : vector<128x1xf32> to vector<128x1024xf32>
    %eq3A_373 = arith.cmpf oeq, %select_n3A_362, %eq3A_372 : vector<128x1024xf32>
    %jit3A_374 = arith.constant 1073741824 : i32
    %broadcast_in_dim3A_375 = vector.broadcast %jit3A_374 : i32 to vector<128x1024xi32>
    %select_n3A_376 = arith.select %eq3A_373, %iota3A, %broadcast_in_dim3A_375 : vector<128x1024xi1>, vector<128x1024xi32>
    %reduce_min3A_377 = arith.constant dense<2147483647> : vector<128xi32>
    %reduce_min3A_378 = vector.multi_reduction <minsi>, %select_n3A_376, %reduce_min3A_377 [1] : vector<128x1024xi32> to vector<128xi32>
    %broadcast_in_dim3A_379 = vector.shape_cast %reduce_min3A_378 : vector<128xi32> to vector<128x1xi32>
    %eq3A_380 = vector.broadcast %broadcast_in_dim3A_379 : vector<128x1xi32> to vector<128x1024xi32>
    %eq3A_381 = arith.cmpi eq, %iota3A, %eq3A_380 : vector<128x1024xi32>
    %jit3A_382 = arith.constant 0x7F800000 : f32
    %broadcast_in_dim3A_383 = vector.broadcast %jit3A_382 : f32 to vector<128x1024xf32>
    %select_n3A_384 = arith.select %eq3A_381, %broadcast_in_dim3A_383, %select_n3A_362 : vector<128x1024xi1>, vector<128x1024xf32>
    %add3A_385 = arith.constant 0 : i32
    %add3A_386 = vector.broadcast %add3A_385 : i32 to vector<128x1xi32>
    %add3A_387 = arith.addi %broadcast_in_dim3A_379, %add3A_386 : vector<128x1xi32>
    %swap3A_388 = arith.constant 0 : index
    %swap3A_389 = arith.constant 16 : index
    %swap3A_390 = vector.load %arg3[%swap3A_388, %swap3A_389] : memref<128x32xi32, #tpu.memory_space<vmem>>, vector<128x1xi32>
    tpu.vector_store %arg3[%swap3A_388, %swap3A_389], %add3A_387 {strides = array<i32>} : memref<128x32xi32, #tpu.memory_space<vmem>>, vector<128x1xi32>,
    %reduce_min3A_391 = arith.constant dense<0x7F800000> : vector<128xf32>
    %reduce_min3A_392 = vector.multi_reduction <minimumf>, %select_n3A_384, %reduce_min3A_391 [1] : vector<128x1024xf32> to vector<128xf32>
    %broadcast_in_dim3A_393 = vector.shape_cast %reduce_min3A_392 : vector<128xf32> to vector<128x1xf32>
    %eq3A_394 = vector.broadcast %broadcast_in_dim3A_393 : vector<128x1xf32> to vector<128x1024xf32>
    %eq3A_395 = arith.cmpf oeq, %select_n3A_384, %eq3A_394 : vector<128x1024xf32>
    %jit3A_396 = arith.constant 1073741824 : i32
    %broadcast_in_dim3A_397 = vector.broadcast %jit3A_396 : i32 to vector<128x1024xi32>
    %select_n3A_398 = arith.select %eq3A_395, %iota3A, %broadcast_in_dim3A_397 : vector<128x1024xi1>, vector<128x1024xi32>
    %reduce_min3A_399 = arith.constant dense<2147483647> : vector<128xi32>
    %reduce_min3A_400 = vector.multi_reduction <minsi>, %select_n3A_398, %reduce_min3A_399 [1] : vector<128x1024xi32> to vector<128xi32>
    %broadcast_in_dim3A_401 = vector.shape_cast %reduce_min3A_400 : vector<128xi32> to vector<128x1xi32>
    %eq3A_402 = vector.broadcast %broadcast_in_dim3A_401 : vector<128x1xi32> to vector<128x1024xi32>
    %eq3A_403 = arith.cmpi eq, %iota3A, %eq3A_402 : vector<128x1024xi32>
    %jit3A_404 = arith.constant 0x7F800000 : f32
    %broadcast_in_dim3A_405 = vector.broadcast %jit3A_404 : f32 to vector<128x1024xf32>
    %select_n3A_406 = arith.select %eq3A_403, %broadcast_in_dim3A_405, %select_n3A_384 : vector<128x1024xi1>, vector<128x1024xf32>
    %add3A_407 = arith.constant 0 : i32
    %add3A_408 = vector.broadcast %add3A_407 : i32 to vector<128x1xi32>
    %add3A_409 = arith.addi %broadcast_in_dim3A_401, %add3A_408 : vector<128x1xi32>
    %swap3A_410 = arith.constant 0 : index
    %swap3A_411 = arith.constant 17 : index
    %swap3A_412 = vector.load %arg3[%swap3A_410, %swap3A_411] : memref<128x32xi32, #tpu.memory_space<vmem>>, vector<128x1xi32>
    tpu.vector_store %arg3[%swap3A_410, %swap3A_411], %add3A_409 {strides = array<i32>} : memref<128x32xi32, #tpu.memory_space<vmem>>, vector<128x1xi32>,
    %reduce_min3A_413 = arith.constant dense<0x7F800000> : vector<128xf32>
    %reduce_min3A_414 = vector.multi_reduction <minimumf>, %select_n3A_406, %reduce_min3A_413 [1] : vector<128x1024xf32> to vector<128xf32>
    %broadcast_in_dim3A_415 = vector.shape_cast %reduce_min3A_414 : vector<128xf32> to vector<128x1xf32>
    %eq3A_416 = vector.broadcast %broadcast_in_dim3A_415 : vector<128x1xf32> to vector<128x1024xf32>
    %eq3A_417 = arith.cmpf oeq, %select_n3A_406, %eq3A_416 : vector<128x1024xf32>
    %jit3A_418 = arith.constant 1073741824 : i32
    %broadcast_in_dim3A_419 = vector.broadcast %jit3A_418 : i32 to vector<128x1024xi32>
    %select_n3A_420 = arith.select %eq3A_417, %iota3A, %broadcast_in_dim3A_419 : vector<128x1024xi1>, vector<128x1024xi32>
    %reduce_min3A_421 = arith.constant dense<2147483647> : vector<128xi32>
    %reduce_min3A_422 = vector.multi_reduction <minsi>, %select_n3A_420, %reduce_min3A_421 [1] : vector<128x1024xi32> to vector<128xi32>
    %broadcast_in_dim3A_423 = vector.shape_cast %reduce_min3A_422 : vector<128xi32> to vector<128x1xi32>
    %eq3A_424 = vector.broadcast %broadcast_in_dim3A_423 : vector<128x1xi32> to vector<128x1024xi32>
    %eq3A_425 = arith.cmpi eq, %iota3A, %eq3A_424 : vector<128x1024xi32>
    %jit3A_426 = arith.constant 0x7F800000 : f32
    %broadcast_in_dim3A_427 = vector.broadcast %jit3A_426 : f32 to vector<128x1024xf32>
    %select_n3A_428 = arith.select %eq3A_425, %broadcast_in_dim3A_427, %select_n3A_406 : vector<128x1024xi1>, vector<128x1024xf32>
    %add3A_429 = arith.constant 0 : i32
    %add3A_430 = vector.broadcast %add3A_429 : i32 to vector<128x1xi32>
    %add3A_431 = arith.addi %broadcast_in_dim3A_423, %add3A_430 : vector<128x1xi32>
    %swap3A_432 = arith.constant 0 : index
    %swap3A_433 = arith.constant 18 : index
    %swap3A_434 = vector.load %arg3[%swap3A_432, %swap3A_433] : memref<128x32xi32, #tpu.memory_space<vmem>>, vector<128x1xi32>
    tpu.vector_store %arg3[%swap3A_432, %swap3A_433], %add3A_431 {strides = array<i32>} : memref<128x32xi32, #tpu.memory_space<vmem>>, vector<128x1xi32>,
    %reduce_min3A_435 = arith.constant dense<0x7F800000> : vector<128xf32>
    %reduce_min3A_436 = vector.multi_reduction <minimumf>, %select_n3A_428, %reduce_min3A_435 [1] : vector<128x1024xf32> to vector<128xf32>
    %broadcast_in_dim3A_437 = vector.shape_cast %reduce_min3A_436 : vector<128xf32> to vector<128x1xf32>
    %eq3A_438 = vector.broadcast %broadcast_in_dim3A_437 : vector<128x1xf32> to vector<128x1024xf32>
    %eq3A_439 = arith.cmpf oeq, %select_n3A_428, %eq3A_438 : vector<128x1024xf32>
    %jit3A_440 = arith.constant 1073741824 : i32
    %broadcast_in_dim3A_441 = vector.broadcast %jit3A_440 : i32 to vector<128x1024xi32>
    %select_n3A_442 = arith.select %eq3A_439, %iota3A, %broadcast_in_dim3A_441 : vector<128x1024xi1>, vector<128x1024xi32>
    %reduce_min3A_443 = arith.constant dense<2147483647> : vector<128xi32>
    %reduce_min3A_444 = vector.multi_reduction <minsi>, %select_n3A_442, %reduce_min3A_443 [1] : vector<128x1024xi32> to vector<128xi32>
    %broadcast_in_dim3A_445 = vector.shape_cast %reduce_min3A_444 : vector<128xi32> to vector<128x1xi32>
    %eq3A_446 = vector.broadcast %broadcast_in_dim3A_445 : vector<128x1xi32> to vector<128x1024xi32>
    %eq3A_447 = arith.cmpi eq, %iota3A, %eq3A_446 : vector<128x1024xi32>
    %jit3A_448 = arith.constant 0x7F800000 : f32
    %broadcast_in_dim3A_449 = vector.broadcast %jit3A_448 : f32 to vector<128x1024xf32>
    %select_n3A_450 = arith.select %eq3A_447, %broadcast_in_dim3A_449, %select_n3A_428 : vector<128x1024xi1>, vector<128x1024xf32>
    %add3A_451 = arith.constant 0 : i32
    %add3A_452 = vector.broadcast %add3A_451 : i32 to vector<128x1xi32>
    %add3A_453 = arith.addi %broadcast_in_dim3A_445, %add3A_452 : vector<128x1xi32>
    %swap3A_454 = arith.constant 0 : index
    %swap3A_455 = arith.constant 19 : index
    %swap3A_456 = vector.load %arg3[%swap3A_454, %swap3A_455] : memref<128x32xi32, #tpu.memory_space<vmem>>, vector<128x1xi32>
    tpu.vector_store %arg3[%swap3A_454, %swap3A_455], %add3A_453 {strides = array<i32>} : memref<128x32xi32, #tpu.memory_space<vmem>>, vector<128x1xi32>,
    %reduce_min3A_457 = arith.constant dense<0x7F800000> : vector<128xf32>
    %reduce_min3A_458 = vector.multi_reduction <minimumf>, %select_n3A_450, %reduce_min3A_457 [1] : vector<128x1024xf32> to vector<128xf32>
    %broadcast_in_dim3A_459 = vector.shape_cast %reduce_min3A_458 : vector<128xf32> to vector<128x1xf32>
    %eq3A_460 = vector.broadcast %broadcast_in_dim3A_459 : vector<128x1xf32> to vector<128x1024xf32>
    %eq3A_461 = arith.cmpf oeq, %select_n3A_450, %eq3A_460 : vector<128x1024xf32>
    %jit3A_462 = arith.constant 1073741824 : i32
    %broadcast_in_dim3A_463 = vector.broadcast %jit3A_462 : i32 to vector<128x1024xi32>
    %select_n3A_464 = arith.select %eq3A_461, %iota3A, %broadcast_in_dim3A_463 : vector<128x1024xi1>, vector<128x1024xi32>
    %reduce_min3A_465 = arith.constant dense<2147483647> : vector<128xi32>
    %reduce_min3A_466 = vector.multi_reduction <minsi>, %select_n3A_464, %reduce_min3A_465 [1] : vector<128x1024xi32> to vector<128xi32>
    %broadcast_in_dim3A_467 = vector.shape_cast %reduce_min3A_466 : vector<128xi32> to vector<128x1xi32>
    %eq3A_468 = vector.broadcast %broadcast_in_dim3A_467 : vector<128x1xi32> to vector<128x1024xi32>
    %eq3A_469 = arith.cmpi eq, %iota3A, %eq3A_468 : vector<128x1024xi32>
    %jit3A_470 = arith.constant 0x7F800000 : f32
    %broadcast_in_dim3A_471 = vector.broadcast %jit3A_470 : f32 to vector<128x1024xf32>
    %select_n3A_472 = arith.select %eq3A_469, %broadcast_in_dim3A_471, %select_n3A_450 : vector<128x1024xi1>, vector<128x1024xf32>
    %add3A_473 = arith.constant 0 : i32
    %add3A_474 = vector.broadcast %add3A_473 : i32 to vector<128x1xi32>
    %add3A_475 = arith.addi %broadcast_in_dim3A_467, %add3A_474 : vector<128x1xi32>
    %swap3A_476 = arith.constant 0 : index
    %swap3A_477 = arith.constant 20 : index
    %swap3A_478 = vector.load %arg3[%swap3A_476, %swap3A_477] : memref<128x32xi32, #tpu.memory_space<vmem>>, vector<128x1xi32>
    tpu.vector_store %arg3[%swap3A_476, %swap3A_477], %add3A_475 {strides = array<i32>} : memref<128x32xi32, #tpu.memory_space<vmem>>, vector<128x1xi32>,
    %reduce_min3A_479 = arith.constant dense<0x7F800000> : vector<128xf32>
    %reduce_min3A_480 = vector.multi_reduction <minimumf>, %select_n3A_472, %reduce_min3A_479 [1] : vector<128x1024xf32> to vector<128xf32>
    %broadcast_in_dim3A_481 = vector.shape_cast %reduce_min3A_480 : vector<128xf32> to vector<128x1xf32>
    %eq3A_482 = vector.broadcast %broadcast_in_dim3A_481 : vector<128x1xf32> to vector<128x1024xf32>
    %eq3A_483 = arith.cmpf oeq, %select_n3A_472, %eq3A_482 : vector<128x1024xf32>
    %jit3A_484 = arith.constant 1073741824 : i32
    %broadcast_in_dim3A_485 = vector.broadcast %jit3A_484 : i32 to vector<128x1024xi32>
    %select_n3A_486 = arith.select %eq3A_483, %iota3A, %broadcast_in_dim3A_485 : vector<128x1024xi1>, vector<128x1024xi32>
    %reduce_min3A_487 = arith.constant dense<2147483647> : vector<128xi32>
    %reduce_min3A_488 = vector.multi_reduction <minsi>, %select_n3A_486, %reduce_min3A_487 [1] : vector<128x1024xi32> to vector<128xi32>
    %broadcast_in_dim3A_489 = vector.shape_cast %reduce_min3A_488 : vector<128xi32> to vector<128x1xi32>
    %eq3A_490 = vector.broadcast %broadcast_in_dim3A_489 : vector<128x1xi32> to vector<128x1024xi32>
    %eq3A_491 = arith.cmpi eq, %iota3A, %eq3A_490 : vector<128x1024xi32>
    %jit3A_492 = arith.constant 0x7F800000 : f32
    %broadcast_in_dim3A_493 = vector.broadcast %jit3A_492 : f32 to vector<128x1024xf32>
    %select_n3A_494 = arith.select %eq3A_491, %broadcast_in_dim3A_493, %select_n3A_472 : vector<128x1024xi1>, vector<128x1024xf32>
    %add3A_495 = arith.constant 0 : i32
    %add3A_496 = vector.broadcast %add3A_495 : i32 to vector<128x1xi32>
    %add3A_497 = arith.addi %broadcast_in_dim3A_489, %add3A_496 : vector<128x1xi32>
    %swap3A_498 = arith.constant 0 : index
    %swap3A_499 = arith.constant 21 : index
    %swap3A_500 = vector.load %arg3[%swap3A_498, %swap3A_499] : memref<128x32xi32, #tpu.memory_space<vmem>>, vector<128x1xi32>
    tpu.vector_store %arg3[%swap3A_498, %swap3A_499], %add3A_497 {strides = array<i32>} : memref<128x32xi32, #tpu.memory_space<vmem>>, vector<128x1xi32>,
    %reduce_min3A_501 = arith.constant dense<0x7F800000> : vector<128xf32>
    %reduce_min3A_502 = vector.multi_reduction <minimumf>, %select_n3A_494, %reduce_min3A_501 [1] : vector<128x1024xf32> to vector<128xf32>
    %broadcast_in_dim3A_503 = vector.shape_cast %reduce_min3A_502 : vector<128xf32> to vector<128x1xf32>
    %eq3A_504 = vector.broadcast %broadcast_in_dim3A_503 : vector<128x1xf32> to vector<128x1024xf32>
    %eq3A_505 = arith.cmpf oeq, %select_n3A_494, %eq3A_504 : vector<128x1024xf32>
    %jit3A_506 = arith.constant 1073741824 : i32
    %broadcast_in_dim3A_507 = vector.broadcast %jit3A_506 : i32 to vector<128x1024xi32>
    %select_n3A_508 = arith.select %eq3A_505, %iota3A, %broadcast_in_dim3A_507 : vector<128x1024xi1>, vector<128x1024xi32>
    %reduce_min3A_509 = arith.constant dense<2147483647> : vector<128xi32>
    %reduce_min3A_510 = vector.multi_reduction <minsi>, %select_n3A_508, %reduce_min3A_509 [1] : vector<128x1024xi32> to vector<128xi32>
    %broadcast_in_dim3A_511 = vector.shape_cast %reduce_min3A_510 : vector<128xi32> to vector<128x1xi32>
    %eq3A_512 = vector.broadcast %broadcast_in_dim3A_511 : vector<128x1xi32> to vector<128x1024xi32>
    %eq3A_513 = arith.cmpi eq, %iota3A, %eq3A_512 : vector<128x1024xi32>
    %jit3A_514 = arith.constant 0x7F800000 : f32
    %broadcast_in_dim3A_515 = vector.broadcast %jit3A_514 : f32 to vector<128x1024xf32>
    %select_n3A_516 = arith.select %eq3A_513, %broadcast_in_dim3A_515, %select_n3A_494 : vector<128x1024xi1>, vector<128x1024xf32>
    %add3A_517 = arith.constant 0 : i32
    %add3A_518 = vector.broadcast %add3A_517 : i32 to vector<128x1xi32>
    %add3A_519 = arith.addi %broadcast_in_dim3A_511, %add3A_518 : vector<128x1xi32>
    %swap3A_520 = arith.constant 0 : index
    %swap3A_521 = arith.constant 22 : index
    %swap3A_522 = vector.load %arg3[%swap3A_520, %swap3A_521] : memref<128x32xi32, #tpu.memory_space<vmem>>, vector<128x1xi32>
    tpu.vector_store %arg3[%swap3A_520, %swap3A_521], %add3A_519 {strides = array<i32>} : memref<128x32xi32, #tpu.memory_space<vmem>>, vector<128x1xi32>,
    %reduce_min3A_523 = arith.constant dense<0x7F800000> : vector<128xf32>
    %reduce_min3A_524 = vector.multi_reduction <minimumf>, %select_n3A_516, %reduce_min3A_523 [1] : vector<128x1024xf32> to vector<128xf32>
    %broadcast_in_dim3A_525 = vector.shape_cast %reduce_min3A_524 : vector<128xf32> to vector<128x1xf32>
    %eq3A_526 = vector.broadcast %broadcast_in_dim3A_525 : vector<128x1xf32> to vector<128x1024xf32>
    %eq3A_527 = arith.cmpf oeq, %select_n3A_516, %eq3A_526 : vector<128x1024xf32>
    %jit3A_528 = arith.constant 1073741824 : i32
    %broadcast_in_dim3A_529 = vector.broadcast %jit3A_528 : i32 to vector<128x1024xi32>
    %select_n3A_530 = arith.select %eq3A_527, %iota3A, %broadcast_in_dim3A_529 : vector<128x1024xi1>, vector<128x1024xi32>
    %reduce_min3A_531 = arith.constant dense<2147483647> : vector<128xi32>
    %reduce_min3A_532 = vector.multi_reduction <minsi>, %select_n3A_530, %reduce_min3A_531 [1] : vector<128x1024xi32> to vector<128xi32>
    %broadcast_in_dim3A_533 = vector.shape_cast %reduce_min3A_532 : vector<128xi32> to vector<128x1xi32>
    %eq3A_534 = vector.broadcast %broadcast_in_dim3A_533 : vector<128x1xi32> to vector<128x1024xi32>
    %eq3A_535 = arith.cmpi eq, %iota3A, %eq3A_534 : vector<128x1024xi32>
    %jit3A_536 = arith.constant 0x7F800000 : f32
    %broadcast_in_dim3A_537 = vector.broadcast %jit3A_536 : f32 to vector<128x1024xf32>
    %select_n3A_538 = arith.select %eq3A_535, %broadcast_in_dim3A_537, %select_n3A_516 : vector<128x1024xi1>, vector<128x1024xf32>
    %add3A_539 = arith.constant 0 : i32
    %add3A_540 = vector.broadcast %add3A_539 : i32 to vector<128x1xi32>
    %add3A_541 = arith.addi %broadcast_in_dim3A_533, %add3A_540 : vector<128x1xi32>
    %swap3A_542 = arith.constant 0 : index
    %swap3A_543 = arith.constant 23 : index
    %swap3A_544 = vector.load %arg3[%swap3A_542, %swap3A_543] : memref<128x32xi32, #tpu.memory_space<vmem>>, vector<128x1xi32>
    tpu.vector_store %arg3[%swap3A_542, %swap3A_543], %add3A_541 {strides = array<i32>} : memref<128x32xi32, #tpu.memory_space<vmem>>, vector<128x1xi32>,
    %reduce_min3A_545 = arith.constant dense<0x7F800000> : vector<128xf32>
    %reduce_min3A_546 = vector.multi_reduction <minimumf>, %select_n3A_538, %reduce_min3A_545 [1] : vector<128x1024xf32> to vector<128xf32>
    %broadcast_in_dim3A_547 = vector.shape_cast %reduce_min3A_546 : vector<128xf32> to vector<128x1xf32>
    %eq3A_548 = vector.broadcast %broadcast_in_dim3A_547 : vector<128x1xf32> to vector<128x1024xf32>
    %eq3A_549 = arith.cmpf oeq, %select_n3A_538, %eq3A_548 : vector<128x1024xf32>
    %jit3A_550 = arith.constant 1073741824 : i32
    %broadcast_in_dim3A_551 = vector.broadcast %jit3A_550 : i32 to vector<128x1024xi32>
    %select_n3A_552 = arith.select %eq3A_549, %iota3A, %broadcast_in_dim3A_551 : vector<128x1024xi1>, vector<128x1024xi32>
    %reduce_min3A_553 = arith.constant dense<2147483647> : vector<128xi32>
    %reduce_min3A_554 = vector.multi_reduction <minsi>, %select_n3A_552, %reduce_min3A_553 [1] : vector<128x1024xi32> to vector<128xi32>
    %broadcast_in_dim3A_555 = vector.shape_cast %reduce_min3A_554 : vector<128xi32> to vector<128x1xi32>
    %eq3A_556 = vector.broadcast %broadcast_in_dim3A_555 : vector<128x1xi32> to vector<128x1024xi32>
    %eq3A_557 = arith.cmpi eq, %iota3A, %eq3A_556 : vector<128x1024xi32>
    %jit3A_558 = arith.constant 0x7F800000 : f32
    %broadcast_in_dim3A_559 = vector.broadcast %jit3A_558 : f32 to vector<128x1024xf32>
    %select_n3A_560 = arith.select %eq3A_557, %broadcast_in_dim3A_559, %select_n3A_538 : vector<128x1024xi1>, vector<128x1024xf32>
    %add3A_561 = arith.constant 0 : i32
    %add3A_562 = vector.broadcast %add3A_561 : i32 to vector<128x1xi32>
    %add3A_563 = arith.addi %broadcast_in_dim3A_555, %add3A_562 : vector<128x1xi32>
    %swap3A_564 = arith.constant 0 : index
    %swap3A_565 = arith.constant 24 : index
    %swap3A_566 = vector.load %arg3[%swap3A_564, %swap3A_565] : memref<128x32xi32, #tpu.memory_space<vmem>>, vector<128x1xi32>
    tpu.vector_store %arg3[%swap3A_564, %swap3A_565], %add3A_563 {strides = array<i32>} : memref<128x32xi32, #tpu.memory_space<vmem>>, vector<128x1xi32>,
    %reduce_min3A_567 = arith.constant dense<0x7F800000> : vector<128xf32>
    %reduce_min3A_568 = vector.multi_reduction <minimumf>, %select_n3A_560, %reduce_min3A_567 [1] : vector<128x1024xf32> to vector<128xf32>
    %broadcast_in_dim3A_569 = vector.shape_cast %reduce_min3A_568 : vector<128xf32> to vector<128x1xf32>
    %eq3A_570 = vector.broadcast %broadcast_in_dim3A_569 : vector<128x1xf32> to vector<128x1024xf32>
    %eq3A_571 = arith.cmpf oeq, %select_n3A_560, %eq3A_570 : vector<128x1024xf32>
    %jit3A_572 = arith.constant 1073741824 : i32
    %broadcast_in_dim3A_573 = vector.broadcast %jit3A_572 : i32 to vector<128x1024xi32>
    %select_n3A_574 = arith.select %eq3A_571, %iota3A, %broadcast_in_dim3A_573 : vector<128x1024xi1>, vector<128x1024xi32>
    %reduce_min3A_575 = arith.constant dense<2147483647> : vector<128xi32>
    %reduce_min3A_576 = vector.multi_reduction <minsi>, %select_n3A_574, %reduce_min3A_575 [1] : vector<128x1024xi32> to vector<128xi32>
    %broadcast_in_dim3A_577 = vector.shape_cast %reduce_min3A_576 : vector<128xi32> to vector<128x1xi32>
    %eq3A_578 = vector.broadcast %broadcast_in_dim3A_577 : vector<128x1xi32> to vector<128x1024xi32>
    %eq3A_579 = arith.cmpi eq, %iota3A, %eq3A_578 : vector<128x1024xi32>
    %jit3A_580 = arith.constant 0x7F800000 : f32
    %broadcast_in_dim3A_581 = vector.broadcast %jit3A_580 : f32 to vector<128x1024xf32>
    %select_n3A_582 = arith.select %eq3A_579, %broadcast_in_dim3A_581, %select_n3A_560 : vector<128x1024xi1>, vector<128x1024xf32>
    %add3A_583 = arith.constant 0 : i32
    %add3A_584 = vector.broadcast %add3A_583 : i32 to vector<128x1xi32>
    %add3A_585 = arith.addi %broadcast_in_dim3A_577, %add3A_584 : vector<128x1xi32>
    %swap3A_586 = arith.constant 0 : index
    %swap3A_587 = arith.constant 25 : index
    %swap3A_588 = vector.load %arg3[%swap3A_586, %swap3A_587] : memref<128x32xi32, #tpu.memory_space<vmem>>, vector<128x1xi32>
    tpu.vector_store %arg3[%swap3A_586, %swap3A_587], %add3A_585 {strides = array<i32>} : memref<128x32xi32, #tpu.memory_space<vmem>>, vector<128x1xi32>,
    %reduce_min3A_589 = arith.constant dense<0x7F800000> : vector<128xf32>
    %reduce_min3A_590 = vector.multi_reduction <minimumf>, %select_n3A_582, %reduce_min3A_589 [1] : vector<128x1024xf32> to vector<128xf32>
    %broadcast_in_dim3A_591 = vector.shape_cast %reduce_min3A_590 : vector<128xf32> to vector<128x1xf32>
    %eq3A_592 = vector.broadcast %broadcast_in_dim3A_591 : vector<128x1xf32> to vector<128x1024xf32>
    %eq3A_593 = arith.cmpf oeq, %select_n3A_582, %eq3A_592 : vector<128x1024xf32>
    %jit3A_594 = arith.constant 1073741824 : i32
    %broadcast_in_dim3A_595 = vector.broadcast %jit3A_594 : i32 to vector<128x1024xi32>
    %select_n3A_596 = arith.select %eq3A_593, %iota3A, %broadcast_in_dim3A_595 : vector<128x1024xi1>, vector<128x1024xi32>
    %reduce_min3A_597 = arith.constant dense<2147483647> : vector<128xi32>
    %reduce_min3A_598 = vector.multi_reduction <minsi>, %select_n3A_596, %reduce_min3A_597 [1] : vector<128x1024xi32> to vector<128xi32>
    %broadcast_in_dim3A_599 = vector.shape_cast %reduce_min3A_598 : vector<128xi32> to vector<128x1xi32>
    %eq3A_600 = vector.broadcast %broadcast_in_dim3A_599 : vector<128x1xi32> to vector<128x1024xi32>
    %eq3A_601 = arith.cmpi eq, %iota3A, %eq3A_600 : vector<128x1024xi32>
    %jit3A_602 = arith.constant 0x7F800000 : f32
    %broadcast_in_dim3A_603 = vector.broadcast %jit3A_602 : f32 to vector<128x1024xf32>
    %select_n3A_604 = arith.select %eq3A_601, %broadcast_in_dim3A_603, %select_n3A_582 : vector<128x1024xi1>, vector<128x1024xf32>
    %add3A_605 = arith.constant 0 : i32
    %add3A_606 = vector.broadcast %add3A_605 : i32 to vector<128x1xi32>
    %add3A_607 = arith.addi %broadcast_in_dim3A_599, %add3A_606 : vector<128x1xi32>
    %swap3A_608 = arith.constant 0 : index
    %swap3A_609 = arith.constant 26 : index
    %swap3A_610 = vector.load %arg3[%swap3A_608, %swap3A_609] : memref<128x32xi32, #tpu.memory_space<vmem>>, vector<128x1xi32>
    tpu.vector_store %arg3[%swap3A_608, %swap3A_609], %add3A_607 {strides = array<i32>} : memref<128x32xi32, #tpu.memory_space<vmem>>, vector<128x1xi32>,
    %reduce_min3A_611 = arith.constant dense<0x7F800000> : vector<128xf32>
    %reduce_min3A_612 = vector.multi_reduction <minimumf>, %select_n3A_604, %reduce_min3A_611 [1] : vector<128x1024xf32> to vector<128xf32>
    %broadcast_in_dim3A_613 = vector.shape_cast %reduce_min3A_612 : vector<128xf32> to vector<128x1xf32>
    %eq3A_614 = vector.broadcast %broadcast_in_dim3A_613 : vector<128x1xf32> to vector<128x1024xf32>
    %eq3A_615 = arith.cmpf oeq, %select_n3A_604, %eq3A_614 : vector<128x1024xf32>
    %jit3A_616 = arith.constant 1073741824 : i32
    %broadcast_in_dim3A_617 = vector.broadcast %jit3A_616 : i32 to vector<128x1024xi32>
    %select_n3A_618 = arith.select %eq3A_615, %iota3A, %broadcast_in_dim3A_617 : vector<128x1024xi1>, vector<128x1024xi32>
    %reduce_min3A_619 = arith.constant dense<2147483647> : vector<128xi32>
    %reduce_min3A_620 = vector.multi_reduction <minsi>, %select_n3A_618, %reduce_min3A_619 [1] : vector<128x1024xi32> to vector<128xi32>
    %broadcast_in_dim3A_621 = vector.shape_cast %reduce_min3A_620 : vector<128xi32> to vector<128x1xi32>
    %eq3A_622 = vector.broadcast %broadcast_in_dim3A_621 : vector<128x1xi32> to vector<128x1024xi32>
    %eq3A_623 = arith.cmpi eq, %iota3A, %eq3A_622 : vector<128x1024xi32>
    %jit3A_624 = arith.constant 0x7F800000 : f32
    %broadcast_in_dim3A_625 = vector.broadcast %jit3A_624 : f32 to vector<128x1024xf32>
    %select_n3A_626 = arith.select %eq3A_623, %broadcast_in_dim3A_625, %select_n3A_604 : vector<128x1024xi1>, vector<128x1024xf32>
    %add3A_627 = arith.constant 0 : i32
    %add3A_628 = vector.broadcast %add3A_627 : i32 to vector<128x1xi32>
    %add3A_629 = arith.addi %broadcast_in_dim3A_621, %add3A_628 : vector<128x1xi32>
    %swap3A_630 = arith.constant 0 : index
    %swap3A_631 = arith.constant 27 : index
    %swap3A_632 = vector.load %arg3[%swap3A_630, %swap3A_631] : memref<128x32xi32, #tpu.memory_space<vmem>>, vector<128x1xi32>
    tpu.vector_store %arg3[%swap3A_630, %swap3A_631], %add3A_629 {strides = array<i32>} : memref<128x32xi32, #tpu.memory_space<vmem>>, vector<128x1xi32>,
    %reduce_min3A_633 = arith.constant dense<0x7F800000> : vector<128xf32>
    %reduce_min3A_634 = vector.multi_reduction <minimumf>, %select_n3A_626, %reduce_min3A_633 [1] : vector<128x1024xf32> to vector<128xf32>
    %broadcast_in_dim3A_635 = vector.shape_cast %reduce_min3A_634 : vector<128xf32> to vector<128x1xf32>
    %eq3A_636 = vector.broadcast %broadcast_in_dim3A_635 : vector<128x1xf32> to vector<128x1024xf32>
    %eq3A_637 = arith.cmpf oeq, %select_n3A_626, %eq3A_636 : vector<128x1024xf32>
    %jit3A_638 = arith.constant 1073741824 : i32
    %broadcast_in_dim3A_639 = vector.broadcast %jit3A_638 : i32 to vector<128x1024xi32>
    %select_n3A_640 = arith.select %eq3A_637, %iota3A, %broadcast_in_dim3A_639 : vector<128x1024xi1>, vector<128x1024xi32>
    %reduce_min3A_641 = arith.constant dense<2147483647> : vector<128xi32>
    %reduce_min3A_642 = vector.multi_reduction <minsi>, %select_n3A_640, %reduce_min3A_641 [1] : vector<128x1024xi32> to vector<128xi32>
    %broadcast_in_dim3A_643 = vector.shape_cast %reduce_min3A_642 : vector<128xi32> to vector<128x1xi32>
    %eq3A_644 = vector.broadcast %broadcast_in_dim3A_643 : vector<128x1xi32> to vector<128x1024xi32>
    %eq3A_645 = arith.cmpi eq, %iota3A, %eq3A_644 : vector<128x1024xi32>
    %jit3A_646 = arith.constant 0x7F800000 : f32
    %broadcast_in_dim3A_647 = vector.broadcast %jit3A_646 : f32 to vector<128x1024xf32>
    %select_n3A_648 = arith.select %eq3A_645, %broadcast_in_dim3A_647, %select_n3A_626 : vector<128x1024xi1>, vector<128x1024xf32>
    %add3A_649 = arith.constant 0 : i32
    %add3A_650 = vector.broadcast %add3A_649 : i32 to vector<128x1xi32>
    %add3A_651 = arith.addi %broadcast_in_dim3A_643, %add3A_650 : vector<128x1xi32>
    %swap3A_652 = arith.constant 0 : index
    %swap3A_653 = arith.constant 28 : index
    %swap3A_654 = vector.load %arg3[%swap3A_652, %swap3A_653] : memref<128x32xi32, #tpu.memory_space<vmem>>, vector<128x1xi32>
    tpu.vector_store %arg3[%swap3A_652, %swap3A_653], %add3A_651 {strides = array<i32>} : memref<128x32xi32, #tpu.memory_space<vmem>>, vector<128x1xi32>,
    %reduce_min3A_655 = arith.constant dense<0x7F800000> : vector<128xf32>
    %reduce_min3A_656 = vector.multi_reduction <minimumf>, %select_n3A_648, %reduce_min3A_655 [1] : vector<128x1024xf32> to vector<128xf32>
    %broadcast_in_dim3A_657 = vector.shape_cast %reduce_min3A_656 : vector<128xf32> to vector<128x1xf32>
    %eq3A_658 = vector.broadcast %broadcast_in_dim3A_657 : vector<128x1xf32> to vector<128x1024xf32>
    %eq3A_659 = arith.cmpf oeq, %select_n3A_648, %eq3A_658 : vector<128x1024xf32>
    %jit3A_660 = arith.constant 1073741824 : i32
    %broadcast_in_dim3A_661 = vector.broadcast %jit3A_660 : i32 to vector<128x1024xi32>
    %select_n3A_662 = arith.select %eq3A_659, %iota3A, %broadcast_in_dim3A_661 : vector<128x1024xi1>, vector<128x1024xi32>
    %reduce_min3A_663 = arith.constant dense<2147483647> : vector<128xi32>
    %reduce_min3A_664 = vector.multi_reduction <minsi>, %select_n3A_662, %reduce_min3A_663 [1] : vector<128x1024xi32> to vector<128xi32>
    %broadcast_in_dim3A_665 = vector.shape_cast %reduce_min3A_664 : vector<128xi32> to vector<128x1xi32>
    %eq3A_666 = vector.broadcast %broadcast_in_dim3A_665 : vector<128x1xi32> to vector<128x1024xi32>
    %eq3A_667 = arith.cmpi eq, %iota3A, %eq3A_666 : vector<128x1024xi32>
    %jit3A_668 = arith.constant 0x7F800000 : f32
    %broadcast_in_dim3A_669 = vector.broadcast %jit3A_668 : f32 to vector<128x1024xf32>
    %select_n3A_670 = arith.select %eq3A_667, %broadcast_in_dim3A_669, %select_n3A_648 : vector<128x1024xi1>, vector<128x1024xf32>
    %add3A_671 = arith.constant 0 : i32
    %add3A_672 = vector.broadcast %add3A_671 : i32 to vector<128x1xi32>
    %add3A_673 = arith.addi %broadcast_in_dim3A_665, %add3A_672 : vector<128x1xi32>
    %swap3A_674 = arith.constant 0 : index
    %swap3A_675 = arith.constant 29 : index
    %swap3A_676 = vector.load %arg3[%swap3A_674, %swap3A_675] : memref<128x32xi32, #tpu.memory_space<vmem>>, vector<128x1xi32>
    tpu.vector_store %arg3[%swap3A_674, %swap3A_675], %add3A_673 {strides = array<i32>} : memref<128x32xi32, #tpu.memory_space<vmem>>, vector<128x1xi32>,
    %reduce_min3A_677 = arith.constant dense<0x7F800000> : vector<128xf32>
    %reduce_min3A_678 = vector.multi_reduction <minimumf>, %select_n3A_670, %reduce_min3A_677 [1] : vector<128x1024xf32> to vector<128xf32>
    %broadcast_in_dim3A_679 = vector.shape_cast %reduce_min3A_678 : vector<128xf32> to vector<128x1xf32>
    %eq3A_680 = vector.broadcast %broadcast_in_dim3A_679 : vector<128x1xf32> to vector<128x1024xf32>
    %eq3A_681 = arith.cmpf oeq, %select_n3A_670, %eq3A_680 : vector<128x1024xf32>
    %jit3A_682 = arith.constant 1073741824 : i32
    %broadcast_in_dim3A_683 = vector.broadcast %jit3A_682 : i32 to vector<128x1024xi32>
    %select_n3A_684 = arith.select %eq3A_681, %iota3A, %broadcast_in_dim3A_683 : vector<128x1024xi1>, vector<128x1024xi32>
    %reduce_min3A_685 = arith.constant dense<2147483647> : vector<128xi32>
    %reduce_min3A_686 = vector.multi_reduction <minsi>, %select_n3A_684, %reduce_min3A_685 [1] : vector<128x1024xi32> to vector<128xi32>
    %broadcast_in_dim3A_687 = vector.shape_cast %reduce_min3A_686 : vector<128xi32> to vector<128x1xi32>
    %eq3A_688 = vector.broadcast %broadcast_in_dim3A_687 : vector<128x1xi32> to vector<128x1024xi32>
    %eq3A_689 = arith.cmpi eq, %iota3A, %eq3A_688 : vector<128x1024xi32>
    %jit3A_690 = arith.constant 0x7F800000 : f32
    %broadcast_in_dim3A_691 = vector.broadcast %jit3A_690 : f32 to vector<128x1024xf32>
    %select_n3A_692 = arith.select %eq3A_689, %broadcast_in_dim3A_691, %select_n3A_670 : vector<128x1024xi1>, vector<128x1024xf32>
    %add3A_693 = arith.constant 0 : i32
    %add3A_694 = vector.broadcast %add3A_693 : i32 to vector<128x1xi32>
    %add3A_695 = arith.addi %broadcast_in_dim3A_687, %add3A_694 : vector<128x1xi32>
    %swap3A_696 = arith.constant 0 : index
    %swap3A_697 = arith.constant 30 : index
    %swap3A_698 = vector.load %arg3[%swap3A_696, %swap3A_697] : memref<128x32xi32, #tpu.memory_space<vmem>>, vector<128x1xi32>
    tpu.vector_store %arg3[%swap3A_696, %swap3A_697], %add3A_695 {strides = array<i32>} : memref<128x32xi32, #tpu.memory_space<vmem>>, vector<128x1xi32>,
    %reduce_min3A_699 = arith.constant dense<0x7F800000> : vector<128xf32>
    %reduce_min3A_700 = vector.multi_reduction <minimumf>, %select_n3A_692, %reduce_min3A_699 [1] : vector<128x1024xf32> to vector<128xf32>
    %broadcast_in_dim3A_701 = vector.shape_cast %reduce_min3A_700 : vector<128xf32> to vector<128x1xf32>
    %eq3A_702 = vector.broadcast %broadcast_in_dim3A_701 : vector<128x1xf32> to vector<128x1024xf32>
    %eq3A_703 = arith.cmpf oeq, %select_n3A_692, %eq3A_702 : vector<128x1024xf32>
    %jit3A_704 = arith.constant 1073741824 : i32
    %broadcast_in_dim3A_705 = vector.broadcast %jit3A_704 : i32 to vector<128x1024xi32>
    %select_n3A_706 = arith.select %eq3A_703, %iota3A, %broadcast_in_dim3A_705 : vector<128x1024xi1>, vector<128x1024xi32>
    %reduce_min3A_707 = arith.constant dense<2147483647> : vector<128xi32>
    %reduce_min3A_708 = vector.multi_reduction <minsi>, %select_n3A_706, %reduce_min3A_707 [1] : vector<128x1024xi32> to vector<128xi32>
    %broadcast_in_dim3A_709 = vector.shape_cast %reduce_min3A_708 : vector<128xi32> to vector<128x1xi32>
    %add3A_710 = arith.constant 0 : i32
    %add3A_711 = vector.broadcast %add3A_710 : i32 to vector<128x1xi32>
    %add3A_712 = arith.addi %broadcast_in_dim3A_709, %add3A_711 : vector<128x1xi32>
    %swap3A_713 = arith.constant 0 : index
    %swap3A_714 = arith.constant 31 : index
    %swap3A_715 = vector.load %arg3[%swap3A_713, %swap3A_714] : memref<128x32xi32, #tpu.memory_space<vmem>>, vector<128x1xi32>
    tpu.vector_store %arg3[%swap3A_713, %swap3A_714], %add3A_712 {strides = array<i32>} : memref<128x32xi32, #tpu.memory_space<vmem>>, vector<128x1xi32>,
    return
  }
  func.func @transform_0(%arg0: i32) -> (i32, i32) {
    %c0_i32 = arith.constant 0 : i32
    %c0_i32_0 = arith.constant 0 : i32
    return %arg0, %c0_i32 : i32, i32
  }
  func.func @transform_1(%arg0: i32) -> (i32, i32, i32) {
    %c0_i32 = arith.constant 0 : i32
    %c0_i32_0 = arith.constant 0 : i32
    %c0_i32_1 = arith.constant 0 : i32
    %c0_i32_2 = arith.constant 0 : i32
    return %c0_i32, %c0_i32_0, %c0_i32_1 : i32, i32, i32
  }
  func.func @transform_2(%arg0: i32) -> (i32, i32) {
    %c0_i32 = arith.constant 0 : i32
    %c0_i32_0 = arith.constant 0 : i32
    return %arg0, %c0_i32 : i32, i32
  }
}

module attributes {stable_mosaic.version = 14 : i64} {
  func.func @_c_body(%arg0: i32, %arg1: memref<32x512xf32, #tpu.memory_space<vmem>>, %arg2: memref<1024x512xi32, #tpu.memory_space<vmem>>, %arg3: memref<1024x128xf32, #tpu.memory_space<vmem>>, %arg4: memref<32x128xf32, #tpu.memory_space<vmem>>, %arg5: memref<8x16xf32, #tpu.memory_space<vmem>>, %arg6: memref<16x128xf32, #tpu.memory_space<vmem>>, %arg7: memref<1x128xf32, #tpu.memory_space<vmem>>, %arg8: memref<128x64xf32, #tpu.memory_space<vmem>>, %arg9: memref<1x64xf32, #tpu.memory_space<vmem>>, %arg10: memref<64x128xf32, #tpu.memory_space<vmem>>, %arg11: memref<1x128xf32, #tpu.memory_space<vmem>>, %arg12: memref<128x16xf32, #tpu.memory_space<vmem>>, %arg13: memref<1x16xf32, #tpu.memory_space<vmem>>, %arg14: memref<16x64xf32, #tpu.memory_space<vmem>>, %arg15: memref<1x64xf32, #tpu.memory_space<vmem>>, %arg16: memref<64x1xf32, #tpu.memory_space<vmem>>, %arg17: memref<1x1xf32, #tpu.memory_space<vmem>>, %arg18: memref<128x64xf32, #tpu.memory_space<vmem>>, %arg19: memref<1x64xf32, #tpu.memory_space<vmem>>, %arg20: memref<64x1xf32, #tpu.memory_space<vmem>>, %arg21: memref<1x1xf32, #tpu.memory_space<vmem>>, %arg22: memref<512x512xf32, #tpu.memory_space<vmem>>, %arg23: memref<1x512xf32, #tpu.memory_space<vmem>>, %arg24: memref<32x512xf32, #tpu.memory_space<vmem>>, %arg25: memref<32x3xf32, #tpu.memory_space<vmem>>) attributes {dimension_semantics = [#tpu.dimension_semantics<arbitrary>], iteration_bounds = array<i64: 16>, scalar_prefetch = 0 : i64, scratch_operands = 0 : i64, tpu.core_type = #tpu.core_type<tc>, window_params = [{transform_indices = @transform_0, window_bounds = array<i64: 32, 512>}, {transform_indices = @transform_1, window_bounds = array<i64: 1024, 512>}, {transform_indices = @transform_2, window_bounds = array<i64: 1024, 128>}, {transform_indices = @transform_3, window_bounds = array<i64: 32, 128>}, {pipeline_mode = #tpu.pipeline_mode<synchronous>, transform_indices = @transform_4, window_bounds = array<i64: 8, 16>}, {pipeline_mode = #tpu.pipeline_mode<synchronous>, transform_indices = @transform_5, window_bounds = array<i64: 16, 128>}, {pipeline_mode = #tpu.pipeline_mode<synchronous>, transform_indices = @transform_6, window_bounds = array<i64: 1, 128>}, {pipeline_mode = #tpu.pipeline_mode<synchronous>, transform_indices = @transform_7, window_bounds = array<i64: 128, 64>}, {pipeline_mode = #tpu.pipeline_mode<synchronous>, transform_indices = @transform_8, window_bounds = array<i64: 1, 64>}, {pipeline_mode = #tpu.pipeline_mode<synchronous>, transform_indices = @transform_9, window_bounds = array<i64: 64, 128>}, {pipeline_mode = #tpu.pipeline_mode<synchronous>, transform_indices = @transform_10, window_bounds = array<i64: 1, 128>}, {pipeline_mode = #tpu.pipeline_mode<synchronous>, transform_indices = @transform_11, window_bounds = array<i64: 128, 16>}, {pipeline_mode = #tpu.pipeline_mode<synchronous>, transform_indices = @transform_12, window_bounds = array<i64: 1, 16>}, {pipeline_mode = #tpu.pipeline_mode<synchronous>, transform_indices = @transform_13, window_bounds = array<i64: 16, 64>}, {pipeline_mode = #tpu.pipeline_mode<synchronous>, transform_indices = @transform_14, window_bounds = array<i64: 1, 64>}, {pipeline_mode = #tpu.pipeline_mode<synchronous>, transform_indices = @transform_15, window_bounds = array<i64: 64, 1>}, {pipeline_mode = #tpu.pipeline_mode<synchronous>, transform_indices = @transform_16, window_bounds = array<i64: 1, 1>}, {pipeline_mode = #tpu.pipeline_mode<synchronous>, transform_indices = @transform_17, window_bounds = array<i64: 128, 64>}, {pipeline_mode = #tpu.pipeline_mode<synchronous>, transform_indices = @transform_18, window_bounds = array<i64: 1, 64>}, {pipeline_mode = #tpu.pipeline_mode<synchronous>, transform_indices = @transform_19, window_bounds = array<i64: 64, 1>}, {pipeline_mode = #tpu.pipeline_mode<synchronous>, transform_indices = @transform_20, window_bounds = array<i64: 1, 1>}, {pipeline_mode = #tpu.pipeline_mode<synchronous>, transform_indices = @transform_21, window_bounds = array<i64: 512, 512>}, {pipeline_mode = #tpu.pipeline_mode<synchronous>, transform_indices = @transform_22, window_bounds = array<i64: 1, 512>}, {transform_indices = @transform_23, window_bounds = array<i64: 32, 512>}, {transform_indices = @transform_24, window_bounds = array<i64: 32, 3>}]} {
    %get3A = arith.constant 0 : index
    %get3A_0 = arith.constant 0 : index
    %get3A_1 = vector.load %arg1[%get3A, %get3A_0] : memref<32x512xf32, #tpu.memory_space<vmem>>, vector<32x512xf32>
    %get3A_2 = arith.constant 0 : index
    %get3A_3 = arith.constant 0 : index
    %get3A_4 = vector.load %arg2[%get3A_2, %get3A_3] : memref<1024x512xi32, #tpu.memory_space<vmem>>, vector<1024x512xi32>
    %get3A_5 = arith.constant 0 : index
    %get3A_6 = arith.constant 0 : index
    %get3A_7 = vector.load %arg4[%get3A_5, %get3A_6] : memref<32x128xf32, #tpu.memory_space<vmem>>, vector<32x128xf32>
    %slice3A = vector.extract_strided_slice %get3A_7 {offsets = [0, 0], sizes = [32, 3], strides = [1, 1]} : vector<32x128xf32> to vector<32x3xf32>
    %get3A_8 = arith.constant 0 : index
    %get3A_9 = arith.constant 0 : index
    %get3A_10 = vector.load %arg3[%get3A_8, %get3A_9] : memref<1024x128xf32, #tpu.memory_space<vmem>>, vector<1024x128xf32>
    %slice3A_11 = vector.extract_strided_slice %get3A_10 {offsets = [0, 0], sizes = [1024, 3], strides = [1, 1]} : vector<1024x128xf32> to vector<1024x3xf32>
    %broadcast_in_dim3A = vector.shape_cast %slice3A : vector<32x3xf32> to vector<32x1x3xf32>
    %broadcast_in_dim3A_12 = vector.shape_cast %broadcast_in_dim3A : vector<32x1x3xf32> to vector<32x1x3xf32>
    %broadcast_in_dim3A_13 = vector.broadcast %broadcast_in_dim3A_12 : vector<32x1x3xf32> to vector<32x32x3xf32>
    %reshape3A = vector.shape_cast %broadcast_in_dim3A_13 : vector<32x32x3xf32> to vector<1024x3xf32>
    %sub3A = arith.subf %reshape3A, %slice3A_11 : vector<1024x3xf32>
    %mul3A = arith.mulf %sub3A, %sub3A : vector<1024x3xf32>
    %reduce_sum3A = arith.constant dense<0.000000e+00> : vector<1024xf32>
    %reduce_sum3A_14 = vector.multi_reduction <add>, %mul3A, %reduce_sum3A [1] : vector<1024x3xf32> to vector<1024xf32>
    %broadcast_in_dim3A_15 = vector.shape_cast %reduce_sum3A_14 : vector<1024xf32> to vector<1024x1xf32>
    %eq3A = arith.constant 0.000000e+00 : f32
    %eq3A_16 = vector.broadcast %eq3A : f32 to vector<1024x1xf32>
    %eq3A_17 = arith.cmpf oeq, %broadcast_in_dim3A_15, %eq3A_16 : vector<1024x1xf32>
    %eq3A_18 = arith.constant 0.000000e+00 : f32
    %eq3A_19 = vector.broadcast %eq3A_18 : f32 to vector<1024x1xf32>
    %eq3A_20 = arith.cmpf oeq, %broadcast_in_dim3A_15, %eq3A_19 : vector<1024x1xf32>
    %jit3A = arith.constant 1.000000e+00 : f32
    %broadcast_in_dim3A_21 = vector.broadcast %jit3A : f32 to vector<1024x1xf32>
    %select_n3A = arith.select %eq3A_20, %broadcast_in_dim3A_21, %broadcast_in_dim3A_15 : vector<1024x1xi1>, vector<1024x1xf32>
    %sqrt3A = math.sqrt %select_n3A : vector<1024x1xf32>
    %jit3A_22 = arith.constant 0.000000e+00 : f32
    %broadcast_in_dim3A_23 = vector.broadcast %jit3A_22 : f32 to vector<1024x1xf32>
    %select_n3A_24 = arith.select %eq3A_17, %broadcast_in_dim3A_23, %sqrt3A : vector<1024x1xi1>, vector<1024x1xf32>
    %get3A_25 = arith.constant 0 : index
    %get3A_26 = arith.constant 0 : index
    %get3A_27 = vector.load %arg5[%get3A_25, %get3A_26] : memref<8x16xf32, #tpu.memory_space<vmem>>, vector<8x16xf32>
    %slice3A_28 = vector.extract_strided_slice %get3A_27 {offsets = [0, 0], sizes = [1, 16], strides = [1, 1]} : vector<8x16xf32> to vector<1x16xf32>
    %mul3A_29 = vector.broadcast %select_n3A_24 : vector<1024x1xf32> to vector<1024x16xf32>
    %mul3A_30 = vector.broadcast %slice3A_28 : vector<1x16xf32> to vector<1024x16xf32>
    %mul3A_31 = arith.mulf %mul3A_29, %mul3A_30 : vector<1024x16xf32>
    %slice3A_32 = vector.extract_strided_slice %get3A_27 {offsets = [1, 0], sizes = [1, 16], strides = [1, 1]} : vector<8x16xf32> to vector<1x16xf32>
    %add3A = vector.broadcast %slice3A_32 : vector<1x16xf32> to vector<1024x16xf32>
    %add3A_33 = arith.addf %mul3A_31, %add3A : vector<1024x16xf32>
    %mul3A_34 = arith.constant 0.318309873 : f32
    %mul3A_35 = vector.broadcast %mul3A_34 : f32 to vector<1024x16xf32>
    %mul3A_36 = arith.mulf %add3A_33, %mul3A_35 : vector<1024x16xf32>
    %add3A_37 = arith.constant 5.000000e-01 : f32
    %add3A_38 = vector.broadcast %add3A_37 : f32 to vector<1024x16xf32>
    %add3A_39 = arith.addf %mul3A_36, %add3A_38 : vector<1024x16xf32>
    %floor3A = math.floor %add3A_39 : vector<1024x16xf32>
    %mul3A_40 = arith.constant 3.140625 : f32
    %mul3A_41 = vector.broadcast %mul3A_40 : f32 to vector<1024x16xf32>
    %mul3A_42 = arith.mulf %floor3A, %mul3A_41 : vector<1024x16xf32>
    %sub3A_43 = arith.subf %add3A_33, %mul3A_42 : vector<1024x16xf32>
    %mul3A_44 = arith.constant 9.67653584E-4 : f32
    %mul3A_45 = vector.broadcast %mul3A_44 : f32 to vector<1024x16xf32>
    %mul3A_46 = arith.mulf %floor3A, %mul3A_45 : vector<1024x16xf32>
    %sub3A_47 = arith.subf %sub3A_43, %mul3A_46 : vector<1024x16xf32>
    %mul3A_48 = arith.constant 5.000000e-01 : f32
    %mul3A_49 = vector.broadcast %mul3A_48 : f32 to vector<1024x16xf32>
    %mul3A_50 = arith.mulf %floor3A, %mul3A_49 : vector<1024x16xf32>
    %floor3A_51 = math.floor %mul3A_50 : vector<1024x16xf32>
    %mul3A_52 = arith.constant 2.000000e+00 : f32
    %mul3A_53 = vector.broadcast %mul3A_52 : f32 to vector<1024x16xf32>
    %mul3A_54 = arith.mulf %mul3A_53, %floor3A_51 : vector<1024x16xf32>
    %sub3A_55 = arith.subf %floor3A, %mul3A_54 : vector<1024x16xf32>
    %mul3A_56 = arith.constant 2.000000e+00 : f32
    %mul3A_57 = vector.broadcast %mul3A_56 : f32 to vector<1024x16xf32>
    %mul3A_58 = arith.mulf %mul3A_57, %sub3A_55 : vector<1024x16xf32>
    %sub3A_59 = arith.constant 1.000000e+00 : f32
    %sub3A_60 = vector.broadcast %sub3A_59 : f32 to vector<1024x16xf32>
    %sub3A_61 = arith.subf %sub3A_60, %mul3A_58 : vector<1024x16xf32>
    %mul3A_62 = arith.mulf %sub3A_47, %sub3A_47 : vector<1024x16xf32>
    %mul3A_63 = arith.constant 2.71831141E-6 : f32
    %mul3A_64 = vector.broadcast %mul3A_63 : f32 to vector<1024x16xf32>
    %mul3A_65 = arith.mulf %mul3A_62, %mul3A_64 : vector<1024x16xf32>
    %add3A_66 = arith.constant -1.95152956E-4 : f32
    %add3A_67 = vector.broadcast %add3A_66 : f32 to vector<1024x16xf32>
    %add3A_68 = arith.addf %add3A_67, %mul3A_65 : vector<1024x16xf32>
    %mul3A_69 = arith.mulf %mul3A_62, %add3A_68 : vector<1024x16xf32>
    %add3A_70 = arith.constant 0.00833216123 : f32
    %add3A_71 = vector.broadcast %add3A_70 : f32 to vector<1024x16xf32>
    %add3A_72 = arith.addf %add3A_71, %mul3A_69 : vector<1024x16xf32>
    %mul3A_73 = arith.mulf %mul3A_62, %add3A_72 : vector<1024x16xf32>
    %add3A_74 = arith.constant -0.166666552 : f32
    %add3A_75 = vector.broadcast %add3A_74 : f32 to vector<1024x16xf32>
    %add3A_76 = arith.addf %add3A_75, %mul3A_73 : vector<1024x16xf32>
    %mul3A_77 = arith.mulf %mul3A_62, %add3A_76 : vector<1024x16xf32>
    %add3A_78 = arith.constant 1.000000e+00 : f32
    %add3A_79 = vector.broadcast %add3A_78 : f32 to vector<1024x16xf32>
    %add3A_80 = arith.addf %add3A_79, %mul3A_77 : vector<1024x16xf32>
    %mul3A_81 = arith.mulf %sub3A_47, %add3A_80 : vector<1024x16xf32>
    %mul3A_82 = arith.mulf %sub3A_61, %mul3A_81 : vector<1024x16xf32>
    %slice3A_83 = vector.extract_strided_slice %get3A_27 {offsets = [2, 0], sizes = [1, 16], strides = [1, 1]} : vector<8x16xf32> to vector<1x16xf32>
    %mul3A_84 = vector.broadcast %select_n3A_24 : vector<1024x1xf32> to vector<1024x16xf32>
    %mul3A_85 = vector.broadcast %slice3A_83 : vector<1x16xf32> to vector<1024x16xf32>
    %mul3A_86 = arith.mulf %mul3A_84, %mul3A_85 : vector<1024x16xf32>
    %add3A_87 = arith.addf %mul3A_82, %mul3A_86 : vector<1024x16xf32>
    %get3A_88 = arith.constant 0 : index
    %get3A_89 = arith.constant 0 : index
    %get3A_90 = vector.load %arg6[%get3A_88, %get3A_89] : memref<16x128xf32, #tpu.memory_space<vmem>>, vector<16x128xf32>
    %dot_general3A = arith.constant dense<0.000000e+00> : vector<1024x128xf32>
    %dot_general3A_91 = tpu.matmul %add3A_87, %get3A_90, %dot_general3A {dimension_numbers = #tpu.dot_dimension_numbers<[1], [0], [0], [1], [0, 0, 1, 1], [], []>, transpose_lhs_hint = false} : vector<1024x16xf32>, vector<16x128xf32>, vector<1024x128xf32> -> vector<1024x128xf32>
    %get3A_92 = arith.constant 0 : index
    %get3A_93 = arith.constant 0 : index
    %get3A_94 = vector.load %arg7[%get3A_92, %get3A_93] : memref<1x128xf32, #tpu.memory_space<vmem>>, vector<1x128xf32>
    %add3A_95 = vector.broadcast %get3A_94 : vector<1x128xf32> to vector<1024x128xf32>
    %add3A_96 = arith.addf %dot_general3A_91, %add3A_95 : vector<1024x128xf32>
    %max3A = arith.constant 0.000000e+00 : f32
    %max3A_97 = vector.broadcast %max3A : f32 to vector<1024x128xf32>
    %max3A_98 = arith.maximumf %add3A_96, %max3A_97 : vector<1024x128xf32>
    %get3A_99 = arith.constant 0 : index
    %get3A_100 = arith.constant 0 : index
    %get3A_101 = vector.load %arg8[%get3A_99, %get3A_100] : memref<128x64xf32, #tpu.memory_space<vmem>>, vector<128x64xf32>
    %dot_general3A_102 = arith.constant dense<0.000000e+00> : vector<1024x64xf32>
    %dot_general3A_103 = tpu.matmul %max3A_98, %get3A_101, %dot_general3A_102 {dimension_numbers = #tpu.dot_dimension_numbers<[1], [0], [0], [1], [0, 0, 1, 1], [], []>, transpose_lhs_hint = false} : vector<1024x128xf32>, vector<128x64xf32>, vector<1024x64xf32> -> vector<1024x64xf32>
    %get3A_104 = arith.constant 0 : index
    %get3A_105 = arith.constant 0 : index
    %get3A_106 = vector.load %arg9[%get3A_104, %get3A_105] : memref<1x64xf32, #tpu.memory_space<vmem>>, vector<1x64xf32>
    %add3A_107 = vector.broadcast %get3A_106 : vector<1x64xf32> to vector<1024x64xf32>
    %add3A_108 = arith.addf %dot_general3A_103, %add3A_107 : vector<1024x64xf32>
    %slice3A_109 = vector.extract_strided_slice %get3A_4 {offsets = [0, 0], sizes = [1024, 64], strides = [1, 1]} : vector<1024x512xi32> to vector<1024x64xi32>
    %shift_left3A = arith.constant 16 : i32
    %shift_left3A_110 = vector.broadcast %shift_left3A : i32 to vector<1024x64xi32>
    %shift_left3A_111 = arith.shli %slice3A_109, %shift_left3A_110 : vector<1024x64xi32>
    %bitcast_convert_type3A = tpu.bitcast %shift_left3A_111 : vector<1024x64xi32> -> vector<1024x64xf32>
    %and3A = arith.constant -65536 : i32
    %and3A_112 = vector.broadcast %and3A : i32 to vector<1024x64xi32>
    %and3A_113 = arith.andi %slice3A_109, %and3A_112 : vector<1024x64xi32>
    %bitcast_convert_type3A_114 = tpu.bitcast %and3A_113 : vector<1024x64xi32> -> vector<1024x64xf32>
    %slice3A_115 = vector.extract_strided_slice %get3A_1 {offsets = [0, 0], sizes = [32, 64], strides = [1, 1]} : vector<32x512xf32> to vector<32x64xf32>
    %broadcast_in_dim3A_116 = vector.shape_cast %slice3A_115 : vector<32x64xf32> to vector<32x1x64xf32>
    %broadcast_in_dim3A_117 = vector.shape_cast %broadcast_in_dim3A_116 : vector<32x1x64xf32> to vector<32x1x64xf32>
    %broadcast_in_dim3A_118 = vector.broadcast %broadcast_in_dim3A_117 : vector<32x1x64xf32> to vector<32x32x64xf32>
    %reshape3A_119 = vector.shape_cast %broadcast_in_dim3A_118 : vector<32x32x64xf32> to vector<1024x64xf32>
    %sub3A_120 = arith.subf %reshape3A_119, %bitcast_convert_type3A : vector<1024x64xf32>
    %add3A_121 = arith.addf %sub3A_120, %add3A_108 : vector<1024x64xf32>
    %add3A_122 = arith.addf %bitcast_convert_type3A_114, %add3A_108 : vector<1024x64xf32>
    %slice3A_123 = vector.extract_strided_slice %get3A_4 {offsets = [0, 64], sizes = [1024, 64], strides = [1, 1]} : vector<1024x512xi32> to vector<1024x64xi32>
    %shift_left3A_124 = arith.constant 16 : i32
    %shift_left3A_125 = vector.broadcast %shift_left3A_124 : i32 to vector<1024x64xi32>
    %shift_left3A_126 = arith.shli %slice3A_123, %shift_left3A_125 : vector<1024x64xi32>
    %bitcast_convert_type3A_127 = tpu.bitcast %shift_left3A_126 : vector<1024x64xi32> -> vector<1024x64xf32>
    %and3A_128 = arith.constant -65536 : i32
    %and3A_129 = vector.broadcast %and3A_128 : i32 to vector<1024x64xi32>
    %and3A_130 = arith.andi %slice3A_123, %and3A_129 : vector<1024x64xi32>
    %bitcast_convert_type3A_131 = tpu.bitcast %and3A_130 : vector<1024x64xi32> -> vector<1024x64xf32>
    %slice3A_132 = vector.extract_strided_slice %get3A_1 {offsets = [0, 64], sizes = [32, 64], strides = [1, 1]} : vector<32x512xf32> to vector<32x64xf32>
    %broadcast_in_dim3A_133 = vector.shape_cast %slice3A_132 : vector<32x64xf32> to vector<32x1x64xf32>
    %broadcast_in_dim3A_134 = vector.shape_cast %broadcast_in_dim3A_133 : vector<32x1x64xf32> to vector<32x1x64xf32>
    %broadcast_in_dim3A_135 = vector.broadcast %broadcast_in_dim3A_134 : vector<32x1x64xf32> to vector<32x32x64xf32>
    %reshape3A_136 = vector.shape_cast %broadcast_in_dim3A_135 : vector<32x32x64xf32> to vector<1024x64xf32>
    %sub3A_137 = arith.subf %reshape3A_136, %bitcast_convert_type3A_127 : vector<1024x64xf32>
    %add3A_138 = arith.addf %sub3A_137, %add3A_108 : vector<1024x64xf32>
    %add3A_139 = arith.addf %bitcast_convert_type3A_131, %add3A_108 : vector<1024x64xf32>
    %slice3A_140 = vector.extract_strided_slice %get3A_4 {offsets = [0, 128], sizes = [1024, 64], strides = [1, 1]} : vector<1024x512xi32> to vector<1024x64xi32>
    %shift_left3A_141 = arith.constant 16 : i32
    %shift_left3A_142 = vector.broadcast %shift_left3A_141 : i32 to vector<1024x64xi32>
    %shift_left3A_143 = arith.shli %slice3A_140, %shift_left3A_142 : vector<1024x64xi32>
    %bitcast_convert_type3A_144 = tpu.bitcast %shift_left3A_143 : vector<1024x64xi32> -> vector<1024x64xf32>
    %and3A_145 = arith.constant -65536 : i32
    %and3A_146 = vector.broadcast %and3A_145 : i32 to vector<1024x64xi32>
    %and3A_147 = arith.andi %slice3A_140, %and3A_146 : vector<1024x64xi32>
    %bitcast_convert_type3A_148 = tpu.bitcast %and3A_147 : vector<1024x64xi32> -> vector<1024x64xf32>
    %slice3A_149 = vector.extract_strided_slice %get3A_1 {offsets = [0, 128], sizes = [32, 64], strides = [1, 1]} : vector<32x512xf32> to vector<32x64xf32>
    %broadcast_in_dim3A_150 = vector.shape_cast %slice3A_149 : vector<32x64xf32> to vector<32x1x64xf32>
    %broadcast_in_dim3A_151 = vector.shape_cast %broadcast_in_dim3A_150 : vector<32x1x64xf32> to vector<32x1x64xf32>
    %broadcast_in_dim3A_152 = vector.broadcast %broadcast_in_dim3A_151 : vector<32x1x64xf32> to vector<32x32x64xf32>
    %reshape3A_153 = vector.shape_cast %broadcast_in_dim3A_152 : vector<32x32x64xf32> to vector<1024x64xf32>
    %sub3A_154 = arith.subf %reshape3A_153, %bitcast_convert_type3A_144 : vector<1024x64xf32>
    %add3A_155 = arith.addf %sub3A_154, %add3A_108 : vector<1024x64xf32>
    %add3A_156 = arith.addf %bitcast_convert_type3A_148, %add3A_108 : vector<1024x64xf32>
    %slice3A_157 = vector.extract_strided_slice %get3A_4 {offsets = [0, 192], sizes = [1024, 64], strides = [1, 1]} : vector<1024x512xi32> to vector<1024x64xi32>
    %shift_left3A_158 = arith.constant 16 : i32
    %shift_left3A_159 = vector.broadcast %shift_left3A_158 : i32 to vector<1024x64xi32>
    %shift_left3A_160 = arith.shli %slice3A_157, %shift_left3A_159 : vector<1024x64xi32>
    %bitcast_convert_type3A_161 = tpu.bitcast %shift_left3A_160 : vector<1024x64xi32> -> vector<1024x64xf32>
    %and3A_162 = arith.constant -65536 : i32
    %and3A_163 = vector.broadcast %and3A_162 : i32 to vector<1024x64xi32>
    %and3A_164 = arith.andi %slice3A_157, %and3A_163 : vector<1024x64xi32>
    %bitcast_convert_type3A_165 = tpu.bitcast %and3A_164 : vector<1024x64xi32> -> vector<1024x64xf32>
    %slice3A_166 = vector.extract_strided_slice %get3A_1 {offsets = [0, 192], sizes = [32, 64], strides = [1, 1]} : vector<32x512xf32> to vector<32x64xf32>
    %broadcast_in_dim3A_167 = vector.shape_cast %slice3A_166 : vector<32x64xf32> to vector<32x1x64xf32>
    %broadcast_in_dim3A_168 = vector.shape_cast %broadcast_in_dim3A_167 : vector<32x1x64xf32> to vector<32x1x64xf32>
    %broadcast_in_dim3A_169 = vector.broadcast %broadcast_in_dim3A_168 : vector<32x1x64xf32> to vector<32x32x64xf32>
    %reshape3A_170 = vector.shape_cast %broadcast_in_dim3A_169 : vector<32x32x64xf32> to vector<1024x64xf32>
    %sub3A_171 = arith.subf %reshape3A_170, %bitcast_convert_type3A_161 : vector<1024x64xf32>
    %add3A_172 = arith.addf %sub3A_171, %add3A_108 : vector<1024x64xf32>
    %add3A_173 = arith.addf %bitcast_convert_type3A_165, %add3A_108 : vector<1024x64xf32>
    %slice3A_174 = vector.extract_strided_slice %get3A_4 {offsets = [0, 256], sizes = [1024, 64], strides = [1, 1]} : vector<1024x512xi32> to vector<1024x64xi32>
    %shift_left3A_175 = arith.constant 16 : i32
    %shift_left3A_176 = vector.broadcast %shift_left3A_175 : i32 to vector<1024x64xi32>
    %shift_left3A_177 = arith.shli %slice3A_174, %shift_left3A_176 : vector<1024x64xi32>
    %bitcast_convert_type3A_178 = tpu.bitcast %shift_left3A_177 : vector<1024x64xi32> -> vector<1024x64xf32>
    %and3A_179 = arith.constant -65536 : i32
    %and3A_180 = vector.broadcast %and3A_179 : i32 to vector<1024x64xi32>
    %and3A_181 = arith.andi %slice3A_174, %and3A_180 : vector<1024x64xi32>
    %bitcast_convert_type3A_182 = tpu.bitcast %and3A_181 : vector<1024x64xi32> -> vector<1024x64xf32>
    %slice3A_183 = vector.extract_strided_slice %get3A_1 {offsets = [0, 256], sizes = [32, 64], strides = [1, 1]} : vector<32x512xf32> to vector<32x64xf32>
    %broadcast_in_dim3A_184 = vector.shape_cast %slice3A_183 : vector<32x64xf32> to vector<32x1x64xf32>
    %broadcast_in_dim3A_185 = vector.shape_cast %broadcast_in_dim3A_184 : vector<32x1x64xf32> to vector<32x1x64xf32>
    %broadcast_in_dim3A_186 = vector.broadcast %broadcast_in_dim3A_185 : vector<32x1x64xf32> to vector<32x32x64xf32>
    %reshape3A_187 = vector.shape_cast %broadcast_in_dim3A_186 : vector<32x32x64xf32> to vector<1024x64xf32>
    %sub3A_188 = arith.subf %reshape3A_187, %bitcast_convert_type3A_178 : vector<1024x64xf32>
    %add3A_189 = arith.addf %sub3A_188, %add3A_108 : vector<1024x64xf32>
    %add3A_190 = arith.addf %bitcast_convert_type3A_182, %add3A_108 : vector<1024x64xf32>
    %slice3A_191 = vector.extract_strided_slice %get3A_4 {offsets = [0, 320], sizes = [1024, 64], strides = [1, 1]} : vector<1024x512xi32> to vector<1024x64xi32>
    %shift_left3A_192 = arith.constant 16 : i32
    %shift_left3A_193 = vector.broadcast %shift_left3A_192 : i32 to vector<1024x64xi32>
    %shift_left3A_194 = arith.shli %slice3A_191, %shift_left3A_193 : vector<1024x64xi32>
    %bitcast_convert_type3A_195 = tpu.bitcast %shift_left3A_194 : vector<1024x64xi32> -> vector<1024x64xf32>
    %and3A_196 = arith.constant -65536 : i32
    %and3A_197 = vector.broadcast %and3A_196 : i32 to vector<1024x64xi32>
    %and3A_198 = arith.andi %slice3A_191, %and3A_197 : vector<1024x64xi32>
    %bitcast_convert_type3A_199 = tpu.bitcast %and3A_198 : vector<1024x64xi32> -> vector<1024x64xf32>
    %slice3A_200 = vector.extract_strided_slice %get3A_1 {offsets = [0, 320], sizes = [32, 64], strides = [1, 1]} : vector<32x512xf32> to vector<32x64xf32>
    %broadcast_in_dim3A_201 = vector.shape_cast %slice3A_200 : vector<32x64xf32> to vector<32x1x64xf32>
    %broadcast_in_dim3A_202 = vector.shape_cast %broadcast_in_dim3A_201 : vector<32x1x64xf32> to vector<32x1x64xf32>
    %broadcast_in_dim3A_203 = vector.broadcast %broadcast_in_dim3A_202 : vector<32x1x64xf32> to vector<32x32x64xf32>
    %reshape3A_204 = vector.shape_cast %broadcast_in_dim3A_203 : vector<32x32x64xf32> to vector<1024x64xf32>
    %sub3A_205 = arith.subf %reshape3A_204, %bitcast_convert_type3A_195 : vector<1024x64xf32>
    %add3A_206 = arith.addf %sub3A_205, %add3A_108 : vector<1024x64xf32>
    %add3A_207 = arith.addf %bitcast_convert_type3A_199, %add3A_108 : vector<1024x64xf32>
    %slice3A_208 = vector.extract_strided_slice %get3A_4 {offsets = [0, 384], sizes = [1024, 64], strides = [1, 1]} : vector<1024x512xi32> to vector<1024x64xi32>
    %shift_left3A_209 = arith.constant 16 : i32
    %shift_left3A_210 = vector.broadcast %shift_left3A_209 : i32 to vector<1024x64xi32>
    %shift_left3A_211 = arith.shli %slice3A_208, %shift_left3A_210 : vector<1024x64xi32>
    %bitcast_convert_type3A_212 = tpu.bitcast %shift_left3A_211 : vector<1024x64xi32> -> vector<1024x64xf32>
    %and3A_213 = arith.constant -65536 : i32
    %and3A_214 = vector.broadcast %and3A_213 : i32 to vector<1024x64xi32>
    %and3A_215 = arith.andi %slice3A_208, %and3A_214 : vector<1024x64xi32>
    %bitcast_convert_type3A_216 = tpu.bitcast %and3A_215 : vector<1024x64xi32> -> vector<1024x64xf32>
    %slice3A_217 = vector.extract_strided_slice %get3A_1 {offsets = [0, 384], sizes = [32, 64], strides = [1, 1]} : vector<32x512xf32> to vector<32x64xf32>
    %broadcast_in_dim3A_218 = vector.shape_cast %slice3A_217 : vector<32x64xf32> to vector<32x1x64xf32>
    %broadcast_in_dim3A_219 = vector.shape_cast %broadcast_in_dim3A_218 : vector<32x1x64xf32> to vector<32x1x64xf32>
    %broadcast_in_dim3A_220 = vector.broadcast %broadcast_in_dim3A_219 : vector<32x1x64xf32> to vector<32x32x64xf32>
    %reshape3A_221 = vector.shape_cast %broadcast_in_dim3A_220 : vector<32x32x64xf32> to vector<1024x64xf32>
    %sub3A_222 = arith.subf %reshape3A_221, %bitcast_convert_type3A_212 : vector<1024x64xf32>
    %add3A_223 = arith.addf %sub3A_222, %add3A_108 : vector<1024x64xf32>
    %add3A_224 = arith.addf %bitcast_convert_type3A_216, %add3A_108 : vector<1024x64xf32>
    %slice3A_225 = vector.extract_strided_slice %get3A_4 {offsets = [0, 448], sizes = [1024, 64], strides = [1, 1]} : vector<1024x512xi32> to vector<1024x64xi32>
    %shift_left3A_226 = arith.constant 16 : i32
    %shift_left3A_227 = vector.broadcast %shift_left3A_226 : i32 to vector<1024x64xi32>
    %shift_left3A_228 = arith.shli %slice3A_225, %shift_left3A_227 : vector<1024x64xi32>
    %bitcast_convert_type3A_229 = tpu.bitcast %shift_left3A_228 : vector<1024x64xi32> -> vector<1024x64xf32>
    %and3A_230 = arith.constant -65536 : i32
    %and3A_231 = vector.broadcast %and3A_230 : i32 to vector<1024x64xi32>
    %and3A_232 = arith.andi %slice3A_225, %and3A_231 : vector<1024x64xi32>
    %bitcast_convert_type3A_233 = tpu.bitcast %and3A_232 : vector<1024x64xi32> -> vector<1024x64xf32>
    %slice3A_234 = vector.extract_strided_slice %get3A_1 {offsets = [0, 448], sizes = [32, 64], strides = [1, 1]} : vector<32x512xf32> to vector<32x64xf32>
    %broadcast_in_dim3A_235 = vector.shape_cast %slice3A_234 : vector<32x64xf32> to vector<32x1x64xf32>
    %broadcast_in_dim3A_236 = vector.shape_cast %broadcast_in_dim3A_235 : vector<32x1x64xf32> to vector<32x1x64xf32>
    %broadcast_in_dim3A_237 = vector.broadcast %broadcast_in_dim3A_236 : vector<32x1x64xf32> to vector<32x32x64xf32>
    %reshape3A_238 = vector.shape_cast %broadcast_in_dim3A_237 : vector<32x32x64xf32> to vector<1024x64xf32>
    %sub3A_239 = arith.subf %reshape3A_238, %bitcast_convert_type3A_229 : vector<1024x64xf32>
    %add3A_240 = arith.addf %sub3A_239, %add3A_108 : vector<1024x64xf32>
    %add3A_241 = arith.addf %bitcast_convert_type3A_233, %add3A_108 : vector<1024x64xf32>
    %concatenate3A = tpu.concatenate %add3A_121, %add3A_138, %add3A_155, %add3A_172, %add3A_189, %add3A_206, %add3A_223, %add3A_240 in 0 : vector<1024x64xf32>, vector<1024x64xf32>, vector<1024x64xf32>, vector<1024x64xf32>, vector<1024x64xf32>, vector<1024x64xf32>, vector<1024x64xf32>, vector<1024x64xf32> -> vector<8192x64xf32>
    %concatenate3A_242 = tpu.concatenate %add3A_122, %add3A_139, %add3A_156, %add3A_173, %add3A_190, %add3A_207, %add3A_224, %add3A_241 in 0 : vector<1024x64xf32>, vector<1024x64xf32>, vector<1024x64xf32>, vector<1024x64xf32>, vector<1024x64xf32>, vector<1024x64xf32>, vector<1024x64xf32>, vector<1024x64xf32> -> vector<8192x64xf32>
    %get3A_243 = arith.constant 0 : index
    %get3A_244 = arith.constant 0 : index
    %get3A_245 = vector.load %arg10[%get3A_243, %get3A_244] : memref<64x128xf32, #tpu.memory_space<vmem>>, vector<64x128xf32>
    %dot_general3A_246 = arith.constant dense<0.000000e+00> : vector<8192x128xf32>
    %dot_general3A_247 = tpu.matmul %concatenate3A, %get3A_245, %dot_general3A_246 {dimension_numbers = #tpu.dot_dimension_numbers<[1], [0], [0], [1], [0, 0, 1, 1], [], []>, transpose_lhs_hint = false} : vector<8192x64xf32>, vector<64x128xf32>, vector<8192x128xf32> -> vector<8192x128xf32>
    %get3A_248 = arith.constant 0 : index
    %get3A_249 = arith.constant 0 : index
    %get3A_250 = vector.load %arg11[%get3A_248, %get3A_249] : memref<1x128xf32, #tpu.memory_space<vmem>>, vector<1x128xf32>
    %add3A_251 = vector.broadcast %get3A_250 : vector<1x128xf32> to vector<8192x128xf32>
    %add3A_252 = arith.addf %dot_general3A_247, %add3A_251 : vector<8192x128xf32>
    %max3A_253 = arith.constant 0.000000e+00 : f32
    %max3A_254 = vector.broadcast %max3A_253 : f32 to vector<8192x128xf32>
    %max3A_255 = arith.maximumf %add3A_252, %max3A_254 : vector<8192x128xf32>
    %get3A_256 = arith.constant 0 : index
    %get3A_257 = arith.constant 0 : index
    %get3A_258 = vector.load %arg12[%get3A_256, %get3A_257] : memref<128x16xf32, #tpu.memory_space<vmem>>, vector<128x16xf32>
    %dot_general3A_259 = arith.constant dense<0.000000e+00> : vector<8192x16xf32>
    %dot_general3A_260 = tpu.matmul %max3A_255, %get3A_258, %dot_general3A_259 {dimension_numbers = #tpu.dot_dimension_numbers<[1], [0], [0], [1], [0, 0, 1, 1], [], []>, transpose_lhs_hint = false} : vector<8192x128xf32>, vector<128x16xf32>, vector<8192x16xf32> -> vector<8192x16xf32>
    %get3A_261 = arith.constant 0 : index
    %get3A_262 = arith.constant 0 : index
    %get3A_263 = vector.load %arg13[%get3A_261, %get3A_262] : memref<1x16xf32, #tpu.memory_space<vmem>>, vector<1x16xf32>
    %add3A_264 = vector.broadcast %get3A_263 : vector<1x16xf32> to vector<8192x16xf32>
    %add3A_265 = arith.addf %dot_general3A_260, %add3A_264 : vector<8192x16xf32>
    %max3A_266 = arith.constant 0.000000e+00 : f32
    %max3A_267 = vector.broadcast %max3A_266 : f32 to vector<8192x16xf32>
    %max3A_268 = arith.maximumf %add3A_265, %max3A_267 : vector<8192x16xf32>
    %get3A_269 = arith.constant 0 : index
    %get3A_270 = arith.constant 0 : index
    %get3A_271 = vector.load %arg14[%get3A_269, %get3A_270] : memref<16x64xf32, #tpu.memory_space<vmem>>, vector<16x64xf32>
    %dot_general3A_272 = arith.constant dense<0.000000e+00> : vector<8192x64xf32>
    %dot_general3A_273 = tpu.matmul %max3A_268, %get3A_271, %dot_general3A_272 {dimension_numbers = #tpu.dot_dimension_numbers<[1], [0], [0], [1], [0, 0, 1, 1], [], []>, transpose_lhs_hint = false} : vector<8192x16xf32>, vector<16x64xf32>, vector<8192x64xf32> -> vector<8192x64xf32>
    %get3A_274 = arith.constant 0 : index
    %get3A_275 = arith.constant 0 : index
    %get3A_276 = vector.load %arg15[%get3A_274, %get3A_275] : memref<1x64xf32, #tpu.memory_space<vmem>>, vector<1x64xf32>
    %add3A_277 = vector.broadcast %get3A_276 : vector<1x64xf32> to vector<8192x64xf32>
    %add3A_278 = arith.addf %dot_general3A_273, %add3A_277 : vector<8192x64xf32>
    %max3A_279 = arith.constant 0.000000e+00 : f32
    %max3A_280 = vector.broadcast %max3A_279 : f32 to vector<8192x64xf32>
    %max3A_281 = arith.maximumf %add3A_278, %max3A_280 : vector<8192x64xf32>
    %get3A_282 = arith.constant 0 : index
    %get3A_283 = arith.constant 0 : index
    %get3A_284 = vector.load %arg16[%get3A_282, %get3A_283] : memref<64x1xf32, #tpu.memory_space<vmem>>, vector<64x1xf32>
    %dot_general3A_285 = arith.constant dense<0.000000e+00> : vector<8192x1xf32>
    %dot_general3A_286 = tpu.matmul %max3A_281, %get3A_284, %dot_general3A_285 {dimension_numbers = #tpu.dot_dimension_numbers<[1], [0], [0], [1], [0, 0, 1, 1], [], []>, transpose_lhs_hint = false} : vector<8192x64xf32>, vector<64x1xf32>, vector<8192x1xf32> -> vector<8192x1xf32>
    %get3A_287 = arith.constant 0 : index
    %get3A_288 = arith.constant 0 : index
    %get3A_289 = vector.load %arg17[%get3A_287, %get3A_288] : memref<1x1xf32, #tpu.memory_space<vmem>>, vector<1x1xf32>
    %add3A_290 = vector.broadcast %get3A_289 : vector<1x1xf32> to vector<8192x1xf32>
    %add3A_291 = arith.addf %dot_general3A_286, %add3A_290 : vector<8192x1xf32>
    %reshape3A_292 = vector.shape_cast %add3A_291 : vector<8192x1xf32> to vector<256x32xf32>
    %exp3A = math.exp %reshape3A_292 : vector<256x32xf32>
    %reduce_sum3A_293 = arith.constant dense<0.000000e+00> : vector<256xf32>
    %reduce_sum3A_294 = vector.multi_reduction <add>, %exp3A, %reduce_sum3A_293 [1] : vector<256x32xf32> to vector<256xf32>
    %broadcast_in_dim3A_295 = vector.shape_cast %reduce_sum3A_294 : vector<256xf32> to vector<256x1xf32>
    %div3A = vector.broadcast %broadcast_in_dim3A_295 : vector<256x1xf32> to vector<256x32xf32>
    %div3A_296 = arith.divf %exp3A, %div3A : vector<256x32xf32>
    %reshape3A_297 = vector.shape_cast %div3A_296 : vector<256x32xf32> to vector<8192x1xf32>
    %mul3A_298 = vector.broadcast %reshape3A_297 : vector<8192x1xf32> to vector<8192x64xf32>
    %mul3A_299 = arith.mulf %mul3A_298, %concatenate3A_242 : vector<8192x64xf32>
    %reshape3A_300 = vector.shape_cast %mul3A_299 : vector<8192x64xf32> to vector<256x32x64xf32>
    %reduce_sum3A_301 = arith.constant dense<0.000000e+00> : vector<256x64xf32>
    %reduce_sum3A_302 = vector.multi_reduction <add>, %reshape3A_300, %reduce_sum3A_301 [1] : vector<256x32x64xf32> to vector<256x64xf32>
    %slice3A_303 = vector.extract_strided_slice %reduce_sum3A_302 {offsets = [0, 0], sizes = [32, 64], strides = [1, 1]} : vector<256x64xf32> to vector<32x64xf32>
    %slice3A_304 = vector.extract_strided_slice %reduce_sum3A_302 {offsets = [32, 0], sizes = [32, 64], strides = [1, 1]} : vector<256x64xf32> to vector<32x64xf32>
    %slice3A_305 = vector.extract_strided_slice %reduce_sum3A_302 {offsets = [64, 0], sizes = [32, 64], strides = [1, 1]} : vector<256x64xf32> to vector<32x64xf32>
    %slice3A_306 = vector.extract_strided_slice %reduce_sum3A_302 {offsets = [96, 0], sizes = [32, 64], strides = [1, 1]} : vector<256x64xf32> to vector<32x64xf32>
    %slice3A_307 = vector.extract_strided_slice %reduce_sum3A_302 {offsets = [128, 0], sizes = [32, 64], strides = [1, 1]} : vector<256x64xf32> to vector<32x64xf32>
    %slice3A_308 = vector.extract_strided_slice %reduce_sum3A_302 {offsets = [160, 0], sizes = [32, 64], strides = [1, 1]} : vector<256x64xf32> to vector<32x64xf32>
    %slice3A_309 = vector.extract_strided_slice %reduce_sum3A_302 {offsets = [192, 0], sizes = [32, 64], strides = [1, 1]} : vector<256x64xf32> to vector<32x64xf32>
    %slice3A_310 = vector.extract_strided_slice %reduce_sum3A_302 {offsets = [224, 0], sizes = [32, 64], strides = [1, 1]} : vector<256x64xf32> to vector<32x64xf32>
    %concatenate3A_311 = tpu.concatenate %slice3A_303, %slice3A_304, %slice3A_305, %slice3A_306, %slice3A_307, %slice3A_308, %slice3A_309, %slice3A_310 in 1 : vector<32x64xf32>, vector<32x64xf32>, vector<32x64xf32>, vector<32x64xf32>, vector<32x64xf32>, vector<32x64xf32>, vector<32x64xf32>, vector<32x64xf32> -> vector<32x512xf32>
    %get3A_312 = arith.constant 0 : index
    %get3A_313 = arith.constant 0 : index
    %get3A_314 = vector.load %arg22[%get3A_312, %get3A_313] : memref<512x512xf32, #tpu.memory_space<vmem>>, vector<512x512xf32>
    %dot_general3A_315 = arith.constant dense<0.000000e+00> : vector<32x512xf32>
    %dot_general3A_316 = tpu.matmul %concatenate3A_311, %get3A_314, %dot_general3A_315 {dimension_numbers = #tpu.dot_dimension_numbers<[1], [0], [0], [1], [0, 0, 1, 1], [], []>, transpose_lhs_hint = false} : vector<32x512xf32>, vector<512x512xf32>, vector<32x512xf32> -> vector<32x512xf32>
    %get3A_317 = arith.constant 0 : index
    %get3A_318 = arith.constant 0 : index
    %get3A_319 = vector.load %arg23[%get3A_317, %get3A_318] : memref<1x512xf32, #tpu.memory_space<vmem>>, vector<1x512xf32>
    %add3A_320 = vector.broadcast %get3A_319 : vector<1x512xf32> to vector<32x512xf32>
    %add3A_321 = arith.addf %dot_general3A_316, %add3A_320 : vector<32x512xf32>
    %swap3A = arith.constant 0 : index
    %swap3A_322 = arith.constant 0 : index
    %swap3A_323 = vector.load %arg24[%swap3A, %swap3A_322] : memref<32x512xf32, #tpu.memory_space<vmem>>, vector<32x512xf32>
    tpu.vector_store %arg24[%swap3A, %swap3A_322], %add3A_321 {strides = array<i32>} : memref<32x512xf32, #tpu.memory_space<vmem>>, vector<32x512xf32>,
    %slice3A_324 = vector.extract_strided_slice %max3A_268 {offsets = [0, 0], sizes = [1024, 16], strides = [1, 1]} : vector<8192x16xf32> to vector<1024x16xf32>
    %slice3A_325 = vector.extract_strided_slice %max3A_268 {offsets = [1024, 0], sizes = [1024, 16], strides = [1, 1]} : vector<8192x16xf32> to vector<1024x16xf32>
    %slice3A_326 = vector.extract_strided_slice %max3A_268 {offsets = [2048, 0], sizes = [1024, 16], strides = [1, 1]} : vector<8192x16xf32> to vector<1024x16xf32>
    %slice3A_327 = vector.extract_strided_slice %max3A_268 {offsets = [3072, 0], sizes = [1024, 16], strides = [1, 1]} : vector<8192x16xf32> to vector<1024x16xf32>
    %slice3A_328 = vector.extract_strided_slice %max3A_268 {offsets = [4096, 0], sizes = [1024, 16], strides = [1, 1]} : vector<8192x16xf32> to vector<1024x16xf32>
    %slice3A_329 = vector.extract_strided_slice %max3A_268 {offsets = [5120, 0], sizes = [1024, 16], strides = [1, 1]} : vector<8192x16xf32> to vector<1024x16xf32>
    %slice3A_330 = vector.extract_strided_slice %max3A_268 {offsets = [6144, 0], sizes = [1024, 16], strides = [1, 1]} : vector<8192x16xf32> to vector<1024x16xf32>
    %slice3A_331 = vector.extract_strided_slice %max3A_268 {offsets = [7168, 0], sizes = [1024, 16], strides = [1, 1]} : vector<8192x16xf32> to vector<1024x16xf32>
    %concatenate3A_332 = tpu.concatenate %slice3A_324, %slice3A_325, %slice3A_326, %slice3A_327, %slice3A_328, %slice3A_329, %slice3A_330, %slice3A_331 in 1 : vector<1024x16xf32>, vector<1024x16xf32>, vector<1024x16xf32>, vector<1024x16xf32>, vector<1024x16xf32>, vector<1024x16xf32>, vector<1024x16xf32>, vector<1024x16xf32> -> vector<1024x128xf32>
    %get3A_333 = arith.constant 0 : index
    %get3A_334 = arith.constant 0 : index
    %get3A_335 = vector.load %arg18[%get3A_333, %get3A_334] : memref<128x64xf32, #tpu.memory_space<vmem>>, vector<128x64xf32>
    %dot_general3A_336 = arith.constant dense<0.000000e+00> : vector<1024x64xf32>
    %dot_general3A_337 = tpu.matmul %concatenate3A_332, %get3A_335, %dot_general3A_336 {dimension_numbers = #tpu.dot_dimension_numbers<[1], [0], [0], [1], [0, 0, 1, 1], [], []>, transpose_lhs_hint = false} : vector<1024x128xf32>, vector<128x64xf32>, vector<1024x64xf32> -> vector<1024x64xf32>
    %get3A_338 = arith.constant 0 : index
    %get3A_339 = arith.constant 0 : index
    %get3A_340 = vector.load %arg19[%get3A_338, %get3A_339] : memref<1x64xf32, #tpu.memory_space<vmem>>, vector<1x64xf32>
    %add3A_341 = vector.broadcast %get3A_340 : vector<1x64xf32> to vector<1024x64xf32>
    %add3A_342 = arith.addf %dot_general3A_337, %add3A_341 : vector<1024x64xf32>
    %max3A_343 = arith.constant 0.000000e+00 : f32
    %max3A_344 = vector.broadcast %max3A_343 : f32 to vector<1024x64xf32>
    %max3A_345 = arith.maximumf %add3A_342, %max3A_344 : vector<1024x64xf32>
    %get3A_346 = arith.constant 0 : index
    %get3A_347 = arith.constant 0 : index
    %get3A_348 = vector.load %arg20[%get3A_346, %get3A_347] : memref<64x1xf32, #tpu.memory_space<vmem>>, vector<64x1xf32>
    %dot_general3A_349 = arith.constant dense<0.000000e+00> : vector<1024x1xf32>
    %dot_general3A_350 = tpu.matmul %max3A_345, %get3A_348, %dot_general3A_349 {dimension_numbers = #tpu.dot_dimension_numbers<[1], [0], [0], [1], [0, 0, 1, 1], [], []>, transpose_lhs_hint = false} : vector<1024x64xf32>, vector<64x1xf32>, vector<1024x1xf32> -> vector<1024x1xf32>
    %get3A_351 = arith.constant 0 : index
    %get3A_352 = arith.constant 0 : index
    %get3A_353 = vector.load %arg21[%get3A_351, %get3A_352] : memref<1x1xf32, #tpu.memory_space<vmem>>, vector<1x1xf32>
    %add3A_354 = vector.broadcast %get3A_353 : vector<1x1xf32> to vector<1024x1xf32>
    %add3A_355 = arith.addf %dot_general3A_350, %add3A_354 : vector<1024x1xf32>
    %mul3A_356 = vector.broadcast %add3A_355 : vector<1024x1xf32> to vector<1024x3xf32>
    %mul3A_357 = arith.mulf %mul3A_356, %sub3A : vector<1024x3xf32>
    %reshape3A_358 = vector.shape_cast %mul3A_357 : vector<1024x3xf32> to vector<32x32x3xf32>
    %reduce_sum3A_359 = arith.constant dense<0.000000e+00> : vector<32x3xf32>
    %reduce_sum3A_360 = vector.multi_reduction <add>, %reshape3A_358, %reduce_sum3A_359 [1] : vector<32x32x3xf32> to vector<32x3xf32>
    %swap3A_361 = arith.constant 0 : index
    %swap3A_362 = arith.constant 0 : index
    %swap3A_363 = vector.load %arg25[%swap3A_361, %swap3A_362] : memref<32x3xf32, #tpu.memory_space<vmem>>, vector<32x3xf32>
    tpu.vector_store %arg25[%swap3A_361, %swap3A_362], %reduce_sum3A_360 {strides = array<i32>} : memref<32x3xf32, #tpu.memory_space<vmem>>, vector<32x3xf32>,
    return
  }
  func.func @transform_0(%arg0: i32) -> (i32, i32) {
    %c0_i32 = arith.constant 0 : i32
    %c0_i32_0 = arith.constant 0 : i32
    return %arg0, %c0_i32 : i32, i32
  }
  func.func @transform_1(%arg0: i32) -> (i32, i32) {
    %c0_i32 = arith.constant 0 : i32
    %c0_i32_0 = arith.constant 0 : i32
    return %arg0, %c0_i32 : i32, i32
  }
  func.func @transform_2(%arg0: i32) -> (i32, i32) {
    %c0_i32 = arith.constant 0 : i32
    %c0_i32_0 = arith.constant 0 : i32
    return %arg0, %c0_i32 : i32, i32
  }
  func.func @transform_3(%arg0: i32) -> (i32, i32) {
    %c0_i32 = arith.constant 0 : i32
    %c0_i32_0 = arith.constant 0 : i32
    return %arg0, %c0_i32 : i32, i32
  }
  func.func @transform_4(%arg0: i32) -> (i32, i32) {
    %c0_i32 = arith.constant 0 : i32
    %c0_i32_0 = arith.constant 0 : i32
    %c0_i32_1 = arith.constant 0 : i32
    return %c0_i32, %c0_i32_0 : i32, i32
  }
  func.func @transform_5(%arg0: i32) -> (i32, i32) {
    %c0_i32 = arith.constant 0 : i32
    %c0_i32_0 = arith.constant 0 : i32
    %c0_i32_1 = arith.constant 0 : i32
    return %c0_i32, %c0_i32_0 : i32, i32
  }
  func.func @transform_6(%arg0: i32) -> (i32, i32) {
    %c0_i32 = arith.constant 0 : i32
    %c0_i32_0 = arith.constant 0 : i32
    %c0_i32_1 = arith.constant 0 : i32
    return %c0_i32, %c0_i32_0 : i32, i32
  }
  func.func @transform_7(%arg0: i32) -> (i32, i32) {
    %c0_i32 = arith.constant 0 : i32
    %c0_i32_0 = arith.constant 0 : i32
    %c0_i32_1 = arith.constant 0 : i32
    return %c0_i32, %c0_i32_0 : i32, i32
  }
  func.func @transform_8(%arg0: i32) -> (i32, i32) {
    %c0_i32 = arith.constant 0 : i32
    %c0_i32_0 = arith.constant 0 : i32
    %c0_i32_1 = arith.constant 0 : i32
    return %c0_i32, %c0_i32_0 : i32, i32
  }
  func.func @transform_9(%arg0: i32) -> (i32, i32) {
    %c0_i32 = arith.constant 0 : i32
    %c0_i32_0 = arith.constant 0 : i32
    %c0_i32_1 = arith.constant 0 : i32
    return %c0_i32, %c0_i32_0 : i32, i32
  }
  func.func @transform_10(%arg0: i32) -> (i32, i32) {
    %c0_i32 = arith.constant 0 : i32
    %c0_i32_0 = arith.constant 0 : i32
    %c0_i32_1 = arith.constant 0 : i32
    return %c0_i32, %c0_i32_0 : i32, i32
  }
  func.func @transform_11(%arg0: i32) -> (i32, i32) {
    %c0_i32 = arith.constant 0 : i32
    %c0_i32_0 = arith.constant 0 : i32
    %c0_i32_1 = arith.constant 0 : i32
    return %c0_i32, %c0_i32_0 : i32, i32
  }
  func.func @transform_12(%arg0: i32) -> (i32, i32) {
    %c0_i32 = arith.constant 0 : i32
    %c0_i32_0 = arith.constant 0 : i32
    %c0_i32_1 = arith.constant 0 : i32
    return %c0_i32, %c0_i32_0 : i32, i32
  }
  func.func @transform_13(%arg0: i32) -> (i32, i32) {
    %c0_i32 = arith.constant 0 : i32
    %c0_i32_0 = arith.constant 0 : i32
    %c0_i32_1 = arith.constant 0 : i32
    return %c0_i32, %c0_i32_0 : i32, i32
  }
  func.func @transform_14(%arg0: i32) -> (i32, i32) {
    %c0_i32 = arith.constant 0 : i32
    %c0_i32_0 = arith.constant 0 : i32
    %c0_i32_1 = arith.constant 0 : i32
    return %c0_i32, %c0_i32_0 : i32, i32
  }
  func.func @transform_15(%arg0: i32) -> (i32, i32) {
    %c0_i32 = arith.constant 0 : i32
    %c0_i32_0 = arith.constant 0 : i32
    %c0_i32_1 = arith.constant 0 : i32
    return %c0_i32, %c0_i32_0 : i32, i32
  }
  func.func @transform_16(%arg0: i32) -> (i32, i32) {
    %c0_i32 = arith.constant 0 : i32
    %c0_i32_0 = arith.constant 0 : i32
    %c0_i32_1 = arith.constant 0 : i32
    return %c0_i32, %c0_i32_0 : i32, i32
  }
  func.func @transform_17(%arg0: i32) -> (i32, i32) {
    %c0_i32 = arith.constant 0 : i32
    %c0_i32_0 = arith.constant 0 : i32
    %c0_i32_1 = arith.constant 0 : i32
    return %c0_i32, %c0_i32_0 : i32, i32
  }
  func.func @transform_18(%arg0: i32) -> (i32, i32) {
    %c0_i32 = arith.constant 0 : i32
    %c0_i32_0 = arith.constant 0 : i32
    %c0_i32_1 = arith.constant 0 : i32
    return %c0_i32, %c0_i32_0 : i32, i32
  }
  func.func @transform_19(%arg0: i32) -> (i32, i32) {
    %c0_i32 = arith.constant 0 : i32
    %c0_i32_0 = arith.constant 0 : i32
    %c0_i32_1 = arith.constant 0 : i32
    return %c0_i32, %c0_i32_0 : i32, i32
  }
  func.func @transform_20(%arg0: i32) -> (i32, i32) {
    %c0_i32 = arith.constant 0 : i32
    %c0_i32_0 = arith.constant 0 : i32
    %c0_i32_1 = arith.constant 0 : i32
    return %c0_i32, %c0_i32_0 : i32, i32
  }
  func.func @transform_21(%arg0: i32) -> (i32, i32) {
    %c0_i32 = arith.constant 0 : i32
    %c0_i32_0 = arith.constant 0 : i32
    %c0_i32_1 = arith.constant 0 : i32
    return %c0_i32, %c0_i32_0 : i32, i32
  }
  func.func @transform_22(%arg0: i32) -> (i32, i32) {
    %c0_i32 = arith.constant 0 : i32
    %c0_i32_0 = arith.constant 0 : i32
    %c0_i32_1 = arith.constant 0 : i32
    return %c0_i32, %c0_i32_0 : i32, i32
  }
  func.func @transform_23(%arg0: i32) -> (i32, i32) {
    %c0_i32 = arith.constant 0 : i32
    %c0_i32_0 = arith.constant 0 : i32
    return %arg0, %c0_i32 : i32, i32
  }
  func.func @transform_24(%arg0: i32) -> (i32, i32) {
    %c0_i32 = arith.constant 0 : i32
    %c0_i32_0 = arith.constant 0 : i32
    return %arg0, %c0_i32 : i32, i32
  }
}

</mosaic_0001>

<sc_bundles>
// kernel: kernel.15.cloned.1.call-start
scs
__scs_entry_jumppad:
0x0: {  	(pc) =	sbr.rel $0x88, $3  }
0x1: {  	(tag) =	ssettag $0x0;
	lr =	simm.s32 $0x1  }
0x2: {  	[smem:$0x3F8C] =	sst lr;
	_ =	strace $0xD0000000  }
0x3: {  	_ = 	snop  }
0x4: {  	_ = 	snop  }
0x5: {  	_ = 	snop  }
0x6: {  	_ = 	snop  }
0x7: {  	_ = 	snop  }
__scs_overlays_trampoline_lowered:
0x8: {  	[smem:$0x3F9B] =	sst s0  }
0x9: {  	[smem:$0x3F9C] =	sst s1  }
0xa: {  	[smem:$0x3F9D] =	sst s2  }
0xb: {  	[smem:$0x3F9E] =	sst s3  }
0xc: {  	[smem:$0x3F9F] =	sst s4  }
0xd: {  	[smem:$0x3FA0] =	sst s5  }
0xe: {  	[smem:$0x3FA1] =	sst s6  }
0xf: {  	[smem:$0x3FA2] =	sst s7  }
0x10: {  	[smem:$0x3FA3] =	sst s8  }
0x11: {  	[smem:$0x3FA4] =	sst s9;
	s0 =	simm.s32 @!p0 $0x0  }
0x12: {  	s1 =	sld [smem:$0x3F8A];
	s0 =	simm.s32 @p0 $0x1  }
0x13: {  	[smem:$0x3FA5] =	sst s0;
	s0 =	simm.s32 @!p1 $0x0  }
0x14: {  	s2 =	sld [smem:$0x3F89];
	s0 =	simm.s32 @p1 $0x1  }
0x15: {  	[smem:$0x3FA6] =	sst s0;
	s0 =	simm.s32 @!p2 $0x0  }
0x16: {  	s3 =	sld [smem:$0x3FDB];
	s0 =	simm.s32 @p2 $0x1  }
0x17: {  	s4 =	simm.s32 $0x1BF5;
	[smem:$0x3FA8] =	sst s0  }
0x18: {  	s0 =	sld [smem:$0x3F8B];
	_ =	swait.ge [sflag:s4], $0x0  }
0x19: {  	s7 =	sld [smem:$0x3F8C]  }
0x1a: {  	s8 =	sadd.s32 $0xFFFFE003, lr  }
0x1b: {  	s9 =	sadd.s32 $0xFFFFFEF7, lr;
	s5 =	simm.s32 $0xFFFFFFFF;
	p2 =	slt.u32 s8, $0xFFFFF086  }
0x1c: {  	p1 =	slt.u32 s9, $0xF7A;
	s5 =	simm.s32 @!p2 $0x0  }
0x1d: {  	s5 =	simm.s32 @p1 $0x1;
	p0 =	seq.s32 s7, s2  }
0x1e: {  	s7 =	smul.u32 @!p0 $0xF7A, s2;
	p2 =	seq.s32 @!p0 s5, $0x0  }
0x1f: {  	s9 =	smul.u32 $0xF7A, s1;
	s8 =	simm.s32 @!p0 $0x1BF5;
	p2 =	por !p2, p0  }
0x20: {  	[sflag:s8] =	ssyncset.s32 @!p0 $0xFFFFF086;
	s6 =	sadd.s32 @!p0 s3, s7;
	s7 =	simm.s32 @!p0 $0x108  }
0x21: {  	s3 =	sadd.s32 s3, s9;
	s6 =	sadd.s32 @!p0 $0x88, s6;
	s7 =	simm.s32 @p2 $0x1082  }
0x22: {  	[simem:s7], [sflag:s8] =	dma.local @!p0 [hbm:s6], $0xF7A  }
0x23: {  	s9 =	sor.u32 $0xD0000000, s2;
	s6 =	simm.s32 $0x108;
	_ =	swait.ge @!p0 [sflag:s8], $0x0  }
0x24: {  	s3 =	sadd.s32 $0x88, s3;
	s6 =	simm.s32 @!p1 $0x1082;
	[sflag:s4] =	ssyncset.s32 $0xFFFFF086  }
0x25: {  	[simem:s6], [sflag:s4] =	dma.local [hbm:s3], $0xF7A  }
0x26: {  	[smem:$0x3F8C] =	sst s1;
	(tag) =	ssettag s2;
	_ =	strace s9  }
0x27: {  	s1 =	sld [smem:$0x3F9C]  }
0x28: {  	s2 =	sld [smem:$0x3F9D]  }
0x29: {  	s4 =	sld [smem:$0x3F9F]  }
0x2a: {  	p0 =	seq.s32 s5, $0x0;
	s5 =	sld [smem:$0x3FA0]  }
0x2b: {  	s6 =	sld [smem:$0x3FA1]  }
0x2c: {  	s7 =	sld [smem:$0x3FA2]  }
0x2d: {  	s3 =	simm.s32 $0x108;
	s8 =	sld [smem:$0x3FA3]  }
0x2e: {  	s3 =	simm.s32 @!p0 $0x1082;
	s9 =	sld [smem:$0x3FA4]  }
0x2f: {  	lr =	sadd.s32 s0, s3;
	s0 =	sld [smem:$0x3F9B]  }
0x30: {  	s3 =	sld [smem:$0x3F9E]  }
0x31: {  	[smem:$0x3FA7] =	sst s10  }
0x32: {  	s10 =	sld [smem:$0x3FA5];
	_ =	sdelay $0x3  }
0x33: {  	p0 =	seq.s32 s10, $0x1;
	s10 =	sld [smem:$0x3FA7];
	_ =	sdelay $0x3  }
0x34: {  	[smem:$0x3FA7] =	sst s10  }
0x35: {  	s10 =	sld [smem:$0x3FA6];
	_ =	sdelay $0x3  }
0x36: {  	p1 =	seq.s32 s10, $0x1;
	s10 =	sld [smem:$0x3FA7];
	_ =	sdelay $0x3  }
0x37: {  	[smem:$0x3FA7] =	sst s10  }
0x38: {  	s10 =	sld [smem:$0x3FA8]  }
0x39: {  	_ = 	snop;
	(pc) =	sbr.ind lr, $3  }
0x3a: {  	_ = 	snop  }
0x3b: {  	_ = 	snop  }
0x3c: {  	p2 =	seq.s32 s10, $0x1;
	s10 =	sld [smem:$0x3FA7]  }
0x3d: {  	_ =	shalt  }
0x3e: {  	_ =	shalt  }
0x3f: {  	_ =	shalt  }
0x40: {  	_ =	shalt  }
0x41: {  	_ =	shalt  }
0x42: {  	_ =	shalt  }
0x43: {  	_ =	shalt  }
0x44: {  	_ =	shalt  }
0x45: {  	_ =	shalt  }
0x46: {  	_ =	shalt  }
0x47: {  	_ =	shalt  }
0x48: {  	_ =	shalt  }
0x49: {  	_ =	shalt  }
0x4a: {  	_ =	shalt  }
0x4b: {  	_ =	shalt  }
0x4c: {  	_ =	shalt  }
0x4d: {  	_ =	shalt  }
0x4e: {  	_ =	shalt  }
0x4f: {  	_ =	shalt  }
0x50: {  	_ =	shalt  }
0x51: {  	_ =	shalt  }
0x52: {  	_ =	shalt  }
0x53: {  	_ =	shalt  }
0x54: {  	_ =	shalt  }
0x55: {  	_ =	shalt  }
0x56: {  	_ =	shalt  }
0x57: {  	_ =	shalt  }
0x58: {  	_ =	shalt  }
0x59: {  	_ =	shalt  }
0x5a: {  	_ =	shalt  }
0x5b: {  	_ =	shalt  }
0x5c: {  	_ =	shalt  }
0x5d: {  	_ =	shalt  }
0x5e: {  	_ =	shalt  }
0x5f: {  	_ =	shalt  }
0x60: {  	_ =	shalt  }
0x61: {  	_ =	shalt  }
0x62: {  	_ =	shalt  }
0x63: {  	_ =	shalt  }
0x64: {  	_ =	shalt  }
0x65: {  	_ =	shalt  }
0x66: {  	_ =	shalt  }
0x67: {  	_ =	shalt  }
0x68: {  	_ =	shalt  }
0x69: {  	_ =	shalt  }
0x6a: {  	_ =	shalt  }
0x6b: {  	_ =	shalt  }
0x6c: {  	_ =	shalt  }
0x6d: {  	_ =	shalt  }
0x6e: {  	_ =	shalt  }
0x6f: {  	_ =	shalt  }
0x70: {  	_ =	shalt  }
0x71: {  	_ =	shalt  }
0x72: {  	_ =	shalt  }
0x73: {  	_ =	shalt  }
0x74: {  	_ =	shalt  }
0x75: {  	_ =	shalt  }
0x76: {  	_ =	shalt  }
0x77: {  	_ =	shalt  }
0x78: {  	_ =	shalt  }
0x79: {  	_ =	shalt  }
0x7a: {  	_ =	shalt  }
0x7b: {  	_ =	shalt  }
0x7c: {  	_ =	shalt  }
0x7d: {  	_ =	shalt  }
0x7e: {  	_ =	shalt  }
0x7f: {  	_ =	shalt  }
0x80: {  	_ =	shalt  }
0x81: {  	_ =	shalt  }
0x82: {  	_ =	shalt  }
0x83: {  	_ =	shalt  }
0x84: {  	_ =	shalt  }
0x85: {  	_ =	shalt  }
0x86: {  	_ =	shalt  }
0x87: {  	_ =	shalt  }
.Lfunc_end0:
.L_simem_size_0:
called_computation_lowered:
.L_overlay_start_0:
0x88: {  	s2 =	sld [smem:$0x3FD9]  }
0x89: {  	s3 =	sld [smem:$0x3FFE];
	_ =	sdelay $0x1  }
0x8a: {  	s1 =	srdreg.scid  }
0x8b: {  	s0 =	sand.u32 $0x1, s1  }
0x8c: {  	s15 =	sshll.u32 s0, $0xA;
	s2 =	sadd.s32 s3, s2  }
0x8d: {  	s2 =	sadd.s32 s2, s15  }
0x8e: {  	[smem:$0x3FB3] =	sst s2  }
0x8f: {  	_ = 	snop  }
0x90: {  	s2 =	sld [smem:$0x3FD0];
	_ =	sdelay $0x2  }
0x91: {  	s16 =	simm.s32 $0xD;
	s4 =	simm.s32 $0x10  }
0x92: {  	[smem:s4], [sflag:s16] =	dma.local [hbm:s2], $0x1  }
0x93: {  	_ =	swait.eq [sflag:s16], $0x1  }
0x94: {  	[sflag:s16] =	ssyncset.done $0x0  }
0x95: {  	[sflag:s16] =	ssyncadd.s32 $0xFFFFFFFF  }
0x96: {  	s17 =	sld [smem:$0x10];
	(tm) =	ssettm $0x1  }
0x97: {  	s18 =	sld [smem:$0x3FFB];
	_ =	sdelay $0x3  }
0x98: {  	_ =	strace s18  }
0x99: {  	s2 =	sld [smem:$0x3FFC];
	_ =	sdelay $0x3  }
0x9a: {  	_ =	strace s2  }
0x9b: {  	s2 =	sld [smem:$0x3FFD];
	_ =	sdelay $0x3  }
0x9c: {  	_ =	strace s2  }
0x9d: {  	_ =	strace $0x8FFFFFFF  }
0x9e: {  	s19 =	sld [smem:$0x3FDB];
	_ =	sdelay $0x1  }
0x9f: {  	s20 =	simm.s32 $_scs_section_size  }
0xa0: {  	s5 =	simm.s32 $_size__tile_overlayer_lowered;
	s6 =	simm.s32 $_tile_overlayer_lowered  }
0xa1: {  	s7 =	simm.s32 $0x1BFF;
	s21 =	sshll.u32 s6, $0x1;
	s4 =	sadd.s32 s20, s19  }
0xa2: {  	s22 =	simm.s32 $0x0;
	s5 =	sshll.u32 s5, $0x1;
	s6 =	sadd.s32 s21, s4  }
0xa3: {  	[timem:s22], [sflag:s7] =	dma.local [hbm:s6], s5  }
0xa4: {  	_ =	swait.ge [sflag:s7], s5  }
0xa5: {  	s5 =	ssub.s32 $0x0, s5;
	[sflag:s7] =	ssyncset.done $0x0  }
0xa6: {  	[sflag:s7] =	ssyncadd.s32 s5;
	_ =	sdelay $0x1  }
0xa7: {  	s23 =	simm.s32 $0x1B8B  }
0xa8: {  	_ =	swait.ge [sflag:s23], $0x1  }
0xa9: {  	[sflag:s23] =	ssyncset.done $0x0  }
0xaa: {  	[sflag:s23] =	ssyncadd.s32 $0xFFFFFFFF  }
0xab: {  	s5 =	sld [smem:$0x0]  }
0xac: {  	s6 =	sand.u32 $0xFFFFFFFE, s1  }
0xad: {  	p0 =	sne.s32 s1, s6  }
0xae: {  	s6 =	sshll.u32 @p0 s6, $0xE  }
0xaf: {  	s6 =	sadd.s32 @p0 $0x11B8D, s6;
	s7 =	sshll.u32 @p0 s5, $0x11  }
0xb0: {  	s6 =	sor.u32 @p0 s7, s6  }
0xb1: {  	[sflag:s6] =	ssyncadd.remote.s32 @p0 $0x1;
	_ =	sdelay $0x1  }
0xb2: {  	s6 =	simm.s32 @p0 $0x1B8D  }
0xb3: {  	_ =	swait.eq @p0 [sflag:s6], $0x1  }
0xb4: {  	[sflag:s6] =	ssyncadd.s32 @p0 $0xFFFFFFFF  }
0xb5: {  	s7 =	sshll.u32 @!p0 s1, $0xE  }
0xb6: {  	s7 =	sor.u32 @!p0 $0x4000, s7;
	s6 =	simm.s32 @!p0 $0x1B8D  }
0xb7: {  	s5 =	sshll.u32 @!p0 s5, $0x11;
	s7 =	sadd.s32 @!p0 $0x11B8D, s7;
	_ =	swait.eq @!p0 [sflag:s6], $0x1  }
0xb8: {  	s5 =	sor.u32 @!p0 s5, s7;
	[sflag:s6] =	ssyncadd.s32 @!p0 $0xFFFFFFFF  }
0xb9: {  	s25 =	simm.s32 $0x1B8E;
	s24 =	sld [smem:$0x3FFE];
	[sflag:s5] =	ssyncadd.remote.s32 @!p0 $0x1  }
0xba: {  	s26 =	simm.s32 $execute0_lowered;
	[smem:$0x3FD2] =	sst s25  }
0xbb: {  	s6 =	sshll.u32 s26, $0x1;
	_ =	strace $0x8000004F;
	[dreg:$0x1] =	wrdreg $0xFFFFFFFF  }
0xbc: {  	s28 =	simm.s32 $_size_execute0_lowered;
	s4 =	sadd.s32 s4, s6;
	[dreg:$0x0] =	wrdreg $0x0  }
0xbd: {  	s6 =	sshll.u32 s28, $0x1;
	[dreg:$0x2] =	wrdreg s4  }
0xbe: {  	[dreg:$0x3] =	wrdreg s6  }
0xbf: {  	[dreg:$0x4] =	wrdreg $0xC0  }
0xc0: {  	_ =	task [dreg:s22], $0x5FFFF  }
0xc1: {  	[dreg:$0x1] =	wrdreg $0xFFFFFFFF  }
0xc2: {  	[dreg:$0x0] =	wrdreg $0x60  }
0xc3: {  	[dreg:$0x2] =	wrdreg s17  }
0xc4: {  	[dreg:$0x3] =	wrdreg s24  }
0xc5: {  	[dreg:$0x4] =	wrdreg $0x9  }
0xc6: {  	_ =	task.clear_ibuf [dreg:s22], $0x5FFFF;
	_ =	strace $0x9000004F  }
0xc7: {  	s29 =	simm.s32 $0x9;
	_ =	strace $0x80000051  }
0xc8: {  	_ =	swait.ge [sflag:s29], $0x1  }
0xc9: {  	[sflag:s29] =	ssyncadd.s32 $0xFFFFFFFF  }
0xca: {  	_ =	strace $0x90000051  }
0xcb: {  	_ =	sfence  }
0xcc: {  	s30 =	sld [smem:$0x0];
	_ =	sdelay $0x2  }
0xcd: {  	s31 =	sshll.u32 s1, $0xD;
	s1 =	sshrl.u32 s1, $0x2  }
0xce: {  	s4 =	sand.u32 $0x4000, s31;
	s1 =	sadd.s32 s1, s30  }
0xcf: {  	s0 =	sor.u32 s4, s0;
	s1 =	sshll.u32 s1, $0x11  }
0xd0: {  	s0 =	sor.u32 s1, s0  }
0xd1: {  	s0 =	sadd.s32 $0x8F2B, s0  }
0xd2: {  	[sflag:s0] =	ssyncadd.remote.s32 $0x1  }
0xd3: {  	_ =	sfence.sel $0xFFFF  }
0xd4: {  	[dreg:$0x0] =	wrdreg $0xFFFFFFFF;
	(pc) =	sbr.abs _section_cstart, $3  }
0xd5: {  	[dreg:$0x1] =	wrdreg $0xFFFFFFFF  }
0xd6: {  	_ =	task.clear_ibuf [dreg:s22], $0x2FFFF;
	_ =	strace $0x9FFFFFFF  }
0xd7: {  	(tm) =	ssettm $0x7FFFFFFF  }
tec
execute0_lowered:
.L_overlay_start_1:
0x0: {  	(tag) =	ssettag $0x1  }
0x1: {  	s1 =	rddreg [dreg:$0x0]  }
0x2: {  	s0 =	rddreg [dreg:$0x1];
	s3 =	simm.s32 $0x0  }
0x3: {  	s30 =	simm.s32 $0xA00;
	[smem:$0x7FF] =	sst s3  }
0x4: {  	s31 =	simm.s32 $0x1200;
	_ =	strace $0x80000050;
	[dreg:$0x3] =	wrdreg s30  }
0x5: {  	s8 =	simm.s32 $0x1A00;
	[dreg:$0x4] =	wrdreg s31  }
0x6: {  	s2 =	srdreg.scid;
	s11 =	simm.s32 $0x2200;
	[dreg:$0x5] =	wrdreg s8  }
0x7: {  	s7 =	stileid.u32;
	s12 =	simm.s32 $0x2A00;
	[dreg:$0x6] =	wrdreg s11  }
0x8: {  	s13 =	simm.s32 $0x3200;
	s14 =	simm.s32 $0x3A00;
	[dreg:$0x7] =	wrdreg s12  }
0x9: {  	s15 =	simm.s32 $0x4200;
	s17 =	simm.s32 $0x4A00;
	[dreg:$0x8] =	wrdreg s13  }
0xa: {  	s18 =	simm.s32 $0x5200;
	s19 =	simm.s32 $0x5A00;
	[dreg:$0x9] =	wrdreg s14  }
0xb: {  	s20 =	simm.s32 $0x6200;
	s21 =	simm.s32 $0x6A00;
	[dreg:$0xa] =	wrdreg s15  }
0xc: {  	s22 =	simm.s32 $0x7200;
	s23 =	simm.s32 $0x7A00;
	[dreg:$0xb] =	wrdreg s17  }
0xd: {  	s24 =	simm.s32 $0x8A00;
	s25 =	simm.s32 $0x9200;
	[dreg:$0xc] =	wrdreg s18  }
0xe: {  	s26 =	simm.s32 $0x9A00;
	s28 =	simm.s32 $0x2;
	[dreg:$0xd] =	wrdreg s19  }
0xf: {  	s29 =	simm.s32 $0x0;
	s2 =	sand.u32 $0x1, s2;
	[dreg:$0xe] =	wrdreg s20  }
0x10: {  	s4 =	sshll.u32 s7, $0xA;
	s6 =	sshll.u32 s7, $0x10;
	[dreg:$0xf] =	wrdreg s21  }
0x11: {  	s7 =	sshll.u32 s7, $0xE;
	s5 =	sshll.u32 s2, $0x9;
	[dreg:$0x10] =	wrdreg s22  }
0x12: {  	s9 =	sadd.s32 s6, s0;
	s10 =	ssub.s32 $0x2, s2;
	[dreg:$0x11] =	wrdreg s23  }
0x13: {  	s6 =	sadd.s32 $0x100, s1;
	s11 =	simm.s32 $0x200;
	[dreg:$0x12] =	wrdreg s24  }
0x14: {  	s12 =	simm.s32 $0x40;
	[dreg:$0x13] =	wrdreg s25;
	s13 =	simm.s32 $0x10200  }
0x15: {  	[dreg:$0x14] =	wrdreg s26;
	s30 =	simm.s32 $0xA200;
	s14 =	simm.s32 $0x8200  }
0x16: {  	s31 =	simm.s32 $0xAA00;
	s15 =	simm.s32 $0xB200;
	s17 =	simm.s32 $0xC200  }
0x17: {  	s18 =	simm.s32 $0xCA00;
	s19 =	simm.s32 $0xD200;
	s20 =	simm.s32 $0xDA00  }
0x18: {  	s21 =	simm.s32 $0xE200;
	s22 =	simm.s32 $0xEA00;
	s23 =	simm.s32 $0xF200  }
0x19: {  	s24 =	simm.s32 $0xFA00;
	s25 =	simm.s32 $0x12200;
	s26 =	simm.s32 $0x1  }
0x1a: {  	s5 =	sor.u32 s5, s4;
	s4 =	sadd.s32 $0x6000, s0;
	[dreg:$0x15] =	wrdreg s30  }
0x1b: {  	s8 =	sshrl.u32 s10, $0x1;
	[dreg:$0x16] =	wrdreg s31;
	s5 =	sshrl.u32 s5, $0x3  }
0x1c: {  	s5 =	sadd.s32 s5, s0;
	s0 =	sadd.s32 s7, s0;
	s7 =	ssub.s32 s10, s8  }
0x1d: {  	s10 =	sshll.u32 s2, $0xD;
	s2 =	sshll.u32 s2, $0xF;
	s5 =	sadd.s32 $0x3CF800, s5  }
0x1e: {  	v2 =	vlaneseq.u32;
	s16 =	smax.u32 s7, $0x1;
	s0 =	sadd.s32 s10, s0;
	[dreg:$0x17] =	wrdreg s5  }
0x1f: {  	vm0 =	vmmov $0xffff;
	v1 =	vshrl.u32 v2, $0x3;
	s2 =	sadd.s32 s2, s9;
	s10 =	simm.s32 $0x3;
	[dreg:$0x18] =	wrdreg s16  }
0x20: {  	v0 =	vand.u32 $0x7, v2;
	v2 =	vor.u32 $0x8, v2;
	v1 =	vmul.u32 $0x8, v1;
	s8 =	sadd.s32 $0x3D0000, s0;
	s9 =	sadd.s32 $0x410000, s2;
	s16 =	simm.s32 $0xBA00  }
.LBB2_1:
0x21: {  	s0 =	rddreg [dreg:$0x17]  }
0x22: {  	[tilespmem:s3], [sflag:$0x3] =	stream.linear.gather [hbm4b:s0+s3], $0x200, $0x38;
	[tilespmem:$0x14200] =	vst v63  }
0x23: {  	_ =	swait.ge [sflag:s10], $0x200  }
0x24: {  	s30 =	smov.u32 s9;
	[sflag:s10] =	ssyncset.done $0x0  }
0x25: {  	s31 =	smov.u32 s8;
	s0 =	simm.s32 $0x0;
	[sflag:s10] =	ssyncadd.s32 $0xFFFFFE00  }
.LBB2_2:
0x26: {  	s2 =	sshra.s32 s0, $0x2  }
0x27: {  	v3 =	vld [tilespmem:s2+$0x0];
	_ =	sdelay $0x4  }
0x28: {  	v4 =	vshll.u32 v3, $0x2  }
0x29: {  	v3 =	vand.u32 $0x7, v3;
	v4 =	vand.u32 $0xFFFFFFE0, v4  }
0x2a: {  	v3 =	vor.u32 v3, v4  }
0x2b: {  	v4 =	vperm.xlane v3, v0;
	_ =	sdelay $0x1  }
0x2c: {  	v4 =	vadd.s32 v1, v4;
	_ =	sdelay $0x1  }
0x2d: {  	v3 =	vperm.xlane v3, v2;
	_ =	sdelay $0x1  }
0x2e: {  	v3 =	vadd.s32 v1, v3  }
0x2f: {  	[tilespmem:s11], [sflag:$0x1] =	stream.indirect_vreg.gather [hbm4b:s1+s3], $0x80, v4, vm0, $0xb8;
	[tilespmem:$0x14200] =	vst v63  }
0x30: {  	s5 =	rddreg [dreg:$0x3]  }
0x31: {  	[tilespmem:s5], [sflag:$0x1] =	stream.indirect_vreg.gather [hbm4b:s6+s3], $0x80, v4, vm0, $0xb8;
	[tilespmem:$0x14200] =	vst v63  }
0x32: {  	s7 =	rddreg [dreg:$0x4]  }
0x33: {  	[tilespmem:s7], [sflag:$0x1] =	stream.indirect_vreg.gather [hbm4b:s1+s3], $0x80, v3, vm0, $0xb8;
	[tilespmem:$0x14200] =	vst v63  }
0x34: {  	s5 =	rddreg [dreg:$0x5]  }
0x35: {  	[tilespmem:s5], [sflag:$0x1] =	stream.indirect_vreg.gather [hbm4b:s6+s3], $0x80, v3, vm0, $0xb8;
	[tilespmem:$0x14200] =	vst v63  }
0x36: {  	v3 =	vld [tilespmem:s2+$0x10];
	_ =	sdelay $0x4  }
0x37: {  	v57 =	vshll.u32 v3, $0x2  }
0x38: {  	v3 =	vand.u32 $0x7, v3;
	v4 =	vand.u32 $0xFFFFFFE0, v57  }
0x39: {  	v3 =	vor.u32 v3, v4  }
0x3a: {  	v4 =	vperm.xlane v3, v0;
	_ =	sdelay $0x1  }
0x3b: {  	v4 =	vadd.s32 v1, v4;
	_ =	sdelay $0x1  }
0x3c: {  	v3 =	vperm.xlane v3, v2;
	_ =	sdelay $0x1  }
0x3d: {  	s5 =	rddreg [dreg:$0x6];
	v3 =	vadd.s32 v1, v3  }
0x3e: {  	[tilespmem:s5], [sflag:$0x1] =	stream.indirect_vreg.gather [hbm4b:s1+s3], $0x80, v4, vm0, $0xb8;
	[tilespmem:$0x14200] =	vst v63  }
0x3f: {  	s7 =	rddreg [dreg:$0x7]  }
0x40: {  	[tilespmem:s7], [sflag:$0x1] =	stream.indirect_vreg.gather [hbm4b:s6+s3], $0x80, v4, vm0, $0xb8;
	[tilespmem:$0x14200] =	vst v63  }
0x41: {  	s5 =	rddreg [dreg:$0x8]  }
0x42: {  	[tilespmem:s5], [sflag:$0x1] =	stream.indirect_vreg.gather [hbm4b:s1+s3], $0x80, v3, vm0, $0xb8;
	[tilespmem:$0x14200] =	vst v63  }
0x43: {  	s7 =	rddreg [dreg:$0x9]  }
0x44: {  	[tilespmem:s7], [sflag:$0x1] =	stream.indirect_vreg.gather [hbm4b:s6+s3], $0x80, v3, vm0, $0xb8;
	[tilespmem:$0x14200] =	vst v63  }
0x45: {  	v3 =	vld [tilespmem:s2+$0x20];
	_ =	sdelay $0x4  }
0x46: {  	v58 =	vshll.u32 v3, $0x2  }
0x47: {  	v3 =	vand.u32 $0x7, v3;
	v4 =	vand.u32 $0xFFFFFFE0, v58  }
0x48: {  	v3 =	vor.u32 v3, v4  }
0x49: {  	v4 =	vperm.xlane v3, v0;
	_ =	sdelay $0x1  }
0x4a: {  	v4 =	vadd.s32 v1, v4;
	_ =	sdelay $0x1  }
0x4b: {  	v3 =	vperm.xlane v3, v2;
	_ =	sdelay $0x1  }
0x4c: {  	s5 =	rddreg [dreg:$0xa];
	v3 =	vadd.s32 v1, v3  }
0x4d: {  	[tilespmem:s5], [sflag:$0x1] =	stream.indirect_vreg.gather [hbm4b:s1+s3], $0x80, v4, vm0, $0xb8;
	[tilespmem:$0x14200] =	vst v63  }
0x4e: {  	s7 =	rddreg [dreg:$0xb]  }
0x4f: {  	[tilespmem:s7], [sflag:$0x1] =	stream.indirect_vreg.gather [hbm4b:s6+s3], $0x80, v4, vm0, $0xb8;
	[tilespmem:$0x14200] =	vst v63  }
0x50: {  	s5 =	rddreg [dreg:$0xc]  }
0x51: {  	[tilespmem:s5], [sflag:$0x1] =	stream.indirect_vreg.gather [hbm4b:s1+s3], $0x80, v3, vm0, $0xb8;
	[tilespmem:$0x14200] =	vst v63  }
0x52: {  	s7 =	rddreg [dreg:$0xd]  }
0x53: {  	[tilespmem:s7], [sflag:$0x1] =	stream.indirect_vreg.gather [hbm4b:s6+s3], $0x80, v3, vm0, $0xb8;
	[tilespmem:$0x14200] =	vst v63  }
0x54: {  	v3 =	vld [tilespmem:s2+$0x30];
	_ =	sdelay $0x4  }
0x55: {  	v59 =	vshll.u32 v3, $0x2  }
0x56: {  	v3 =	vand.u32 $0x7, v3;
	v4 =	vand.u32 $0xFFFFFFE0, v59  }
0x57: {  	v3 =	vor.u32 v3, v4  }
0x58: {  	v4 =	vperm.xlane v3, v0;
	_ =	sdelay $0x1  }
0x59: {  	v4 =	vadd.s32 v1, v4;
	_ =	sdelay $0x1  }
0x5a: {  	v3 =	vperm.xlane v3, v2;
	_ =	sdelay $0x1  }
0x5b: {  	s5 =	rddreg [dreg:$0xe];
	v3 =	vadd.s32 v1, v3  }
0x5c: {  	[tilespmem:s5], [sflag:$0x1] =	stream.indirect_vreg.gather [hbm4b:s1+s3], $0x80, v4, vm0, $0xb8;
	[tilespmem:$0x14200] =	vst v63  }
0x5d: {  	s7 =	rddreg [dreg:$0xf]  }
0x5e: {  	[tilespmem:s7], [sflag:$0x1] =	stream.indirect_vreg.gather [hbm4b:s6+s3], $0x80, v4, vm0, $0xb8;
	[tilespmem:$0x14200] =	vst v63  }
0x5f: {  	s5 =	rddreg [dreg:$0x10]  }
0x60: {  	[tilespmem:s5], [sflag:$0x1] =	stream.indirect_vreg.gather [hbm4b:s1+s3], $0x80, v3, vm0, $0xb8;
	[tilespmem:$0x14200] =	vst v63  }
0x61: {  	s7 =	rddreg [dreg:$0x11]  }
0x62: {  	[tilespmem:s7], [sflag:$0x1] =	stream.indirect_vreg.gather [hbm4b:s6+s3], $0x80, v3, vm0, $0xb8;
	[tilespmem:$0x14200] =	vst v63  }
0x63: {  	_ = 	snop  }
0x64: {  	[tilespmem:s13], [sflag:$0x1] =	stream.indirect.gather [hbm4b:s4+s12], $0x80, s2, s12, $0xb8;
	[tilespmem:$0x14200] =	vst v63  }
0x65: {  	v3 =	vld [tilespmem:s2+$0x40];
	_ =	sdelay $0x4  }
0x66: {  	v60 =	vshll.u32 v3, $0x2  }
0x67: {  	v3 =	vand.u32 $0x7, v3;
	v4 =	vand.u32 $0xFFFFFFE0, v60  }
0x68: {  	v3 =	vor.u32 v3, v4  }
0x69: {  	v4 =	vperm.xlane v3, v0;
	_ =	sdelay $0x1  }
0x6a: {  	v4 =	vadd.s32 v1, v4;
	_ =	sdelay $0x1  }
0x6b: {  	v3 =	vperm.xlane v3, v2;
	_ =	sdelay $0x1  }
0x6c: {  	v3 =	vadd.s32 v1, v3  }
0x6d: {  	[tilespmem:s14], [sflag:$0x2] =	stream.indirect_vreg.gather [hbm4b:s1+s3], $0x80, v4, vm0, $0xb8;
	[tilespmem:$0x14200] =	vst v63  }
0x6e: {  	s5 =	rddreg [dreg:$0x12]  }
0x6f: {  	[tilespmem:s5], [sflag:$0x2] =	stream.indirect_vreg.gather [hbm4b:s6+s3], $0x80, v4, vm0, $0xb8;
	[tilespmem:$0x14200] =	vst v63  }
0x70: {  	s7 =	rddreg [dreg:$0x13]  }
0x71: {  	[tilespmem:s7], [sflag:$0x2] =	stream.indirect_vreg.gather [hbm4b:s1+s3], $0x80, v3, vm0, $0xb8;
	[tilespmem:$0x14200] =	vst v63  }
0x72: {  	s5 =	rddreg [dreg:$0x14]  }
0x73: {  	[tilespmem:s5], [sflag:$0x2] =	stream.indirect_vreg.gather [hbm4b:s6+s3], $0x80, v3, vm0, $0xb8;
	[tilespmem:$0x14200] =	vst v63  }
0x74: {  	v3 =	vld [tilespmem:s2+$0x50];
	_ =	sdelay $0x4  }
0x75: {  	v61 =	vshll.u32 v3, $0x2  }
0x76: {  	v3 =	vand.u32 $0x7, v3;
	v4 =	vand.u32 $0xFFFFFFE0, v61  }
0x77: {  	v3 =	vor.u32 v3, v4  }
0x78: {  	v4 =	vperm.xlane v3, v0;
	_ =	sdelay $0x1  }
0x79: {  	v4 =	vadd.s32 v1, v4;
	_ =	sdelay $0x1  }
0x7a: {  	v3 =	vperm.xlane v3, v2;
	_ =	sdelay $0x1  }
0x7b: {  	s5 =	rddreg [dreg:$0x15];
	v3 =	vadd.s32 v1, v3  }
0x7c: {  	[tilespmem:s5], [sflag:$0x2] =	stream.indirect_vreg.gather [hbm4b:s1+s3], $0x80, v4, vm0, $0xb8;
	[tilespmem:$0x14200] =	vst v63  }
0x7d: {  	s7 =	rddreg [dreg:$0x16]  }
0x7e: {  	[tilespmem:s7], [sflag:$0x2] =	stream.indirect_vreg.gather [hbm4b:s6+s3], $0x80, v4, vm0, $0xb8;
	[tilespmem:$0x14200] =	vst v63  }
0x7f: {  	_ = 	snop  }
0x80: {  	[tilespmem:s15], [sflag:$0x2] =	stream.indirect_vreg.gather [hbm4b:s1+s3], $0x80, v3, vm0, $0xb8;
	[tilespmem:$0x14200] =	vst v63  }
0x81: {  	_ = 	snop  }
0x82: {  	[tilespmem:s16], [sflag:$0x2] =	stream.indirect_vreg.gather [hbm4b:s6+s3], $0x80, v3, vm0, $0xb8;
	[tilespmem:$0x14200] =	vst v63  }
0x83: {  	v3 =	vld [tilespmem:s2+$0x60];
	_ =	sdelay $0x4  }
0x84: {  	v62 =	vshll.u32 v3, $0x2  }
0x85: {  	v3 =	vand.u32 $0x7, v3;
	v4 =	vand.u32 $0xFFFFFFE0, v62  }
0x86: {  	v3 =	vor.u32 v3, v4  }
0x87: {  	v4 =	vperm.xlane v3, v0;
	_ =	sdelay $0x1  }
0x88: {  	v4 =	vadd.s32 v1, v4;
	_ =	sdelay $0x1  }
0x89: {  	v3 =	vperm.xlane v3, v2;
	_ =	sdelay $0x1  }
0x8a: {  	v3 =	vadd.s32 v1, v3  }
0x8b: {  	[tilespmem:s17], [sflag:$0x2] =	stream.indirect_vreg.gather [hbm4b:s1+s3], $0x80, v4, vm0, $0xb8;
	[tilespmem:$0x14200] =	vst v63  }
0x8c: {  	_ = 	snop  }
0x8d: {  	[tilespmem:s18], [sflag:$0x2] =	stream.indirect_vreg.gather [hbm4b:s6+s3], $0x80, v4, vm0, $0xb8;
	[tilespmem:$0x14200] =	vst v63  }
0x8e: {  	_ = 	snop  }
0x8f: {  	[tilespmem:s19], [sflag:$0x2] =	stream.indirect_vreg.gather [hbm4b:s1+s3], $0x80, v3, vm0, $0xb8;
	[tilespmem:$0x14200] =	vst v63  }
0x90: {  	_ = 	snop  }
0x91: {  	[tilespmem:s20], [sflag:$0x2] =	stream.indirect_vreg.gather [hbm4b:s6+s3], $0x80, v3, vm0, $0xb8;
	[tilespmem:$0x14200] =	vst v63  }
0x92: {  	v3 =	vld [tilespmem:s2+$0x70];
	_ =	sdelay $0x4  }
0x93: {  	v63 =	vshll.u32 v3, $0x2  }
0x94: {  	v3 =	vand.u32 $0x7, v3;
	v4 =	vand.u32 $0xFFFFFFE0, v63  }
0x95: {  	v3 =	vor.u32 v3, v4  }
0x96: {  	v4 =	vperm.xlane v3, v0;
	_ =	sdelay $0x1  }
0x97: {  	v4 =	vadd.s32 v1, v4;
	_ =	sdelay $0x1  }
0x98: {  	v3 =	vperm.xlane v3, v2;
	_ =	sdelay $0x1  }
0x99: {  	v3 =	vadd.s32 v1, v3  }
0x9a: {  	[tilespmem:s21], [sflag:$0x2] =	stream.indirect_vreg.gather [hbm4b:s1+s3], $0x80, v4, vm0, $0xb8;
	[tilespmem:$0x14200] =	vst v63  }
0x9b: {  	_ = 	snop  }
0x9c: {  	[tilespmem:s22], [sflag:$0x2] =	stream.indirect_vreg.gather [hbm4b:s6+s3], $0x80, v4, vm0, $0xb8;
	[tilespmem:$0x14200] =	vst v63  }
0x9d: {  	_ = 	snop  }
0x9e: {  	[tilespmem:s23], [sflag:$0x2] =	stream.indirect_vreg.gather [hbm4b:s1+s3], $0x80, v3, vm0, $0xb8;
	[tilespmem:$0x14200] =	vst v63  }
0x9f: {  	_ = 	snop  }
0xa0: {  	[tilespmem:s24], [sflag:$0x2] =	stream.indirect_vreg.gather [hbm4b:s6+s3], $0x80, v3, vm0, $0xb8;
	[tilespmem:$0x14200] =	vst v63  }
0xa1: {  	s2 =	sadd.s32 $0x40, s2  }
0xa2: {  	[tilespmem:s25], [sflag:$0x2] =	stream.indirect.gather [hbm4b:s4+s12], $0x80, s2, s12, $0xb8;
	[tilespmem:$0x14200] =	vst v63  }
0xa3: {  	_ =	swait.ge [sflag:s26], $0x8000  }
0xa4: {  	[sflag:s26] =	ssyncset.done $0x0  }
0xa5: {  	[sflag:s26] =	ssyncadd.s32 $0xFFFF8000  }
0xa6: {  	_ =	swait.ge [sflag:s26], $0x2000  }
0xa7: {  	[sflag:s26] =	ssyncset.done $0x0  }
0xa8: {  	[sflag:s26] =	ssyncadd.s32 $0xFFFFE000  }
0xa9: {  	[hbm4b:s30+s3] =	stream.linear.scatter [tilespmem:s11], [sflag:$0x3], $0x8000, $0x38;
	[tilespmem:$0x14200] =	vst v63  }
0xaa: {  	_ =	swait.ge [sflag:s10], $0x8000  }
0xab: {  	[sflag:s10] =	ssyncset.done $0x0  }
0xac: {  	[sflag:s10] =	ssyncadd.s32 $0xFFFF8000  }
0xad: {  	[hbm4b:s31+s3] =	stream.linear.scatter [tilespmem:s13], [sflag:$0x3], $0x2000, $0x38;
	[tilespmem:$0x14200] =	vst v63  }
0xae: {  	_ =	swait.ge [sflag:s10], $0x2000  }
0xaf: {  	[sflag:s10] =	ssyncset.done $0x0  }
0xb0: {  	[sflag:s10] =	ssyncadd.s32 $0xFFFFE000  }
0xb1: {  	_ =	swait.ge [sflag:s28], $0x8000  }
0xb2: {  	[sflag:s28] =	ssyncset.done $0x0  }
0xb3: {  	[sflag:s28] =	ssyncadd.s32 $0xFFFF8000  }
0xb4: {  	_ =	swait.ge [sflag:s28], $0x2000  }
0xb5: {  	[sflag:s28] =	ssyncset.done $0x0  }
0xb6: {  	s5 =	sadd.s32 $0x1000, s30;
	[sflag:s28] =	ssyncadd.s32 $0xFFFFE000  }
0xb7: {  	[hbm4b:s5+s3] =	stream.linear.scatter [tilespmem:s14], [sflag:$0x3], $0x8000, $0x38;
	[tilespmem:$0x14200] =	vst v63  }
0xb8: {  	_ =	swait.ge [sflag:s10], $0x8000  }
0xb9: {  	p0 =	sne.s32 s0, $0x600;
	[sflag:s10] =	ssyncset.done $0x0  }
.Ltmp0:
0xba: {  	s7 =	sadd.s32 $0x400, s31;
	[sflag:s10] =	ssyncadd.s32 $0xFFFF8000;
	(pc) =	sbr.rel @p0 .LBB2_2-.Ltmp0, $4  }
0xbb: {  	[hbm4b:s7+s3] =	stream.linear.scatter [tilespmem:s25], [sflag:$0x3], $0x2000, $0x38;
	[tilespmem:$0x14200] =	vst v63  }
0xbc: {  	_ =	swait.ge [sflag:s10], $0x2000  }
0xbd: {  	s0 =	sadd.s32 $0x200, s0;
	[sflag:s10] =	ssyncset.done $0x0  }
0xbe: {  	s30 =	sadd.s32 $0x2000, s30;
	s31 =	sadd.s32 $0x800, s31;
	[sflag:s10] =	ssyncadd.s32 $0xFFFFE000  }
0xbf: {  	s29 =	sadd.s32 $0x1, s29;
	s0 =	rddreg [dreg:$0x18]  }
0xc0: {  	p0 =	sne.s32 s29, s0  }
.Ltmp1:
0xc1: {  	_ = 	snop;
	(pc) =	sbr.rel @p0 .LBB2_1-.Ltmp1, $1  }
0xc2: {  	_ =	sdelay $0x3  }
0xc3: {  	_ =	sfence.sel $0x180000  }
0xc4: {  	[bflag:$0x0] =	sbarrier.arrive $0xFFFF  }
0xc5: {  	_ =	strace $0x90000050  }
0xc6: {  	s0 =	stileid.u32;
	[bflag:$0x2] =	sbarrier.arrive $0xFFFF  }
0xc7: {  	p0 =	sne.s32 s0, $0x0;
	s0 =	rddreg [dreg:$0x2]  }
0xc8: {  	s0 =	sadd.s32 @!p0 $0x100000, s0  }
0xc9: {  	[sflag:s0] =	ssyncadd.tile.s32 @!p0 $0x1;
	_ =	shalt  }
.Lfunc_end2:
_tile_overlayer_lowered:
.L_overlay_start_2:
0xca: {  	(tag) =	ssettag $0x2  }
0xcb: {  	s0 =	rddreg [dreg:$0x0];
	s2 =	stileid.u32  }
0xcc: {  	s1 =	rddreg [dreg:$0x1];
	p0 =	sne.s32 s2, $0x0  }
0xcd: {  	s3 =	rddreg [dreg:$0x2];
	[bflag:$0x3] =	sbarrier.arrive $0xFFFF;
	s2 =	simm.s32 @!p0 $0x1C03  }
0xce: {  	[timem:s3], [sflag:s2] =	dma.local @!p0 [hbm:s0], s1  }
0xcf: {  	s0 =	simm.s32 @!p0 $0x3  }
0xd0: {  	_ =	swait.ge @!p0 [sflag:s0], s1  }
0xd1: {  	s1 =	ssub.s32 @!p0 $0x0, s1;
	[sflag:s0] =	ssyncset.done @!p0 $0x0  }
0xd2: {  	[sflag:s0] =	ssyncadd.s32 @!p0 s1  }
0xd3: {  	[bflag:$0x3] =	sbarrier.arrive $0xFFFF  }
0xd4: {  	_ =	shalt  }

// kernel: kernel.18.cloned.1.call-start
scs
__scs_entry_jumppad:
0x0: {  	(pc) =	sbr.rel $0x88, $3  }
0x1: {  	(tag) =	ssettag $0x0;
	lr =	simm.s32 $0x1  }
0x2: {  	[smem:$0x3F8C] =	sst lr;
	_ =	strace $0xD0000000  }
0x3: {  	_ = 	snop  }
0x4: {  	_ = 	snop  }
0x5: {  	_ = 	snop  }
0x6: {  	_ = 	snop  }
0x7: {  	_ = 	snop  }
__scs_overlays_trampoline_lowered:
0x8: {  	[smem:$0x3F9B] =	sst s0  }
0x9: {  	[smem:$0x3F9C] =	sst s1  }
0xa: {  	[smem:$0x3F9D] =	sst s2  }
0xb: {  	[smem:$0x3F9E] =	sst s3  }
0xc: {  	[smem:$0x3F9F] =	sst s4  }
0xd: {  	[smem:$0x3FA0] =	sst s5  }
0xe: {  	[smem:$0x3FA1] =	sst s6  }
0xf: {  	[smem:$0x3FA2] =	sst s7  }
0x10: {  	[smem:$0x3FA3] =	sst s8  }
0x11: {  	[smem:$0x3FA4] =	sst s9;
	s0 =	simm.s32 @!p0 $0x0  }
0x12: {  	s1 =	sld [smem:$0x3F8A];
	s0 =	simm.s32 @p0 $0x1  }
0x13: {  	[smem:$0x3FA5] =	sst s0;
	s0 =	simm.s32 @!p1 $0x0  }
0x14: {  	s2 =	sld [smem:$0x3F89];
	s0 =	simm.s32 @p1 $0x1  }
0x15: {  	[smem:$0x3FA6] =	sst s0;
	s0 =	simm.s32 @!p2 $0x0  }
0x16: {  	s3 =	sld [smem:$0x3FDB];
	s0 =	simm.s32 @p2 $0x1  }
0x17: {  	s4 =	simm.s32 $0x1BF5;
	[smem:$0x3FA8] =	sst s0  }
0x18: {  	s0 =	sld [smem:$0x3F8B];
	_ =	swait.ge [sflag:s4], $0x0  }
0x19: {  	s7 =	sld [smem:$0x3F8C]  }
0x1a: {  	s8 =	sadd.s32 $0xFFFFE003, lr  }
0x1b: {  	s9 =	sadd.s32 $0xFFFFFEF7, lr;
	s5 =	simm.s32 $0xFFFFFFFF;
	p2 =	slt.u32 s8, $0xFFFFF086  }
0x1c: {  	p1 =	slt.u32 s9, $0xF7A;
	s5 =	simm.s32 @!p2 $0x0  }
0x1d: {  	s5 =	simm.s32 @p1 $0x1;
	p0 =	seq.s32 s7, s2  }
0x1e: {  	s7 =	smul.u32 @!p0 $0xF7A, s2;
	p2 =	seq.s32 @!p0 s5, $0x0  }
0x1f: {  	s9 =	smul.u32 $0xF7A, s1;
	s8 =	simm.s32 @!p0 $0x1BF5;
	p2 =	por !p2, p0  }
0x20: {  	[sflag:s8] =	ssyncset.s32 @!p0 $0xFFFFF086;
	s6 =	sadd.s32 @!p0 s3, s7;
	s7 =	simm.s32 @!p0 $0x108  }
0x21: {  	s3 =	sadd.s32 s3, s9;
	s6 =	sadd.s32 @!p0 $0x88, s6;
	s7 =	simm.s32 @p2 $0x1082  }
0x22: {  	[simem:s7], [sflag:s8] =	dma.local @!p0 [hbm:s6], $0xF7A  }
0x23: {  	s9 =	sor.u32 $0xD0000000, s2;
	s6 =	simm.s32 $0x108;
	_ =	swait.ge @!p0 [sflag:s8], $0x0  }
0x24: {  	s3 =	sadd.s32 $0x88, s3;
	s6 =	simm.s32 @!p1 $0x1082;
	[sflag:s4] =	ssyncset.s32 $0xFFFFF086  }
0x25: {  	[simem:s6], [sflag:s4] =	dma.local [hbm:s3], $0xF7A  }
0x26: {  	[smem:$0x3F8C] =	sst s1;
	(tag) =	ssettag s2;
	_ =	strace s9  }
0x27: {  	s1 =	sld [smem:$0x3F9C]  }
0x28: {  	s2 =	sld [smem:$0x3F9D]  }
0x29: {  	s4 =	sld [smem:$0x3F9F]  }
0x2a: {  	p0 =	seq.s32 s5, $0x0;
	s5 =	sld [smem:$0x3FA0]  }
0x2b: {  	s6 =	sld [smem:$0x3FA1]  }
0x2c: {  	s7 =	sld [smem:$0x3FA2]  }
0x2d: {  	s3 =	simm.s32 $0x108;
	s8 =	sld [smem:$0x3FA3]  }
0x2e: {  	s3 =	simm.s32 @!p0 $0x1082;
	s9 =	sld [smem:$0x3FA4]  }
0x2f: {  	lr =	sadd.s32 s0, s3;
	s0 =	sld [smem:$0x3F9B]  }
0x30: {  	s3 =	sld [smem:$0x3F9E]  }
0x31: {  	[smem:$0x3FA7] =	sst s10  }
0x32: {  	s10 =	sld [smem:$0x3FA5];
	_ =	sdelay $0x3  }
0x33: {  	p0 =	seq.s32 s10, $0x1;
	s10 =	sld [smem:$0x3FA7];
	_ =	sdelay $0x3  }
0x34: {  	[smem:$0x3FA7] =	sst s10  }
0x35: {  	s10 =	sld [smem:$0x3FA6];
	_ =	sdelay $0x3  }
0x36: {  	p1 =	seq.s32 s10, $0x1;
	s10 =	sld [smem:$0x3FA7];
	_ =	sdelay $0x3  }
0x37: {  	[smem:$0x3FA7] =	sst s10  }
0x38: {  	s10 =	sld [smem:$0x3FA8]  }
0x39: {  	_ = 	snop;
	(pc) =	sbr.ind lr, $3  }
0x3a: {  	_ = 	snop  }
0x3b: {  	_ = 	snop  }
0x3c: {  	p2 =	seq.s32 s10, $0x1;
	s10 =	sld [smem:$0x3FA7]  }
0x3d: {  	_ =	shalt  }
0x3e: {  	_ =	shalt  }
0x3f: {  	_ =	shalt  }
0x40: {  	_ =	shalt  }
0x41: {  	_ =	shalt  }
0x42: {  	_ =	shalt  }
0x43: {  	_ =	shalt  }
0x44: {  	_ =	shalt  }
0x45: {  	_ =	shalt  }
0x46: {  	_ =	shalt  }
0x47: {  	_ =	shalt  }
0x48: {  	_ =	shalt  }
0x49: {  	_ =	shalt  }
0x4a: {  	_ =	shalt  }
0x4b: {  	_ =	shalt  }
0x4c: {  	_ =	shalt  }
0x4d: {  	_ =	shalt  }
0x4e: {  	_ =	shalt  }
0x4f: {  	_ =	shalt  }
0x50: {  	_ =	shalt  }
0x51: {  	_ =	shalt  }
0x52: {  	_ =	shalt  }
0x53: {  	_ =	shalt  }
0x54: {  	_ =	shalt  }
0x55: {  	_ =	shalt  }
0x56: {  	_ =	shalt  }
0x57: {  	_ =	shalt  }
0x58: {  	_ =	shalt  }
0x59: {  	_ =	shalt  }
0x5a: {  	_ =	shalt  }
0x5b: {  	_ =	shalt  }
0x5c: {  	_ =	shalt  }
0x5d: {  	_ =	shalt  }
0x5e: {  	_ =	shalt  }
0x5f: {  	_ =	shalt  }
0x60: {  	_ =	shalt  }
0x61: {  	_ =	shalt  }
0x62: {  	_ =	shalt  }
0x63: {  	_ =	shalt  }
0x64: {  	_ =	shalt  }
0x65: {  	_ =	shalt  }
0x66: {  	_ =	shalt  }
0x67: {  	_ =	shalt  }
0x68: {  	_ =	shalt  }
0x69: {  	_ =	shalt  }
0x6a: {  	_ =	shalt  }
0x6b: {  	_ =	shalt  }
0x6c: {  	_ =	shalt  }
0x6d: {  	_ =	shalt  }
0x6e: {  	_ =	shalt  }
0x6f: {  	_ =	shalt  }
0x70: {  	_ =	shalt  }
0x71: {  	_ =	shalt  }
0x72: {  	_ =	shalt  }
0x73: {  	_ =	shalt  }
0x74: {  	_ =	shalt  }
0x75: {  	_ =	shalt  }
0x76: {  	_ =	shalt  }
0x77: {  	_ =	shalt  }
0x78: {  	_ =	shalt  }
0x79: {  	_ =	shalt  }
0x7a: {  	_ =	shalt  }
0x7b: {  	_ =	shalt  }
0x7c: {  	_ =	shalt  }
0x7d: {  	_ =	shalt  }
0x7e: {  	_ =	shalt  }
0x7f: {  	_ =	shalt  }
0x80: {  	_ =	shalt  }
0x81: {  	_ =	shalt  }
0x82: {  	_ =	shalt  }
0x83: {  	_ =	shalt  }
0x84: {  	_ =	shalt  }
0x85: {  	_ =	shalt  }
0x86: {  	_ =	shalt  }
0x87: {  	_ =	shalt  }
.Lfunc_end0:
.L_simem_size_0:
called_computation.1_lowered:
.L_overlay_start_0:
0x88: {  	s2 =	sld [smem:$0x3FD9]  }
0x89: {  	s3 =	sld [smem:$0x3FFE];
	_ =	sdelay $0x1  }
0x8a: {  	s1 =	srdreg.scid  }
0x8b: {  	s0 =	sand.u32 $0x1, s1  }
0x8c: {  	s15 =	sshll.u32 s0, $0xA;
	s2 =	sadd.s32 s3, s2  }
0x8d: {  	s2 =	sadd.s32 s2, s15  }
0x8e: {  	[smem:$0x3FB3] =	sst s2  }
0x8f: {  	_ = 	snop  }
0x90: {  	s2 =	sld [smem:$0x3FD0];
	_ =	sdelay $0x2  }
0x91: {  	s16 =	simm.s32 $0xD;
	s4 =	simm.s32 $0x10  }
0x92: {  	[smem:s4], [sflag:s16] =	dma.local [hbm:s2], $0x1  }
0x93: {  	_ =	swait.eq [sflag:s16], $0x1  }
0x94: {  	[sflag:s16] =	ssyncset.done $0x0  }
0x95: {  	[sflag:s16] =	ssyncadd.s32 $0xFFFFFFFF  }
0x96: {  	s17 =	sld [smem:$0x10];
	(tm) =	ssettm $0x1  }
0x97: {  	s18 =	sld [smem:$0x3FFB];
	_ =	sdelay $0x3  }
0x98: {  	_ =	strace s18  }
0x99: {  	s2 =	sld [smem:$0x3FFC];
	_ =	sdelay $0x3  }
0x9a: {  	_ =	strace s2  }
0x9b: {  	s2 =	sld [smem:$0x3FFD];
	_ =	sdelay $0x3  }
0x9c: {  	_ =	strace s2  }
0x9d: {  	_ =	strace $0x8FFFFFFF  }
0x9e: {  	s19 =	sld [smem:$0x3FDB];
	_ =	sdelay $0x1  }
0x9f: {  	s20 =	simm.s32 $_scs_section_size  }
0xa0: {  	s5 =	simm.s32 $_size__tile_overlayer_lowered;
	s6 =	simm.s32 $_tile_overlayer_lowered  }
0xa1: {  	s7 =	simm.s32 $0x1BFF;
	s21 =	sshll.u32 s6, $0x1;
	s4 =	sadd.s32 s20, s19  }
0xa2: {  	s22 =	simm.s32 $0x0;
	s5 =	sshll.u32 s5, $0x1;
	s6 =	sadd.s32 s21, s4  }
0xa3: {  	[timem:s22], [sflag:s7] =	dma.local [hbm:s6], s5  }
0xa4: {  	_ =	swait.ge [sflag:s7], s5  }
0xa5: {  	s5 =	ssub.s32 $0x0, s5;
	[sflag:s7] =	ssyncset.done $0x0  }
0xa6: {  	[sflag:s7] =	ssyncadd.s32 s5;
	_ =	sdelay $0x1  }
0xa7: {  	s23 =	simm.s32 $0x1B8B  }
0xa8: {  	_ =	swait.ge [sflag:s23], $0x1  }
0xa9: {  	[sflag:s23] =	ssyncset.done $0x0  }
0xaa: {  	[sflag:s23] =	ssyncadd.s32 $0xFFFFFFFF  }
0xab: {  	s5 =	sld [smem:$0x0]  }
0xac: {  	s6 =	sand.u32 $0xFFFFFFFE, s1  }
0xad: {  	p0 =	sne.s32 s1, s6  }
0xae: {  	s6 =	sshll.u32 @p0 s6, $0xE  }
0xaf: {  	s6 =	sadd.s32 @p0 $0x11B8D, s6;
	s7 =	sshll.u32 @p0 s5, $0x11  }
0xb0: {  	s6 =	sor.u32 @p0 s7, s6  }
0xb1: {  	[sflag:s6] =	ssyncadd.remote.s32 @p0 $0x1;
	_ =	sdelay $0x1  }
0xb2: {  	s6 =	simm.s32 @p0 $0x1B8D  }
0xb3: {  	_ =	swait.eq @p0 [sflag:s6], $0x1  }
0xb4: {  	[sflag:s6] =	ssyncadd.s32 @p0 $0xFFFFFFFF  }
0xb5: {  	s7 =	sshll.u32 @!p0 s1, $0xE  }
0xb6: {  	s7 =	sor.u32 @!p0 $0x4000, s7;
	s6 =	simm.s32 @!p0 $0x1B8D  }
0xb7: {  	s5 =	sshll.u32 @!p0 s5, $0x11;
	s7 =	sadd.s32 @!p0 $0x11B8D, s7;
	_ =	swait.eq @!p0 [sflag:s6], $0x1  }
0xb8: {  	s5 =	sor.u32 @!p0 s5, s7;
	[sflag:s6] =	ssyncadd.s32 @!p0 $0xFFFFFFFF  }
0xb9: {  	s25 =	simm.s32 $0x1B8E;
	s24 =	sld [smem:$0x3FFE];
	[sflag:s5] =	ssyncadd.remote.s32 @!p0 $0x1  }
0xba: {  	s26 =	simm.s32 $execute0_lowered;
	[smem:$0x3FD2] =	sst s25  }
0xbb: {  	s6 =	sshll.u32 s26, $0x1;
	_ =	strace $0x8000004C;
	[dreg:$0x1] =	wrdreg $0xFFFFFFFF  }
0xbc: {  	s28 =	simm.s32 $_size_execute0_lowered;
	s4 =	sadd.s32 s4, s6;
	[dreg:$0x0] =	wrdreg $0x0  }
0xbd: {  	s6 =	sshll.u32 s28, $0x1;
	[dreg:$0x2] =	wrdreg s4  }
0xbe: {  	[dreg:$0x3] =	wrdreg s6  }
0xbf: {  	[dreg:$0x4] =	wrdreg $0xC0  }
0xc0: {  	_ =	task [dreg:s22], $0x5FFFF  }
0xc1: {  	[dreg:$0x1] =	wrdreg $0xFFFFFFFF  }
0xc2: {  	[dreg:$0x0] =	wrdreg $0x60  }
0xc3: {  	[dreg:$0x2] =	wrdreg s17  }
0xc4: {  	[dreg:$0x3] =	wrdreg s24  }
0xc5: {  	[dreg:$0x4] =	wrdreg $0xA  }
0xc6: {  	_ =	task.clear_ibuf [dreg:s22], $0x5FFFF;
	_ =	strace $0x9000004C  }
0xc7: {  	s29 =	simm.s32 $0xA;
	_ =	strace $0x8000004E  }
0xc8: {  	_ =	swait.ge [sflag:s29], $0x1  }
0xc9: {  	[sflag:s29] =	ssyncadd.s32 $0xFFFFFFFF  }
0xca: {  	_ =	strace $0x9000004E  }
0xcb: {  	_ =	sfence  }
0xcc: {  	s30 =	sld [smem:$0x0];
	_ =	sdelay $0x2  }
0xcd: {  	s31 =	sshll.u32 s1, $0xD;
	s1 =	sshrl.u32 s1, $0x2  }
0xce: {  	s4 =	sand.u32 $0x4000, s31;
	s1 =	sadd.s32 s1, s30  }
0xcf: {  	s0 =	sor.u32 s4, s0;
	s1 =	sshll.u32 s1, $0x11  }
0xd0: {  	s0 =	sor.u32 s1, s0  }
0xd1: {  	s0 =	sadd.s32 $0x8F2B, s0  }
0xd2: {  	[sflag:s0] =	ssyncadd.remote.s32 $0x1  }
0xd3: {  	_ =	sfence.sel $0xFFFF  }
0xd4: {  	[dreg:$0x0] =	wrdreg $0xFFFFFFFF;
	(pc) =	sbr.abs _section_cstart, $3  }
0xd5: {  	[dreg:$0x1] =	wrdreg $0xFFFFFFFF  }
0xd6: {  	_ =	task.clear_ibuf [dreg:s22], $0x2FFFF;
	_ =	strace $0x9FFFFFFF  }
0xd7: {  	(tm) =	ssettm $0x7FFFFFFF  }
tec
execute0_lowered:
.L_overlay_start_1:
0x0: {  	(tag) =	ssettag $0x1  }
0x1: {  	s1 =	rddreg [dreg:$0x0]  }
0x2: {  	s0 =	rddreg [dreg:$0x1];
	s3 =	simm.s32 $0x0  }
0x3: {  	s30 =	simm.s32 $0xA00;
	[smem:$0x7FF] =	sst s3  }
0x4: {  	s31 =	simm.s32 $0x1200;
	_ =	strace $0x8000004D;
	[dreg:$0x3] =	wrdreg s30  }
0x5: {  	s8 =	simm.s32 $0x1A00;
	[dreg:$0x4] =	wrdreg s31  }
0x6: {  	s2 =	srdreg.scid;
	s11 =	simm.s32 $0x2200;
	[dreg:$0x5] =	wrdreg s8  }
0x7: {  	s7 =	stileid.u32;
	s12 =	simm.s32 $0x2A00;
	[dreg:$0x6] =	wrdreg s11  }
0x8: {  	s13 =	simm.s32 $0x3200;
	s14 =	simm.s32 $0x3A00;
	[dreg:$0x7] =	wrdreg s12  }
0x9: {  	s15 =	simm.s32 $0x4200;
	s17 =	simm.s32 $0x4A00;
	[dreg:$0x8] =	wrdreg s13  }
0xa: {  	s18 =	simm.s32 $0x5200;
	s19 =	simm.s32 $0x5A00;
	[dreg:$0x9] =	wrdreg s14  }
0xb: {  	s20 =	simm.s32 $0x6200;
	s21 =	simm.s32 $0x6A00;
	[dreg:$0xa] =	wrdreg s15  }
0xc: {  	s22 =	simm.s32 $0x7200;
	s23 =	simm.s32 $0x7A00;
	[dreg:$0xb] =	wrdreg s17  }
0xd: {  	s24 =	simm.s32 $0x8A00;
	s25 =	simm.s32 $0x9200;
	[dreg:$0xc] =	wrdreg s18  }
0xe: {  	s26 =	simm.s32 $0x9A00;
	s28 =	simm.s32 $0x2;
	[dreg:$0xd] =	wrdreg s19  }
0xf: {  	s29 =	simm.s32 $0x0;
	s2 =	sand.u32 $0x1, s2;
	[dreg:$0xe] =	wrdreg s20  }
0x10: {  	s4 =	sshll.u32 s7, $0xA;
	s6 =	sshll.u32 s7, $0x10;
	[dreg:$0xf] =	wrdreg s21  }
0x11: {  	s7 =	sshll.u32 s7, $0xE;
	s5 =	sshll.u32 s2, $0x9;
	[dreg:$0x10] =	wrdreg s22  }
0x12: {  	s9 =	sadd.s32 s6, s0;
	s10 =	ssub.s32 $0x2, s2;
	[dreg:$0x11] =	wrdreg s23  }
0x13: {  	s6 =	sadd.s32 $0x100, s1;
	s11 =	simm.s32 $0x200;
	[dreg:$0x12] =	wrdreg s24  }
0x14: {  	s12 =	simm.s32 $0x40;
	[dreg:$0x13] =	wrdreg s25;
	s13 =	simm.s32 $0x10200  }
0x15: {  	[dreg:$0x14] =	wrdreg s26;
	s30 =	simm.s32 $0xA200;
	s14 =	simm.s32 $0x8200  }
0x16: {  	s31 =	simm.s32 $0xAA00;
	s15 =	simm.s32 $0xB200;
	s17 =	simm.s32 $0xC200  }
0x17: {  	s18 =	simm.s32 $0xCA00;
	s19 =	simm.s32 $0xD200;
	s20 =	simm.s32 $0xDA00  }
0x18: {  	s21 =	simm.s32 $0xE200;
	s22 =	simm.s32 $0xEA00;
	s23 =	simm.s32 $0xF200  }
0x19: {  	s24 =	simm.s32 $0xFA00;
	s25 =	simm.s32 $0x12200;
	s26 =	simm.s32 $0x1  }
0x1a: {  	s5 =	sor.u32 s5, s4;
	s4 =	sadd.s32 $0x6000, s0;
	[dreg:$0x15] =	wrdreg s30  }
0x1b: {  	s8 =	sshrl.u32 s10, $0x1;
	[dreg:$0x16] =	wrdreg s31;
	s5 =	sshrl.u32 s5, $0x3  }
0x1c: {  	s5 =	sadd.s32 s5, s0;
	s0 =	sadd.s32 s7, s0;
	s7 =	ssub.s32 s10, s8  }
0x1d: {  	s10 =	sshll.u32 s2, $0xD;
	s2 =	sshll.u32 s2, $0xF;
	s5 =	sadd.s32 $0x28F000, s5  }
0x1e: {  	v2 =	vlaneseq.u32;
	s16 =	smax.u32 s7, $0x1;
	s0 =	sadd.s32 s10, s0;
	s2 =	sadd.s32 s2, s9  }
0x1f: {  	vm0 =	vmmov $0xffff;
	v1 =	vshrl.u32 v2, $0x3;
	s10 =	simm.s32 $0x3;
	[dreg:$0x17] =	wrdreg s5;
	s8 =	sadd.s32 $0x28F800, s0  }
0x20: {  	v0 =	vand.u32 $0x7, v2;
	v2 =	vor.u32 $0x8, v2;
	v1 =	vmul.u32 $0x8, v1;
	[dreg:$0x18] =	wrdreg s16;
	s9 =	sadd.s32 $0x2CF800, s2;
	s16 =	simm.s32 $0xBA00  }
.LBB2_1:
0x21: {  	s0 =	rddreg [dreg:$0x17]  }
0x22: {  	[tilespmem:s3], [sflag:$0x3] =	stream.linear.gather [hbm4b:s0+s3], $0x200, $0x38;
	[tilespmem:$0x14200] =	vst v63  }
0x23: {  	_ =	swait.ge [sflag:s10], $0x200  }
0x24: {  	s30 =	smov.u32 s9;
	[sflag:s10] =	ssyncset.done $0x0  }
0x25: {  	s31 =	smov.u32 s8;
	s0 =	simm.s32 $0x0;
	[sflag:s10] =	ssyncadd.s32 $0xFFFFFE00  }
.LBB2_2:
0x26: {  	s2 =	sshra.s32 s0, $0x2  }
0x27: {  	v3 =	vld [tilespmem:s2+$0x0];
	_ =	sdelay $0x4  }
0x28: {  	v4 =	vshll.u32 v3, $0x2  }
0x29: {  	v3 =	vand.u32 $0x7, v3;
	v4 =	vand.u32 $0xFFFFFFE0, v4  }
0x2a: {  	v3 =	vor.u32 v3, v4  }
0x2b: {  	v4 =	vperm.xlane v3, v0;
	_ =	sdelay $0x1  }
0x2c: {  	v4 =	vadd.s32 v1, v4;
	_ =	sdelay $0x1  }
0x2d: {  	v3 =	vperm.xlane v3, v2;
	_ =	sdelay $0x1  }
0x2e: {  	v3 =	vadd.s32 v1, v3  }
0x2f: {  	[tilespmem:s11], [sflag:$0x1] =	stream.indirect_vreg.gather [hbm4b:s1+s3], $0x80, v4, vm0, $0xb8;
	[tilespmem:$0x14200] =	vst v63  }
0x30: {  	s5 =	rddreg [dreg:$0x3]  }
0x31: {  	[tilespmem:s5], [sflag:$0x1] =	stream.indirect_vreg.gather [hbm4b:s6+s3], $0x80, v4, vm0, $0xb8;
	[tilespmem:$0x14200] =	vst v63  }
0x32: {  	s7 =	rddreg [dreg:$0x4]  }
0x33: {  	[tilespmem:s7], [sflag:$0x1] =	stream.indirect_vreg.gather [hbm4b:s1+s3], $0x80, v3, vm0, $0xb8;
	[tilespmem:$0x14200] =	vst v63  }
0x34: {  	s5 =	rddreg [dreg:$0x5]  }
0x35: {  	[tilespmem:s5], [sflag:$0x1] =	stream.indirect_vreg.gather [hbm4b:s6+s3], $0x80, v3, vm0, $0xb8;
	[tilespmem:$0x14200] =	vst v63  }
0x36: {  	v3 =	vld [tilespmem:s2+$0x10];
	_ =	sdelay $0x4  }
0x37: {  	v57 =	vshll.u32 v3, $0x2  }
0x38: {  	v3 =	vand.u32 $0x7, v3;
	v4 =	vand.u32 $0xFFFFFFE0, v57  }
0x39: {  	v3 =	vor.u32 v3, v4  }
0x3a: {  	v4 =	vperm.xlane v3, v0;
	_ =	sdelay $0x1  }
0x3b: {  	v4 =	vadd.s32 v1, v4;
	_ =	sdelay $0x1  }
0x3c: {  	v3 =	vperm.xlane v3, v2;
	_ =	sdelay $0x1  }
0x3d: {  	s5 =	rddreg [dreg:$0x6];
	v3 =	vadd.s32 v1, v3  }
0x3e: {  	[tilespmem:s5], [sflag:$0x1] =	stream.indirect_vreg.gather [hbm4b:s1+s3], $0x80, v4, vm0, $0xb8;
	[tilespmem:$0x14200] =	vst v63  }
0x3f: {  	s7 =	rddreg [dreg:$0x7]  }
0x40: {  	[tilespmem:s7], [sflag:$0x1] =	stream.indirect_vreg.gather [hbm4b:s6+s3], $0x80, v4, vm0, $0xb8;
	[tilespmem:$0x14200] =	vst v63  }
0x41: {  	s5 =	rddreg [dreg:$0x8]  }
0x42: {  	[tilespmem:s5], [sflag:$0x1] =	stream.indirect_vreg.gather [hbm4b:s1+s3], $0x80, v3, vm0, $0xb8;
	[tilespmem:$0x14200] =	vst v63  }
0x43: {  	s7 =	rddreg [dreg:$0x9]  }
0x44: {  	[tilespmem:s7], [sflag:$0x1] =	stream.indirect_vreg.gather [hbm4b:s6+s3], $0x80, v3, vm0, $0xb8;
	[tilespmem:$0x14200] =	vst v63  }
0x45: {  	v3 =	vld [tilespmem:s2+$0x20];
	_ =	sdelay $0x4  }
0x46: {  	v58 =	vshll.u32 v3, $0x2  }
0x47: {  	v3 =	vand.u32 $0x7, v3;
	v4 =	vand.u32 $0xFFFFFFE0, v58  }
0x48: {  	v3 =	vor.u32 v3, v4  }
0x49: {  	v4 =	vperm.xlane v3, v0;
	_ =	sdelay $0x1  }
0x4a: {  	v4 =	vadd.s32 v1, v4;
	_ =	sdelay $0x1  }
0x4b: {  	v3 =	vperm.xlane v3, v2;
	_ =	sdelay $0x1  }
0x4c: {  	s5 =	rddreg [dreg:$0xa];
	v3 =	vadd.s32 v1, v3  }
0x4d: {  	[tilespmem:s5], [sflag:$0x1] =	stream.indirect_vreg.gather [hbm4b:s1+s3], $0x80, v4, vm0, $0xb8;
	[tilespmem:$0x14200] =	vst v63  }
0x4e: {  	s7 =	rddreg [dreg:$0xb]  }
0x4f: {  	[tilespmem:s7], [sflag:$0x1] =	stream.indirect_vreg.gather [hbm4b:s6+s3], $0x80, v4, vm0, $0xb8;
	[tilespmem:$0x14200] =	vst v63  }
0x50: {  	s5 =	rddreg [dreg:$0xc]  }
0x51: {  	[tilespmem:s5], [sflag:$0x1] =	stream.indirect_vreg.gather [hbm4b:s1+s3], $0x80, v3, vm0, $0xb8;
	[tilespmem:$0x14200] =	vst v63  }
0x52: {  	s7 =	rddreg [dreg:$0xd]  }
0x53: {  	[tilespmem:s7], [sflag:$0x1] =	stream.indirect_vreg.gather [hbm4b:s6+s3], $0x80, v3, vm0, $0xb8;
	[tilespmem:$0x14200] =	vst v63  }
0x54: {  	v3 =	vld [tilespmem:s2+$0x30];
	_ =	sdelay $0x4  }
0x55: {  	v59 =	vshll.u32 v3, $0x2  }
0x56: {  	v3 =	vand.u32 $0x7, v3;
	v4 =	vand.u32 $0xFFFFFFE0, v59  }
0x57: {  	v3 =	vor.u32 v3, v4  }
0x58: {  	v4 =	vperm.xlane v3, v0;
	_ =	sdelay $0x1  }
0x59: {  	v4 =	vadd.s32 v1, v4;
	_ =	sdelay $0x1  }
0x5a: {  	v3 =	vperm.xlane v3, v2;
	_ =	sdelay $0x1  }
0x5b: {  	s5 =	rddreg [dreg:$0xe];
	v3 =	vadd.s32 v1, v3  }
0x5c: {  	[tilespmem:s5], [sflag:$0x1] =	stream.indirect_vreg.gather [hbm4b:s1+s3], $0x80, v4, vm0, $0xb8;
	[tilespmem:$0x14200] =	vst v63  }
0x5d: {  	s7 =	rddreg [dreg:$0xf]  }
0x5e: {  	[tilespmem:s7], [sflag:$0x1] =	stream.indirect_vreg.gather [hbm4b:s6+s3], $0x80, v4, vm0, $0xb8;
	[tilespmem:$0x14200] =	vst v63  }
0x5f: {  	s5 =	rddreg [dreg:$0x10]  }
0x60: {  	[tilespmem:s5], [sflag:$0x1] =	stream.indirect_vreg.gather [hbm4b:s1+s3], $0x80, v3, vm0, $0xb8;
	[tilespmem:$0x14200] =	vst v63  }
0x61: {  	s7 =	rddreg [dreg:$0x11]  }
0x62: {  	[tilespmem:s7], [sflag:$0x1] =	stream.indirect_vreg.gather [hbm4b:s6+s3], $0x80, v3, vm0, $0xb8;
	[tilespmem:$0x14200] =	vst v63  }
0x63: {  	_ = 	snop  }
0x64: {  	[tilespmem:s13], [sflag:$0x1] =	stream.indirect.gather [hbm4b:s4+s12], $0x80, s2, s12, $0xb8;
	[tilespmem:$0x14200] =	vst v63  }
0x65: {  	v3 =	vld [tilespmem:s2+$0x40];
	_ =	sdelay $0x4  }
0x66: {  	v60 =	vshll.u32 v3, $0x2  }
0x67: {  	v3 =	vand.u32 $0x7, v3;
	v4 =	vand.u32 $0xFFFFFFE0, v60  }
0x68: {  	v3 =	vor.u32 v3, v4  }
0x69: {  	v4 =	vperm.xlane v3, v0;
	_ =	sdelay $0x1  }
0x6a: {  	v4 =	vadd.s32 v1, v4;
	_ =	sdelay $0x1  }
0x6b: {  	v3 =	vperm.xlane v3, v2;
	_ =	sdelay $0x1  }
0x6c: {  	v3 =	vadd.s32 v1, v3  }
0x6d: {  	[tilespmem:s14], [sflag:$0x2] =	stream.indirect_vreg.gather [hbm4b:s1+s3], $0x80, v4, vm0, $0xb8;
	[tilespmem:$0x14200] =	vst v63  }
0x6e: {  	s5 =	rddreg [dreg:$0x12]  }
0x6f: {  	[tilespmem:s5], [sflag:$0x2] =	stream.indirect_vreg.gather [hbm4b:s6+s3], $0x80, v4, vm0, $0xb8;
	[tilespmem:$0x14200] =	vst v63  }
0x70: {  	s7 =	rddreg [dreg:$0x13]  }
0x71: {  	[tilespmem:s7], [sflag:$0x2] =	stream.indirect_vreg.gather [hbm4b:s1+s3], $0x80, v3, vm0, $0xb8;
	[tilespmem:$0x14200] =	vst v63  }
0x72: {  	s5 =	rddreg [dreg:$0x14]  }
0x73: {  	[tilespmem:s5], [sflag:$0x2] =	stream.indirect_vreg.gather [hbm4b:s6+s3], $0x80, v3, vm0, $0xb8;
	[tilespmem:$0x14200] =	vst v63  }
0x74: {  	v3 =	vld [tilespmem:s2+$0x50];
	_ =	sdelay $0x4  }
0x75: {  	v61 =	vshll.u32 v3, $0x2  }
0x76: {  	v3 =	vand.u32 $0x7, v3;
	v4 =	vand.u32 $0xFFFFFFE0, v61  }
0x77: {  	v3 =	vor.u32 v3, v4  }
0x78: {  	v4 =	vperm.xlane v3, v0;
	_ =	sdelay $0x1  }
0x79: {  	v4 =	vadd.s32 v1, v4;
	_ =	sdelay $0x1  }
0x7a: {  	v3 =	vperm.xlane v3, v2;
	_ =	sdelay $0x1  }
0x7b: {  	s5 =	rddreg [dreg:$0x15];
	v3 =	vadd.s32 v1, v3  }
0x7c: {  	[tilespmem:s5], [sflag:$0x2] =	stream.indirect_vreg.gather [hbm4b:s1+s3], $0x80, v4, vm0, $0xb8;
	[tilespmem:$0x14200] =	vst v63  }
0x7d: {  	s7 =	rddreg [dreg:$0x16]  }
0x7e: {  	[tilespmem:s7], [sflag:$0x2] =	stream.indirect_vreg.gather [hbm4b:s6+s3], $0x80, v4, vm0, $0xb8;
	[tilespmem:$0x14200] =	vst v63  }
0x7f: {  	_ = 	snop  }
0x80: {  	[tilespmem:s15], [sflag:$0x2] =	stream.indirect_vreg.gather [hbm4b:s1+s3], $0x80, v3, vm0, $0xb8;
	[tilespmem:$0x14200] =	vst v63  }
0x81: {  	_ = 	snop  }
0x82: {  	[tilespmem:s16], [sflag:$0x2] =	stream.indirect_vreg.gather [hbm4b:s6+s3], $0x80, v3, vm0, $0xb8;
	[tilespmem:$0x14200] =	vst v63  }
0x83: {  	v3 =	vld [tilespmem:s2+$0x60];
	_ =	sdelay $0x4  }
0x84: {  	v62 =	vshll.u32 v3, $0x2  }
0x85: {  	v3 =	vand.u32 $0x7, v3;
	v4 =	vand.u32 $0xFFFFFFE0, v62  }
0x86: {  	v3 =	vor.u32 v3, v4  }
0x87: {  	v4 =	vperm.xlane v3, v0;
	_ =	sdelay $0x1  }
0x88: {  	v4 =	vadd.s32 v1, v4;
	_ =	sdelay $0x1  }
0x89: {  	v3 =	vperm.xlane v3, v2;
	_ =	sdelay $0x1  }
0x8a: {  	v3 =	vadd.s32 v1, v3  }
0x8b: {  	[tilespmem:s17], [sflag:$0x2] =	stream.indirect_vreg.gather [hbm4b:s1+s3], $0x80, v4, vm0, $0xb8;
	[tilespmem:$0x14200] =	vst v63  }
0x8c: {  	_ = 	snop  }
0x8d: {  	[tilespmem:s18], [sflag:$0x2] =	stream.indirect_vreg.gather [hbm4b:s6+s3], $0x80, v4, vm0, $0xb8;
	[tilespmem:$0x14200] =	vst v63  }
0x8e: {  	_ = 	snop  }
0x8f: {  	[tilespmem:s19], [sflag:$0x2] =	stream.indirect_vreg.gather [hbm4b:s1+s3], $0x80, v3, vm0, $0xb8;
	[tilespmem:$0x14200] =	vst v63  }
0x90: {  	_ = 	snop  }
0x91: {  	[tilespmem:s20], [sflag:$0x2] =	stream.indirect_vreg.gather [hbm4b:s6+s3], $0x80, v3, vm0, $0xb8;
	[tilespmem:$0x14200] =	vst v63  }
0x92: {  	v3 =	vld [tilespmem:s2+$0x70];
	_ =	sdelay $0x4  }
0x93: {  	v63 =	vshll.u32 v3, $0x2  }
0x94: {  	v3 =	vand.u32 $0x7, v3;
	v4 =	vand.u32 $0xFFFFFFE0, v63  }
0x95: {  	v3 =	vor.u32 v3, v4  }
0x96: {  	v4 =	vperm.xlane v3, v0;
	_ =	sdelay $0x1  }
0x97: {  	v4 =	vadd.s32 v1, v4;
	_ =	sdelay $0x1  }
0x98: {  	v3 =	vperm.xlane v3, v2;
	_ =	sdelay $0x1  }
0x99: {  	v3 =	vadd.s32 v1, v3  }
0x9a: {  	[tilespmem:s21], [sflag:$0x2] =	stream.indirect_vreg.gather [hbm4b:s1+s3], $0x80, v4, vm0, $0xb8;
	[tilespmem:$0x14200] =	vst v63  }
0x9b: {  	_ = 	snop  }
0x9c: {  	[tilespmem:s22], [sflag:$0x2] =	stream.indirect_vreg.gather [hbm4b:s6+s3], $0x80, v4, vm0, $0xb8;
	[tilespmem:$0x14200] =	vst v63  }
0x9d: {  	_ = 	snop  }
0x9e: {  	[tilespmem:s23], [sflag:$0x2] =	stream.indirect_vreg.gather [hbm4b:s1+s3], $0x80, v3, vm0, $0xb8;
	[tilespmem:$0x14200] =	vst v63  }
0x9f: {  	_ = 	snop  }
0xa0: {  	[tilespmem:s24], [sflag:$0x2] =	stream.indirect_vreg.gather [hbm4b:s6+s3], $0x80, v3, vm0, $0xb8;
	[tilespmem:$0x14200] =	vst v63  }
0xa1: {  	s2 =	sadd.s32 $0x40, s2  }
0xa2: {  	[tilespmem:s25], [sflag:$0x2] =	stream.indirect.gather [hbm4b:s4+s12], $0x80, s2, s12, $0xb8;
	[tilespmem:$0x14200] =	vst v63  }
0xa3: {  	_ =	swait.ge [sflag:s26], $0x8000  }
0xa4: {  	[sflag:s26] =	ssyncset.done $0x0  }
0xa5: {  	[sflag:s26] =	ssyncadd.s32 $0xFFFF8000  }
0xa6: {  	_ =	swait.ge [sflag:s26], $0x2000  }
0xa7: {  	[sflag:s26] =	ssyncset.done $0x0  }
0xa8: {  	[sflag:s26] =	ssyncadd.s32 $0xFFFFE000  }
0xa9: {  	[hbm4b:s30+s3] =	stream.linear.scatter [tilespmem:s11], [sflag:$0x3], $0x8000, $0x38;
	[tilespmem:$0x14200] =	vst v63  }
0xaa: {  	_ =	swait.ge [sflag:s10], $0x8000  }
0xab: {  	[sflag:s10] =	ssyncset.done $0x0  }
0xac: {  	[sflag:s10] =	ssyncadd.s32 $0xFFFF8000  }
0xad: {  	[hbm4b:s31+s3] =	stream.linear.scatter [tilespmem:s13], [sflag:$0x3], $0x2000, $0x38;
	[tilespmem:$0x14200] =	vst v63  }
0xae: {  	_ =	swait.ge [sflag:s10], $0x2000  }
0xaf: {  	[sflag:s10] =	ssyncset.done $0x0  }
0xb0: {  	[sflag:s10] =	ssyncadd.s32 $0xFFFFE000  }
0xb1: {  	_ =	swait.ge [sflag:s28], $0x8000  }
0xb2: {  	[sflag:s28] =	ssyncset.done $0x0  }
0xb3: {  	[sflag:s28] =	ssyncadd.s32 $0xFFFF8000  }
0xb4: {  	_ =	swait.ge [sflag:s28], $0x2000  }
0xb5: {  	[sflag:s28] =	ssyncset.done $0x0  }
0xb6: {  	s5 =	sadd.s32 $0x1000, s30;
	[sflag:s28] =	ssyncadd.s32 $0xFFFFE000  }
0xb7: {  	[hbm4b:s5+s3] =	stream.linear.scatter [tilespmem:s14], [sflag:$0x3], $0x8000, $0x38;
	[tilespmem:$0x14200] =	vst v63  }
0xb8: {  	_ =	swait.ge [sflag:s10], $0x8000  }
0xb9: {  	p0 =	sne.s32 s0, $0x600;
	[sflag:s10] =	ssyncset.done $0x0  }
.Ltmp0:
0xba: {  	s7 =	sadd.s32 $0x400, s31;
	[sflag:s10] =	ssyncadd.s32 $0xFFFF8000;
	(pc) =	sbr.rel @p0 .LBB2_2-.Ltmp0, $4  }
0xbb: {  	[hbm4b:s7+s3] =	stream.linear.scatter [tilespmem:s25], [sflag:$0x3], $0x2000, $0x38;
	[tilespmem:$0x14200] =	vst v63  }
0xbc: {  	_ =	swait.ge [sflag:s10], $0x2000  }
0xbd: {  	s0 =	sadd.s32 $0x200, s0;
	[sflag:s10] =	ssyncset.done $0x0  }
0xbe: {  	s30 =	sadd.s32 $0x2000, s30;
	s31 =	sadd.s32 $0x800, s31;
	[sflag:s10] =	ssyncadd.s32 $0xFFFFE000  }
0xbf: {  	s29 =	sadd.s32 $0x1, s29;
	s0 =	rddreg [dreg:$0x18]  }
0xc0: {  	p0 =	sne.s32 s29, s0  }
.Ltmp1:
0xc1: {  	_ = 	snop;
	(pc) =	sbr.rel @p0 .LBB2_1-.Ltmp1, $1  }
0xc2: {  	_ =	sdelay $0x3  }
0xc3: {  	_ =	sfence.sel $0x180000  }
0xc4: {  	[bflag:$0x0] =	sbarrier.arrive $0xFFFF  }
0xc5: {  	_ =	strace $0x9000004D  }
0xc6: {  	s0 =	stileid.u32;
	[bflag:$0x2] =	sbarrier.arrive $0xFFFF  }
0xc7: {  	p0 =	sne.s32 s0, $0x0;
	s0 =	rddreg [dreg:$0x2]  }
0xc8: {  	s0 =	sadd.s32 @!p0 $0x100000, s0  }
0xc9: {  	[sflag:s0] =	ssyncadd.tile.s32 @!p0 $0x1;
	_ =	shalt  }
.Lfunc_end2:
_tile_overlayer_lowered:
.L_overlay_start_2:
0xca: {  	(tag) =	ssettag $0x2  }
0xcb: {  	s0 =	rddreg [dreg:$0x0];
	s2 =	stileid.u32  }
0xcc: {  	s1 =	rddreg [dreg:$0x1];
	p0 =	sne.s32 s2, $0x0  }
0xcd: {  	s3 =	rddreg [dreg:$0x2];
	[bflag:$0x3] =	sbarrier.arrive $0xFFFF;
	s2 =	simm.s32 @!p0 $0x1C03  }
0xce: {  	[timem:s3], [sflag:s2] =	dma.local @!p0 [hbm:s0], s1  }
0xcf: {  	s0 =	simm.s32 @!p0 $0x3  }
0xd0: {  	_ =	swait.ge @!p0 [sflag:s0], s1  }
0xd1: {  	s1 =	ssub.s32 @!p0 $0x0, s1;
	[sflag:s0] =	ssyncset.done @!p0 $0x0  }
0xd2: {  	[sflag:s0] =	ssyncadd.s32 @!p0 s1  }
0xd3: {  	[bflag:$0x3] =	sbarrier.arrive $0xFFFF  }
0xd4: {  	_ =	shalt  }

// kernel: kernel.21.cloned.1.call-start
scs
__scs_entry_jumppad:
0x0: {  	(pc) =	sbr.rel $0x88, $3  }
0x1: {  	(tag) =	ssettag $0x0;
	lr =	simm.s32 $0x1  }
0x2: {  	[smem:$0x3F8C] =	sst lr;
	_ =	strace $0xD0000000  }
0x3: {  	_ = 	snop  }
0x4: {  	_ = 	snop  }
0x5: {  	_ = 	snop  }
0x6: {  	_ = 	snop  }
0x7: {  	_ = 	snop  }
__scs_overlays_trampoline_lowered:
0x8: {  	[smem:$0x3F9B] =	sst s0  }
0x9: {  	[smem:$0x3F9C] =	sst s1  }
0xa: {  	[smem:$0x3F9D] =	sst s2  }
0xb: {  	[smem:$0x3F9E] =	sst s3  }
0xc: {  	[smem:$0x3F9F] =	sst s4  }
0xd: {  	[smem:$0x3FA0] =	sst s5  }
0xe: {  	[smem:$0x3FA1] =	sst s6  }
0xf: {  	[smem:$0x3FA2] =	sst s7  }
0x10: {  	[smem:$0x3FA3] =	sst s8  }
0x11: {  	[smem:$0x3FA4] =	sst s9;
	s0 =	simm.s32 @!p0 $0x0  }
0x12: {  	s1 =	sld [smem:$0x3F8A];
	s0 =	simm.s32 @p0 $0x1  }
0x13: {  	[smem:$0x3FA5] =	sst s0;
	s0 =	simm.s32 @!p1 $0x0  }
0x14: {  	s2 =	sld [smem:$0x3F89];
	s0 =	simm.s32 @p1 $0x1  }
0x15: {  	[smem:$0x3FA6] =	sst s0;
	s0 =	simm.s32 @!p2 $0x0  }
0x16: {  	s3 =	sld [smem:$0x3FDB];
	s0 =	simm.s32 @p2 $0x1  }
0x17: {  	s4 =	simm.s32 $0x1BF5;
	[smem:$0x3FA8] =	sst s0  }
0x18: {  	s0 =	sld [smem:$0x3F8B];
	_ =	swait.ge [sflag:s4], $0x0  }
0x19: {  	s7 =	sld [smem:$0x3F8C]  }
0x1a: {  	s8 =	sadd.s32 $0xFFFFE003, lr  }
0x1b: {  	s9 =	sadd.s32 $0xFFFFFEF7, lr;
	s5 =	simm.s32 $0xFFFFFFFF;
	p2 =	slt.u32 s8, $0xFFFFF086  }
0x1c: {  	p1 =	slt.u32 s9, $0xF7A;
	s5 =	simm.s32 @!p2 $0x0  }
0x1d: {  	s5 =	simm.s32 @p1 $0x1;
	p0 =	seq.s32 s7, s2  }
0x1e: {  	s7 =	smul.u32 @!p0 $0xF7A, s2;
	p2 =	seq.s32 @!p0 s5, $0x0  }
0x1f: {  	s9 =	smul.u32 $0xF7A, s1;
	s8 =	simm.s32 @!p0 $0x1BF5;
	p2 =	por !p2, p0  }
0x20: {  	[sflag:s8] =	ssyncset.s32 @!p0 $0xFFFFF086;
	s6 =	sadd.s32 @!p0 s3, s7;
	s7 =	simm.s32 @!p0 $0x108  }
0x21: {  	s3 =	sadd.s32 s3, s9;
	s6 =	sadd.s32 @!p0 $0x88, s6;
	s7 =	simm.s32 @p2 $0x1082  }
0x22: {  	[simem:s7], [sflag:s8] =	dma.local @!p0 [hbm:s6], $0xF7A  }
0x23: {  	s9 =	sor.u32 $0xD0000000, s2;
	s6 =	simm.s32 $0x108;
	_ =	swait.ge @!p0 [sflag:s8], $0x0  }
0x24: {  	s3 =	sadd.s32 $0x88, s3;
	s6 =	simm.s32 @!p1 $0x1082;
	[sflag:s4] =	ssyncset.s32 $0xFFFFF086  }
0x25: {  	[simem:s6], [sflag:s4] =	dma.local [hbm:s3], $0xF7A  }
0x26: {  	[smem:$0x3F8C] =	sst s1;
	(tag) =	ssettag s2;
	_ =	strace s9  }
0x27: {  	s1 =	sld [smem:$0x3F9C]  }
0x28: {  	s2 =	sld [smem:$0x3F9D]  }
0x29: {  	s4 =	sld [smem:$0x3F9F]  }
0x2a: {  	p0 =	seq.s32 s5, $0x0;
	s5 =	sld [smem:$0x3FA0]  }
0x2b: {  	s6 =	sld [smem:$0x3FA1]  }
0x2c: {  	s7 =	sld [smem:$0x3FA2]  }
0x2d: {  	s3 =	simm.s32 $0x108;
	s8 =	sld [smem:$0x3FA3]  }
0x2e: {  	s3 =	simm.s32 @!p0 $0x1082;
	s9 =	sld [smem:$0x3FA4]  }
0x2f: {  	lr =	sadd.s32 s0, s3;
	s0 =	sld [smem:$0x3F9B]  }
0x30: {  	s3 =	sld [smem:$0x3F9E]  }
0x31: {  	[smem:$0x3FA7] =	sst s10  }
0x32: {  	s10 =	sld [smem:$0x3FA5];
	_ =	sdelay $0x3  }
0x33: {  	p0 =	seq.s32 s10, $0x1;
	s10 =	sld [smem:$0x3FA7];
	_ =	sdelay $0x3  }
0x34: {  	[smem:$0x3FA7] =	sst s10  }
0x35: {  	s10 =	sld [smem:$0x3FA6];
	_ =	sdelay $0x3  }
0x36: {  	p1 =	seq.s32 s10, $0x1;
	s10 =	sld [smem:$0x3FA7];
	_ =	sdelay $0x3  }
0x37: {  	[smem:$0x3FA7] =	sst s10  }
0x38: {  	s10 =	sld [smem:$0x3FA8]  }
0x39: {  	_ = 	snop;
	(pc) =	sbr.ind lr, $3  }
0x3a: {  	_ = 	snop  }
0x3b: {  	_ = 	snop  }
0x3c: {  	p2 =	seq.s32 s10, $0x1;
	s10 =	sld [smem:$0x3FA7]  }
0x3d: {  	_ =	shalt  }
0x3e: {  	_ =	shalt  }
0x3f: {  	_ =	shalt  }
0x40: {  	_ =	shalt  }
0x41: {  	_ =	shalt  }
0x42: {  	_ =	shalt  }
0x43: {  	_ =	shalt  }
0x44: {  	_ =	shalt  }
0x45: {  	_ =	shalt  }
0x46: {  	_ =	shalt  }
0x47: {  	_ =	shalt  }
0x48: {  	_ =	shalt  }
0x49: {  	_ =	shalt  }
0x4a: {  	_ =	shalt  }
0x4b: {  	_ =	shalt  }
0x4c: {  	_ =	shalt  }
0x4d: {  	_ =	shalt  }
0x4e: {  	_ =	shalt  }
0x4f: {  	_ =	shalt  }
0x50: {  	_ =	shalt  }
0x51: {  	_ =	shalt  }
0x52: {  	_ =	shalt  }
0x53: {  	_ =	shalt  }
0x54: {  	_ =	shalt  }
0x55: {  	_ =	shalt  }
0x56: {  	_ =	shalt  }
0x57: {  	_ =	shalt  }
0x58: {  	_ =	shalt  }
0x59: {  	_ =	shalt  }
0x5a: {  	_ =	shalt  }
0x5b: {  	_ =	shalt  }
0x5c: {  	_ =	shalt  }
0x5d: {  	_ =	shalt  }
0x5e: {  	_ =	shalt  }
0x5f: {  	_ =	shalt  }
0x60: {  	_ =	shalt  }
0x61: {  	_ =	shalt  }
0x62: {  	_ =	shalt  }
0x63: {  	_ =	shalt  }
0x64: {  	_ =	shalt  }
0x65: {  	_ =	shalt  }
0x66: {  	_ =	shalt  }
0x67: {  	_ =	shalt  }
0x68: {  	_ =	shalt  }
0x69: {  	_ =	shalt  }
0x6a: {  	_ =	shalt  }
0x6b: {  	_ =	shalt  }
0x6c: {  	_ =	shalt  }
0x6d: {  	_ =	shalt  }
0x6e: {  	_ =	shalt  }
0x6f: {  	_ =	shalt  }
0x70: {  	_ =	shalt  }
0x71: {  	_ =	shalt  }
0x72: {  	_ =	shalt  }
0x73: {  	_ =	shalt  }
0x74: {  	_ =	shalt  }
0x75: {  	_ =	shalt  }
0x76: {  	_ =	shalt  }
0x77: {  	_ =	shalt  }
0x78: {  	_ =	shalt  }
0x79: {  	_ =	shalt  }
0x7a: {  	_ =	shalt  }
0x7b: {  	_ =	shalt  }
0x7c: {  	_ =	shalt  }
0x7d: {  	_ =	shalt  }
0x7e: {  	_ =	shalt  }
0x7f: {  	_ =	shalt  }
0x80: {  	_ =	shalt  }
0x81: {  	_ =	shalt  }
0x82: {  	_ =	shalt  }
0x83: {  	_ =	shalt  }
0x84: {  	_ =	shalt  }
0x85: {  	_ =	shalt  }
0x86: {  	_ =	shalt  }
0x87: {  	_ =	shalt  }
.Lfunc_end0:
.L_simem_size_0:
called_computation.2_lowered:
.L_overlay_start_0:
0x88: {  	s2 =	sld [smem:$0x3FD9]  }
0x89: {  	s3 =	sld [smem:$0x3FFE];
	_ =	sdelay $0x1  }
0x8a: {  	s1 =	srdreg.scid  }
0x8b: {  	s0 =	sand.u32 $0x1, s1  }
0x8c: {  	s15 =	sshll.u32 s0, $0xA;
	s2 =	sadd.s32 s3, s2  }
0x8d: {  	s2 =	sadd.s32 s2, s15  }
0x8e: {  	[smem:$0x3FB3] =	sst s2  }
0x8f: {  	_ = 	snop  }
0x90: {  	s2 =	sld [smem:$0x3FD0];
	_ =	sdelay $0x2  }
0x91: {  	s16 =	simm.s32 $0xD;
	s4 =	simm.s32 $0x10  }
0x92: {  	[smem:s4], [sflag:s16] =	dma.local [hbm:s2], $0x1  }
0x93: {  	_ =	swait.eq [sflag:s16], $0x1  }
0x94: {  	[sflag:s16] =	ssyncset.done $0x0  }
0x95: {  	[sflag:s16] =	ssyncadd.s32 $0xFFFFFFFF  }
0x96: {  	s17 =	sld [smem:$0x10];
	(tm) =	ssettm $0x1  }
0x97: {  	s18 =	sld [smem:$0x3FFB];
	_ =	sdelay $0x3  }
0x98: {  	_ =	strace s18  }
0x99: {  	s2 =	sld [smem:$0x3FFC];
	_ =	sdelay $0x3  }
0x9a: {  	_ =	strace s2  }
0x9b: {  	s2 =	sld [smem:$0x3FFD];
	_ =	sdelay $0x3  }
0x9c: {  	_ =	strace s2  }
0x9d: {  	_ =	strace $0x8FFFFFFF  }
0x9e: {  	s19 =	sld [smem:$0x3FDB];
	_ =	sdelay $0x1  }
0x9f: {  	s20 =	simm.s32 $_scs_section_size  }
0xa0: {  	s5 =	simm.s32 $_size__tile_overlayer_lowered;
	s6 =	simm.s32 $_tile_overlayer_lowered  }
0xa1: {  	s7 =	simm.s32 $0x1BFF;
	s21 =	sshll.u32 s6, $0x1;
	s4 =	sadd.s32 s20, s19  }
0xa2: {  	s22 =	simm.s32 $0x0;
	s5 =	sshll.u32 s5, $0x1;
	s6 =	sadd.s32 s21, s4  }
0xa3: {  	[timem:s22], [sflag:s7] =	dma.local [hbm:s6], s5  }
0xa4: {  	_ =	swait.ge [sflag:s7], s5  }
0xa5: {  	s5 =	ssub.s32 $0x0, s5;
	[sflag:s7] =	ssyncset.done $0x0  }
0xa6: {  	[sflag:s7] =	ssyncadd.s32 s5;
	_ =	sdelay $0x1  }
0xa7: {  	s23 =	simm.s32 $0x1B8B  }
0xa8: {  	_ =	swait.ge [sflag:s23], $0x1  }
0xa9: {  	[sflag:s23] =	ssyncset.done $0x0  }
0xaa: {  	[sflag:s23] =	ssyncadd.s32 $0xFFFFFFFF  }
0xab: {  	s5 =	sld [smem:$0x0]  }
0xac: {  	s6 =	sand.u32 $0xFFFFFFFE, s1  }
0xad: {  	p0 =	sne.s32 s1, s6  }
0xae: {  	s6 =	sshll.u32 @p0 s6, $0xE  }
0xaf: {  	s6 =	sadd.s32 @p0 $0x11B8D, s6;
	s7 =	sshll.u32 @p0 s5, $0x11  }
0xb0: {  	s6 =	sor.u32 @p0 s7, s6  }
0xb1: {  	[sflag:s6] =	ssyncadd.remote.s32 @p0 $0x1;
	_ =	sdelay $0x1  }
0xb2: {  	s6 =	simm.s32 @p0 $0x1B8D  }
0xb3: {  	_ =	swait.eq @p0 [sflag:s6], $0x1  }
0xb4: {  	[sflag:s6] =	ssyncadd.s32 @p0 $0xFFFFFFFF  }
0xb5: {  	s7 =	sshll.u32 @!p0 s1, $0xE  }
0xb6: {  	s7 =	sor.u32 @!p0 $0x4000, s7;
	s6 =	simm.s32 @!p0 $0x1B8D  }
0xb7: {  	s5 =	sshll.u32 @!p0 s5, $0x11;
	s7 =	sadd.s32 @!p0 $0x11B8D, s7;
	_ =	swait.eq @!p0 [sflag:s6], $0x1  }
0xb8: {  	s5 =	sor.u32 @!p0 s5, s7;
	[sflag:s6] =	ssyncadd.s32 @!p0 $0xFFFFFFFF  }
0xb9: {  	s25 =	simm.s32 $0x1B8E;
	s24 =	sld [smem:$0x3FFE];
	[sflag:s5] =	ssyncadd.remote.s32 @!p0 $0x1  }
0xba: {  	s26 =	simm.s32 $execute0_lowered;
	[smem:$0x3FD2] =	sst s25  }
0xbb: {  	s6 =	sshll.u32 s26, $0x1;
	_ =	strace $0x80000049;
	[dreg:$0x1] =	wrdreg $0xFFFFFFFF  }
0xbc: {  	s28 =	simm.s32 $_size_execute0_lowered;
	s4 =	sadd.s32 s4, s6;
	[dreg:$0x0] =	wrdreg $0x0  }
0xbd: {  	s6 =	sshll.u32 s28, $0x1;
	[dreg:$0x2] =	wrdreg s4  }
0xbe: {  	[dreg:$0x3] =	wrdreg s6  }
0xbf: {  	[dreg:$0x4] =	wrdreg $0xC0  }
0xc0: {  	_ =	task [dreg:s22], $0x5FFFF  }
0xc1: {  	[dreg:$0x1] =	wrdreg $0xFFFFFFFF  }
0xc2: {  	[dreg:$0x0] =	wrdreg $0x60  }
0xc3: {  	[dreg:$0x2] =	wrdreg s17  }
0xc4: {  	[dreg:$0x3] =	wrdreg s24  }
0xc5: {  	[dreg:$0x4] =	wrdreg $0xB  }
0xc6: {  	_ =	task.clear_ibuf [dreg:s22], $0x5FFFF;
	_ =	strace $0x90000049  }
0xc7: {  	s29 =	simm.s32 $0xB;
	_ =	strace $0x8000004B  }
0xc8: {  	_ =	swait.ge [sflag:s29], $0x1  }
0xc9: {  	[sflag:s29] =	ssyncadd.s32 $0xFFFFFFFF  }
0xca: {  	_ =	strace $0x9000004B  }
0xcb: {  	_ =	sfence  }
0xcc: {  	s30 =	sld [smem:$0x0];
	_ =	sdelay $0x2  }
0xcd: {  	s31 =	sshll.u32 s1, $0xD;
	s1 =	sshrl.u32 s1, $0x2  }
0xce: {  	s4 =	sand.u32 $0x4000, s31;
	s1 =	sadd.s32 s1, s30  }
0xcf: {  	s0 =	sor.u32 s4, s0;
	s1 =	sshll.u32 s1, $0x11  }
0xd0: {  	s0 =	sor.u32 s1, s0  }
0xd1: {  	s0 =	sadd.s32 $0x8F2B, s0  }
0xd2: {  	[sflag:s0] =	ssyncadd.remote.s32 $0x1  }
0xd3: {  	_ =	sfence.sel $0xFFFF  }
0xd4: {  	[dreg:$0x0] =	wrdreg $0xFFFFFFFF;
	(pc) =	sbr.abs _section_cstart, $3  }
0xd5: {  	[dreg:$0x1] =	wrdreg $0xFFFFFFFF  }
0xd6: {  	_ =	task.clear_ibuf [dreg:s22], $0x2FFFF;
	_ =	strace $0x9FFFFFFF  }
0xd7: {  	(tm) =	ssettm $0x7FFFFFFF  }
tec
execute0_lowered:
.L_overlay_start_1:
0x0: {  	(tag) =	ssettag $0x1  }
0x1: {  	s1 =	rddreg [dreg:$0x0]  }
0x2: {  	s0 =	rddreg [dreg:$0x1];
	s3 =	simm.s32 $0x0  }
0x3: {  	s30 =	simm.s32 $0xA00;
	[smem:$0x7FF] =	sst s3  }
0x4: {  	s31 =	simm.s32 $0x1200;
	_ =	strace $0x8000004A;
	[dreg:$0x3] =	wrdreg s30  }
0x5: {  	s8 =	simm.s32 $0x1A00;
	[dreg:$0x4] =	wrdreg s31  }
0x6: {  	s2 =	srdreg.scid;
	s11 =	simm.s32 $0x2200;
	[dreg:$0x5] =	wrdreg s8  }
0x7: {  	s7 =	stileid.u32;
	s12 =	simm.s32 $0x2A00;
	[dreg:$0x6] =	wrdreg s11  }
0x8: {  	s13 =	simm.s32 $0x3200;
	s14 =	simm.s32 $0x3A00;
	[dreg:$0x7] =	wrdreg s12  }
0x9: {  	s15 =	simm.s32 $0x4200;
	s17 =	simm.s32 $0x4A00;
	[dreg:$0x8] =	wrdreg s13  }
0xa: {  	s18 =	simm.s32 $0x5200;
	s19 =	simm.s32 $0x5A00;
	[dreg:$0x9] =	wrdreg s14  }
0xb: {  	s20 =	simm.s32 $0x6200;
	s21 =	simm.s32 $0x6A00;
	[dreg:$0xa] =	wrdreg s15  }
0xc: {  	s22 =	simm.s32 $0x7200;
	s23 =	simm.s32 $0x7A00;
	[dreg:$0xb] =	wrdreg s17  }
0xd: {  	s24 =	simm.s32 $0x8A00;
	s25 =	simm.s32 $0x9200;
	[dreg:$0xc] =	wrdreg s18  }
0xe: {  	s26 =	simm.s32 $0x9A00;
	s28 =	simm.s32 $0x2;
	[dreg:$0xd] =	wrdreg s19  }
0xf: {  	s29 =	simm.s32 $0x0;
	s2 =	sand.u32 $0x1, s2;
	[dreg:$0xe] =	wrdreg s20  }
0x10: {  	s4 =	sshll.u32 s7, $0xA;
	s6 =	sshll.u32 s7, $0x10;
	[dreg:$0xf] =	wrdreg s21  }
0x11: {  	s7 =	sshll.u32 s7, $0xE;
	s5 =	sshll.u32 s2, $0x9;
	[dreg:$0x10] =	wrdreg s22  }
0x12: {  	s9 =	sadd.s32 s6, s0;
	s10 =	ssub.s32 $0x2, s2;
	[dreg:$0x11] =	wrdreg s23  }
0x13: {  	s6 =	sadd.s32 $0x100, s1;
	s11 =	simm.s32 $0x200;
	[dreg:$0x12] =	wrdreg s24  }
0x14: {  	s12 =	simm.s32 $0x40;
	[dreg:$0x13] =	wrdreg s25;
	s13 =	simm.s32 $0x10200  }
0x15: {  	[dreg:$0x14] =	wrdreg s26;
	s30 =	simm.s32 $0xA200;
	s14 =	simm.s32 $0x8200  }
0x16: {  	s31 =	simm.s32 $0xAA00;
	s15 =	simm.s32 $0xB200;
	s17 =	simm.s32 $0xC200  }
0x17: {  	s18 =	simm.s32 $0xCA00;
	s19 =	simm.s32 $0xD200;
	s20 =	simm.s32 $0xDA00  }
0x18: {  	s21 =	simm.s32 $0xE200;
	s22 =	simm.s32 $0xEA00;
	s23 =	simm.s32 $0xF200  }
0x19: {  	s24 =	simm.s32 $0xFA00;
	s25 =	simm.s32 $0x12200;
	s26 =	simm.s32 $0x1  }
0x1a: {  	s5 =	sor.u32 s5, s4;
	s4 =	sadd.s32 $0x6000, s0;
	[dreg:$0x15] =	wrdreg s30  }
0x1b: {  	s8 =	sshrl.u32 s10, $0x1;
	[dreg:$0x16] =	wrdreg s31;
	s5 =	sshrl.u32 s5, $0x3  }
0x1c: {  	s5 =	sadd.s32 s5, s0;
	s0 =	sadd.s32 s7, s0;
	s7 =	ssub.s32 s10, s8  }
0x1d: {  	s10 =	sshll.u32 s2, $0xD;
	s2 =	sshll.u32 s2, $0xF;
	s5 =	sadd.s32 $0x14E800, s5  }
0x1e: {  	v2 =	vlaneseq.u32;
	s16 =	smax.u32 s7, $0x1;
	s0 =	sadd.s32 s10, s0;
	[dreg:$0x17] =	wrdreg s5  }
0x1f: {  	vm0 =	vmmov $0xffff;
	v1 =	vshrl.u32 v2, $0x3;
	s2 =	sadd.s32 s2, s9;
	s10 =	simm.s32 $0x3;
	[dreg:$0x18] =	wrdreg s16  }
0x20: {  	v0 =	vand.u32 $0x7, v2;
	v2 =	vor.u32 $0x8, v2;
	v1 =	vmul.u32 $0x8, v1;
	s8 =	sadd.s32 $0x14F000, s0;
	s9 =	sadd.s32 $0x18F000, s2;
	s16 =	simm.s32 $0xBA00  }
.LBB2_1:
0x21: {  	s0 =	rddreg [dreg:$0x17]  }
0x22: {  	[tilespmem:s3], [sflag:$0x3] =	stream.linear.gather [hbm4b:s0+s3], $0x200, $0x38;
	[tilespmem:$0x14200] =	vst v63  }
0x23: {  	_ =	swait.ge [sflag:s10], $0x200  }
0x24: {  	s30 =	smov.u32 s9;
	[sflag:s10] =	ssyncset.done $0x0  }
0x25: {  	s31 =	smov.u32 s8;
	s0 =	simm.s32 $0x0;
	[sflag:s10] =	ssyncadd.s32 $0xFFFFFE00  }
.LBB2_2:
0x26: {  	s2 =	sshra.s32 s0, $0x2  }
0x27: {  	v3 =	vld [tilespmem:s2+$0x0];
	_ =	sdelay $0x4  }
0x28: {  	v4 =	vshll.u32 v3, $0x2  }
0x29: {  	v3 =	vand.u32 $0x7, v3;
	v4 =	vand.u32 $0xFFFFFFE0, v4  }
0x2a: {  	v3 =	vor.u32 v3, v4  }
0x2b: {  	v4 =	vperm.xlane v3, v0;
	_ =	sdelay $0x1  }
0x2c: {  	v4 =	vadd.s32 v1, v4;
	_ =	sdelay $0x1  }
0x2d: {  	v3 =	vperm.xlane v3, v2;
	_ =	sdelay $0x1  }
0x2e: {  	v3 =	vadd.s32 v1, v3  }
0x2f: {  	[tilespmem:s11], [sflag:$0x1] =	stream.indirect_vreg.gather [hbm4b:s1+s3], $0x80, v4, vm0, $0xb8;
	[tilespmem:$0x14200] =	vst v63  }
0x30: {  	s5 =	rddreg [dreg:$0x3]  }
0x31: {  	[tilespmem:s5], [sflag:$0x1] =	stream.indirect_vreg.gather [hbm4b:s6+s3], $0x80, v4, vm0, $0xb8;
	[tilespmem:$0x14200] =	vst v63  }
0x32: {  	s7 =	rddreg [dreg:$0x4]  }
0x33: {  	[tilespmem:s7], [sflag:$0x1] =	stream.indirect_vreg.gather [hbm4b:s1+s3], $0x80, v3, vm0, $0xb8;
	[tilespmem:$0x14200] =	vst v63  }
0x34: {  	s5 =	rddreg [dreg:$0x5]  }
0x35: {  	[tilespmem:s5], [sflag:$0x1] =	stream.indirect_vreg.gather [hbm4b:s6+s3], $0x80, v3, vm0, $0xb8;
	[tilespmem:$0x14200] =	vst v63  }
0x36: {  	v3 =	vld [tilespmem:s2+$0x10];
	_ =	sdelay $0x4  }
0x37: {  	v57 =	vshll.u32 v3, $0x2  }
0x38: {  	v3 =	vand.u32 $0x7, v3;
	v4 =	vand.u32 $0xFFFFFFE0, v57  }
0x39: {  	v3 =	vor.u32 v3, v4  }
0x3a: {  	v4 =	vperm.xlane v3, v0;
	_ =	sdelay $0x1  }
0x3b: {  	v4 =	vadd.s32 v1, v4;
	_ =	sdelay $0x1  }
0x3c: {  	v3 =	vperm.xlane v3, v2;
	_ =	sdelay $0x1  }
0x3d: {  	s5 =	rddreg [dreg:$0x6];
	v3 =	vadd.s32 v1, v3  }
0x3e: {  	[tilespmem:s5], [sflag:$0x1] =	stream.indirect_vreg.gather [hbm4b:s1+s3], $0x80, v4, vm0, $0xb8;
	[tilespmem:$0x14200] =	vst v63  }
0x3f: {  	s7 =	rddreg [dreg:$0x7]  }
0x40: {  	[tilespmem:s7], [sflag:$0x1] =	stream.indirect_vreg.gather [hbm4b:s6+s3], $0x80, v4, vm0, $0xb8;
	[tilespmem:$0x14200] =	vst v63  }
0x41: {  	s5 =	rddreg [dreg:$0x8]  }
0x42: {  	[tilespmem:s5], [sflag:$0x1] =	stream.indirect_vreg.gather [hbm4b:s1+s3], $0x80, v3, vm0, $0xb8;
	[tilespmem:$0x14200] =	vst v63  }
0x43: {  	s7 =	rddreg [dreg:$0x9]  }
0x44: {  	[tilespmem:s7], [sflag:$0x1] =	stream.indirect_vreg.gather [hbm4b:s6+s3], $0x80, v3, vm0, $0xb8;
	[tilespmem:$0x14200] =	vst v63  }
0x45: {  	v3 =	vld [tilespmem:s2+$0x20];
	_ =	sdelay $0x4  }
0x46: {  	v58 =	vshll.u32 v3, $0x2  }
0x47: {  	v3 =	vand.u32 $0x7, v3;
	v4 =	vand.u32 $0xFFFFFFE0, v58  }
0x48: {  	v3 =	vor.u32 v3, v4  }
0x49: {  	v4 =	vperm.xlane v3, v0;
	_ =	sdelay $0x1  }
0x4a: {  	v4 =	vadd.s32 v1, v4;
	_ =	sdelay $0x1  }
0x4b: {  	v3 =	vperm.xlane v3, v2;
	_ =	sdelay $0x1  }
0x4c: {  	s5 =	rddreg [dreg:$0xa];
	v3 =	vadd.s32 v1, v3  }
0x4d: {  	[tilespmem:s5], [sflag:$0x1] =	stream.indirect_vreg.gather [hbm4b:s1+s3], $0x80, v4, vm0, $0xb8;
	[tilespmem:$0x14200] =	vst v63  }
0x4e: {  	s7 =	rddreg [dreg:$0xb]  }
0x4f: {  	[tilespmem:s7], [sflag:$0x1] =	stream.indirect_vreg.gather [hbm4b:s6+s3], $0x80, v4, vm0, $0xb8;
	[tilespmem:$0x14200] =	vst v63  }
0x50: {  	s5 =	rddreg [dreg:$0xc]  }
0x51: {  	[tilespmem:s5], [sflag:$0x1] =	stream.indirect_vreg.gather [hbm4b:s1+s3], $0x80, v3, vm0, $0xb8;
	[tilespmem:$0x14200] =	vst v63  }
0x52: {  	s7 =	rddreg [dreg:$0xd]  }
0x53: {  	[tilespmem:s7], [sflag:$0x1] =	stream.indirect_vreg.gather [hbm4b:s6+s3], $0x80, v3, vm0, $0xb8;
	[tilespmem:$0x14200] =	vst v63  }
0x54: {  	v3 =	vld [tilespmem:s2+$0x30];
	_ =	sdelay $0x4  }
0x55: {  	v59 =	vshll.u32 v3, $0x2  }
0x56: {  	v3 =	vand.u32 $0x7, v3;
	v4 =	vand.u32 $0xFFFFFFE0, v59  }
0x57: {  	v3 =	vor.u32 v3, v4  }
0x58: {  	v4 =	vperm.xlane v3, v0;
	_ =	sdelay $0x1  }
0x59: {  	v4 =	vadd.s32 v1, v4;
	_ =	sdelay $0x1  }
0x5a: {  	v3 =	vperm.xlane v3, v2;
	_ =	sdelay $0x1  }
0x5b: {  	s5 =	rddreg [dreg:$0xe];
	v3 =	vadd.s32 v1, v3  }
0x5c: {  	[tilespmem:s5], [sflag:$0x1] =	stream.indirect_vreg.gather [hbm4b:s1+s3], $0x80, v4, vm0, $0xb8;
	[tilespmem:$0x14200] =	vst v63  }
0x5d: {  	s7 =	rddreg [dreg:$0xf]  }
0x5e: {  	[tilespmem:s7], [sflag:$0x1] =	stream.indirect_vreg.gather [hbm4b:s6+s3], $0x80, v4, vm0, $0xb8;
	[tilespmem:$0x14200] =	vst v63  }
0x5f: {  	s5 =	rddreg [dreg:$0x10]  }
0x60: {  	[tilespmem:s5], [sflag:$0x1] =	stream.indirect_vreg.gather [hbm4b:s1+s3], $0x80, v3, vm0, $0xb8;
	[tilespmem:$0x14200] =	vst v63  }
0x61: {  	s7 =	rddreg [dreg:$0x11]  }
0x62: {  	[tilespmem:s7], [sflag:$0x1] =	stream.indirect_vreg.gather [hbm4b:s6+s3], $0x80, v3, vm0, $0xb8;
	[tilespmem:$0x14200] =	vst v63  }
0x63: {  	_ = 	snop  }
0x64: {  	[tilespmem:s13], [sflag:$0x1] =	stream.indirect.gather [hbm4b:s4+s12], $0x80, s2, s12, $0xb8;
	[tilespmem:$0x14200] =	vst v63  }
0x65: {  	v3 =	vld [tilespmem:s2+$0x40];
	_ =	sdelay $0x4  }
0x66: {  	v60 =	vshll.u32 v3, $0x2  }
0x67: {  	v3 =	vand.u32 $0x7, v3;
	v4 =	vand.u32 $0xFFFFFFE0, v60  }
0x68: {  	v3 =	vor.u32 v3, v4  }
0x69: {  	v4 =	vperm.xlane v3, v0;
	_ =	sdelay $0x1  }
0x6a: {  	v4 =	vadd.s32 v1, v4;
	_ =	sdelay $0x1  }
0x6b: {  	v3 =	vperm.xlane v3, v2;
	_ =	sdelay $0x1  }
0x6c: {  	v3 =	vadd.s32 v1, v3  }
0x6d: {  	[tilespmem:s14], [sflag:$0x2] =	stream.indirect_vreg.gather [hbm4b:s1+s3], $0x80, v4, vm0, $0xb8;
	[tilespmem:$0x14200] =	vst v63  }
0x6e: {  	s5 =	rddreg [dreg:$0x12]  }
0x6f: {  	[tilespmem:s5], [sflag:$0x2] =	stream.indirect_vreg.gather [hbm4b:s6+s3], $0x80, v4, vm0, $0xb8;
	[tilespmem:$0x14200] =	vst v63  }
0x70: {  	s7 =	rddreg [dreg:$0x13]  }
0x71: {  	[tilespmem:s7], [sflag:$0x2] =	stream.indirect_vreg.gather [hbm4b:s1+s3], $0x80, v3, vm0, $0xb8;
	[tilespmem:$0x14200] =	vst v63  }
0x72: {  	s5 =	rddreg [dreg:$0x14]  }
0x73: {  	[tilespmem:s5], [sflag:$0x2] =	stream.indirect_vreg.gather [hbm4b:s6+s3], $0x80, v3, vm0, $0xb8;
	[tilespmem:$0x14200] =	vst v63  }
0x74: {  	v3 =	vld [tilespmem:s2+$0x50];
	_ =	sdelay $0x4  }
0x75: {  	v61 =	vshll.u32 v3, $0x2  }
0x76: {  	v3 =	vand.u32 $0x7, v3;
	v4 =	vand.u32 $0xFFFFFFE0, v61  }
0x77: {  	v3 =	vor.u32 v3, v4  }
0x78: {  	v4 =	vperm.xlane v3, v0;
	_ =	sdelay $0x1  }
0x79: {  	v4 =	vadd.s32 v1, v4;
	_ =	sdelay $0x1  }
0x7a: {  	v3 =	vperm.xlane v3, v2;
	_ =	sdelay $0x1  }
0x7b: {  	s5 =	rddreg [dreg:$0x15];
	v3 =	vadd.s32 v1, v3  }
0x7c: {  	[tilespmem:s5], [sflag:$0x2] =	stream.indirect_vreg.gather [hbm4b:s1+s3], $0x80, v4, vm0, $0xb8;
	[tilespmem:$0x14200] =	vst v63  }
0x7d: {  	s7 =	rddreg [dreg:$0x16]  }
0x7e: {  	[tilespmem:s7], [sflag:$0x2] =	stream.indirect_vreg.gather [hbm4b:s6+s3], $0x80, v4, vm0, $0xb8;
	[tilespmem:$0x14200] =	vst v63  }
0x7f: {  	_ = 	snop  }
0x80: {  	[tilespmem:s15], [sflag:$0x2] =	stream.indirect_vreg.gather [hbm4b:s1+s3], $0x80, v3, vm0, $0xb8;
	[tilespmem:$0x14200] =	vst v63  }
0x81: {  	_ = 	snop  }
0x82: {  	[tilespmem:s16], [sflag:$0x2] =	stream.indirect_vreg.gather [hbm4b:s6+s3], $0x80, v3, vm0, $0xb8;
	[tilespmem:$0x14200] =	vst v63  }
0x83: {  	v3 =	vld [tilespmem:s2+$0x60];
	_ =	sdelay $0x4  }
0x84: {  	v62 =	vshll.u32 v3, $0x2  }
0x85: {  	v3 =	vand.u32 $0x7, v3;
	v4 =	vand.u32 $0xFFFFFFE0, v62  }
0x86: {  	v3 =	vor.u32 v3, v4  }
0x87: {  	v4 =	vperm.xlane v3, v0;
	_ =	sdelay $0x1  }
0x88: {  	v4 =	vadd.s32 v1, v4;
	_ =	sdelay $0x1  }
0x89: {  	v3 =	vperm.xlane v3, v2;
	_ =	sdelay $0x1  }
0x8a: {  	v3 =	vadd.s32 v1, v3  }
0x8b: {  	[tilespmem:s17], [sflag:$0x2] =	stream.indirect_vreg.gather [hbm4b:s1+s3], $0x80, v4, vm0, $0xb8;
	[tilespmem:$0x14200] =	vst v63  }
0x8c: {  	_ = 	snop  }
0x8d: {  	[tilespmem:s18], [sflag:$0x2] =	stream.indirect_vreg.gather [hbm4b:s6+s3], $0x80, v4, vm0, $0xb8;
	[tilespmem:$0x14200] =	vst v63  }
0x8e: {  	_ = 	snop  }
0x8f: {  	[tilespmem:s19], [sflag:$0x2] =	stream.indirect_vreg.gather [hbm4b:s1+s3], $0x80, v3, vm0, $0xb8;
	[tilespmem:$0x14200] =	vst v63  }
0x90: {  	_ = 	snop  }
0x91: {  	[tilespmem:s20], [sflag:$0x2] =	stream.indirect_vreg.gather [hbm4b:s6+s3], $0x80, v3, vm0, $0xb8;
	[tilespmem:$0x14200] =	vst v63  }
0x92: {  	v3 =	vld [tilespmem:s2+$0x70];
	_ =	sdelay $0x4  }
0x93: {  	v63 =	vshll.u32 v3, $0x2  }
0x94: {  	v3 =	vand.u32 $0x7, v3;
	v4 =	vand.u32 $0xFFFFFFE0, v63  }
0x95: {  	v3 =	vor.u32 v3, v4  }
0x96: {  	v4 =	vperm.xlane v3, v0;
	_ =	sdelay $0x1  }
0x97: {  	v4 =	vadd.s32 v1, v4;
	_ =	sdelay $0x1  }
0x98: {  	v3 =	vperm.xlane v3, v2;
	_ =	sdelay $0x1  }
0x99: {  	v3 =	vadd.s32 v1, v3  }
0x9a: {  	[tilespmem:s21], [sflag:$0x2] =	stream.indirect_vreg.gather [hbm4b:s1+s3], $0x80, v4, vm0, $0xb8;
	[tilespmem:$0x14200] =	vst v63  }
0x9b: {  	_ = 	snop  }
0x9c: {  	[tilespmem:s22], [sflag:$0x2] =	stream.indirect_vreg.gather [hbm4b:s6+s3], $0x80, v4, vm0, $0xb8;
	[tilespmem:$0x14200] =	vst v63  }
0x9d: {  	_ = 	snop  }
0x9e: {  	[tilespmem:s23], [sflag:$0x2] =	stream.indirect_vreg.gather [hbm4b:s1+s3], $0x80, v3, vm0, $0xb8;
	[tilespmem:$0x14200] =	vst v63  }
0x9f: {  	_ = 	snop  }
0xa0: {  	[tilespmem:s24], [sflag:$0x2] =	stream.indirect_vreg.gather [hbm4b:s6+s3], $0x80, v3, vm0, $0xb8;
	[tilespmem:$0x14200] =	vst v63  }
0xa1: {  	s2 =	sadd.s32 $0x40, s2  }
0xa2: {  	[tilespmem:s25], [sflag:$0x2] =	stream.indirect.gather [hbm4b:s4+s12], $0x80, s2, s12, $0xb8;
	[tilespmem:$0x14200] =	vst v63  }
0xa3: {  	_ =	swait.ge [sflag:s26], $0x8000  }
0xa4: {  	[sflag:s26] =	ssyncset.done $0x0  }
0xa5: {  	[sflag:s26] =	ssyncadd.s32 $0xFFFF8000  }
0xa6: {  	_ =	swait.ge [sflag:s26], $0x2000  }
0xa7: {  	[sflag:s26] =	ssyncset.done $0x0  }
0xa8: {  	[sflag:s26] =	ssyncadd.s32 $0xFFFFE000  }
0xa9: {  	[hbm4b:s30+s3] =	stream.linear.scatter [tilespmem:s11], [sflag:$0x3], $0x8000, $0x38;
	[tilespmem:$0x14200] =	vst v63  }
0xaa: {  	_ =	swait.ge [sflag:s10], $0x8000  }
0xab: {  	[sflag:s10] =	ssyncset.done $0x0  }
0xac: {  	[sflag:s10] =	ssyncadd.s32 $0xFFFF8000  }
0xad: {  	[hbm4b:s31+s3] =	stream.linear.scatter [tilespmem:s13], [sflag:$0x3], $0x2000, $0x38;
	[tilespmem:$0x14200] =	vst v63  }
0xae: {  	_ =	swait.ge [sflag:s10], $0x2000  }
0xaf: {  	[sflag:s10] =	ssyncset.done $0x0  }
0xb0: {  	[sflag:s10] =	ssyncadd.s32 $0xFFFFE000  }
0xb1: {  	_ =	swait.ge [sflag:s28], $0x8000  }
0xb2: {  	[sflag:s28] =	ssyncset.done $0x0  }
0xb3: {  	[sflag:s28] =	ssyncadd.s32 $0xFFFF8000  }
0xb4: {  	_ =	swait.ge [sflag:s28], $0x2000  }
0xb5: {  	[sflag:s28] =	ssyncset.done $0x0  }
0xb6: {  	s5 =	sadd.s32 $0x1000, s30;
	[sflag:s28] =	ssyncadd.s32 $0xFFFFE000  }
0xb7: {  	[hbm4b:s5+s3] =	stream.linear.scatter [tilespmem:s14], [sflag:$0x3], $0x8000, $0x38;
	[tilespmem:$0x14200] =	vst v63  }
0xb8: {  	_ =	swait.ge [sflag:s10], $0x8000  }
0xb9: {  	p0 =	sne.s32 s0, $0x600;
	[sflag:s10] =	ssyncset.done $0x0  }
.Ltmp0:
0xba: {  	s7 =	sadd.s32 $0x400, s31;
	[sflag:s10] =	ssyncadd.s32 $0xFFFF8000;
	(pc) =	sbr.rel @p0 .LBB2_2-.Ltmp0, $4  }
0xbb: {  	[hbm4b:s7+s3] =	stream.linear.scatter [tilespmem:s25], [sflag:$0x3], $0x2000, $0x38;
	[tilespmem:$0x14200] =	vst v63  }
0xbc: {  	_ =	swait.ge [sflag:s10], $0x2000  }
0xbd: {  	s0 =	sadd.s32 $0x200, s0;
	[sflag:s10] =	ssyncset.done $0x0  }
0xbe: {  	s30 =	sadd.s32 $0x2000, s30;
	s31 =	sadd.s32 $0x800, s31;
	[sflag:s10] =	ssyncadd.s32 $0xFFFFE000  }
0xbf: {  	s29 =	sadd.s32 $0x1, s29;
	s0 =	rddreg [dreg:$0x18]  }
0xc0: {  	p0 =	sne.s32 s29, s0  }
.Ltmp1:
0xc1: {  	_ = 	snop;
	(pc) =	sbr.rel @p0 .LBB2_1-.Ltmp1, $1  }
0xc2: {  	_ =	sdelay $0x3  }
0xc3: {  	_ =	sfence.sel $0x180000  }
0xc4: {  	[bflag:$0x0] =	sbarrier.arrive $0xFFFF  }
0xc5: {  	_ =	strace $0x9000004A  }
0xc6: {  	s0 =	stileid.u32;
	[bflag:$0x2] =	sbarrier.arrive $0xFFFF  }
0xc7: {  	p0 =	sne.s32 s0, $0x0;
	s0 =	rddreg [dreg:$0x2]  }
0xc8: {  	s0 =	sadd.s32 @!p0 $0x100000, s0  }
0xc9: {  	[sflag:s0] =	ssyncadd.tile.s32 @!p0 $0x1;
	_ =	shalt  }
.Lfunc_end2:
_tile_overlayer_lowered:
.L_overlay_start_2:
0xca: {  	(tag) =	ssettag $0x2  }
0xcb: {  	s0 =	rddreg [dreg:$0x0];
	s2 =	stileid.u32  }
0xcc: {  	s1 =	rddreg [dreg:$0x1];
	p0 =	sne.s32 s2, $0x0  }
0xcd: {  	s3 =	rddreg [dreg:$0x2];
	[bflag:$0x3] =	sbarrier.arrive $0xFFFF;
	s2 =	simm.s32 @!p0 $0x1C03  }
0xce: {  	[timem:s3], [sflag:s2] =	dma.local @!p0 [hbm:s0], s1  }
0xcf: {  	s0 =	simm.s32 @!p0 $0x3  }
0xd0: {  	_ =	swait.ge @!p0 [sflag:s0], s1  }
0xd1: {  	s1 =	ssub.s32 @!p0 $0x0, s1;
	[sflag:s0] =	ssyncset.done @!p0 $0x0  }
0xd2: {  	[sflag:s0] =	ssyncadd.s32 @!p0 s1  }
0xd3: {  	[bflag:$0x3] =	sbarrier.arrive $0xFFFF  }
0xd4: {  	_ =	shalt  }

// kernel: kernel.24.cloned.1.call-start
scs
__scs_entry_jumppad:
0x0: {  	(pc) =	sbr.rel $0x88, $3  }
0x1: {  	(tag) =	ssettag $0x0;
	lr =	simm.s32 $0x1  }
0x2: {  	[smem:$0x3F8C] =	sst lr;
	_ =	strace $0xD0000000  }
0x3: {  	_ = 	snop  }
0x4: {  	_ = 	snop  }
0x5: {  	_ = 	snop  }
0x6: {  	_ = 	snop  }
0x7: {  	_ = 	snop  }
__scs_overlays_trampoline_lowered:
0x8: {  	[smem:$0x3F9B] =	sst s0  }
0x9: {  	[smem:$0x3F9C] =	sst s1  }
0xa: {  	[smem:$0x3F9D] =	sst s2  }
0xb: {  	[smem:$0x3F9E] =	sst s3  }
0xc: {  	[smem:$0x3F9F] =	sst s4  }
0xd: {  	[smem:$0x3FA0] =	sst s5  }
0xe: {  	[smem:$0x3FA1] =	sst s6  }
0xf: {  	[smem:$0x3FA2] =	sst s7  }
0x10: {  	[smem:$0x3FA3] =	sst s8  }
0x11: {  	[smem:$0x3FA4] =	sst s9;
	s0 =	simm.s32 @!p0 $0x0  }
0x12: {  	s1 =	sld [smem:$0x3F8A];
	s0 =	simm.s32 @p0 $0x1  }
0x13: {  	[smem:$0x3FA5] =	sst s0;
	s0 =	simm.s32 @!p1 $0x0  }
0x14: {  	s2 =	sld [smem:$0x3F89];
	s0 =	simm.s32 @p1 $0x1  }
0x15: {  	[smem:$0x3FA6] =	sst s0;
	s0 =	simm.s32 @!p2 $0x0  }
0x16: {  	s3 =	sld [smem:$0x3FDB];
	s0 =	simm.s32 @p2 $0x1  }
0x17: {  	s4 =	simm.s32 $0x1BF5;
	[smem:$0x3FA8] =	sst s0  }
0x18: {  	s0 =	sld [smem:$0x3F8B];
	_ =	swait.ge [sflag:s4], $0x0  }
0x19: {  	s7 =	sld [smem:$0x3F8C]  }
0x1a: {  	s8 =	sadd.s32 $0xFFFFE003, lr  }
0x1b: {  	s9 =	sadd.s32 $0xFFFFFEF7, lr;
	s5 =	simm.s32 $0xFFFFFFFF;
	p2 =	slt.u32 s8, $0xFFFFF086  }
0x1c: {  	p1 =	slt.u32 s9, $0xF7A;
	s5 =	simm.s32 @!p2 $0x0  }
0x1d: {  	s5 =	simm.s32 @p1 $0x1;
	p0 =	seq.s32 s7, s2  }
0x1e: {  	s7 =	smul.u32 @!p0 $0xF7A, s2;
	p2 =	seq.s32 @!p0 s5, $0x0  }
0x1f: {  	s9 =	smul.u32 $0xF7A, s1;
	s8 =	simm.s32 @!p0 $0x1BF5;
	p2 =	por !p2, p0  }
0x20: {  	[sflag:s8] =	ssyncset.s32 @!p0 $0xFFFFF086;
	s6 =	sadd.s32 @!p0 s3, s7;
	s7 =	simm.s32 @!p0 $0x108  }
0x21: {  	s3 =	sadd.s32 s3, s9;
	s6 =	sadd.s32 @!p0 $0x88, s6;
	s7 =	simm.s32 @p2 $0x1082  }
0x22: {  	[simem:s7], [sflag:s8] =	dma.local @!p0 [hbm:s6], $0xF7A  }
0x23: {  	s9 =	sor.u32 $0xD0000000, s2;
	s6 =	simm.s32 $0x108;
	_ =	swait.ge @!p0 [sflag:s8], $0x0  }
0x24: {  	s3 =	sadd.s32 $0x88, s3;
	s6 =	simm.s32 @!p1 $0x1082;
	[sflag:s4] =	ssyncset.s32 $0xFFFFF086  }
0x25: {  	[simem:s6], [sflag:s4] =	dma.local [hbm:s3], $0xF7A  }
0x26: {  	[smem:$0x3F8C] =	sst s1;
	(tag) =	ssettag s2;
	_ =	strace s9  }
0x27: {  	s1 =	sld [smem:$0x3F9C]  }
0x28: {  	s2 =	sld [smem:$0x3F9D]  }
0x29: {  	s4 =	sld [smem:$0x3F9F]  }
0x2a: {  	p0 =	seq.s32 s5, $0x0;
	s5 =	sld [smem:$0x3FA0]  }
0x2b: {  	s6 =	sld [smem:$0x3FA1]  }
0x2c: {  	s7 =	sld [smem:$0x3FA2]  }
0x2d: {  	s3 =	simm.s32 $0x108;
	s8 =	sld [smem:$0x3FA3]  }
0x2e: {  	s3 =	simm.s32 @!p0 $0x1082;
	s9 =	sld [smem:$0x3FA4]  }
0x2f: {  	lr =	sadd.s32 s0, s3;
	s0 =	sld [smem:$0x3F9B]  }
0x30: {  	s3 =	sld [smem:$0x3F9E]  }
0x31: {  	[smem:$0x3FA7] =	sst s10  }
0x32: {  	s10 =	sld [smem:$0x3FA5];
	_ =	sdelay $0x3  }
0x33: {  	p0 =	seq.s32 s10, $0x1;
	s10 =	sld [smem:$0x3FA7];
	_ =	sdelay $0x3  }
0x34: {  	[smem:$0x3FA7] =	sst s10  }
0x35: {  	s10 =	sld [smem:$0x3FA6];
	_ =	sdelay $0x3  }
0x36: {  	p1 =	seq.s32 s10, $0x1;
	s10 =	sld [smem:$0x3FA7];
	_ =	sdelay $0x3  }
0x37: {  	[smem:$0x3FA7] =	sst s10  }
0x38: {  	s10 =	sld [smem:$0x3FA8]  }
0x39: {  	_ = 	snop;
	(pc) =	sbr.ind lr, $3  }
0x3a: {  	_ = 	snop  }
0x3b: {  	_ = 	snop  }
0x3c: {  	p2 =	seq.s32 s10, $0x1;
	s10 =	sld [smem:$0x3FA7]  }
0x3d: {  	_ =	shalt  }
0x3e: {  	_ =	shalt  }
0x3f: {  	_ =	shalt  }
0x40: {  	_ =	shalt  }
0x41: {  	_ =	shalt  }
0x42: {  	_ =	shalt  }
0x43: {  	_ =	shalt  }
0x44: {  	_ =	shalt  }
0x45: {  	_ =	shalt  }
0x46: {  	_ =	shalt  }
0x47: {  	_ =	shalt  }
0x48: {  	_ =	shalt  }
0x49: {  	_ =	shalt  }
0x4a: {  	_ =	shalt  }
0x4b: {  	_ =	shalt  }
0x4c: {  	_ =	shalt  }
0x4d: {  	_ =	shalt  }
0x4e: {  	_ =	shalt  }
0x4f: {  	_ =	shalt  }
0x50: {  	_ =	shalt  }
0x51: {  	_ =	shalt  }
0x52: {  	_ =	shalt  }
0x53: {  	_ =	shalt  }
0x54: {  	_ =	shalt  }
0x55: {  	_ =	shalt  }
0x56: {  	_ =	shalt  }
0x57: {  	_ =	shalt  }
0x58: {  	_ =	shalt  }
0x59: {  	_ =	shalt  }
0x5a: {  	_ =	shalt  }
0x5b: {  	_ =	shalt  }
0x5c: {  	_ =	shalt  }
0x5d: {  	_ =	shalt  }
0x5e: {  	_ =	shalt  }
0x5f: {  	_ =	shalt  }
0x60: {  	_ =	shalt  }
0x61: {  	_ =	shalt  }
0x62: {  	_ =	shalt  }
0x63: {  	_ =	shalt  }
0x64: {  	_ =	shalt  }
0x65: {  	_ =	shalt  }
0x66: {  	_ =	shalt  }
0x67: {  	_ =	shalt  }
0x68: {  	_ =	shalt  }
0x69: {  	_ =	shalt  }
0x6a: {  	_ =	shalt  }
0x6b: {  	_ =	shalt  }
0x6c: {  	_ =	shalt  }
0x6d: {  	_ =	shalt  }
0x6e: {  	_ =	shalt  }
0x6f: {  	_ =	shalt  }
0x70: {  	_ =	shalt  }
0x71: {  	_ =	shalt  }
0x72: {  	_ =	shalt  }
0x73: {  	_ =	shalt  }
0x74: {  	_ =	shalt  }
0x75: {  	_ =	shalt  }
0x76: {  	_ =	shalt  }
0x77: {  	_ =	shalt  }
0x78: {  	_ =	shalt  }
0x79: {  	_ =	shalt  }
0x7a: {  	_ =	shalt  }
0x7b: {  	_ =	shalt  }
0x7c: {  	_ =	shalt  }
0x7d: {  	_ =	shalt  }
0x7e: {  	_ =	shalt  }
0x7f: {  	_ =	shalt  }
0x80: {  	_ =	shalt  }
0x81: {  	_ =	shalt  }
0x82: {  	_ =	shalt  }
0x83: {  	_ =	shalt  }
0x84: {  	_ =	shalt  }
0x85: {  	_ =	shalt  }
0x86: {  	_ =	shalt  }
0x87: {  	_ =	shalt  }
.Lfunc_end0:
.L_simem_size_0:
called_computation.3_lowered:
.L_overlay_start_0:
0x88: {  	s2 =	sld [smem:$0x3FD9]  }
0x89: {  	s3 =	sld [smem:$0x3FFE];
	_ =	sdelay $0x1  }
0x8a: {  	s1 =	srdreg.scid  }
0x8b: {  	s0 =	sand.u32 $0x1, s1  }
0x8c: {  	s14 =	sshll.u32 s0, $0xA;
	s2 =	sadd.s32 s3, s2  }
0x8d: {  	s2 =	sadd.s32 s2, s14  }
0x8e: {  	[smem:$0x3FB3] =	sst s2  }
0x8f: {  	_ = 	snop  }
0x90: {  	s2 =	sld [smem:$0x3FD0];
	_ =	sdelay $0x2  }
0x91: {  	s15 =	simm.s32 $0xD;
	s4 =	simm.s32 $0x10  }
0x92: {  	[smem:s4], [sflag:s15] =	dma.local [hbm:s2], $0x1  }
0x93: {  	_ =	swait.eq [sflag:s15], $0x1  }
0x94: {  	[sflag:s15] =	ssyncset.done $0x0  }
0x95: {  	[sflag:s15] =	ssyncadd.s32 $0xFFFFFFFF  }
0x96: {  	s16 =	sld [smem:$0x10];
	(tm) =	ssettm $0x1  }
0x97: {  	s17 =	sld [smem:$0x3FFB];
	_ =	sdelay $0x3  }
0x98: {  	_ =	strace s17  }
0x99: {  	s3 =	sld [smem:$0x3FFC];
	_ =	sdelay $0x3  }
0x9a: {  	_ =	strace s3  }
0x9b: {  	s3 =	sld [smem:$0x3FFD];
	_ =	sdelay $0x3  }
0x9c: {  	_ =	strace s3  }
0x9d: {  	_ =	strace $0x8FFFFFFF  }
0x9e: {  	s18 =	sld [smem:$0x3FDB];
	_ =	sdelay $0x1  }
0x9f: {  	s19 =	simm.s32 $_scs_section_size  }
0xa0: {  	s5 =	simm.s32 $_size__tile_overlayer_lowered;
	s6 =	simm.s32 $_tile_overlayer_lowered  }
0xa1: {  	s22 =	simm.s32 $0x1BFF;
	s21 =	sshll.u32 s6, $0x1;
	s3 =	sadd.s32 s19, s18  }
0xa2: {  	s7 =	simm.s32 $0x0;
	s20 =	sshll.u32 s5, $0x1;
	s5 =	sadd.s32 s21, s3  }
0xa3: {  	[timem:s7], [sflag:s22] =	dma.local [hbm:s5], s20  }
0xa4: {  	_ =	swait.ge [sflag:s22], s20  }
0xa5: {  	s4 =	ssub.s32 $0x0, s20;
	[sflag:s22] =	ssyncset.done $0x0  }
0xa6: {  	[sflag:s22] =	ssyncadd.s32 s4;
	_ =	sdelay $0x1  }
0xa7: {  	s23 =	simm.s32 $0x1B8B  }
0xa8: {  	_ =	swait.ge [sflag:s23], $0x1  }
0xa9: {  	[sflag:s23] =	ssyncset.done $0x0  }
0xaa: {  	s25 =	simm.s32 $0x1B8E;
	s24 =	sld [smem:$0x3FFE];
	[sflag:s23] =	ssyncadd.s32 $0xFFFFFFFF  }
0xab: {  	s26 =	simm.s32 $execute0_lowered;
	[smem:$0x3FD2] =	sst s25  }
0xac: {  	s5 =	sshll.u32 s26, $0x1;
	_ =	strace $0x80000046;
	[dreg:$0x1] =	wrdreg $0xFFFFFFFF  }
0xad: {  	s28 =	simm.s32 $_size_execute0_lowered;
	s3 =	sadd.s32 s3, s5;
	[dreg:$0x0] =	wrdreg $0x0  }
0xae: {  	s5 =	sshll.u32 s28, $0x1;
	[dreg:$0x2] =	wrdreg s3  }
0xaf: {  	[dreg:$0x3] =	wrdreg s5  }
0xb0: {  	[dreg:$0x4] =	wrdreg $0xC0  }
0xb1: {  	_ =	task [dreg:s7], $0x5FFFF  }
0xb2: {  	[dreg:$0x1] =	wrdreg $0xFFFFFFFF  }
0xb3: {  	[dreg:$0x0] =	wrdreg $0x60  }
0xb4: {  	[dreg:$0x2] =	wrdreg s16  }
0xb5: {  	[dreg:$0x3] =	wrdreg s24  }
0xb6: {  	[dreg:$0x4] =	wrdreg $0xC  }
0xb7: {  	_ =	task.clear_ibuf [dreg:s7], $0x5FFFF;
	_ =	strace $0x90000046  }
0xb8: {  	s29 =	simm.s32 $0xC;
	_ =	strace $0x80000048  }
0xb9: {  	_ =	swait.ge [sflag:s29], $0x1  }
0xba: {  	[sflag:s29] =	ssyncadd.s32 $0xFFFFFFFF  }
0xbb: {  	_ =	strace $0x90000048  }
0xbc: {  	_ =	sfence  }
0xbd: {  	s30 =	sld [smem:$0x0];
	_ =	sdelay $0x2  }
0xbe: {  	s31 =	sshll.u32 s1, $0xD;
	s1 =	sshrl.u32 s1, $0x2  }
0xbf: {  	s3 =	sand.u32 $0x4000, s31;
	s1 =	sadd.s32 s1, s30  }
0xc0: {  	s0 =	sor.u32 s3, s0;
	s1 =	sshll.u32 s1, $0x11  }
0xc1: {  	s0 =	sor.u32 s1, s0  }
0xc2: {  	s0 =	sadd.s32 $0x8F2B, s0  }
0xc3: {  	[sflag:s0] =	ssyncadd.remote.s32 $0x1  }
0xc4: {  	_ =	sfence.sel $0xFFFF  }
0xc5: {  	[dreg:$0x0] =	wrdreg $0xFFFFFFFF;
	(pc) =	sbr.abs _section_cstart, $3  }
0xc6: {  	[dreg:$0x1] =	wrdreg $0xFFFFFFFF  }
0xc7: {  	_ =	task.clear_ibuf [dreg:s7], $0x2FFFF;
	_ =	strace $0x9FFFFFFF  }
0xc8: {  	(tm) =	ssettm $0x7FFFFFFF  }
0xc9: {  	_ =	shalt  }
tec
execute0_lowered:
.L_overlay_start_1:
0x0: {  	(tag) =	ssettag $0x1  }
0x1: {  	s1 =	rddreg [dreg:$0x0]  }
0x2: {  	s0 =	rddreg [dreg:$0x1];
	s3 =	simm.s32 $0x0  }
0x3: {  	s30 =	simm.s32 $0xA00;
	[smem:$0x7FF] =	sst s3  }
0x4: {  	s31 =	simm.s32 $0x1200;
	_ =	strace $0x80000047;
	[dreg:$0x3] =	wrdreg s30  }
0x5: {  	s8 =	simm.s32 $0x1A00;
	[dreg:$0x4] =	wrdreg s31  }
0x6: {  	s2 =	srdreg.scid;
	s11 =	simm.s32 $0x2200;
	[dreg:$0x5] =	wrdreg s8  }
0x7: {  	s7 =	stileid.u32;
	s12 =	simm.s32 $0x2A00;
	[dreg:$0x6] =	wrdreg s11  }
0x8: {  	s13 =	simm.s32 $0x3200;
	s14 =	simm.s32 $0x3A00;
	[dreg:$0x7] =	wrdreg s12  }
0x9: {  	s15 =	simm.s32 $0x4200;
	s17 =	simm.s32 $0x4A00;
	[dreg:$0x8] =	wrdreg s13  }
0xa: {  	s18 =	simm.s32 $0x5200;
	s19 =	simm.s32 $0x5A00;
	[dreg:$0x9] =	wrdreg s14  }
0xb: {  	s20 =	simm.s32 $0x6200;
	s21 =	simm.s32 $0x6A00;
	[dreg:$0xa] =	wrdreg s15  }
0xc: {  	s22 =	simm.s32 $0x7200;
	s23 =	simm.s32 $0x7A00;
	[dreg:$0xb] =	wrdreg s17  }
0xd: {  	s24 =	simm.s32 $0x8A00;
	s25 =	simm.s32 $0x9200;
	[dreg:$0xc] =	wrdreg s18  }
0xe: {  	s26 =	simm.s32 $0x9A00;
	s28 =	simm.s32 $0x2;
	[dreg:$0xd] =	wrdreg s19  }
0xf: {  	s29 =	simm.s32 $0x0;
	s2 =	sand.u32 $0x1, s2;
	[dreg:$0xe] =	wrdreg s20  }
0x10: {  	s4 =	sshll.u32 s7, $0xA;
	s6 =	sshll.u32 s7, $0x10;
	[dreg:$0xf] =	wrdreg s21  }
0x11: {  	s7 =	sshll.u32 s7, $0xE;
	s5 =	sshll.u32 s2, $0x9;
	[dreg:$0x10] =	wrdreg s22  }
0x12: {  	s9 =	sadd.s32 s6, s0;
	s10 =	ssub.s32 $0x2, s2;
	[dreg:$0x11] =	wrdreg s23  }
0x13: {  	s6 =	sadd.s32 $0x100, s1;
	s11 =	simm.s32 $0x200;
	[dreg:$0x12] =	wrdreg s24  }
0x14: {  	s12 =	simm.s32 $0x40;
	[dreg:$0x13] =	wrdreg s25;
	s13 =	simm.s32 $0x10200  }
0x15: {  	[dreg:$0x14] =	wrdreg s26;
	s30 =	simm.s32 $0xA200;
	s14 =	simm.s32 $0x8200  }
0x16: {  	s31 =	simm.s32 $0xAA00;
	s15 =	simm.s32 $0xB200;
	s17 =	simm.s32 $0xC200  }
0x17: {  	s18 =	simm.s32 $0xCA00;
	s19 =	simm.s32 $0xD200;
	s20 =	simm.s32 $0xDA00  }
0x18: {  	s21 =	simm.s32 $0xE200;
	s22 =	simm.s32 $0xEA00;
	s23 =	simm.s32 $0xF200  }
0x19: {  	s24 =	simm.s32 $0xFA00;
	s25 =	simm.s32 $0x12200;
	s26 =	simm.s32 $0x1  }
0x1a: {  	s5 =	sor.u32 s5, s4;
	s4 =	sadd.s32 $0x6000, s0;
	[dreg:$0x15] =	wrdreg s30  }
0x1b: {  	s8 =	sshrl.u32 s10, $0x1;
	[dreg:$0x16] =	wrdreg s31;
	s5 =	sshrl.u32 s5, $0x3  }
0x1c: {  	s5 =	sadd.s32 s5, s0;
	s0 =	sadd.s32 s7, s0;
	s7 =	ssub.s32 s10, s8  }
0x1d: {  	s10 =	sshll.u32 s2, $0xD;
	s2 =	sshll.u32 s2, $0xF;
	s5 =	sadd.s32 $0xE000, s5  }
0x1e: {  	v2 =	vlaneseq.u32;
	s16 =	smax.u32 s7, $0x1;
	s0 =	sadd.s32 s10, s0;
	[dreg:$0x17] =	wrdreg s5  }
0x1f: {  	vm0 =	vmmov $0xffff;
	v1 =	vshrl.u32 v2, $0x3;
	s2 =	sadd.s32 s2, s9;
	s10 =	simm.s32 $0x3;
	[dreg:$0x18] =	wrdreg s16  }
0x20: {  	v0 =	vand.u32 $0x7, v2;
	v2 =	vor.u32 $0x8, v2;
	v1 =	vmul.u32 $0x8, v1;
	s8 =	sadd.s32 $0xE800, s0;
	s9 =	sadd.s32 $0x4E800, s2;
	s16 =	simm.s32 $0xBA00  }
.LBB2_1:
0x21: {  	s0 =	rddreg [dreg:$0x17]  }
0x22: {  	[tilespmem:s3], [sflag:$0x3] =	stream.linear.gather [hbm4b:s0+s3], $0x200, $0x38;
	[tilespmem:$0x14200] =	vst v63  }
0x23: {  	_ =	swait.ge [sflag:s10], $0x200  }
0x24: {  	s30 =	smov.u32 s9;
	[sflag:s10] =	ssyncset.done $0x0  }
0x25: {  	s31 =	smov.u32 s8;
	s0 =	simm.s32 $0x0;
	[sflag:s10] =	ssyncadd.s32 $0xFFFFFE00  }
.LBB2_2:
0x26: {  	s2 =	sshra.s32 s0, $0x2  }
0x27: {  	v3 =	vld [tilespmem:s2+$0x0];
	_ =	sdelay $0x4  }
0x28: {  	v4 =	vshll.u32 v3, $0x2  }
0x29: {  	v3 =	vand.u32 $0x7, v3;
	v4 =	vand.u32 $0xFFFFFFE0, v4  }
0x2a: {  	v3 =	vor.u32 v3, v4  }
0x2b: {  	v4 =	vperm.xlane v3, v0;
	_ =	sdelay $0x1  }
0x2c: {  	v4 =	vadd.s32 v1, v4;
	_ =	sdelay $0x1  }
0x2d: {  	v3 =	vperm.xlane v3, v2;
	_ =	sdelay $0x1  }
0x2e: {  	v3 =	vadd.s32 v1, v3  }
0x2f: {  	[tilespmem:s11], [sflag:$0x1] =	stream.indirect_vreg.gather [hbm4b:s1+s3], $0x80, v4, vm0, $0xb8;
	[tilespmem:$0x14200] =	vst v63  }
0x30: {  	s5 =	rddreg [dreg:$0x3]  }
0x31: {  	[tilespmem:s5], [sflag:$0x1] =	stream.indirect_vreg.gather [hbm4b:s6+s3], $0x80, v4, vm0, $0xb8;
	[tilespmem:$0x14200] =	vst v63  }
0x32: {  	s7 =	rddreg [dreg:$0x4]  }
0x33: {  	[tilespmem:s7], [sflag:$0x1] =	stream.indirect_vreg.gather [hbm4b:s1+s3], $0x80, v3, vm0, $0xb8;
	[tilespmem:$0x14200] =	vst v63  }
0x34: {  	s5 =	rddreg [dreg:$0x5]  }
0x35: {  	[tilespmem:s5], [sflag:$0x1] =	stream.indirect_vreg.gather [hbm4b:s6+s3], $0x80, v3, vm0, $0xb8;
	[tilespmem:$0x14200] =	vst v63  }
0x36: {  	v3 =	vld [tilespmem:s2+$0x10];
	_ =	sdelay $0x4  }
0x37: {  	v57 =	vshll.u32 v3, $0x2  }
0x38: {  	v3 =	vand.u32 $0x7, v3;
	v4 =	vand.u32 $0xFFFFFFE0, v57  }
0x39: {  	v3 =	vor.u32 v3, v4  }
0x3a: {  	v4 =	vperm.xlane v3, v0;
	_ =	sdelay $0x1  }
0x3b: {  	v4 =	vadd.s32 v1, v4;
	_ =	sdelay $0x1  }
0x3c: {  	v3 =	vperm.xlane v3, v2;
	_ =	sdelay $0x1  }
0x3d: {  	s5 =	rddreg [dreg:$0x6];
	v3 =	vadd.s32 v1, v3  }
0x3e: {  	[tilespmem:s5], [sflag:$0x1] =	stream.indirect_vreg.gather [hbm4b:s1+s3], $0x80, v4, vm0, $0xb8;
	[tilespmem:$0x14200] =	vst v63  }
0x3f: {  	s7 =	rddreg [dreg:$0x7]  }
0x40: {  	[tilespmem:s7], [sflag:$0x1] =	stream.indirect_vreg.gather [hbm4b:s6+s3], $0x80, v4, vm0, $0xb8;
	[tilespmem:$0x14200] =	vst v63  }
0x41: {  	s5 =	rddreg [dreg:$0x8]  }
0x42: {  	[tilespmem:s5], [sflag:$0x1] =	stream.indirect_vreg.gather [hbm4b:s1+s3], $0x80, v3, vm0, $0xb8;
	[tilespmem:$0x14200] =	vst v63  }
0x43: {  	s7 =	rddreg [dreg:$0x9]  }
0x44: {  	[tilespmem:s7], [sflag:$0x1] =	stream.indirect_vreg.gather [hbm4b:s6+s3], $0x80, v3, vm0, $0xb8;
	[tilespmem:$0x14200] =	vst v63  }
0x45: {  	v3 =	vld [tilespmem:s2+$0x20];
	_ =	sdelay $0x4  }
0x46: {  	v58 =	vshll.u32 v3, $0x2  }
0x47: {  	v3 =	vand.u32 $0x7, v3;
	v4 =	vand.u32 $0xFFFFFFE0, v58  }
0x48: {  	v3 =	vor.u32 v3, v4  }
0x49: {  	v4 =	vperm.xlane v3, v0;
	_ =	sdelay $0x1  }
0x4a: {  	v4 =	vadd.s32 v1, v4;
	_ =	sdelay $0x1  }
0x4b: {  	v3 =	vperm.xlane v3, v2;
	_ =	sdelay $0x1  }
0x4c: {  	s5 =	rddreg [dreg:$0xa];
	v3 =	vadd.s32 v1, v3  }
0x4d: {  	[tilespmem:s5], [sflag:$0x1] =	stream.indirect_vreg.gather [hbm4b:s1+s3], $0x80, v4, vm0, $0xb8;
	[tilespmem:$0x14200] =	vst v63  }
0x4e: {  	s7 =	rddreg [dreg:$0xb]  }
0x4f: {  	[tilespmem:s7], [sflag:$0x1] =	stream.indirect_vreg.gather [hbm4b:s6+s3], $0x80, v4, vm0, $0xb8;
	[tilespmem:$0x14200] =	vst v63  }
0x50: {  	s5 =	rddreg [dreg:$0xc]  }
0x51: {  	[tilespmem:s5], [sflag:$0x1] =	stream.indirect_vreg.gather [hbm4b:s1+s3], $0x80, v3, vm0, $0xb8;
	[tilespmem:$0x14200] =	vst v63  }
0x52: {  	s7 =	rddreg [dreg:$0xd]  }
0x53: {  	[tilespmem:s7], [sflag:$0x1] =	stream.indirect_vreg.gather [hbm4b:s6+s3], $0x80, v3, vm0, $0xb8;
	[tilespmem:$0x14200] =	vst v63  }
0x54: {  	v3 =	vld [tilespmem:s2+$0x30];
	_ =	sdelay $0x4  }
0x55: {  	v59 =	vshll.u32 v3, $0x2  }
0x56: {  	v3 =	vand.u32 $0x7, v3;
	v4 =	vand.u32 $0xFFFFFFE0, v59  }
0x57: {  	v3 =	vor.u32 v3, v4  }
0x58: {  	v4 =	vperm.xlane v3, v0;
	_ =	sdelay $0x1  }
0x59: {  	v4 =	vadd.s32 v1, v4;
	_ =	sdelay $0x1  }
0x5a: {  	v3 =	vperm.xlane v3, v2;
	_ =	sdelay $0x1  }
0x5b: {  	s5 =	rddreg [dreg:$0xe];
	v3 =	vadd.s32 v1, v3  }
0x5c: {  	[tilespmem:s5], [sflag:$0x1] =	stream.indirect_vreg.gather [hbm4b:s1+s3], $0x80, v4, vm0, $0xb8;
	[tilespmem:$0x14200] =	vst v63  }
0x5d: {  	s7 =	rddreg [dreg:$0xf]  }
0x5e: {  	[tilespmem:s7], [sflag:$0x1] =	stream.indirect_vreg.gather [hbm4b:s6+s3], $0x80, v4, vm0, $0xb8;
	[tilespmem:$0x14200] =	vst v63  }
0x5f: {  	s5 =	rddreg [dreg:$0x10]  }
0x60: {  	[tilespmem:s5], [sflag:$0x1] =	stream.indirect_vreg.gather [hbm4b:s1+s3], $0x80, v3, vm0, $0xb8;
	[tilespmem:$0x14200] =	vst v63  }
0x61: {  	s7 =	rddreg [dreg:$0x11]  }
0x62: {  	[tilespmem:s7], [sflag:$0x1] =	stream.indirect_vreg.gather [hbm4b:s6+s3], $0x80, v3, vm0, $0xb8;
	[tilespmem:$0x14200] =	vst v63  }
0x63: {  	_ = 	snop  }
0x64: {  	[tilespmem:s13], [sflag:$0x1] =	stream.indirect.gather [hbm4b:s4+s12], $0x80, s2, s12, $0xb8;
	[tilespmem:$0x14200] =	vst v63  }
0x65: {  	v3 =	vld [tilespmem:s2+$0x40];
	_ =	sdelay $0x4  }
0x66: {  	v60 =	vshll.u32 v3, $0x2  }
0x67: {  	v3 =	vand.u32 $0x7, v3;
	v4 =	vand.u32 $0xFFFFFFE0, v60  }
0x68: {  	v3 =	vor.u32 v3, v4  }
0x69: {  	v4 =	vperm.xlane v3, v0;
	_ =	sdelay $0x1  }
0x6a: {  	v4 =	vadd.s32 v1, v4;
	_ =	sdelay $0x1  }
0x6b: {  	v3 =	vperm.xlane v3, v2;
	_ =	sdelay $0x1  }
0x6c: {  	v3 =	vadd.s32 v1, v3  }
0x6d: {  	[tilespmem:s14], [sflag:$0x2] =	stream.indirect_vreg.gather [hbm4b:s1+s3], $0x80, v4, vm0, $0xb8;
	[tilespmem:$0x14200] =	vst v63  }
0x6e: {  	s5 =	rddreg [dreg:$0x12]  }
0x6f: {  	[tilespmem:s5], [sflag:$0x2] =	stream.indirect_vreg.gather [hbm4b:s6+s3], $0x80, v4, vm0, $0xb8;
	[tilespmem:$0x14200] =	vst v63  }
0x70: {  	s7 =	rddreg [dreg:$0x13]  }
0x71: {  	[tilespmem:s7], [sflag:$0x2] =	stream.indirect_vreg.gather [hbm4b:s1+s3], $0x80, v3, vm0, $0xb8;
	[tilespmem:$0x14200] =	vst v63  }
0x72: {  	s5 =	rddreg [dreg:$0x14]  }
0x73: {  	[tilespmem:s5], [sflag:$0x2] =	stream.indirect_vreg.gather [hbm4b:s6+s3], $0x80, v3, vm0, $0xb8;
	[tilespmem:$0x14200] =	vst v63  }
0x74: {  	v3 =	vld [tilespmem:s2+$0x50];
	_ =	sdelay $0x4  }
0x75: {  	v61 =	vshll.u32 v3, $0x2  }
0x76: {  	v3 =	vand.u32 $0x7, v3;
	v4 =	vand.u32 $0xFFFFFFE0, v61  }
0x77: {  	v3 =	vor.u32 v3, v4  }
0x78: {  	v4 =	vperm.xlane v3, v0;
	_ =	sdelay $0x1  }
0x79: {  	v4 =	vadd.s32 v1, v4;
	_ =	sdelay $0x1  }
0x7a: {  	v3 =	vperm.xlane v3, v2;
	_ =	sdelay $0x1  }
0x7b: {  	s5 =	rddreg [dreg:$0x15];
	v3 =	vadd.s32 v1, v3  }
0x7c: {  	[tilespmem:s5], [sflag:$0x2] =	stream.indirect_vreg.gather [hbm4b:s1+s3], $0x80, v4, vm0, $0xb8;
	[tilespmem:$0x14200] =	vst v63  }
0x7d: {  	s7 =	rddreg [dreg:$0x16]  }
0x7e: {  	[tilespmem:s7], [sflag:$0x2] =	stream.indirect_vreg.gather [hbm4b:s6+s3], $0x80, v4, vm0, $0xb8;
	[tilespmem:$0x14200] =	vst v63  }
0x7f: {  	_ = 	snop  }
0x80: {  	[tilespmem:s15], [sflag:$0x2] =	stream.indirect_vreg.gather [hbm4b:s1+s3], $0x80, v3, vm0, $0xb8;
	[tilespmem:$0x14200] =	vst v63  }
0x81: {  	_ = 	snop  }
0x82: {  	[tilespmem:s16], [sflag:$0x2] =	stream.indirect_vreg.gather [hbm4b:s6+s3], $0x80, v3, vm0, $0xb8;
	[tilespmem:$0x14200] =	vst v63  }
0x83: {  	v3 =	vld [tilespmem:s2+$0x60];
	_ =	sdelay $0x4  }
0x84: {  	v62 =	vshll.u32 v3, $0x2  }
0x85: {  	v3 =	vand.u32 $0x7, v3;
	v4 =	vand.u32 $0xFFFFFFE0, v62  }
0x86: {  	v3 =	vor.u32 v3, v4  }
0x87: {  	v4 =	vperm.xlane v3, v0;
	_ =	sdelay $0x1  }
0x88: {  	v4 =	vadd.s32 v1, v4;
	_ =	sdelay $0x1  }
0x89: {  	v3 =	vperm.xlane v3, v2;
	_ =	sdelay $0x1  }
0x8a: {  	v3 =	vadd.s32 v1, v3  }
0x8b: {  	[tilespmem:s17], [sflag:$0x2] =	stream.indirect_vreg.gather [hbm4b:s1+s3], $0x80, v4, vm0, $0xb8;
	[tilespmem:$0x14200] =	vst v63  }
0x8c: {  	_ = 	snop  }
0x8d: {  	[tilespmem:s18], [sflag:$0x2] =	stream.indirect_vreg.gather [hbm4b:s6+s3], $0x80, v4, vm0, $0xb8;
	[tilespmem:$0x14200] =	vst v63  }
0x8e: {  	_ = 	snop  }
0x8f: {  	[tilespmem:s19], [sflag:$0x2] =	stream.indirect_vreg.gather [hbm4b:s1+s3], $0x80, v3, vm0, $0xb8;
	[tilespmem:$0x14200] =	vst v63  }
0x90: {  	_ = 	snop  }
0x91: {  	[tilespmem:s20], [sflag:$0x2] =	stream.indirect_vreg.gather [hbm4b:s6+s3], $0x80, v3, vm0, $0xb8;
	[tilespmem:$0x14200] =	vst v63  }
0x92: {  	v3 =	vld [tilespmem:s2+$0x70];
	_ =	sdelay $0x4  }
0x93: {  	v63 =	vshll.u32 v3, $0x2  }
0x94: {  	v3 =	vand.u32 $0x7, v3;
	v4 =	vand.u32 $0xFFFFFFE0, v63  }
0x95: {  	v3 =	vor.u32 v3, v4  }
0x96: {  	v4 =	vperm.xlane v3, v0;
	_ =	sdelay $0x1  }
0x97: {  	v4 =	vadd.s32 v1, v4;
	_ =	sdelay $0x1  }
0x98: {  	v3 =	vperm.xlane v3, v2;
	_ =	sdelay $0x1  }
0x99: {  	v3 =	vadd.s32 v1, v3  }
0x9a: {  	[tilespmem:s21], [sflag:$0x2] =	stream.indirect_vreg.gather [hbm4b:s1+s3], $0x80, v4, vm0, $0xb8;
	[tilespmem:$0x14200] =	vst v63  }
0x9b: {  	_ = 	snop  }
0x9c: {  	[tilespmem:s22], [sflag:$0x2] =	stream.indirect_vreg.gather [hbm4b:s6+s3], $0x80, v4, vm0, $0xb8;
	[tilespmem:$0x14200] =	vst v63  }
0x9d: {  	_ = 	snop  }
0x9e: {  	[tilespmem:s23], [sflag:$0x2] =	stream.indirect_vreg.gather [hbm4b:s1+s3], $0x80, v3, vm0, $0xb8;
	[tilespmem:$0x14200] =	vst v63  }
0x9f: {  	_ = 	snop  }
0xa0: {  	[tilespmem:s24], [sflag:$0x2] =	stream.indirect_vreg.gather [hbm4b:s6+s3], $0x80, v3, vm0, $0xb8;
	[tilespmem:$0x14200] =	vst v63  }
0xa1: {  	s2 =	sadd.s32 $0x40, s2  }
0xa2: {  	[tilespmem:s25], [sflag:$0x2] =	stream.indirect.gather [hbm4b:s4+s12], $0x80, s2, s12, $0xb8;
	[tilespmem:$0x14200] =	vst v63  }
0xa3: {  	_ =	swait.ge [sflag:s26], $0x8000  }
0xa4: {  	[sflag:s26] =	ssyncset.done $0x0  }
0xa5: {  	[sflag:s26] =	ssyncadd.s32 $0xFFFF8000  }
0xa6: {  	_ =	swait.ge [sflag:s26], $0x2000  }
0xa7: {  	[sflag:s26] =	ssyncset.done $0x0  }
0xa8: {  	[sflag:s26] =	ssyncadd.s32 $0xFFFFE000  }
0xa9: {  	[hbm4b:s30+s3] =	stream.linear.scatter [tilespmem:s11], [sflag:$0x3], $0x8000, $0x38;
	[tilespmem:$0x14200] =	vst v63  }
0xaa: {  	_ =	swait.ge [sflag:s10], $0x8000  }
0xab: {  	[sflag:s10] =	ssyncset.done $0x0  }
0xac: {  	[sflag:s10] =	ssyncadd.s32 $0xFFFF8000  }
0xad: {  	[hbm4b:s31+s3] =	stream.linear.scatter [tilespmem:s13], [sflag:$0x3], $0x2000, $0x38;
	[tilespmem:$0x14200] =	vst v63  }
0xae: {  	_ =	swait.ge [sflag:s10], $0x2000  }
0xaf: {  	[sflag:s10] =	ssyncset.done $0x0  }
0xb0: {  	[sflag:s10] =	ssyncadd.s32 $0xFFFFE000  }
0xb1: {  	_ =	swait.ge [sflag:s28], $0x8000  }
0xb2: {  	[sflag:s28] =	ssyncset.done $0x0  }
0xb3: {  	[sflag:s28] =	ssyncadd.s32 $0xFFFF8000  }
0xb4: {  	_ =	swait.ge [sflag:s28], $0x2000  }
0xb5: {  	[sflag:s28] =	ssyncset.done $0x0  }
0xb6: {  	s5 =	sadd.s32 $0x1000, s30;
	[sflag:s28] =	ssyncadd.s32 $0xFFFFE000  }
0xb7: {  	[hbm4b:s5+s3] =	stream.linear.scatter [tilespmem:s14], [sflag:$0x3], $0x8000, $0x38;
	[tilespmem:$0x14200] =	vst v63  }
0xb8: {  	_ =	swait.ge [sflag:s10], $0x8000  }
0xb9: {  	p0 =	sne.s32 s0, $0x600;
	[sflag:s10] =	ssyncset.done $0x0  }
.Ltmp0:
0xba: {  	s7 =	sadd.s32 $0x400, s31;
	[sflag:s10] =	ssyncadd.s32 $0xFFFF8000;
	(pc) =	sbr.rel @p0 .LBB2_2-.Ltmp0, $4  }
0xbb: {  	[hbm4b:s7+s3] =	stream.linear.scatter [tilespmem:s25], [sflag:$0x3], $0x2000, $0x38;
	[tilespmem:$0x14200] =	vst v63  }
0xbc: {  	_ =	swait.ge [sflag:s10], $0x2000  }
0xbd: {  	s0 =	sadd.s32 $0x200, s0;
	[sflag:s10] =	ssyncset.done $0x0  }
0xbe: {  	s30 =	sadd.s32 $0x2000, s30;
	s31 =	sadd.s32 $0x800, s31;
	[sflag:s10] =	ssyncadd.s32 $0xFFFFE000  }
0xbf: {  	s29 =	sadd.s32 $0x1, s29;
	s0 =	rddreg [dreg:$0x18]  }
0xc0: {  	p0 =	sne.s32 s29, s0  }
.Ltmp1:
0xc1: {  	_ = 	snop;
	(pc) =	sbr.rel @p0 .LBB2_1-.Ltmp1, $1  }
0xc2: {  	_ =	sdelay $0x3  }
0xc3: {  	_ =	sfence.sel $0x180000  }
0xc4: {  	[bflag:$0x0] =	sbarrier.arrive $0xFFFF  }
0xc5: {  	_ =	strace $0x90000047  }
0xc6: {  	s0 =	stileid.u32;
	[bflag:$0x2] =	sbarrier.arrive $0xFFFF  }
0xc7: {  	p0 =	sne.s32 s0, $0x0;
	s0 =	rddreg [dreg:$0x2]  }
0xc8: {  	s0 =	sadd.s32 @!p0 $0x100000, s0  }
0xc9: {  	[sflag:s0] =	ssyncadd.tile.s32 @!p0 $0x1;
	_ =	shalt  }
.Lfunc_end2:
_tile_overlayer_lowered:
.L_overlay_start_2:
0xca: {  	(tag) =	ssettag $0x2  }
0xcb: {  	s0 =	rddreg [dreg:$0x0];
	s2 =	stileid.u32  }
0xcc: {  	s1 =	rddreg [dreg:$0x1];
	p0 =	sne.s32 s2, $0x0  }
0xcd: {  	s3 =	rddreg [dreg:$0x2];
	[bflag:$0x3] =	sbarrier.arrive $0xFFFF;
	s2 =	simm.s32 @!p0 $0x1C03  }
0xce: {  	[timem:s3], [sflag:s2] =	dma.local @!p0 [hbm:s0], s1  }
0xcf: {  	s0 =	simm.s32 @!p0 $0x3  }
0xd0: {  	_ =	swait.ge @!p0 [sflag:s0], s1  }
0xd1: {  	s1 =	ssub.s32 @!p0 $0x0, s1;
	[sflag:s0] =	ssyncset.done @!p0 $0x0  }
0xd2: {  	[sflag:s0] =	ssyncadd.s32 @!p0 s1  }
0xd3: {  	[bflag:$0x3] =	sbarrier.arrive $0xFFFF  }
0xd4: {  	_ =	shalt  }

</sc_bundles>
